<compile_context>
chip_gen: v7x
topology: tpu7x:2x2x1
jax: 0.10.2.dev20260603
libtpu: 0.0.44.dev20260713+nightly
codegen_flags: <defaults>
</compile_context>

<pallas_src>
import functools

import jax
import jax.numpy as jnp
import numpy as np
from jax import lax
from jax.experimental import pallas as pl
from jax.experimental.pallas import tpu as pltpu
from jax.experimental.pallas import tpu_sc as plsc

_L = 16


def _np_threefry2x32(k0, k1, x0, x1):
    rot0 = (13, 15, 26, 6)
    rot1 = (17, 29, 16, 24)
    k0 = np.uint32(k0)
    k1 = np.uint32(k1)
    ks = (k0, k1, np.uint32(k0 ^ k1 ^ np.uint32(0x1BD11BDA)))
    x0 = x0.astype(np.uint32)
    x1 = x1.astype(np.uint32)

    def rotl(v, r):
        return ((v << np.uint32(r)) | (v >> np.uint32(32 - r))).astype(np.uint32)

    with np.errstate(over='ignore'):
        x0 = x0 + ks[0]
        x1 = x1 + ks[1]
        for i in range(5):
            for r in (rot0 if i % 2 == 0 else rot1):
                x0 = x0 + x1
                x1 = rotl(x1, r)
                x1 = x1 ^ x0
            x0 = x0 + ks[(i + 1) % 3]
            x1 = x1 + ks[(i + 2) % 3] + np.uint32(i + 1)
    return x0, x1


def _np_random_bits(k0, k1, n):
    o0, o1 = _np_threefry2x32(k0, k1, np.zeros(n, np.uint32),
                              np.arange(n, dtype=np.uint32))
    return (o0 ^ o1).astype(np.uint32)


@functools.lru_cache(maxsize=None)
def _neg_indices(seed, n, span):
    k0 = np.uint32((seed >> 32) & 0xFFFFFFFF)
    k1 = np.uint32(seed & 0xFFFFFFFF)
    o0, o1 = _np_threefry2x32(k0, k1, np.array([0, 0], np.uint32),
                              np.array([0, 1], np.uint32))
    higher = _np_random_bits(o0[0], o1[0], n)
    lower = _np_random_bits(o0[1], o1[1], n)
    span_u = np.uint32(span)
    with np.errstate(over='ignore'):
        multiplier = np.uint32(np.uint32(1 << 16) % span_u)
        multiplier = np.uint32((multiplier * multiplier) % span_u)
        off = ((higher % span_u) * multiplier + (lower % span_u)) % span_u
    return np.asarray(off, np.int32)


def _rsqrt(x):
    xi = plsc.bitcast(x, jnp.int32)
    y = plsc.bitcast(0x5F3759DF - (xi >> 1), jnp.float32)
    for _ in range(3):
        y = y * (1.5 - 0.5 * x * y * y)
    return y


def _build(P, D, NC, NS):
    NW = NC * NS
    BPW = P // NW
    NG = BPW // _L
    DH = D // 2
    UP = 8

    mesh = plsc.VectorSubcoreMesh(core_axis_name="c", subcore_axis_name="s")

    @functools.partial(
        pl.kernel,
        mesh=mesh,
        out_type=jax.ShapeDtypeStruct((NW, _L), jnp.float32),
        compiler_params=pltpu.CompilerParams(
            use_tc_tiling_on_sc=True, needs_layout_passes=False),
        scratch_types=[
            pltpu.VMEM((BPW,), jnp.int32),
            pltpu.VMEM((BPW,), jnp.int32),
            pltpu.VMEM((BPW,), jnp.int32),
            pltpu.VMEM((BPW, D), jnp.float32),
            pltpu.VMEM((BPW, D), jnp.float32),
            pltpu.VMEM((BPW, D), jnp.float32),
            pltpu.VMEM((8, BPW), jnp.float32),
            pltpu.VMEM((_L,), jnp.float32),
            pltpu.SemaphoreType.DMA,
            pltpu.SemaphoreType.DMA,
            pltpu.SemaphoreType.DMA,
        ],
    )
    def sc_loss(emb_hbm, kg_hbm, ii_hbm, jj_hbm, nn_hbm, out_hbm,
                idx_i, idx_j, idx_n, buf_a, buf_b, buf_c,
                dots, acc_v, sem_a, sem_b, sem_c):
        wid = lax.axis_index("s") * NC + lax.axis_index("c")
        base = wid * BPW
        ci = pltpu.async_copy(ii_hbm.at[pl.ds(base, BPW)], idx_i, sem_b)
        cj = pltpu.async_copy(jj_hbm.at[pl.ds(base, BPW)], idx_j, sem_b)
        cn = pltpu.async_copy(nn_hbm.at[pl.ds(base, BPW)], idx_n, sem_b)
        ci.wait()
        cj.wait()
        cn.wait()

        HB = BPW // 2
        hs0, hs1 = pl.ds(0, HB), pl.ds(HB, HB)
        i0, i1 = idx_i.at[hs0], idx_i.at[hs1]
        j0, j1 = idx_j.at[hs0], idx_j.at[hs1]
        n0, n1 = idx_n.at[hs0], idx_n.at[hs1]
        A0, A1 = buf_a.at[hs0, :], buf_a.at[hs1, :]
        B0, B1 = buf_b.at[hs0, :], buf_b.at[hs1, :]
        C0, C1 = buf_c.at[hs0, :], buf_c.at[hs1, :]

        c1 = pltpu.async_copy(emb_hbm.at[i0], A0, sem_a)
        c2 = pltpu.async_copy(emb_hbm.at[j0], B0, sem_a)
        c3 = pltpu.async_copy(emb_hbm.at[i1], A1, sem_a)
        c4 = pltpu.async_copy(emb_hbm.at[j1], B1, sem_a)
        c5 = pltpu.async_copy(emb_hbm.at[n0], C0, sem_a)
        c6 = pltpu.async_copy(kg_hbm.at[i0], C1, sem_a)

        def dot_pass(x_ref, y_ref, slots, g_lo, g_hi, x_off=0, y_off=0):
            def g_loop(g, _):
                rows = lax.iota(jnp.int32, _L) + g * _L
                rows_x = rows + x_off
                rows_y = rows + y_off
                z = jnp.zeros((_L,), jnp.float32)
                acc = (z, z, z, z, z, z)
                for h in (0, DH):
                    def d_body(c, carry):
                        colv, xy0, xy1, xx0, xx1, yy0, yy1 = carry
                        for u in range(UP):
                            cols = colv + h
                            x = plsc.load_gather(x_ref, [rows_x, cols])
                            y = plsc.load_gather(y_ref, [rows_y, cols])
                            if u % 2 == 0:
                                xy0 = xy0 + x * y
                                xx0 = xx0 + x * x
                                yy0 = yy0 + y * y
                            else:
                                xy1 = xy1 + x * y
                                xx1 = xx1 + x * x
                                yy1 = yy1 + y * y
                            colv = (colv + 1) & (DH - 1)
                        return colv, xy0, xy1, xx0, xx1, yy0, yy1

                    _, *acc = lax.fori_loop(
                        0, DH // UP, d_body,
                        (lax.iota(jnp.int32, _L), *acc))
                xy0, xy1, xx0, xx1, yy0, yy1 = acc
                vals = {'xy': xy0 + xy1, 'xx': xx0 + xx1, 'yy': yy0 + yy1}
                s = pl.ds(g * _L, _L)
                for row, kind in slots:
                    dots[row, s] = vals[kind]
                return 0
            lax.fori_loop(g_lo, g_hi, g_loop, 0)

        s1 = [(0, 'xy'), (1, 'xx'), (2, 'yy')]
        s2 = [(3, 'xy'), (4, 'yy')]
        s3 = [(5, 'xy'), (6, 'xx'), (7, 'yy')]
        NGH = NG // 2

        c1.wait()
        c2.wait()
        dot_pass(buf_a, buf_b, s1, 0, NGH)
        c7 = pltpu.async_copy(emb_hbm.at[n1], B0, sem_a)
        c3.wait()
        c4.wait()
        dot_pass(buf_a, buf_b, s1, NGH, NG)
        c8 = pltpu.async_copy(kg_hbm.at[i1], B1, sem_a)
        c5.wait()
        dot_pass(buf_a, buf_c, s2, 0, NGH)
        c9 = pltpu.async_copy(kg_hbm.at[j0], A0, sem_a)
        c6.wait()
        c7.wait()
        dot_pass(buf_a, buf_b, s2, NGH, NG, y_off=-HB)
        c10 = pltpu.async_copy(kg_hbm.at[j1], A1, sem_a)
        c8.wait()
        c9.wait()
        dot_pass(buf_c, buf_a, s3, 0, NGH, x_off=HB)
        c10.wait()
        dot_pass(buf_b, buf_a, s3, NGH, NG)

        def cos(ab, aa, bb):
            n2 = aa * bb
            nrm = n2 * _rsqrt(n2)
            return ab / jnp.maximum(nrm, 1e-8)

        def g_body(g, acc):
            s = pl.ds(g * _L, _L)
            sim_eb = cos(dots[0, s], dots[1, s], dots[2, s])
            neg_sim = cos(dots[3, s], dots[1, s], dots[4, s])
            sim_kg = cos(dots[5, s], dots[6, s], dots[7, s])
            per = (jnp.abs(sim_eb - sim_kg)
                   + 0.1 * jnp.maximum(0.0, 0.5 - neg_sim))
            iv, jv, nv = idx_i[s], idx_j[s], idx_n[s]
            mask = (nv != iv) & (nv != jv)
            return acc + jnp.where(mask, per, 0.0)
        acc = lax.fori_loop(0, NG, g_body, jnp.zeros((_L,), jnp.float32))

        acc_v[...] = acc
        pltpu.sync_copy(acc_v, out_hbm.at[wid])

    return sc_loss


def kernel(entity_embeddings, knowledge_embeddings, entity_pairs):
    P = entity_pairs.shape[0]
    N, D = entity_embeddings.shape
    info = plsc.get_sparse_core_info()
    NC, NS = info.num_cores, info.num_subcores

    ii = entity_pairs[:, 0].astype(jnp.int32)
    jj = entity_pairs[:, 1].astype(jnp.int32)
    nn = jnp.asarray(_neg_indices(42, P, N))

    partials = _build(P, D, NC, NS)(
        entity_embeddings, knowledge_embeddings, ii, jj, nn)
    return jnp.sum(partials) / max(P, 1)

# --- scband reference (transcript-rebuilt; emitter-appended) ---
"""Pipeline reference for scband-knowledge-alignment-loss-42365557408218 (READ-ONLY COPY).

The authoritative reference and input builder live on the scoring server;
editing this copy changes nothing except your own understanding.
"""

import jax, jax.numpy as jnp
import numpy as np

N = 10000
D = 256
P = 4096

def setup_inputs(seed: int = 0) -> dict:
    key = jax.random.key(seed)
    k1, k2, k3 = jax.random.split(key, 3)
    entity_embeddings = jax.random.normal(k1, (N, D), dtype=jnp.float32)
    knowledge_embeddings = jax.random.normal(k2, (N, D), dtype=jnp.float32)
    entity_pairs = jax.random.randint(k3, (P, 3), 0, N, dtype=jnp.int64)
    return {
        'entity_embeddings': entity_embeddings,
        'knowledge_embeddings': knowledge_embeddings,
        'entity_pairs': entity_pairs,
    }

def _cosine(a, b, eps=1e-8):
    num = jnp.sum(a * b, axis=-1)
    na = jnp.sqrt(jnp.sum(a * a, axis=-1))
    nb = jnp.sqrt(jnp.sum(b * b, axis=-1))
    return num / jnp.maximum(na * nb, eps)

def reference(entity_embeddings, knowledge_embeddings, entity_pairs):
    i = entity_pairs[:, 0]
    j = entity_pairs[:, 1]
    emb_i = jnp.take(entity_embeddings, i, axis=0)
    emb_j = jnp.take(entity_embeddings, j, axis=0)
    kg_i = jnp.take(knowledge_embeddings, i, axis=0)
    kg_j = jnp.take(knowledge_embeddings, j, axis=0)
    sim_emb = _cosine(emb_i, emb_j)
    sim_kg = _cosine(kg_i, kg_j)
    positive_loss = jnp.abs(sim_emb - sim_kg)
    # negative sampling: one random index per pair (torch uses torch.randint per iteration)
    neg_key = jax.random.key(42)
    neg_idx = jax.random.randint(neg_key, (entity_pairs.shape[0],), 0, entity_embeddings.shape[0])
    mask = (neg_idx != i) & (neg_idx != j)
    emb_neg = jnp.take(entity_embeddings, neg_idx, axis=0)
    neg_sim = _cosine(emb_i, emb_neg)
    negative_loss = jnp.maximum(0.0, 0.5 - neg_sim)
    per_pair = positive_loss + 0.1 * negative_loss
    loss = jnp.sum(jnp.where(mask, per_pair, 0.0))
    return loss / max(entity_pairs.shape[0], 1)

if __name__ == "__main__":
    import jax
    _d = setup_inputs()
    print(jax.jit(kernel)(*tuple(_d.values())))

</pallas_src>

<mosaic_0001>
#map = affine_map<(d0, d1) -> (0, 0)>
#map1 = affine_map<(d0, d1) -> (0)>
module attributes {stable_mosaic.version = 14 : i64} {
  func.func @sc_loss(%arg0: i32, %arg1: i32, %arg2: memref<10000x256xf32, #tpu.memory_space<hbm>>, %arg3: memref<10000x256xf32, #tpu.memory_space<hbm>>, %arg4: memref<4096xi32, #tpu.memory_space<hbm>>, %arg5: memref<4096xi32, #tpu.memory_space<hbm>>, %arg6: memref<4096xi32, #tpu.memory_space<hbm>>, %arg7: memref<32x16xf32, #tpu.memory_space<hbm>>, %arg8: memref<128xi32, #tpu.memory_space<vmem>>, %arg9: memref<128xi32, #tpu.memory_space<vmem>>, %arg10: memref<128xi32, #tpu.memory_space<vmem>>, %arg11: memref<128x256xf32, #tpu.memory_space<vmem>>, %arg12: memref<128x256xf32, #tpu.memory_space<vmem>>, %arg13: memref<128x256xf32, #tpu.memory_space<vmem>>, %arg14: memref<8x128xf32, #tpu.memory_space<vmem>>, %arg15: memref<16xf32, #tpu.memory_space<vmem>>, %arg16: memref<!tpu.dma_semaphore, #tpu.memory_space<semaphore_mem>>, %arg17: memref<!tpu.dma_semaphore, #tpu.memory_space<semaphore_mem>>, %arg18: memref<!tpu.dma_semaphore, #tpu.memory_space<semaphore_mem>>) attributes {dimension_semantics = [#tpu.dimension_semantics<core_parallel>, #tpu.dimension_semantics<subcore_parallel>], iteration_bounds = array<i64: 2, 16>, scalar_prefetch = 0 : i64, scratch_operands = 11 : i64, tpu.core_type = #tpu.core_type<sc_vector_subcore>, window_params = [{transform_indices = #map}, {transform_indices = #map}, {transform_indices = #map1}, {transform_indices = #map1}, {transform_indices = #map1}, {transform_indices = #map}]} {
    %mul3A = arith.constant 2 : i32
    %mul3A_0 = arith.muli %arg1, %mul3A : i32
    %add3A = arith.addi %mul3A_0, %arg0 : i32
    %mul3A_1 = arith.constant 128 : i32
    %mul3A_2 = arith.muli %add3A, %mul3A_1 : i32
    %dma_start3A = tpu.memref_slice %arg4[%mul3A_2] : memref<4096xi32, #tpu.memory_space<hbm>> -> memref<128xi32, #tpu.memory_space<hbm>>
    %dma_start3A_3 = tpu.memref_slice %arg4[%mul3A_2] : memref<4096xi32, #tpu.memory_space<hbm>> -> memref<128xi32, #tpu.memory_space<hbm>>
    tpu.enqueue_dma source(%dma_start3A_3 : memref<128xi32, #tpu.memory_space<hbm>>) target(%arg8 : memref<128xi32, #tpu.memory_space<vmem>>) target_semaphore(%arg17 : memref<!tpu.dma_semaphore, #tpu.memory_space<semaphore_mem>>)
    %dma_start3A_4 = tpu.memref_slice %arg5[%mul3A_2] : memref<4096xi32, #tpu.memory_space<hbm>> -> memref<128xi32, #tpu.memory_space<hbm>>
    %dma_start3A_5 = tpu.memref_slice %arg5[%mul3A_2] : memref<4096xi32, #tpu.memory_space<hbm>> -> memref<128xi32, #tpu.memory_space<hbm>>
    tpu.enqueue_dma source(%dma_start3A_5 : memref<128xi32, #tpu.memory_space<hbm>>) target(%arg9 : memref<128xi32, #tpu.memory_space<vmem>>) target_semaphore(%arg17 : memref<!tpu.dma_semaphore, #tpu.memory_space<semaphore_mem>>)
    %dma_start3A_6 = tpu.memref_slice %arg6[%mul3A_2] : memref<4096xi32, #tpu.memory_space<hbm>> -> memref<128xi32, #tpu.memory_space<hbm>>
    %dma_start3A_7 = tpu.memref_slice %arg6[%mul3A_2] : memref<4096xi32, #tpu.memory_space<hbm>> -> memref<128xi32, #tpu.memory_space<hbm>>
    tpu.enqueue_dma source(%dma_start3A_7 : memref<128xi32, #tpu.memory_space<hbm>>) target(%arg10 : memref<128xi32, #tpu.memory_space<vmem>>) target_semaphore(%arg17 : memref<!tpu.dma_semaphore, #tpu.memory_space<semaphore_mem>>)
    %dma_wait3A = tpu.memref_slice %arg4[%mul3A_2] : memref<4096xi32, #tpu.memory_space<hbm>> -> memref<128xi32, #tpu.memory_space<hbm>>
    %dma_wait3A_8 = tpu.memref_slice %arg4[%mul3A_2] : memref<4096xi32, #tpu.memory_space<hbm>> -> memref<128xi32, #tpu.memory_space<hbm>>
    tpu.wait_dma2 semaphore(%arg17 : memref<!tpu.dma_semaphore, #tpu.memory_space<semaphore_mem>>) src(%dma_wait3A_8 : memref<128xi32, #tpu.memory_space<hbm>>) dst(%arg8 : memref<128xi32, #tpu.memory_space<vmem>>)
    %dma_wait3A_9 = tpu.memref_slice %arg5[%mul3A_2] : memref<4096xi32, #tpu.memory_space<hbm>> -> memref<128xi32, #tpu.memory_space<hbm>>
    %dma_wait3A_10 = tpu.memref_slice %arg5[%mul3A_2] : memref<4096xi32, #tpu.memory_space<hbm>> -> memref<128xi32, #tpu.memory_space<hbm>>
    tpu.wait_dma2 semaphore(%arg17 : memref<!tpu.dma_semaphore, #tpu.memory_space<semaphore_mem>>) src(%dma_wait3A_10 : memref<128xi32, #tpu.memory_space<hbm>>) dst(%arg9 : memref<128xi32, #tpu.memory_space<vmem>>)
    %dma_wait3A_11 = tpu.memref_slice %arg6[%mul3A_2] : memref<4096xi32, #tpu.memory_space<hbm>> -> memref<128xi32, #tpu.memory_space<hbm>>
    %dma_wait3A_12 = tpu.memref_slice %arg6[%mul3A_2] : memref<4096xi32, #tpu.memory_space<hbm>> -> memref<128xi32, #tpu.memory_space<hbm>>
    tpu.wait_dma2 semaphore(%arg17 : memref<!tpu.dma_semaphore, #tpu.memory_space<semaphore_mem>>) src(%dma_wait3A_12 : memref<128xi32, #tpu.memory_space<hbm>>) dst(%arg10 : memref<128xi32, #tpu.memory_space<vmem>>)
    %dma_start3A_13 = arith.constant 0 : i32
    %dma_start3A_14 = arith.constant 0 : i32
    %dma_start3A_15 = tpu.memref_slice %arg11[%dma_start3A_13, %dma_start3A_14] : memref<128x256xf32, #tpu.memory_space<vmem>> -> memref<64x256xf32, #tpu.memory_space<vmem>>
    %dma_start3A_16 = arith.constant 0 : i32
    %dma_start3A_17 = tpu.memref_slice %arg8[%dma_start3A_16] : memref<128xi32, #tpu.memory_space<vmem>> -> memref<64xi32, #tpu.memory_space<vmem>>
    %dma_start3A_18 = arith.constant 0 : i32
    %dma_start3A_19 = arith.constant 0 : i32
    %dma_start3A_20 = tpu.memref_slice %arg2[%dma_start3A_18, %dma_start3A_19] : memref<10000x256xf32, #tpu.memory_space<hbm>> -> memref<10000x256xf32, #tpu.memory_space<hbm>>
    tpu.enqueue_indirect_dma source(%dma_start3A_20 : memref<10000x256xf32, #tpu.memory_space<hbm>>) target(%dma_start3A_15 : memref<64x256xf32, #tpu.memory_space<vmem>>) offsets(%dma_start3A_17 : memref<64xi32, #tpu.memory_space<vmem>>) semaphore(%arg16 : memref<!tpu.dma_semaphore, #tpu.memory_space<semaphore_mem>>)
    %dma_start3A_21 = arith.constant 0 : i32
    %dma_start3A_22 = arith.constant 0 : i32
    %dma_start3A_23 = tpu.memref_slice %arg12[%dma_start3A_21, %dma_start3A_22] : memref<128x256xf32, #tpu.memory_space<vmem>> -> memref<64x256xf32, #tpu.memory_space<vmem>>
    %dma_start3A_24 = arith.constant 0 : i32
    %dma_start3A_25 = tpu.memref_slice %arg9[%dma_start3A_24] : memref<128xi32, #tpu.memory_space<vmem>> -> memref<64xi32, #tpu.memory_space<vmem>>
    %dma_start3A_26 = arith.constant 0 : i32
    %dma_start3A_27 = arith.constant 0 : i32
    %dma_start3A_28 = tpu.memref_slice %arg2[%dma_start3A_26, %dma_start3A_27] : memref<10000x256xf32, #tpu.memory_space<hbm>> -> memref<10000x256xf32, #tpu.memory_space<hbm>>
    tpu.enqueue_indirect_dma source(%dma_start3A_28 : memref<10000x256xf32, #tpu.memory_space<hbm>>) target(%dma_start3A_23 : memref<64x256xf32, #tpu.memory_space<vmem>>) offsets(%dma_start3A_25 : memref<64xi32, #tpu.memory_space<vmem>>) semaphore(%arg16 : memref<!tpu.dma_semaphore, #tpu.memory_space<semaphore_mem>>)
    %dma_start3A_29 = arith.constant 64 : i32
    %dma_start3A_30 = arith.constant 0 : i32
    %dma_start3A_31 = tpu.memref_slice %arg11[%dma_start3A_29, %dma_start3A_30] : memref<128x256xf32, #tpu.memory_space<vmem>> -> memref<64x256xf32, #tpu.memory_space<vmem>>
    %dma_start3A_32 = arith.constant 64 : i32
    %dma_start3A_33 = tpu.memref_slice %arg8[%dma_start3A_32] : memref<128xi32, #tpu.memory_space<vmem>> -> memref<64xi32, #tpu.memory_space<vmem>>
    %dma_start3A_34 = arith.constant 0 : i32
    %dma_start3A_35 = arith.constant 0 : i32
    %dma_start3A_36 = tpu.memref_slice %arg2[%dma_start3A_34, %dma_start3A_35] : memref<10000x256xf32, #tpu.memory_space<hbm>> -> memref<10000x256xf32, #tpu.memory_space<hbm>>
    tpu.enqueue_indirect_dma source(%dma_start3A_36 : memref<10000x256xf32, #tpu.memory_space<hbm>>) target(%dma_start3A_31 : memref<64x256xf32, #tpu.memory_space<vmem>>) offsets(%dma_start3A_33 : memref<64xi32, #tpu.memory_space<vmem>>) semaphore(%arg16 : memref<!tpu.dma_semaphore, #tpu.memory_space<semaphore_mem>>)
    %dma_start3A_37 = arith.constant 64 : i32
    %dma_start3A_38 = arith.constant 0 : i32
    %dma_start3A_39 = tpu.memref_slice %arg12[%dma_start3A_37, %dma_start3A_38] : memref<128x256xf32, #tpu.memory_space<vmem>> -> memref<64x256xf32, #tpu.memory_space<vmem>>
    %dma_start3A_40 = arith.constant 64 : i32
    %dma_start3A_41 = tpu.memref_slice %arg9[%dma_start3A_40] : memref<128xi32, #tpu.memory_space<vmem>> -> memref<64xi32, #tpu.memory_space<vmem>>
    %dma_start3A_42 = arith.constant 0 : i32
    %dma_start3A_43 = arith.constant 0 : i32
    %dma_start3A_44 = tpu.memref_slice %arg2[%dma_start3A_42, %dma_start3A_43] : memref<10000x256xf32, #tpu.memory_space<hbm>> -> memref<10000x256xf32, #tpu.memory_space<hbm>>
    tpu.enqueue_indirect_dma source(%dma_start3A_44 : memref<10000x256xf32, #tpu.memory_space<hbm>>) target(%dma_start3A_39 : memref<64x256xf32, #tpu.memory_space<vmem>>) offsets(%dma_start3A_41 : memref<64xi32, #tpu.memory_space<vmem>>) semaphore(%arg16 : memref<!tpu.dma_semaphore, #tpu.memory_space<semaphore_mem>>)
    %dma_start3A_45 = arith.constant 0 : i32
    %dma_start3A_46 = arith.constant 0 : i32
    %dma_start3A_47 = tpu.memref_slice %arg13[%dma_start3A_45, %dma_start3A_46] : memref<128x256xf32, #tpu.memory_space<vmem>> -> memref<64x256xf32, #tpu.memory_space<vmem>>
    %dma_start3A_48 = arith.constant 0 : i32
    %dma_start3A_49 = tpu.memref_slice %arg10[%dma_start3A_48] : memref<128xi32, #tpu.memory_space<vmem>> -> memref<64xi32, #tpu.memory_space<vmem>>
    %dma_start3A_50 = arith.constant 0 : i32
    %dma_start3A_51 = arith.constant 0 : i32
    %dma_start3A_52 = tpu.memref_slice %arg2[%dma_start3A_50, %dma_start3A_51] : memref<10000x256xf32, #tpu.memory_space<hbm>> -> memref<10000x256xf32, #tpu.memory_space<hbm>>
    tpu.enqueue_indirect_dma source(%dma_start3A_52 : memref<10000x256xf32, #tpu.memory_space<hbm>>) target(%dma_start3A_47 : memref<64x256xf32, #tpu.memory_space<vmem>>) offsets(%dma_start3A_49 : memref<64xi32, #tpu.memory_space<vmem>>) semaphore(%arg16 : memref<!tpu.dma_semaphore, #tpu.memory_space<semaphore_mem>>)
    %dma_start3A_53 = arith.constant 64 : i32
    %dma_start3A_54 = arith.constant 0 : i32
    %dma_start3A_55 = tpu.memref_slice %arg13[%dma_start3A_53, %dma_start3A_54] : memref<128x256xf32, #tpu.memory_space<vmem>> -> memref<64x256xf32, #tpu.memory_space<vmem>>
    %dma_start3A_56 = arith.constant 0 : i32
    %dma_start3A_57 = tpu.memref_slice %arg8[%dma_start3A_56] : memref<128xi32, #tpu.memory_space<vmem>> -> memref<64xi32, #tpu.memory_space<vmem>>
    %dma_start3A_58 = arith.constant 0 : i32
    %dma_start3A_59 = arith.constant 0 : i32
    %dma_start3A_60 = tpu.memref_slice %arg3[%dma_start3A_58, %dma_start3A_59] : memref<10000x256xf32, #tpu.memory_space<hbm>> -> memref<10000x256xf32, #tpu.memory_space<hbm>>
    tpu.enqueue_indirect_dma source(%dma_start3A_60 : memref<10000x256xf32, #tpu.memory_space<hbm>>) target(%dma_start3A_55 : memref<64x256xf32, #tpu.memory_space<vmem>>) offsets(%dma_start3A_57 : memref<64xi32, #tpu.memory_space<vmem>>) semaphore(%arg16 : memref<!tpu.dma_semaphore, #tpu.memory_space<semaphore_mem>>)
    %dma_wait3A_61 = arith.constant 0 : i32
    %dma_wait3A_62 = arith.constant 0 : i32
    %dma_wait3A_63 = tpu.memref_slice %arg11[%dma_wait3A_61, %dma_wait3A_62] : memref<128x256xf32, #tpu.memory_space<vmem>> -> memref<64x256xf32, #tpu.memory_space<vmem>>
    %dma_wait3A_64 = arith.constant 0 : i32
    %dma_wait3A_65 = tpu.memref_slice %arg8[%dma_wait3A_64] : memref<128xi32, #tpu.memory_space<vmem>> -> memref<64xi32, #tpu.memory_space<vmem>>
    %dma_wait3A_66 = arith.constant 0 : i32
    %dma_wait3A_67 = arith.constant 0 : i32
    %dma_wait3A_68 = tpu.memref_slice %arg2[%dma_wait3A_66, %dma_wait3A_67] : memref<10000x256xf32, #tpu.memory_space<hbm>> -> memref<10000x256xf32, #tpu.memory_space<hbm>>
    tpu.wait_indirect_dma semaphore(%arg16 : memref<!tpu.dma_semaphore, #tpu.memory_space<semaphore_mem>>) src(%dma_wait3A_68 : memref<10000x256xf32, #tpu.memory_space<hbm>>) dst(%dma_wait3A_63 : memref<64x256xf32, #tpu.memory_space<vmem>>)
    %dma_wait3A_69 = arith.constant 0 : i32
    %dma_wait3A_70 = arith.constant 0 : i32
    %dma_wait3A_71 = tpu.memref_slice %arg12[%dma_wait3A_69, %dma_wait3A_70] : memref<128x256xf32, #tpu.memory_space<vmem>> -> memref<64x256xf32, #tpu.memory_space<vmem>>
    %dma_wait3A_72 = arith.constant 0 : i32
    %dma_wait3A_73 = tpu.memref_slice %arg9[%dma_wait3A_72] : memref<128xi32, #tpu.memory_space<vmem>> -> memref<64xi32, #tpu.memory_space<vmem>>
    %dma_wait3A_74 = arith.constant 0 : i32
    %dma_wait3A_75 = arith.constant 0 : i32
    %dma_wait3A_76 = tpu.memref_slice %arg2[%dma_wait3A_74, %dma_wait3A_75] : memref<10000x256xf32, #tpu.memory_space<hbm>> -> memref<10000x256xf32, #tpu.memory_space<hbm>>
    tpu.wait_indirect_dma semaphore(%arg16 : memref<!tpu.dma_semaphore, #tpu.memory_space<semaphore_mem>>) src(%dma_wait3A_76 : memref<10000x256xf32, #tpu.memory_space<hbm>>) dst(%dma_wait3A_71 : memref<64x256xf32, #tpu.memory_space<vmem>>)
    %scan3A = arith.constant 0 : i32
    %scan3A_77 = arith.constant 0 : i32
    %scan3A_78 = arith.constant 4 : i32
    %scan3A_79 = arith.addi %scan3A_77, %scan3A_78 : i32
    %scan3A_80 = arith.constant 1 : i32
    %scan3A_81 = scf.for %scan3A_222 = %scan3A_77 to %scan3A_79 step %scan3A_80 iter_args(%scan3A_223 = %scan3A) -> (i32)  : i32 {
      %iota3A = tpu.iota {dimensions = array<i32: 0>} : vector<16xi32>
      %mul3A_224 = arith.constant 16 : i32
      %mul3A_225 = arith.muli %scan3A_222, %mul3A_224 : i32
      %add3A_226 = vector.broadcast %mul3A_225 : i32 to vector<16xi32>
      %add3A_227 = arith.addi %iota3A, %add3A_226 : vector<16xi32>
      %add3A_228 = arith.constant 0 : i32
      %add3A_229 = vector.broadcast %add3A_228 : i32 to vector<16xi32>
      %add3A_230 = arith.addi %add3A_227, %add3A_229 : vector<16xi32>
      %add3A_231 = arith.constant 0 : i32
      %add3A_232 = vector.broadcast %add3A_231 : i32 to vector<16xi32>
      %add3A_233 = arith.addi %add3A_227, %add3A_232 : vector<16xi32>
      %broadcast_in_dim3A_234 = arith.constant 0.000000e+00 : f32
      %broadcast_in_dim3A_235 = vector.broadcast %broadcast_in_dim3A_234 : f32 to vector<16xf32>
      %iota3A_236 = tpu.iota {dimensions = array<i32: 0>} : vector<16xi32>
      %scan3A_237 = arith.constant 0 : i32
      %scan3A_238 = arith.constant 16 : i32
      %scan3A_239 = arith.addi %scan3A_237, %scan3A_238 : i32
      %scan3A_240 = arith.constant 1 : i32
      %scan3A_241:7 = scf.for %scan3A_268 = %scan3A_237 to %scan3A_239 step %scan3A_240 iter_args(%scan3A_269 = %iota3A_236, %scan3A_270 = %broadcast_in_dim3A_235, %scan3A_271 = %broadcast_in_dim3A_235, %scan3A_272 = %broadcast_in_dim3A_235, %scan3A_273 = %broadcast_in_dim3A_235, %scan3A_274 = %broadcast_in_dim3A_235, %scan3A_275 = %broadcast_in_dim3A_235) -> (vector<16xi32>, vector<16xf32>, vector<16xf32>, vector<16xf32>, vector<16xf32>, vector<16xf32>, vector<16xf32>)  : i32 {
        %add3A_276 = arith.constant 0 : i32
        %add3A_277 = vector.broadcast %add3A_276 : i32 to vector<16xi32>
        %add3A_278 = arith.addi %scan3A_269, %add3A_277 : vector<16xi32>
        %gather3A = tpu.vector_load_idx %arg11[%add3A_230, %add3A_278] : memref<128x256xf32, #tpu.memory_space<vmem>>[vector<16xi32>, vector<16xi32>], vector<16xf32>,
        %gather3A_279 = tpu.vector_load_idx %arg12[%add3A_233, %add3A_278] : memref<128x256xf32, #tpu.memory_space<vmem>>[vector<16xi32>, vector<16xi32>], vector<16xf32>,
        %mul3A_280 = arith.mulf %gather3A, %gather3A_279 : vector<16xf32>
        %add3A_281 = arith.addf %scan3A_270, %mul3A_280 : vector<16xf32>
        %mul3A_282 = arith.mulf %gather3A, %gather3A : vector<16xf32>
        %add3A_283 = arith.addf %scan3A_272, %mul3A_282 : vector<16xf32>
        %mul3A_284 = arith.mulf %gather3A_279, %gather3A_279 : vector<16xf32>
        %add3A_285 = arith.addf %scan3A_274, %mul3A_284 : vector<16xf32>
        %add3A_286 = arith.constant 1 : i32
        %add3A_287 = vector.broadcast %add3A_286 : i32 to vector<16xi32>
        %add3A_288 = arith.addi %scan3A_269, %add3A_287 : vector<16xi32>
        %and3A = arith.constant 127 : i32
        %and3A_289 = vector.broadcast %and3A : i32 to vector<16xi32>
        %and3A_290 = arith.andi %add3A_288, %and3A_289 : vector<16xi32>
        %add3A_291 = arith.constant 0 : i32
        %add3A_292 = vector.broadcast %add3A_291 : i32 to vector<16xi32>
        %add3A_293 = arith.addi %and3A_290, %add3A_292 : vector<16xi32>
        %gather3A_294 = tpu.vector_load_idx %arg11[%add3A_230, %add3A_293] : memref<128x256xf32, #tpu.memory_space<vmem>>[vector<16xi32>, vector<16xi32>], vector<16xf32>,
        %gather3A_295 = tpu.vector_load_idx %arg12[%add3A_233, %add3A_293] : memref<128x256xf32, #tpu.memory_space<vmem>>[vector<16xi32>, vector<16xi32>], vector<16xf32>,
        %mul3A_296 = arith.mulf %gather3A_294, %gather3A_295 : vector<16xf32>
        %add3A_297 = arith.addf %scan3A_271, %mul3A_296 : vector<16xf32>
        %mul3A_298 = arith.mulf %gather3A_294, %gather3A_294 : vector<16xf32>
        %add3A_299 = arith.addf %scan3A_273, %mul3A_298 : vector<16xf32>
        %mul3A_300 = arith.mulf %gather3A_295, %gather3A_295 : vector<16xf32>
        %add3A_301 = arith.addf %scan3A_275, %mul3A_300 : vector<16xf32>
        %add3A_302 = arith.constant 1 : i32
        %add3A_303 = vector.broadcast %add3A_302 : i32 to vector<16xi32>
        %add3A_304 = arith.addi %and3A_290, %add3A_303 : vector<16xi32>
        %and3A_305 = arith.constant 127 : i32
        %and3A_306 = vector.broadcast %and3A_305 : i32 to vector<16xi32>
        %and3A_307 = arith.andi %add3A_304, %and3A_306 : vector<16xi32>
        %add3A_308 = arith.constant 0 : i32
        %add3A_309 = vector.broadcast %add3A_308 : i32 to vector<16xi32>
        %add3A_310 = arith.addi %and3A_307, %add3A_309 : vector<16xi32>
        %gather3A_311 = tpu.vector_load_idx %arg11[%add3A_230, %add3A_310] : memref<128x256xf32, #tpu.memory_space<vmem>>[vector<16xi32>, vector<16xi32>], vector<16xf32>,
        %gather3A_312 = tpu.vector_load_idx %arg12[%add3A_233, %add3A_310] : memref<128x256xf32, #tpu.memory_space<vmem>>[vector<16xi32>, vector<16xi32>], vector<16xf32>,
        %mul3A_313 = arith.mulf %gather3A_311, %gather3A_312 : vector<16xf32>
        %add3A_314 = arith.addf %add3A_281, %mul3A_313 : vector<16xf32>
        %mul3A_315 = arith.mulf %gather3A_311, %gather3A_311 : vector<16xf32>
        %add3A_316 = arith.addf %add3A_283, %mul3A_315 : vector<16xf32>
        %mul3A_317 = arith.mulf %gather3A_312, %gather3A_312 : vector<16xf32>
        %add3A_318 = arith.addf %add3A_285, %mul3A_317 : vector<16xf32>
        %add3A_319 = arith.constant 1 : i32
        %add3A_320 = vector.broadcast %add3A_319 : i32 to vector<16xi32>
        %add3A_321 = arith.addi %and3A_307, %add3A_320 : vector<16xi32>
        %and3A_322 = arith.constant 127 : i32
        %and3A_323 = vector.broadcast %and3A_322 : i32 to vector<16xi32>
        %and3A_324 = arith.andi %add3A_321, %and3A_323 : vector<16xi32>
        %add3A_325 = arith.constant 0 : i32
        %add3A_326 = vector.broadcast %add3A_325 : i32 to vector<16xi32>
        %add3A_327 = arith.addi %and3A_324, %add3A_326 : vector<16xi32>
        %gather3A_328 = tpu.vector_load_idx %arg11[%add3A_230, %add3A_327] : memref<128x256xf32, #tpu.memory_space<vmem>>[vector<16xi32>, vector<16xi32>], vector<16xf32>,
        %gather3A_329 = tpu.vector_load_idx %arg12[%add3A_233, %add3A_327] : memref<128x256xf32, #tpu.memory_space<vmem>>[vector<16xi32>, vector<16xi32>], vector<16xf32>,
        %mul3A_330 = arith.mulf %gather3A_328, %gather3A_329 : vector<16xf32>
        %add3A_331 = arith.addf %add3A_297, %mul3A_330 : vector<16xf32>
        %mul3A_332 = arith.mulf %gather3A_328, %gather3A_328 : vector<16xf32>
        %add3A_333 = arith.addf %add3A_299, %mul3A_332 : vector<16xf32>
        %mul3A_334 = arith.mulf %gather3A_329, %gather3A_329 : vector<16xf32>
        %add3A_335 = arith.addf %add3A_301, %mul3A_334 : vector<16xf32>
        %add3A_336 = arith.constant 1 : i32
        %add3A_337 = vector.broadcast %add3A_336 : i32 to vector<16xi32>
        %add3A_338 = arith.addi %and3A_324, %add3A_337 : vector<16xi32>
        %and3A_339 = arith.constant 127 : i32
        %and3A_340 = vector.broadcast %and3A_339 : i32 to vector<16xi32>
        %and3A_341 = arith.andi %add3A_338, %and3A_340 : vector<16xi32>
        %add3A_342 = arith.constant 0 : i32
        %add3A_343 = vector.broadcast %add3A_342 : i32 to vector<16xi32>
        %add3A_344 = arith.addi %and3A_341, %add3A_343 : vector<16xi32>
        %gather3A_345 = tpu.vector_load_idx %arg11[%add3A_230, %add3A_344] : memref<128x256xf32, #tpu.memory_space<vmem>>[vector<16xi32>, vector<16xi32>], vector<16xf32>,
        %gather3A_346 = tpu.vector_load_idx %arg12[%add3A_233, %add3A_344] : memref<128x256xf32, #tpu.memory_space<vmem>>[vector<16xi32>, vector<16xi32>], vector<16xf32>,
        %mul3A_347 = arith.mulf %gather3A_345, %gather3A_346 : vector<16xf32>
        %add3A_348 = arith.addf %add3A_314, %mul3A_347 : vector<16xf32>
        %mul3A_349 = arith.mulf %gather3A_345, %gather3A_345 : vector<16xf32>
        %add3A_350 = arith.addf %add3A_316, %mul3A_349 : vector<16xf32>
        %mul3A_351 = arith.mulf %gather3A_346, %gather3A_346 : vector<16xf32>
        %add3A_352 = arith.addf %add3A_318, %mul3A_351 : vector<16xf32>
        %add3A_353 = arith.constant 1 : i32
        %add3A_354 = vector.broadcast %add3A_353 : i32 to vector<16xi32>
        %add3A_355 = arith.addi %and3A_341, %add3A_354 : vector<16xi32>
        %and3A_356 = arith.constant 127 : i32
        %and3A_357 = vector.broadcast %and3A_356 : i32 to vector<16xi32>
        %and3A_358 = arith.andi %add3A_355, %and3A_357 : vector<16xi32>
        %add3A_359 = arith.constant 0 : i32
        %add3A_360 = vector.broadcast %add3A_359 : i32 to vector<16xi32>
        %add3A_361 = arith.addi %and3A_358, %add3A_360 : vector<16xi32>
        %gather3A_362 = tpu.vector_load_idx %arg11[%add3A_230, %add3A_361] : memref<128x256xf32, #tpu.memory_space<vmem>>[vector<16xi32>, vector<16xi32>], vector<16xf32>,
        %gather3A_363 = tpu.vector_load_idx %arg12[%add3A_233, %add3A_361] : memref<128x256xf32, #tpu.memory_space<vmem>>[vector<16xi32>, vector<16xi32>], vector<16xf32>,
        %mul3A_364 = arith.mulf %gather3A_362, %gather3A_363 : vector<16xf32>
        %add3A_365 = arith.addf %add3A_331, %mul3A_364 : vector<16xf32>
        %mul3A_366 = arith.mulf %gather3A_362, %gather3A_362 : vector<16xf32>
        %add3A_367 = arith.addf %add3A_333, %mul3A_366 : vector<16xf32>
        %mul3A_368 = arith.mulf %gather3A_363, %gather3A_363 : vector<16xf32>
        %add3A_369 = arith.addf %add3A_335, %mul3A_368 : vector<16xf32>
        %add3A_370 = arith.constant 1 : i32
        %add3A_371 = vector.broadcast %add3A_370 : i32 to vector<16xi32>
        %add3A_372 = arith.addi %and3A_358, %add3A_371 : vector<16xi32>
        %and3A_373 = arith.constant 127 : i32
        %and3A_374 = vector.broadcast %and3A_373 : i32 to vector<16xi32>
        %and3A_375 = arith.andi %add3A_372, %and3A_374 : vector<16xi32>
        %add3A_376 = arith.constant 0 : i32
        %add3A_377 = vector.broadcast %add3A_376 : i32 to vector<16xi32>
        %add3A_378 = arith.addi %and3A_375, %add3A_377 : vector<16xi32>
        %gather3A_379 = tpu.vector_load_idx %arg11[%add3A_230, %add3A_378] : memref<128x256xf32, #tpu.memory_space<vmem>>[vector<16xi32>, vector<16xi32>], vector<16xf32>,
        %gather3A_380 = tpu.vector_load_idx %arg12[%add3A_233, %add3A_378] : memref<128x256xf32, #tpu.memory_space<vmem>>[vector<16xi32>, vector<16xi32>], vector<16xf32>,
        %mul3A_381 = arith.mulf %gather3A_379, %gather3A_380 : vector<16xf32>
        %add3A_382 = arith.addf %add3A_348, %mul3A_381 : vector<16xf32>
        %mul3A_383 = arith.mulf %gather3A_379, %gather3A_379 : vector<16xf32>
        %add3A_384 = arith.addf %add3A_350, %mul3A_383 : vector<16xf32>
        %mul3A_385 = arith.mulf %gather3A_380, %gather3A_380 : vector<16xf32>
        %add3A_386 = arith.addf %add3A_352, %mul3A_385 : vector<16xf32>
        %add3A_387 = arith.constant 1 : i32
        %add3A_388 = vector.broadcast %add3A_387 : i32 to vector<16xi32>
        %add3A_389 = arith.addi %and3A_375, %add3A_388 : vector<16xi32>
        %and3A_390 = arith.constant 127 : i32
        %and3A_391 = vector.broadcast %and3A_390 : i32 to vector<16xi32>
        %and3A_392 = arith.andi %add3A_389, %and3A_391 : vector<16xi32>
        %add3A_393 = arith.constant 0 : i32
        %add3A_394 = vector.broadcast %add3A_393 : i32 to vector<16xi32>
        %add3A_395 = arith.addi %and3A_392, %add3A_394 : vector<16xi32>
        %gather3A_396 = tpu.vector_load_idx %arg11[%add3A_230, %add3A_395] : memref<128x256xf32, #tpu.memory_space<vmem>>[vector<16xi32>, vector<16xi32>], vector<16xf32>,
        %gather3A_397 = tpu.vector_load_idx %arg12[%add3A_233, %add3A_395] : memref<128x256xf32, #tpu.memory_space<vmem>>[vector<16xi32>, vector<16xi32>], vector<16xf32>,
        %mul3A_398 = arith.mulf %gather3A_396, %gather3A_397 : vector<16xf32>
        %add3A_399 = arith.addf %add3A_365, %mul3A_398 : vector<16xf32>
        %mul3A_400 = arith.mulf %gather3A_396, %gather3A_396 : vector<16xf32>
        %add3A_401 = arith.addf %add3A_367, %mul3A_400 : vector<16xf32>
        %mul3A_402 = arith.mulf %gather3A_397, %gather3A_397 : vector<16xf32>
        %add3A_403 = arith.addf %add3A_369, %mul3A_402 : vector<16xf32>
        %add3A_404 = arith.constant 1 : i32
        %add3A_405 = vector.broadcast %add3A_404 : i32 to vector<16xi32>
        %add3A_406 = arith.addi %and3A_392, %add3A_405 : vector<16xi32>
        %and3A_407 = arith.constant 127 : i32
        %and3A_408 = vector.broadcast %and3A_407 : i32 to vector<16xi32>
        %and3A_409 = arith.andi %add3A_406, %and3A_408 : vector<16xi32>
        scf.yield %and3A_409, %add3A_382, %add3A_399, %add3A_384, %add3A_401, %add3A_386, %add3A_403 : vector<16xi32>, vector<16xf32>, vector<16xf32>, vector<16xf32>, vector<16xf32>, vector<16xf32>, vector<16xf32>
      }
      %scan3A_242 = arith.constant 16 : i32
      %iota3A_243 = tpu.iota {dimensions = array<i32: 0>} : vector<16xi32>
      %scan3A_244 = arith.constant 0 : i32
      %scan3A_245 = arith.constant 16 : i32
      %scan3A_246 = arith.addi %scan3A_244, %scan3A_245 : i32
      %scan3A_247 = arith.constant 1 : i32
      %scan3A_248:7 = scf.for %scan3A_268 = %scan3A_244 to %scan3A_246 step %scan3A_247 iter_args(%scan3A_269 = %iota3A_243, %scan3A_270 = %scan3A_241#1, %scan3A_271 = %scan3A_241#2, %scan3A_272 = %scan3A_241#3, %scan3A_273 = %scan3A_241#4, %scan3A_274 = %scan3A_241#5, %scan3A_275 = %scan3A_241#6) -> (vector<16xi32>, vector<16xf32>, vector<16xf32>, vector<16xf32>, vector<16xf32>, vector<16xf32>, vector<16xf32>)  : i32 {
        %add3A_276 = arith.constant 128 : i32
        %add3A_277 = vector.broadcast %add3A_276 : i32 to vector<16xi32>
        %add3A_278 = arith.addi %scan3A_269, %add3A_277 : vector<16xi32>
        %gather3A = tpu.vector_load_idx %arg11[%add3A_230, %add3A_278] : memref<128x256xf32, #tpu.memory_space<vmem>>[vector<16xi32>, vector<16xi32>], vector<16xf32>,
        %gather3A_279 = tpu.vector_load_idx %arg12[%add3A_233, %add3A_278] : memref<128x256xf32, #tpu.memory_space<vmem>>[vector<16xi32>, vector<16xi32>], vector<16xf32>,
        %mul3A_280 = arith.mulf %gather3A, %gather3A_279 : vector<16xf32>
        %add3A_281 = arith.addf %scan3A_270, %mul3A_280 : vector<16xf32>
        %mul3A_282 = arith.mulf %gather3A, %gather3A : vector<16xf32>
        %add3A_283 = arith.addf %scan3A_272, %mul3A_282 : vector<16xf32>
        %mul3A_284 = arith.mulf %gather3A_279, %gather3A_279 : vector<16xf32>
        %add3A_285 = arith.addf %scan3A_274, %mul3A_284 : vector<16xf32>
        %add3A_286 = arith.constant 1 : i32
        %add3A_287 = vector.broadcast %add3A_286 : i32 to vector<16xi32>
        %add3A_288 = arith.addi %scan3A_269, %add3A_287 : vector<16xi32>
        %and3A = arith.constant 127 : i32
        %and3A_289 = vector.broadcast %and3A : i32 to vector<16xi32>
        %and3A_290 = arith.andi %add3A_288, %and3A_289 : vector<16xi32>
        %add3A_291 = arith.constant 128 : i32
        %add3A_292 = vector.broadcast %add3A_291 : i32 to vector<16xi32>
        %add3A_293 = arith.addi %and3A_290, %add3A_292 : vector<16xi32>
        %gather3A_294 = tpu.vector_load_idx %arg11[%add3A_230, %add3A_293] : memref<128x256xf32, #tpu.memory_space<vmem>>[vector<16xi32>, vector<16xi32>], vector<16xf32>,
        %gather3A_295 = tpu.vector_load_idx %arg12[%add3A_233, %add3A_293] : memref<128x256xf32, #tpu.memory_space<vmem>>[vector<16xi32>, vector<16xi32>], vector<16xf32>,
        %mul3A_296 = arith.mulf %gather3A_294, %gather3A_295 : vector<16xf32>
        %add3A_297 = arith.addf %scan3A_271, %mul3A_296 : vector<16xf32>
        %mul3A_298 = arith.mulf %gather3A_294, %gather3A_294 : vector<16xf32>
        %add3A_299 = arith.addf %scan3A_273, %mul3A_298 : vector<16xf32>
        %mul3A_300 = arith.mulf %gather3A_295, %gather3A_295 : vector<16xf32>
        %add3A_301 = arith.addf %scan3A_275, %mul3A_300 : vector<16xf32>
        %add3A_302 = arith.constant 1 : i32
        %add3A_303 = vector.broadcast %add3A_302 : i32 to vector<16xi32>
        %add3A_304 = arith.addi %and3A_290, %add3A_303 : vector<16xi32>
        %and3A_305 = arith.constant 127 : i32
        %and3A_306 = vector.broadcast %and3A_305 : i32 to vector<16xi32>
        %and3A_307 = arith.andi %add3A_304, %and3A_306 : vector<16xi32>
        %add3A_308 = arith.constant 128 : i32
        %add3A_309 = vector.broadcast %add3A_308 : i32 to vector<16xi32>
        %add3A_310 = arith.addi %and3A_307, %add3A_309 : vector<16xi32>
        %gather3A_311 = tpu.vector_load_idx %arg11[%add3A_230, %add3A_310] : memref<128x256xf32, #tpu.memory_space<vmem>>[vector<16xi32>, vector<16xi32>], vector<16xf32>,
        %gather3A_312 = tpu.vector_load_idx %arg12[%add3A_233, %add3A_310] : memref<128x256xf32, #tpu.memory_space<vmem>>[vector<16xi32>, vector<16xi32>], vector<16xf32>,
        %mul3A_313 = arith.mulf %gather3A_311, %gather3A_312 : vector<16xf32>
        %add3A_314 = arith.addf %add3A_281, %mul3A_313 : vector<16xf32>
        %mul3A_315 = arith.mulf %gather3A_311, %gather3A_311 : vector<16xf32>
        %add3A_316 = arith.addf %add3A_283, %mul3A_315 : vector<16xf32>
        %mul3A_317 = arith.mulf %gather3A_312, %gather3A_312 : vector<16xf32>
        %add3A_318 = arith.addf %add3A_285, %mul3A_317 : vector<16xf32>
        %add3A_319 = arith.constant 1 : i32
        %add3A_320 = vector.broadcast %add3A_319 : i32 to vector<16xi32>
        %add3A_321 = arith.addi %and3A_307, %add3A_320 : vector<16xi32>
        %and3A_322 = arith.constant 127 : i32
        %and3A_323 = vector.broadcast %and3A_322 : i32 to vector<16xi32>
        %and3A_324 = arith.andi %add3A_321, %and3A_323 : vector<16xi32>
        %add3A_325 = arith.constant 128 : i32
        %add3A_326 = vector.broadcast %add3A_325 : i32 to vector<16xi32>
        %add3A_327 = arith.addi %and3A_324, %add3A_326 : vector<16xi32>
        %gather3A_328 = tpu.vector_load_idx %arg11[%add3A_230, %add3A_327] : memref<128x256xf32, #tpu.memory_space<vmem>>[vector<16xi32>, vector<16xi32>], vector<16xf32>,
        %gather3A_329 = tpu.vector_load_idx %arg12[%add3A_233, %add3A_327] : memref<128x256xf32, #tpu.memory_space<vmem>>[vector<16xi32>, vector<16xi32>], vector<16xf32>,
        %mul3A_330 = arith.mulf %gather3A_328, %gather3A_329 : vector<16xf32>
        %add3A_331 = arith.addf %add3A_297, %mul3A_330 : vector<16xf32>
        %mul3A_332 = arith.mulf %gather3A_328, %gather3A_328 : vector<16xf32>
        %add3A_333 = arith.addf %add3A_299, %mul3A_332 : vector<16xf32>
        %mul3A_334 = arith.mulf %gather3A_329, %gather3A_329 : vector<16xf32>
        %add3A_335 = arith.addf %add3A_301, %mul3A_334 : vector<16xf32>
        %add3A_336 = arith.constant 1 : i32
        %add3A_337 = vector.broadcast %add3A_336 : i32 to vector<16xi32>
        %add3A_338 = arith.addi %and3A_324, %add3A_337 : vector<16xi32>
        %and3A_339 = arith.constant 127 : i32
        %and3A_340 = vector.broadcast %and3A_339 : i32 to vector<16xi32>
        %and3A_341 = arith.andi %add3A_338, %and3A_340 : vector<16xi32>
        %add3A_342 = arith.constant 128 : i32
        %add3A_343 = vector.broadcast %add3A_342 : i32 to vector<16xi32>
        %add3A_344 = arith.addi %and3A_341, %add3A_343 : vector<16xi32>
        %gather3A_345 = tpu.vector_load_idx %arg11[%add3A_230, %add3A_344] : memref<128x256xf32, #tpu.memory_space<vmem>>[vector<16xi32>, vector<16xi32>], vector<16xf32>,
        %gather3A_346 = tpu.vector_load_idx %arg12[%add3A_233, %add3A_344] : memref<128x256xf32, #tpu.memory_space<vmem>>[vector<16xi32>, vector<16xi32>], vector<16xf32>,
        %mul3A_347 = arith.mulf %gather3A_345, %gather3A_346 : vector<16xf32>
        %add3A_348 = arith.addf %add3A_314, %mul3A_347 : vector<16xf32>
        %mul3A_349 = arith.mulf %gather3A_345, %gather3A_345 : vector<16xf32>
        %add3A_350 = arith.addf %add3A_316, %mul3A_349 : vector<16xf32>
        %mul3A_351 = arith.mulf %gather3A_346, %gather3A_346 : vector<16xf32>
        %add3A_352 = arith.addf %add3A_318, %mul3A_351 : vector<16xf32>
        %add3A_353 = arith.constant 1 : i32
        %add3A_354 = vector.broadcast %add3A_353 : i32 to vector<16xi32>
        %add3A_355 = arith.addi %and3A_341, %add3A_354 : vector<16xi32>
        %and3A_356 = arith.constant 127 : i32
        %and3A_357 = vector.broadcast %and3A_356 : i32 to vector<16xi32>
        %and3A_358 = arith.andi %add3A_355, %and3A_357 : vector<16xi32>
        %add3A_359 = arith.constant 128 : i32
        %add3A_360 = vector.broadcast %add3A_359 : i32 to vector<16xi32>
        %add3A_361 = arith.addi %and3A_358, %add3A_360 : vector<16xi32>
        %gather3A_362 = tpu.vector_load_idx %arg11[%add3A_230, %add3A_361] : memref<128x256xf32, #tpu.memory_space<vmem>>[vector<16xi32>, vector<16xi32>], vector<16xf32>,
        %gather3A_363 = tpu.vector_load_idx %arg12[%add3A_233, %add3A_361] : memref<128x256xf32, #tpu.memory_space<vmem>>[vector<16xi32>, vector<16xi32>], vector<16xf32>,
        %mul3A_364 = arith.mulf %gather3A_362, %gather3A_363 : vector<16xf32>
        %add3A_365 = arith.addf %add3A_331, %mul3A_364 : vector<16xf32>
        %mul3A_366 = arith.mulf %gather3A_362, %gather3A_362 : vector<16xf32>
        %add3A_367 = arith.addf %add3A_333, %mul3A_366 : vector<16xf32>
        %mul3A_368 = arith.mulf %gather3A_363, %gather3A_363 : vector<16xf32>
        %add3A_369 = arith.addf %add3A_335, %mul3A_368 : vector<16xf32>
        %add3A_370 = arith.constant 1 : i32
        %add3A_371 = vector.broadcast %add3A_370 : i32 to vector<16xi32>
        %add3A_372 = arith.addi %and3A_358, %add3A_371 : vector<16xi32>
        %and3A_373 = arith.constant 127 : i32
        %and3A_374 = vector.broadcast %and3A_373 : i32 to vector<16xi32>
        %and3A_375 = arith.andi %add3A_372, %and3A_374 : vector<16xi32>
        %add3A_376 = arith.constant 128 : i32
        %add3A_377 = vector.broadcast %add3A_376 : i32 to vector<16xi32>
        %add3A_378 = arith.addi %and3A_375, %add3A_377 : vector<16xi32>
        %gather3A_379 = tpu.vector_load_idx %arg11[%add3A_230, %add3A_378] : memref<128x256xf32, #tpu.memory_space<vmem>>[vector<16xi32>, vector<16xi32>], vector<16xf32>,
        %gather3A_380 = tpu.vector_load_idx %arg12[%add3A_233, %add3A_378] : memref<128x256xf32, #tpu.memory_space<vmem>>[vector<16xi32>, vector<16xi32>], vector<16xf32>,
        %mul3A_381 = arith.mulf %gather3A_379, %gather3A_380 : vector<16xf32>
        %add3A_382 = arith.addf %add3A_348, %mul3A_381 : vector<16xf32>
        %mul3A_383 = arith.mulf %gather3A_379, %gather3A_379 : vector<16xf32>
        %add3A_384 = arith.addf %add3A_350, %mul3A_383 : vector<16xf32>
        %mul3A_385 = arith.mulf %gather3A_380, %gather3A_380 : vector<16xf32>
        %add3A_386 = arith.addf %add3A_352, %mul3A_385 : vector<16xf32>
        %add3A_387 = arith.constant 1 : i32
        %add3A_388 = vector.broadcast %add3A_387 : i32 to vector<16xi32>
        %add3A_389 = arith.addi %and3A_375, %add3A_388 : vector<16xi32>
        %and3A_390 = arith.constant 127 : i32
        %and3A_391 = vector.broadcast %and3A_390 : i32 to vector<16xi32>
        %and3A_392 = arith.andi %add3A_389, %and3A_391 : vector<16xi32>
        %add3A_393 = arith.constant 128 : i32
        %add3A_394 = vector.broadcast %add3A_393 : i32 to vector<16xi32>
        %add3A_395 = arith.addi %and3A_392, %add3A_394 : vector<16xi32>
        %gather3A_396 = tpu.vector_load_idx %arg11[%add3A_230, %add3A_395] : memref<128x256xf32, #tpu.memory_space<vmem>>[vector<16xi32>, vector<16xi32>], vector<16xf32>,
        %gather3A_397 = tpu.vector_load_idx %arg12[%add3A_233, %add3A_395] : memref<128x256xf32, #tpu.memory_space<vmem>>[vector<16xi32>, vector<16xi32>], vector<16xf32>,
        %mul3A_398 = arith.mulf %gather3A_396, %gather3A_397 : vector<16xf32>
        %add3A_399 = arith.addf %add3A_365, %mul3A_398 : vector<16xf32>
        %mul3A_400 = arith.mulf %gather3A_396, %gather3A_396 : vector<16xf32>
        %add3A_401 = arith.addf %add3A_367, %mul3A_400 : vector<16xf32>
        %mul3A_402 = arith.mulf %gather3A_397, %gather3A_397 : vector<16xf32>
        %add3A_403 = arith.addf %add3A_369, %mul3A_402 : vector<16xf32>
        %add3A_404 = arith.constant 1 : i32
        %add3A_405 = vector.broadcast %add3A_404 : i32 to vector<16xi32>
        %add3A_406 = arith.addi %and3A_392, %add3A_405 : vector<16xi32>
        %and3A_407 = arith.constant 127 : i32
        %and3A_408 = vector.broadcast %and3A_407 : i32 to vector<16xi32>
        %and3A_409 = arith.andi %add3A_406, %and3A_408 : vector<16xi32>
        scf.yield %and3A_409, %add3A_382, %add3A_399, %add3A_384, %add3A_401, %add3A_386, %add3A_403 : vector<16xi32>, vector<16xf32>, vector<16xf32>, vector<16xf32>, vector<16xf32>, vector<16xf32>, vector<16xf32>
      }
      %scan3A_249 = arith.constant 16 : i32
      %add3A_250 = arith.addf %scan3A_248#1, %scan3A_248#2 : vector<16xf32>
      %add3A_251 = arith.addf %scan3A_248#3, %scan3A_248#4 : vector<16xf32>
      %add3A_252 = arith.addf %scan3A_248#5, %scan3A_248#6 : vector<16xf32>
      %mul3A_253 = arith.constant 16 : i32
      %mul3A_254 = arith.muli %scan3A_222, %mul3A_253 : i32
      %swap3A_255 = arith.constant 0 : i32
      %swap3A_256 = arith.index_cast %swap3A_255 : i32 to index
      %swap3A_257 = arith.index_cast %mul3A_254 : i32 to index
      %swap3A_258 = tpu.vector_load %arg14[%swap3A_256, %swap3A_257] {strides = array<i32>} : memref<8x128xf32, #tpu.memory_space<vmem>>, vector<16xf32>,
      tpu.vector_store %arg14[%swap3A_256, %swap3A_257], %add3A_250 {strides = array<i32>} : memref<8x128xf32, #tpu.memory_space<vmem>>, vector<16xf32>,
      %swap3A_259 = arith.constant 1 : i32
      %swap3A_260 = arith.index_cast %swap3A_259 : i32 to index
      %swap3A_261 = arith.index_cast %mul3A_254 : i32 to index
      %swap3A_262 = tpu.vector_load %arg14[%swap3A_260, %swap3A_261] {strides = array<i32>} : memref<8x128xf32, #tpu.memory_space<vmem>>, vector<16xf32>,
      tpu.vector_store %arg14[%swap3A_260, %swap3A_261], %add3A_251 {strides = array<i32>} : memref<8x128xf32, #tpu.memory_space<vmem>>, vector<16xf32>,
      %swap3A_263 = arith.constant 2 : i32
      %swap3A_264 = arith.index_cast %swap3A_263 : i32 to index
      %swap3A_265 = arith.index_cast %mul3A_254 : i32 to index
      %swap3A_266 = tpu.vector_load %arg14[%swap3A_264, %swap3A_265] {strides = array<i32>} : memref<8x128xf32, #tpu.memory_space<vmem>>, vector<16xf32>,
      tpu.vector_store %arg14[%swap3A_264, %swap3A_265], %add3A_252 {strides = array<i32>} : memref<8x128xf32, #tpu.memory_space<vmem>>, vector<16xf32>,
      %scan3A_267 = arith.constant 0 : i32
      scf.yield %scan3A_267 : i32
    }
    %scan3A_82 = arith.constant 4 : i32
    %dma_start3A_83 = arith.constant 0 : i32
    %dma_start3A_84 = arith.constant 0 : i32
    %dma_start3A_85 = tpu.memref_slice %arg12[%dma_start3A_83, %dma_start3A_84] : memref<128x256xf32, #tpu.memory_space<vmem>> -> memref<64x256xf32, #tpu.memory_space<vmem>>
    %dma_start3A_86 = arith.constant 64 : i32
    %dma_start3A_87 = tpu.memref_slice %arg10[%dma_start3A_86] : memref<128xi32, #tpu.memory_space<vmem>> -> memref<64xi32, #tpu.memory_space<vmem>>
    %dma_start3A_88 = arith.constant 0 : i32
    %dma_start3A_89 = arith.constant 0 : i32
    %dma_start3A_90 = tpu.memref_slice %arg2[%dma_start3A_88, %dma_start3A_89] : memref<10000x256xf32, #tpu.memory_space<hbm>> -> memref<10000x256xf32, #tpu.memory_space<hbm>>
    tpu.enqueue_indirect_dma source(%dma_start3A_90 : memref<10000x256xf32, #tpu.memory_space<hbm>>) target(%dma_start3A_85 : memref<64x256xf32, #tpu.memory_space<vmem>>) offsets(%dma_start3A_87 : memref<64xi32, #tpu.memory_space<vmem>>) semaphore(%arg16 : memref<!tpu.dma_semaphore, #tpu.memory_space<semaphore_mem>>)
    %dma_wait3A_91 = arith.constant 64 : i32
    %dma_wait3A_92 = arith.constant 0 : i32
    %dma_wait3A_93 = tpu.memref_slice %arg11[%dma_wait3A_91, %dma_wait3A_92] : memref<128x256xf32, #tpu.memory_space<vmem>> -> memref<64x256xf32, #tpu.memory_space<vmem>>
    %dma_wait3A_94 = arith.constant 64 : i32
    %dma_wait3A_95 = tpu.memref_slice %arg8[%dma_wait3A_94] : memref<128xi32, #tpu.memory_space<vmem>> -> memref<64xi32, #tpu.memory_space<vmem>>
    %dma_wait3A_96 = arith.constant 0 : i32
    %dma_wait3A_97 = arith.constant 0 : i32
    %dma_wait3A_98 = tpu.memref_slice %arg2[%dma_wait3A_96, %dma_wait3A_97] : memref<10000x256xf32, #tpu.memory_space<hbm>> -> memref<10000x256xf32, #tpu.memory_space<hbm>>
    tpu.wait_indirect_dma semaphore(%arg16 : memref<!tpu.dma_semaphore, #tpu.memory_space<semaphore_mem>>) src(%dma_wait3A_98 : memref<10000x256xf32, #tpu.memory_space<hbm>>) dst(%dma_wait3A_93 : memref<64x256xf32, #tpu.memory_space<vmem>>)
    %dma_wait3A_99 = arith.constant 64 : i32
    %dma_wait3A_100 = arith.constant 0 : i32
    %dma_wait3A_101 = tpu.memref_slice %arg12[%dma_wait3A_99, %dma_wait3A_100] : memref<128x256xf32, #tpu.memory_space<vmem>> -> memref<64x256xf32, #tpu.memory_space<vmem>>
    %dma_wait3A_102 = arith.constant 64 : i32
    %dma_wait3A_103 = tpu.memref_slice %arg9[%dma_wait3A_102] : memref<128xi32, #tpu.memory_space<vmem>> -> memref<64xi32, #tpu.memory_space<vmem>>
    %dma_wait3A_104 = arith.constant 0 : i32
    %dma_wait3A_105 = arith.constant 0 : i32
    %dma_wait3A_106 = tpu.memref_slice %arg2[%dma_wait3A_104, %dma_wait3A_105] : memref<10000x256xf32, #tpu.memory_space<hbm>> -> memref<10000x256xf32, #tpu.memory_space<hbm>>
    tpu.wait_indirect_dma semaphore(%arg16 : memref<!tpu.dma_semaphore, #tpu.memory_space<semaphore_mem>>) src(%dma_wait3A_106 : memref<10000x256xf32, #tpu.memory_space<hbm>>) dst(%dma_wait3A_101 : memref<64x256xf32, #tpu.memory_space<vmem>>)
    %scan3A_107 = arith.constant 0 : i32
    %scan3A_108 = arith.constant 4 : i32
    %scan3A_109 = arith.constant 4 : i32
    %scan3A_110 = arith.addi %scan3A_108, %scan3A_109 : i32
    %scan3A_111 = arith.constant 1 : i32
    %scan3A_112 = scf.for %scan3A_222 = %scan3A_108 to %scan3A_110 step %scan3A_111 iter_args(%scan3A_223 = %scan3A_107) -> (i32)  : i32 {
      %iota3A = tpu.iota {dimensions = array<i32: 0>} : vector<16xi32>
      %mul3A_224 = arith.constant 16 : i32
      %mul3A_225 = arith.muli %scan3A_222, %mul3A_224 : i32
      %add3A_226 = vector.broadcast %mul3A_225 : i32 to vector<16xi32>
      %add3A_227 = arith.addi %iota3A, %add3A_226 : vector<16xi32>
      %add3A_228 = arith.constant 0 : i32
      %add3A_229 = vector.broadcast %add3A_228 : i32 to vector<16xi32>
      %add3A_230 = arith.addi %add3A_227, %add3A_229 : vector<16xi32>
      %add3A_231 = arith.constant 0 : i32
      %add3A_232 = vector.broadcast %add3A_231 : i32 to vector<16xi32>
      %add3A_233 = arith.addi %add3A_227, %add3A_232 : vector<16xi32>
      %broadcast_in_dim3A_234 = arith.constant 0.000000e+00 : f32
      %broadcast_in_dim3A_235 = vector.broadcast %broadcast_in_dim3A_234 : f32 to vector<16xf32>
      %iota3A_236 = tpu.iota {dimensions = array<i32: 0>} : vector<16xi32>
      %scan3A_237 = arith.constant 0 : i32
      %scan3A_238 = arith.constant 16 : i32
      %scan3A_239 = arith.addi %scan3A_237, %scan3A_238 : i32
      %scan3A_240 = arith.constant 1 : i32
      %scan3A_241:7 = scf.for %scan3A_268 = %scan3A_237 to %scan3A_239 step %scan3A_240 iter_args(%scan3A_269 = %iota3A_236, %scan3A_270 = %broadcast_in_dim3A_235, %scan3A_271 = %broadcast_in_dim3A_235, %scan3A_272 = %broadcast_in_dim3A_235, %scan3A_273 = %broadcast_in_dim3A_235, %scan3A_274 = %broadcast_in_dim3A_235, %scan3A_275 = %broadcast_in_dim3A_235) -> (vector<16xi32>, vector<16xf32>, vector<16xf32>, vector<16xf32>, vector<16xf32>, vector<16xf32>, vector<16xf32>)  : i32 {
        %add3A_276 = arith.constant 0 : i32
        %add3A_277 = vector.broadcast %add3A_276 : i32 to vector<16xi32>
        %add3A_278 = arith.addi %scan3A_269, %add3A_277 : vector<16xi32>
        %gather3A = tpu.vector_load_idx %arg11[%add3A_230, %add3A_278] : memref<128x256xf32, #tpu.memory_space<vmem>>[vector<16xi32>, vector<16xi32>], vector<16xf32>,
        %gather3A_279 = tpu.vector_load_idx %arg12[%add3A_233, %add3A_278] : memref<128x256xf32, #tpu.memory_space<vmem>>[vector<16xi32>, vector<16xi32>], vector<16xf32>,
        %mul3A_280 = arith.mulf %gather3A, %gather3A_279 : vector<16xf32>
        %add3A_281 = arith.addf %scan3A_270, %mul3A_280 : vector<16xf32>
        %mul3A_282 = arith.mulf %gather3A, %gather3A : vector<16xf32>
        %add3A_283 = arith.addf %scan3A_272, %mul3A_282 : vector<16xf32>
        %mul3A_284 = arith.mulf %gather3A_279, %gather3A_279 : vector<16xf32>
        %add3A_285 = arith.addf %scan3A_274, %mul3A_284 : vector<16xf32>
        %add3A_286 = arith.constant 1 : i32
        %add3A_287 = vector.broadcast %add3A_286 : i32 to vector<16xi32>
        %add3A_288 = arith.addi %scan3A_269, %add3A_287 : vector<16xi32>
        %and3A = arith.constant 127 : i32
        %and3A_289 = vector.broadcast %and3A : i32 to vector<16xi32>
        %and3A_290 = arith.andi %add3A_288, %and3A_289 : vector<16xi32>
        %add3A_291 = arith.constant 0 : i32
        %add3A_292 = vector.broadcast %add3A_291 : i32 to vector<16xi32>
        %add3A_293 = arith.addi %and3A_290, %add3A_292 : vector<16xi32>
        %gather3A_294 = tpu.vector_load_idx %arg11[%add3A_230, %add3A_293] : memref<128x256xf32, #tpu.memory_space<vmem>>[vector<16xi32>, vector<16xi32>], vector<16xf32>,
        %gather3A_295 = tpu.vector_load_idx %arg12[%add3A_233, %add3A_293] : memref<128x256xf32, #tpu.memory_space<vmem>>[vector<16xi32>, vector<16xi32>], vector<16xf32>,
        %mul3A_296 = arith.mulf %gather3A_294, %gather3A_295 : vector<16xf32>
        %add3A_297 = arith.addf %scan3A_271, %mul3A_296 : vector<16xf32>
        %mul3A_298 = arith.mulf %gather3A_294, %gather3A_294 : vector<16xf32>
        %add3A_299 = arith.addf %scan3A_273, %mul3A_298 : vector<16xf32>
        %mul3A_300 = arith.mulf %gather3A_295, %gather3A_295 : vector<16xf32>
        %add3A_301 = arith.addf %scan3A_275, %mul3A_300 : vector<16xf32>
        %add3A_302 = arith.constant 1 : i32
        %add3A_303 = vector.broadcast %add3A_302 : i32 to vector<16xi32>
        %add3A_304 = arith.addi %and3A_290, %add3A_303 : vector<16xi32>
        %and3A_305 = arith.constant 127 : i32
        %and3A_306 = vector.broadcast %and3A_305 : i32 to vector<16xi32>
        %and3A_307 = arith.andi %add3A_304, %and3A_306 : vector<16xi32>
        %add3A_308 = arith.constant 0 : i32
        %add3A_309 = vector.broadcast %add3A_308 : i32 to vector<16xi32>
        %add3A_310 = arith.addi %and3A_307, %add3A_309 : vector<16xi32>
        %gather3A_311 = tpu.vector_load_idx %arg11[%add3A_230, %add3A_310] : memref<128x256xf32, #tpu.memory_space<vmem>>[vector<16xi32>, vector<16xi32>], vector<16xf32>,
        %gather3A_312 = tpu.vector_load_idx %arg12[%add3A_233, %add3A_310] : memref<128x256xf32, #tpu.memory_space<vmem>>[vector<16xi32>, vector<16xi32>], vector<16xf32>,
        %mul3A_313 = arith.mulf %gather3A_311, %gather3A_312 : vector<16xf32>
        %add3A_314 = arith.addf %add3A_281, %mul3A_313 : vector<16xf32>
        %mul3A_315 = arith.mulf %gather3A_311, %gather3A_311 : vector<16xf32>
        %add3A_316 = arith.addf %add3A_283, %mul3A_315 : vector<16xf32>
        %mul3A_317 = arith.mulf %gather3A_312, %gather3A_312 : vector<16xf32>
        %add3A_318 = arith.addf %add3A_285, %mul3A_317 : vector<16xf32>
        %add3A_319 = arith.constant 1 : i32
        %add3A_320 = vector.broadcast %add3A_319 : i32 to vector<16xi32>
        %add3A_321 = arith.addi %and3A_307, %add3A_320 : vector<16xi32>
        %and3A_322 = arith.constant 127 : i32
        %and3A_323 = vector.broadcast %and3A_322 : i32 to vector<16xi32>
        %and3A_324 = arith.andi %add3A_321, %and3A_323 : vector<16xi32>
        %add3A_325 = arith.constant 0 : i32
        %add3A_326 = vector.broadcast %add3A_325 : i32 to vector<16xi32>
        %add3A_327 = arith.addi %and3A_324, %add3A_326 : vector<16xi32>
        %gather3A_328 = tpu.vector_load_idx %arg11[%add3A_230, %add3A_327] : memref<128x256xf32, #tpu.memory_space<vmem>>[vector<16xi32>, vector<16xi32>], vector<16xf32>,
        %gather3A_329 = tpu.vector_load_idx %arg12[%add3A_233, %add3A_327] : memref<128x256xf32, #tpu.memory_space<vmem>>[vector<16xi32>, vector<16xi32>], vector<16xf32>,
        %mul3A_330 = arith.mulf %gather3A_328, %gather3A_329 : vector<16xf32>
        %add3A_331 = arith.addf %add3A_297, %mul3A_330 : vector<16xf32>
        %mul3A_332 = arith.mulf %gather3A_328, %gather3A_328 : vector<16xf32>
        %add3A_333 = arith.addf %add3A_299, %mul3A_332 : vector<16xf32>
        %mul3A_334 = arith.mulf %gather3A_329, %gather3A_329 : vector<16xf32>
        %add3A_335 = arith.addf %add3A_301, %mul3A_334 : vector<16xf32>
        %add3A_336 = arith.constant 1 : i32
        %add3A_337 = vector.broadcast %add3A_336 : i32 to vector<16xi32>
        %add3A_338 = arith.addi %and3A_324, %add3A_337 : vector<16xi32>
        %and3A_339 = arith.constant 127 : i32
        %and3A_340 = vector.broadcast %and3A_339 : i32 to vector<16xi32>
        %and3A_341 = arith.andi %add3A_338, %and3A_340 : vector<16xi32>
        %add3A_342 = arith.constant 0 : i32
        %add3A_343 = vector.broadcast %add3A_342 : i32 to vector<16xi32>
        %add3A_344 = arith.addi %and3A_341, %add3A_343 : vector<16xi32>
        %gather3A_345 = tpu.vector_load_idx %arg11[%add3A_230, %add3A_344] : memref<128x256xf32, #tpu.memory_space<vmem>>[vector<16xi32>, vector<16xi32>], vector<16xf32>,
        %gather3A_346 = tpu.vector_load_idx %arg12[%add3A_233, %add3A_344] : memref<128x256xf32, #tpu.memory_space<vmem>>[vector<16xi32>, vector<16xi32>], vector<16xf32>,
        %mul3A_347 = arith.mulf %gather3A_345, %gather3A_346 : vector<16xf32>
        %add3A_348 = arith.addf %add3A_314, %mul3A_347 : vector<16xf32>
        %mul3A_349 = arith.mulf %gather3A_345, %gather3A_345 : vector<16xf32>
        %add3A_350 = arith.addf %add3A_316, %mul3A_349 : vector<16xf32>
        %mul3A_351 = arith.mulf %gather3A_346, %gather3A_346 : vector<16xf32>
        %add3A_352 = arith.addf %add3A_318, %mul3A_351 : vector<16xf32>
        %add3A_353 = arith.constant 1 : i32
        %add3A_354 = vector.broadcast %add3A_353 : i32 to vector<16xi32>
        %add3A_355 = arith.addi %and3A_341, %add3A_354 : vector<16xi32>
        %and3A_356 = arith.constant 127 : i32
        %and3A_357 = vector.broadcast %and3A_356 : i32 to vector<16xi32>
        %and3A_358 = arith.andi %add3A_355, %and3A_357 : vector<16xi32>
        %add3A_359 = arith.constant 0 : i32
        %add3A_360 = vector.broadcast %add3A_359 : i32 to vector<16xi32>
        %add3A_361 = arith.addi %and3A_358, %add3A_360 : vector<16xi32>
        %gather3A_362 = tpu.vector_load_idx %arg11[%add3A_230, %add3A_361] : memref<128x256xf32, #tpu.memory_space<vmem>>[vector<16xi32>, vector<16xi32>], vector<16xf32>,
        %gather3A_363 = tpu.vector_load_idx %arg12[%add3A_233, %add3A_361] : memref<128x256xf32, #tpu.memory_space<vmem>>[vector<16xi32>, vector<16xi32>], vector<16xf32>,
        %mul3A_364 = arith.mulf %gather3A_362, %gather3A_363 : vector<16xf32>
        %add3A_365 = arith.addf %add3A_331, %mul3A_364 : vector<16xf32>
        %mul3A_366 = arith.mulf %gather3A_362, %gather3A_362 : vector<16xf32>
        %add3A_367 = arith.addf %add3A_333, %mul3A_366 : vector<16xf32>
        %mul3A_368 = arith.mulf %gather3A_363, %gather3A_363 : vector<16xf32>
        %add3A_369 = arith.addf %add3A_335, %mul3A_368 : vector<16xf32>
        %add3A_370 = arith.constant 1 : i32
        %add3A_371 = vector.broadcast %add3A_370 : i32 to vector<16xi32>
        %add3A_372 = arith.addi %and3A_358, %add3A_371 : vector<16xi32>
        %and3A_373 = arith.constant 127 : i32
        %and3A_374 = vector.broadcast %and3A_373 : i32 to vector<16xi32>
        %and3A_375 = arith.andi %add3A_372, %and3A_374 : vector<16xi32>
        %add3A_376 = arith.constant 0 : i32
        %add3A_377 = vector.broadcast %add3A_376 : i32 to vector<16xi32>
        %add3A_378 = arith.addi %and3A_375, %add3A_377 : vector<16xi32>
        %gather3A_379 = tpu.vector_load_idx %arg11[%add3A_230, %add3A_378] : memref<128x256xf32, #tpu.memory_space<vmem>>[vector<16xi32>, vector<16xi32>], vector<16xf32>,
        %gather3A_380 = tpu.vector_load_idx %arg12[%add3A_233, %add3A_378] : memref<128x256xf32, #tpu.memory_space<vmem>>[vector<16xi32>, vector<16xi32>], vector<16xf32>,
        %mul3A_381 = arith.mulf %gather3A_379, %gather3A_380 : vector<16xf32>
        %add3A_382 = arith.addf %add3A_348, %mul3A_381 : vector<16xf32>
        %mul3A_383 = arith.mulf %gather3A_379, %gather3A_379 : vector<16xf32>
        %add3A_384 = arith.addf %add3A_350, %mul3A_383 : vector<16xf32>
        %mul3A_385 = arith.mulf %gather3A_380, %gather3A_380 : vector<16xf32>
        %add3A_386 = arith.addf %add3A_352, %mul3A_385 : vector<16xf32>
        %add3A_387 = arith.constant 1 : i32
        %add3A_388 = vector.broadcast %add3A_387 : i32 to vector<16xi32>
        %add3A_389 = arith.addi %and3A_375, %add3A_388 : vector<16xi32>
        %and3A_390 = arith.constant 127 : i32
        %and3A_391 = vector.broadcast %and3A_390 : i32 to vector<16xi32>
        %and3A_392 = arith.andi %add3A_389, %and3A_391 : vector<16xi32>
        %add3A_393 = arith.constant 0 : i32
        %add3A_394 = vector.broadcast %add3A_393 : i32 to vector<16xi32>
        %add3A_395 = arith.addi %and3A_392, %add3A_394 : vector<16xi32>
        %gather3A_396 = tpu.vector_load_idx %arg11[%add3A_230, %add3A_395] : memref<128x256xf32, #tpu.memory_space<vmem>>[vector<16xi32>, vector<16xi32>], vector<16xf32>,
        %gather3A_397 = tpu.vector_load_idx %arg12[%add3A_233, %add3A_395] : memref<128x256xf32, #tpu.memory_space<vmem>>[vector<16xi32>, vector<16xi32>], vector<16xf32>,
        %mul3A_398 = arith.mulf %gather3A_396, %gather3A_397 : vector<16xf32>
        %add3A_399 = arith.addf %add3A_365, %mul3A_398 : vector<16xf32>
        %mul3A_400 = arith.mulf %gather3A_396, %gather3A_396 : vector<16xf32>
        %add3A_401 = arith.addf %add3A_367, %mul3A_400 : vector<16xf32>
        %mul3A_402 = arith.mulf %gather3A_397, %gather3A_397 : vector<16xf32>
        %add3A_403 = arith.addf %add3A_369, %mul3A_402 : vector<16xf32>
        %add3A_404 = arith.constant 1 : i32
        %add3A_405 = vector.broadcast %add3A_404 : i32 to vector<16xi32>
        %add3A_406 = arith.addi %and3A_392, %add3A_405 : vector<16xi32>
        %and3A_407 = arith.constant 127 : i32
        %and3A_408 = vector.broadcast %and3A_407 : i32 to vector<16xi32>
        %and3A_409 = arith.andi %add3A_406, %and3A_408 : vector<16xi32>
        scf.yield %and3A_409, %add3A_382, %add3A_399, %add3A_384, %add3A_401, %add3A_386, %add3A_403 : vector<16xi32>, vector<16xf32>, vector<16xf32>, vector<16xf32>, vector<16xf32>, vector<16xf32>, vector<16xf32>
      }
      %scan3A_242 = arith.constant 16 : i32
      %iota3A_243 = tpu.iota {dimensions = array<i32: 0>} : vector<16xi32>
      %scan3A_244 = arith.constant 0 : i32
      %scan3A_245 = arith.constant 16 : i32
      %scan3A_246 = arith.addi %scan3A_244, %scan3A_245 : i32
      %scan3A_247 = arith.constant 1 : i32
      %scan3A_248:7 = scf.for %scan3A_268 = %scan3A_244 to %scan3A_246 step %scan3A_247 iter_args(%scan3A_269 = %iota3A_243, %scan3A_270 = %scan3A_241#1, %scan3A_271 = %scan3A_241#2, %scan3A_272 = %scan3A_241#3, %scan3A_273 = %scan3A_241#4, %scan3A_274 = %scan3A_241#5, %scan3A_275 = %scan3A_241#6) -> (vector<16xi32>, vector<16xf32>, vector<16xf32>, vector<16xf32>, vector<16xf32>, vector<16xf32>, vector<16xf32>)  : i32 {
        %add3A_276 = arith.constant 128 : i32
        %add3A_277 = vector.broadcast %add3A_276 : i32 to vector<16xi32>
        %add3A_278 = arith.addi %scan3A_269, %add3A_277 : vector<16xi32>
        %gather3A = tpu.vector_load_idx %arg11[%add3A_230, %add3A_278] : memref<128x256xf32, #tpu.memory_space<vmem>>[vector<16xi32>, vector<16xi32>], vector<16xf32>,
        %gather3A_279 = tpu.vector_load_idx %arg12[%add3A_233, %add3A_278] : memref<128x256xf32, #tpu.memory_space<vmem>>[vector<16xi32>, vector<16xi32>], vector<16xf32>,
        %mul3A_280 = arith.mulf %gather3A, %gather3A_279 : vector<16xf32>
        %add3A_281 = arith.addf %scan3A_270, %mul3A_280 : vector<16xf32>
        %mul3A_282 = arith.mulf %gather3A, %gather3A : vector<16xf32>
        %add3A_283 = arith.addf %scan3A_272, %mul3A_282 : vector<16xf32>
        %mul3A_284 = arith.mulf %gather3A_279, %gather3A_279 : vector<16xf32>
        %add3A_285 = arith.addf %scan3A_274, %mul3A_284 : vector<16xf32>
        %add3A_286 = arith.constant 1 : i32
        %add3A_287 = vector.broadcast %add3A_286 : i32 to vector<16xi32>
        %add3A_288 = arith.addi %scan3A_269, %add3A_287 : vector<16xi32>
        %and3A = arith.constant 127 : i32
        %and3A_289 = vector.broadcast %and3A : i32 to vector<16xi32>
        %and3A_290 = arith.andi %add3A_288, %and3A_289 : vector<16xi32>
        %add3A_291 = arith.constant 128 : i32
        %add3A_292 = vector.broadcast %add3A_291 : i32 to vector<16xi32>
        %add3A_293 = arith.addi %and3A_290, %add3A_292 : vector<16xi32>
        %gather3A_294 = tpu.vector_load_idx %arg11[%add3A_230, %add3A_293] : memref<128x256xf32, #tpu.memory_space<vmem>>[vector<16xi32>, vector<16xi32>], vector<16xf32>,
        %gather3A_295 = tpu.vector_load_idx %arg12[%add3A_233, %add3A_293] : memref<128x256xf32, #tpu.memory_space<vmem>>[vector<16xi32>, vector<16xi32>], vector<16xf32>,
        %mul3A_296 = arith.mulf %gather3A_294, %gather3A_295 : vector<16xf32>
        %add3A_297 = arith.addf %scan3A_271, %mul3A_296 : vector<16xf32>
        %mul3A_298 = arith.mulf %gather3A_294, %gather3A_294 : vector<16xf32>
        %add3A_299 = arith.addf %scan3A_273, %mul3A_298 : vector<16xf32>
        %mul3A_300 = arith.mulf %gather3A_295, %gather3A_295 : vector<16xf32>
        %add3A_301 = arith.addf %scan3A_275, %mul3A_300 : vector<16xf32>
        %add3A_302 = arith.constant 1 : i32
        %add3A_303 = vector.broadcast %add3A_302 : i32 to vector<16xi32>
        %add3A_304 = arith.addi %and3A_290, %add3A_303 : vector<16xi32>
        %and3A_305 = arith.constant 127 : i32
        %and3A_306 = vector.broadcast %and3A_305 : i32 to vector<16xi32>
        %and3A_307 = arith.andi %add3A_304, %and3A_306 : vector<16xi32>
        %add3A_308 = arith.constant 128 : i32
        %add3A_309 = vector.broadcast %add3A_308 : i32 to vector<16xi32>
        %add3A_310 = arith.addi %and3A_307, %add3A_309 : vector<16xi32>
        %gather3A_311 = tpu.vector_load_idx %arg11[%add3A_230, %add3A_310] : memref<128x256xf32, #tpu.memory_space<vmem>>[vector<16xi32>, vector<16xi32>], vector<16xf32>,
        %gather3A_312 = tpu.vector_load_idx %arg12[%add3A_233, %add3A_310] : memref<128x256xf32, #tpu.memory_space<vmem>>[vector<16xi32>, vector<16xi32>], vector<16xf32>,
        %mul3A_313 = arith.mulf %gather3A_311, %gather3A_312 : vector<16xf32>
        %add3A_314 = arith.addf %add3A_281, %mul3A_313 : vector<16xf32>
        %mul3A_315 = arith.mulf %gather3A_311, %gather3A_311 : vector<16xf32>
        %add3A_316 = arith.addf %add3A_283, %mul3A_315 : vector<16xf32>
        %mul3A_317 = arith.mulf %gather3A_312, %gather3A_312 : vector<16xf32>
        %add3A_318 = arith.addf %add3A_285, %mul3A_317 : vector<16xf32>
        %add3A_319 = arith.constant 1 : i32
        %add3A_320 = vector.broadcast %add3A_319 : i32 to vector<16xi32>
        %add3A_321 = arith.addi %and3A_307, %add3A_320 : vector<16xi32>
        %and3A_322 = arith.constant 127 : i32
        %and3A_323 = vector.broadcast %and3A_322 : i32 to vector<16xi32>
        %and3A_324 = arith.andi %add3A_321, %and3A_323 : vector<16xi32>
        %add3A_325 = arith.constant 128 : i32
        %add3A_326 = vector.broadcast %add3A_325 : i32 to vector<16xi32>
        %add3A_327 = arith.addi %and3A_324, %add3A_326 : vector<16xi32>
        %gather3A_328 = tpu.vector_load_idx %arg11[%add3A_230, %add3A_327] : memref<128x256xf32, #tpu.memory_space<vmem>>[vector<16xi32>, vector<16xi32>], vector<16xf32>,
        %gather3A_329 = tpu.vector_load_idx %arg12[%add3A_233, %add3A_327] : memref<128x256xf32, #tpu.memory_space<vmem>>[vector<16xi32>, vector<16xi32>], vector<16xf32>,
        %mul3A_330 = arith.mulf %gather3A_328, %gather3A_329 : vector<16xf32>
        %add3A_331 = arith.addf %add3A_297, %mul3A_330 : vector<16xf32>
        %mul3A_332 = arith.mulf %gather3A_328, %gather3A_328 : vector<16xf32>
        %add3A_333 = arith.addf %add3A_299, %mul3A_332 : vector<16xf32>
        %mul3A_334 = arith.mulf %gather3A_329, %gather3A_329 : vector<16xf32>
        %add3A_335 = arith.addf %add3A_301, %mul3A_334 : vector<16xf32>
        %add3A_336 = arith.constant 1 : i32
        %add3A_337 = vector.broadcast %add3A_336 : i32 to vector<16xi32>
        %add3A_338 = arith.addi %and3A_324, %add3A_337 : vector<16xi32>
        %and3A_339 = arith.constant 127 : i32
        %and3A_340 = vector.broadcast %and3A_339 : i32 to vector<16xi32>
        %and3A_341 = arith.andi %add3A_338, %and3A_340 : vector<16xi32>
        %add3A_342 = arith.constant 128 : i32
        %add3A_343 = vector.broadcast %add3A_342 : i32 to vector<16xi32>
        %add3A_344 = arith.addi %and3A_341, %add3A_343 : vector<16xi32>
        %gather3A_345 = tpu.vector_load_idx %arg11[%add3A_230, %add3A_344] : memref<128x256xf32, #tpu.memory_space<vmem>>[vector<16xi32>, vector<16xi32>], vector<16xf32>,
        %gather3A_346 = tpu.vector_load_idx %arg12[%add3A_233, %add3A_344] : memref<128x256xf32, #tpu.memory_space<vmem>>[vector<16xi32>, vector<16xi32>], vector<16xf32>,
        %mul3A_347 = arith.mulf %gather3A_345, %gather3A_346 : vector<16xf32>
        %add3A_348 = arith.addf %add3A_314, %mul3A_347 : vector<16xf32>
        %mul3A_349 = arith.mulf %gather3A_345, %gather3A_345 : vector<16xf32>
        %add3A_350 = arith.addf %add3A_316, %mul3A_349 : vector<16xf32>
        %mul3A_351 = arith.mulf %gather3A_346, %gather3A_346 : vector<16xf32>
        %add3A_352 = arith.addf %add3A_318, %mul3A_351 : vector<16xf32>
        %add3A_353 = arith.constant 1 : i32
        %add3A_354 = vector.broadcast %add3A_353 : i32 to vector<16xi32>
        %add3A_355 = arith.addi %and3A_341, %add3A_354 : vector<16xi32>
        %and3A_356 = arith.constant 127 : i32
        %and3A_357 = vector.broadcast %and3A_356 : i32 to vector<16xi32>
        %and3A_358 = arith.andi %add3A_355, %and3A_357 : vector<16xi32>
        %add3A_359 = arith.constant 128 : i32
        %add3A_360 = vector.broadcast %add3A_359 : i32 to vector<16xi32>
        %add3A_361 = arith.addi %and3A_358, %add3A_360 : vector<16xi32>
        %gather3A_362 = tpu.vector_load_idx %arg11[%add3A_230, %add3A_361] : memref<128x256xf32, #tpu.memory_space<vmem>>[vector<16xi32>, vector<16xi32>], vector<16xf32>,
        %gather3A_363 = tpu.vector_load_idx %arg12[%add3A_233, %add3A_361] : memref<128x256xf32, #tpu.memory_space<vmem>>[vector<16xi32>, vector<16xi32>], vector<16xf32>,
        %mul3A_364 = arith.mulf %gather3A_362, %gather3A_363 : vector<16xf32>
        %add3A_365 = arith.addf %add3A_331, %mul3A_364 : vector<16xf32>
        %mul3A_366 = arith.mulf %gather3A_362, %gather3A_362 : vector<16xf32>
        %add3A_367 = arith.addf %add3A_333, %mul3A_366 : vector<16xf32>
        %mul3A_368 = arith.mulf %gather3A_363, %gather3A_363 : vector<16xf32>
        %add3A_369 = arith.addf %add3A_335, %mul3A_368 : vector<16xf32>
        %add3A_370 = arith.constant 1 : i32
        %add3A_371 = vector.broadcast %add3A_370 : i32 to vector<16xi32>
        %add3A_372 = arith.addi %and3A_358, %add3A_371 : vector<16xi32>
        %and3A_373 = arith.constant 127 : i32
        %and3A_374 = vector.broadcast %and3A_373 : i32 to vector<16xi32>
        %and3A_375 = arith.andi %add3A_372, %and3A_374 : vector<16xi32>
        %add3A_376 = arith.constant 128 : i32
        %add3A_377 = vector.broadcast %add3A_376 : i32 to vector<16xi32>
        %add3A_378 = arith.addi %and3A_375, %add3A_377 : vector<16xi32>
        %gather3A_379 = tpu.vector_load_idx %arg11[%add3A_230, %add3A_378] : memref<128x256xf32, #tpu.memory_space<vmem>>[vector<16xi32>, vector<16xi32>], vector<16xf32>,
        %gather3A_380 = tpu.vector_load_idx %arg12[%add3A_233, %add3A_378] : memref<128x256xf32, #tpu.memory_space<vmem>>[vector<16xi32>, vector<16xi32>], vector<16xf32>,
        %mul3A_381 = arith.mulf %gather3A_379, %gather3A_380 : vector<16xf32>
        %add3A_382 = arith.addf %add3A_348, %mul3A_381 : vector<16xf32>
        %mul3A_383 = arith.mulf %gather3A_379, %gather3A_379 : vector<16xf32>
        %add3A_384 = arith.addf %add3A_350, %mul3A_383 : vector<16xf32>
        %mul3A_385 = arith.mulf %gather3A_380, %gather3A_380 : vector<16xf32>
        %add3A_386 = arith.addf %add3A_352, %mul3A_385 : vector<16xf32>
        %add3A_387 = arith.constant 1 : i32
        %add3A_388 = vector.broadcast %add3A_387 : i32 to vector<16xi32>
        %add3A_389 = arith.addi %and3A_375, %add3A_388 : vector<16xi32>
        %and3A_390 = arith.constant 127 : i32
        %and3A_391 = vector.broadcast %and3A_390 : i32 to vector<16xi32>
        %and3A_392 = arith.andi %add3A_389, %and3A_391 : vector<16xi32>
        %add3A_393 = arith.constant 128 : i32
        %add3A_394 = vector.broadcast %add3A_393 : i32 to vector<16xi32>
        %add3A_395 = arith.addi %and3A_392, %add3A_394 : vector<16xi32>
        %gather3A_396 = tpu.vector_load_idx %arg11[%add3A_230, %add3A_395] : memref<128x256xf32, #tpu.memory_space<vmem>>[vector<16xi32>, vector<16xi32>], vector<16xf32>,
        %gather3A_397 = tpu.vector_load_idx %arg12[%add3A_233, %add3A_395] : memref<128x256xf32, #tpu.memory_space<vmem>>[vector<16xi32>, vector<16xi32>], vector<16xf32>,
        %mul3A_398 = arith.mulf %gather3A_396, %gather3A_397 : vector<16xf32>
        %add3A_399 = arith.addf %add3A_365, %mul3A_398 : vector<16xf32>
        %mul3A_400 = arith.mulf %gather3A_396, %gather3A_396 : vector<16xf32>
        %add3A_401 = arith.addf %add3A_367, %mul3A_400 : vector<16xf32>
        %mul3A_402 = arith.mulf %gather3A_397, %gather3A_397 : vector<16xf32>
        %add3A_403 = arith.addf %add3A_369, %mul3A_402 : vector<16xf32>
        %add3A_404 = arith.constant 1 : i32
        %add3A_405 = vector.broadcast %add3A_404 : i32 to vector<16xi32>
        %add3A_406 = arith.addi %and3A_392, %add3A_405 : vector<16xi32>
        %and3A_407 = arith.constant 127 : i32
        %and3A_408 = vector.broadcast %and3A_407 : i32 to vector<16xi32>
        %and3A_409 = arith.andi %add3A_406, %and3A_408 : vector<16xi32>
        scf.yield %and3A_409, %add3A_382, %add3A_399, %add3A_384, %add3A_401, %add3A_386, %add3A_403 : vector<16xi32>, vector<16xf32>, vector<16xf32>, vector<16xf32>, vector<16xf32>, vector<16xf32>, vector<16xf32>
      }
      %scan3A_249 = arith.constant 16 : i32
      %add3A_250 = arith.addf %scan3A_248#1, %scan3A_248#2 : vector<16xf32>
      %add3A_251 = arith.addf %scan3A_248#3, %scan3A_248#4 : vector<16xf32>
      %add3A_252 = arith.addf %scan3A_248#5, %scan3A_248#6 : vector<16xf32>
      %mul3A_253 = arith.constant 16 : i32
      %mul3A_254 = arith.muli %scan3A_222, %mul3A_253 : i32
      %swap3A_255 = arith.constant 0 : i32
      %swap3A_256 = arith.index_cast %swap3A_255 : i32 to index
      %swap3A_257 = arith.index_cast %mul3A_254 : i32 to index
      %swap3A_258 = tpu.vector_load %arg14[%swap3A_256, %swap3A_257] {strides = array<i32>} : memref<8x128xf32, #tpu.memory_space<vmem>>, vector<16xf32>,
      tpu.vector_store %arg14[%swap3A_256, %swap3A_257], %add3A_250 {strides = array<i32>} : memref<8x128xf32, #tpu.memory_space<vmem>>, vector<16xf32>,
      %swap3A_259 = arith.constant 1 : i32
      %swap3A_260 = arith.index_cast %swap3A_259 : i32 to index
      %swap3A_261 = arith.index_cast %mul3A_254 : i32 to index
      %swap3A_262 = tpu.vector_load %arg14[%swap3A_260, %swap3A_261] {strides = array<i32>} : memref<8x128xf32, #tpu.memory_space<vmem>>, vector<16xf32>,
      tpu.vector_store %arg14[%swap3A_260, %swap3A_261], %add3A_251 {strides = array<i32>} : memref<8x128xf32, #tpu.memory_space<vmem>>, vector<16xf32>,
      %swap3A_263 = arith.constant 2 : i32
      %swap3A_264 = arith.index_cast %swap3A_263 : i32 to index
      %swap3A_265 = arith.index_cast %mul3A_254 : i32 to index
      %swap3A_266 = tpu.vector_load %arg14[%swap3A_264, %swap3A_265] {strides = array<i32>} : memref<8x128xf32, #tpu.memory_space<vmem>>, vector<16xf32>,
      tpu.vector_store %arg14[%swap3A_264, %swap3A_265], %add3A_252 {strides = array<i32>} : memref<8x128xf32, #tpu.memory_space<vmem>>, vector<16xf32>,
      %scan3A_267 = arith.constant 0 : i32
      scf.yield %scan3A_267 : i32
    }
    %scan3A_113 = arith.constant 4 : i32
    %dma_start3A_114 = arith.constant 64 : i32
    %dma_start3A_115 = arith.constant 0 : i32
    %dma_start3A_116 = tpu.memref_slice %arg12[%dma_start3A_114, %dma_start3A_115] : memref<128x256xf32, #tpu.memory_space<vmem>> -> memref<64x256xf32, #tpu.memory_space<vmem>>
    %dma_start3A_117 = arith.constant 64 : i32
    %dma_start3A_118 = tpu.memref_slice %arg8[%dma_start3A_117] : memref<128xi32, #tpu.memory_space<vmem>> -> memref<64xi32, #tpu.memory_space<vmem>>
    %dma_start3A_119 = arith.constant 0 : i32
    %dma_start3A_120 = arith.constant 0 : i32
    %dma_start3A_121 = tpu.memref_slice %arg3[%dma_start3A_119, %dma_start3A_120] : memref<10000x256xf32, #tpu.memory_space<hbm>> -> memref<10000x256xf32, #tpu.memory_space<hbm>>
    tpu.enqueue_indirect_dma source(%dma_start3A_121 : memref<10000x256xf32, #tpu.memory_space<hbm>>) target(%dma_start3A_116 : memref<64x256xf32, #tpu.memory_space<vmem>>) offsets(%dma_start3A_118 : memref<64xi32, #tpu.memory_space<vmem>>) semaphore(%arg16 : memref<!tpu.dma_semaphore, #tpu.memory_space<semaphore_mem>>)
    %dma_wait3A_122 = arith.constant 0 : i32
    %dma_wait3A_123 = arith.constant 0 : i32
    %dma_wait3A_124 = tpu.memref_slice %arg13[%dma_wait3A_122, %dma_wait3A_123] : memref<128x256xf32, #tpu.memory_space<vmem>> -> memref<64x256xf32, #tpu.memory_space<vmem>>
    %dma_wait3A_125 = arith.constant 0 : i32
    %dma_wait3A_126 = tpu.memref_slice %arg10[%dma_wait3A_125] : memref<128xi32, #tpu.memory_space<vmem>> -> memref<64xi32, #tpu.memory_space<vmem>>
    %dma_wait3A_127 = arith.constant 0 : i32
    %dma_wait3A_128 = arith.constant 0 : i32
    %dma_wait3A_129 = tpu.memref_slice %arg2[%dma_wait3A_127, %dma_wait3A_128] : memref<10000x256xf32, #tpu.memory_space<hbm>> -> memref<10000x256xf32, #tpu.memory_space<hbm>>
    tpu.wait_indirect_dma semaphore(%arg16 : memref<!tpu.dma_semaphore, #tpu.memory_space<semaphore_mem>>) src(%dma_wait3A_129 : memref<10000x256xf32, #tpu.memory_space<hbm>>) dst(%dma_wait3A_124 : memref<64x256xf32, #tpu.memory_space<vmem>>)
    %scan3A_130 = arith.constant 0 : i32
    %scan3A_131 = arith.constant 0 : i32
    %scan3A_132 = arith.constant 4 : i32
    %scan3A_133 = arith.addi %scan3A_131, %scan3A_132 : i32
    %scan3A_134 = arith.constant 1 : i32
    %scan3A_135 = scf.for %scan3A_222 = %scan3A_131 to %scan3A_133 step %scan3A_134 iter_args(%scan3A_223 = %scan3A_130) -> (i32)  : i32 {
      %iota3A = tpu.iota {dimensions = array<i32: 0>} : vector<16xi32>
      %mul3A_224 = arith.constant 16 : i32
      %mul3A_225 = arith.muli %scan3A_222, %mul3A_224 : i32
      %add3A_226 = vector.broadcast %mul3A_225 : i32 to vector<16xi32>
      %add3A_227 = arith.addi %iota3A, %add3A_226 : vector<16xi32>
      %add3A_228 = arith.constant 0 : i32
      %add3A_229 = vector.broadcast %add3A_228 : i32 to vector<16xi32>
      %add3A_230 = arith.addi %add3A_227, %add3A_229 : vector<16xi32>
      %add3A_231 = arith.constant 0 : i32
      %add3A_232 = vector.broadcast %add3A_231 : i32 to vector<16xi32>
      %add3A_233 = arith.addi %add3A_227, %add3A_232 : vector<16xi32>
      %broadcast_in_dim3A_234 = arith.constant 0.000000e+00 : f32
      %broadcast_in_dim3A_235 = vector.broadcast %broadcast_in_dim3A_234 : f32 to vector<16xf32>
      %iota3A_236 = tpu.iota {dimensions = array<i32: 0>} : vector<16xi32>
      %scan3A_237 = arith.constant 0 : i32
      %scan3A_238 = arith.constant 16 : i32
      %scan3A_239 = arith.addi %scan3A_237, %scan3A_238 : i32
      %scan3A_240 = arith.constant 1 : i32
      %scan3A_241:7 = scf.for %scan3A_264 = %scan3A_237 to %scan3A_239 step %scan3A_240 iter_args(%scan3A_265 = %iota3A_236, %scan3A_266 = %broadcast_in_dim3A_235, %scan3A_267 = %broadcast_in_dim3A_235, %scan3A_268 = %broadcast_in_dim3A_235, %scan3A_269 = %broadcast_in_dim3A_235, %scan3A_270 = %broadcast_in_dim3A_235, %scan3A_271 = %broadcast_in_dim3A_235) -> (vector<16xi32>, vector<16xf32>, vector<16xf32>, vector<16xf32>, vector<16xf32>, vector<16xf32>, vector<16xf32>)  : i32 {
        %add3A_272 = arith.constant 0 : i32
        %add3A_273 = vector.broadcast %add3A_272 : i32 to vector<16xi32>
        %add3A_274 = arith.addi %scan3A_265, %add3A_273 : vector<16xi32>
        %gather3A = tpu.vector_load_idx %arg11[%add3A_230, %add3A_274] : memref<128x256xf32, #tpu.memory_space<vmem>>[vector<16xi32>, vector<16xi32>], vector<16xf32>,
        %gather3A_275 = tpu.vector_load_idx %arg13[%add3A_233, %add3A_274] : memref<128x256xf32, #tpu.memory_space<vmem>>[vector<16xi32>, vector<16xi32>], vector<16xf32>,
        %mul3A_276 = arith.mulf %gather3A, %gather3A_275 : vector<16xf32>
        %add3A_277 = arith.addf %scan3A_266, %mul3A_276 : vector<16xf32>
        %mul3A_278 = arith.mulf %gather3A, %gather3A : vector<16xf32>
        %add3A_279 = arith.addf %scan3A_268, %mul3A_278 : vector<16xf32>
        %mul3A_280 = arith.mulf %gather3A_275, %gather3A_275 : vector<16xf32>
        %add3A_281 = arith.addf %scan3A_270, %mul3A_280 : vector<16xf32>
        %add3A_282 = arith.constant 1 : i32
        %add3A_283 = vector.broadcast %add3A_282 : i32 to vector<16xi32>
        %add3A_284 = arith.addi %scan3A_265, %add3A_283 : vector<16xi32>
        %and3A = arith.constant 127 : i32
        %and3A_285 = vector.broadcast %and3A : i32 to vector<16xi32>
        %and3A_286 = arith.andi %add3A_284, %and3A_285 : vector<16xi32>
        %add3A_287 = arith.constant 0 : i32
        %add3A_288 = vector.broadcast %add3A_287 : i32 to vector<16xi32>
        %add3A_289 = arith.addi %and3A_286, %add3A_288 : vector<16xi32>
        %gather3A_290 = tpu.vector_load_idx %arg11[%add3A_230, %add3A_289] : memref<128x256xf32, #tpu.memory_space<vmem>>[vector<16xi32>, vector<16xi32>], vector<16xf32>,
        %gather3A_291 = tpu.vector_load_idx %arg13[%add3A_233, %add3A_289] : memref<128x256xf32, #tpu.memory_space<vmem>>[vector<16xi32>, vector<16xi32>], vector<16xf32>,
        %mul3A_292 = arith.mulf %gather3A_290, %gather3A_291 : vector<16xf32>
        %add3A_293 = arith.addf %scan3A_267, %mul3A_292 : vector<16xf32>
        %mul3A_294 = arith.mulf %gather3A_290, %gather3A_290 : vector<16xf32>
        %add3A_295 = arith.addf %scan3A_269, %mul3A_294 : vector<16xf32>
        %mul3A_296 = arith.mulf %gather3A_291, %gather3A_291 : vector<16xf32>
        %add3A_297 = arith.addf %scan3A_271, %mul3A_296 : vector<16xf32>
        %add3A_298 = arith.constant 1 : i32
        %add3A_299 = vector.broadcast %add3A_298 : i32 to vector<16xi32>
        %add3A_300 = arith.addi %and3A_286, %add3A_299 : vector<16xi32>
        %and3A_301 = arith.constant 127 : i32
        %and3A_302 = vector.broadcast %and3A_301 : i32 to vector<16xi32>
        %and3A_303 = arith.andi %add3A_300, %and3A_302 : vector<16xi32>
        %add3A_304 = arith.constant 0 : i32
        %add3A_305 = vector.broadcast %add3A_304 : i32 to vector<16xi32>
        %add3A_306 = arith.addi %and3A_303, %add3A_305 : vector<16xi32>
        %gather3A_307 = tpu.vector_load_idx %arg11[%add3A_230, %add3A_306] : memref<128x256xf32, #tpu.memory_space<vmem>>[vector<16xi32>, vector<16xi32>], vector<16xf32>,
        %gather3A_308 = tpu.vector_load_idx %arg13[%add3A_233, %add3A_306] : memref<128x256xf32, #tpu.memory_space<vmem>>[vector<16xi32>, vector<16xi32>], vector<16xf32>,
        %mul3A_309 = arith.mulf %gather3A_307, %gather3A_308 : vector<16xf32>
        %add3A_310 = arith.addf %add3A_277, %mul3A_309 : vector<16xf32>
        %mul3A_311 = arith.mulf %gather3A_307, %gather3A_307 : vector<16xf32>
        %add3A_312 = arith.addf %add3A_279, %mul3A_311 : vector<16xf32>
        %mul3A_313 = arith.mulf %gather3A_308, %gather3A_308 : vector<16xf32>
        %add3A_314 = arith.addf %add3A_281, %mul3A_313 : vector<16xf32>
        %add3A_315 = arith.constant 1 : i32
        %add3A_316 = vector.broadcast %add3A_315 : i32 to vector<16xi32>
        %add3A_317 = arith.addi %and3A_303, %add3A_316 : vector<16xi32>
        %and3A_318 = arith.constant 127 : i32
        %and3A_319 = vector.broadcast %and3A_318 : i32 to vector<16xi32>
        %and3A_320 = arith.andi %add3A_317, %and3A_319 : vector<16xi32>
        %add3A_321 = arith.constant 0 : i32
        %add3A_322 = vector.broadcast %add3A_321 : i32 to vector<16xi32>
        %add3A_323 = arith.addi %and3A_320, %add3A_322 : vector<16xi32>
        %gather3A_324 = tpu.vector_load_idx %arg11[%add3A_230, %add3A_323] : memref<128x256xf32, #tpu.memory_space<vmem>>[vector<16xi32>, vector<16xi32>], vector<16xf32>,
        %gather3A_325 = tpu.vector_load_idx %arg13[%add3A_233, %add3A_323] : memref<128x256xf32, #tpu.memory_space<vmem>>[vector<16xi32>, vector<16xi32>], vector<16xf32>,
        %mul3A_326 = arith.mulf %gather3A_324, %gather3A_325 : vector<16xf32>
        %add3A_327 = arith.addf %add3A_293, %mul3A_326 : vector<16xf32>
        %mul3A_328 = arith.mulf %gather3A_324, %gather3A_324 : vector<16xf32>
        %add3A_329 = arith.addf %add3A_295, %mul3A_328 : vector<16xf32>
        %mul3A_330 = arith.mulf %gather3A_325, %gather3A_325 : vector<16xf32>
        %add3A_331 = arith.addf %add3A_297, %mul3A_330 : vector<16xf32>
        %add3A_332 = arith.constant 1 : i32
        %add3A_333 = vector.broadcast %add3A_332 : i32 to vector<16xi32>
        %add3A_334 = arith.addi %and3A_320, %add3A_333 : vector<16xi32>
        %and3A_335 = arith.constant 127 : i32
        %and3A_336 = vector.broadcast %and3A_335 : i32 to vector<16xi32>
        %and3A_337 = arith.andi %add3A_334, %and3A_336 : vector<16xi32>
        %add3A_338 = arith.constant 0 : i32
        %add3A_339 = vector.broadcast %add3A_338 : i32 to vector<16xi32>
        %add3A_340 = arith.addi %and3A_337, %add3A_339 : vector<16xi32>
        %gather3A_341 = tpu.vector_load_idx %arg11[%add3A_230, %add3A_340] : memref<128x256xf32, #tpu.memory_space<vmem>>[vector<16xi32>, vector<16xi32>], vector<16xf32>,
        %gather3A_342 = tpu.vector_load_idx %arg13[%add3A_233, %add3A_340] : memref<128x256xf32, #tpu.memory_space<vmem>>[vector<16xi32>, vector<16xi32>], vector<16xf32>,
        %mul3A_343 = arith.mulf %gather3A_341, %gather3A_342 : vector<16xf32>
        %add3A_344 = arith.addf %add3A_310, %mul3A_343 : vector<16xf32>
        %mul3A_345 = arith.mulf %gather3A_341, %gather3A_341 : vector<16xf32>
        %add3A_346 = arith.addf %add3A_312, %mul3A_345 : vector<16xf32>
        %mul3A_347 = arith.mulf %gather3A_342, %gather3A_342 : vector<16xf32>
        %add3A_348 = arith.addf %add3A_314, %mul3A_347 : vector<16xf32>
        %add3A_349 = arith.constant 1 : i32
        %add3A_350 = vector.broadcast %add3A_349 : i32 to vector<16xi32>
        %add3A_351 = arith.addi %and3A_337, %add3A_350 : vector<16xi32>
        %and3A_352 = arith.constant 127 : i32
        %and3A_353 = vector.broadcast %and3A_352 : i32 to vector<16xi32>
        %and3A_354 = arith.andi %add3A_351, %and3A_353 : vector<16xi32>
        %add3A_355 = arith.constant 0 : i32
        %add3A_356 = vector.broadcast %add3A_355 : i32 to vector<16xi32>
        %add3A_357 = arith.addi %and3A_354, %add3A_356 : vector<16xi32>
        %gather3A_358 = tpu.vector_load_idx %arg11[%add3A_230, %add3A_357] : memref<128x256xf32, #tpu.memory_space<vmem>>[vector<16xi32>, vector<16xi32>], vector<16xf32>,
        %gather3A_359 = tpu.vector_load_idx %arg13[%add3A_233, %add3A_357] : memref<128x256xf32, #tpu.memory_space<vmem>>[vector<16xi32>, vector<16xi32>], vector<16xf32>,
        %mul3A_360 = arith.mulf %gather3A_358, %gather3A_359 : vector<16xf32>
        %add3A_361 = arith.addf %add3A_327, %mul3A_360 : vector<16xf32>
        %mul3A_362 = arith.mulf %gather3A_358, %gather3A_358 : vector<16xf32>
        %add3A_363 = arith.addf %add3A_329, %mul3A_362 : vector<16xf32>
        %mul3A_364 = arith.mulf %gather3A_359, %gather3A_359 : vector<16xf32>
        %add3A_365 = arith.addf %add3A_331, %mul3A_364 : vector<16xf32>
        %add3A_366 = arith.constant 1 : i32
        %add3A_367 = vector.broadcast %add3A_366 : i32 to vector<16xi32>
        %add3A_368 = arith.addi %and3A_354, %add3A_367 : vector<16xi32>
        %and3A_369 = arith.constant 127 : i32
        %and3A_370 = vector.broadcast %and3A_369 : i32 to vector<16xi32>
        %and3A_371 = arith.andi %add3A_368, %and3A_370 : vector<16xi32>
        %add3A_372 = arith.constant 0 : i32
        %add3A_373 = vector.broadcast %add3A_372 : i32 to vector<16xi32>
        %add3A_374 = arith.addi %and3A_371, %add3A_373 : vector<16xi32>
        %gather3A_375 = tpu.vector_load_idx %arg11[%add3A_230, %add3A_374] : memref<128x256xf32, #tpu.memory_space<vmem>>[vector<16xi32>, vector<16xi32>], vector<16xf32>,
        %gather3A_376 = tpu.vector_load_idx %arg13[%add3A_233, %add3A_374] : memref<128x256xf32, #tpu.memory_space<vmem>>[vector<16xi32>, vector<16xi32>], vector<16xf32>,
        %mul3A_377 = arith.mulf %gather3A_375, %gather3A_376 : vector<16xf32>
        %add3A_378 = arith.addf %add3A_344, %mul3A_377 : vector<16xf32>
        %mul3A_379 = arith.mulf %gather3A_375, %gather3A_375 : vector<16xf32>
        %add3A_380 = arith.addf %add3A_346, %mul3A_379 : vector<16xf32>
        %mul3A_381 = arith.mulf %gather3A_376, %gather3A_376 : vector<16xf32>
        %add3A_382 = arith.addf %add3A_348, %mul3A_381 : vector<16xf32>
        %add3A_383 = arith.constant 1 : i32
        %add3A_384 = vector.broadcast %add3A_383 : i32 to vector<16xi32>
        %add3A_385 = arith.addi %and3A_371, %add3A_384 : vector<16xi32>
        %and3A_386 = arith.constant 127 : i32
        %and3A_387 = vector.broadcast %and3A_386 : i32 to vector<16xi32>
        %and3A_388 = arith.andi %add3A_385, %and3A_387 : vector<16xi32>
        %add3A_389 = arith.constant 0 : i32
        %add3A_390 = vector.broadcast %add3A_389 : i32 to vector<16xi32>
        %add3A_391 = arith.addi %and3A_388, %add3A_390 : vector<16xi32>
        %gather3A_392 = tpu.vector_load_idx %arg11[%add3A_230, %add3A_391] : memref<128x256xf32, #tpu.memory_space<vmem>>[vector<16xi32>, vector<16xi32>], vector<16xf32>,
        %gather3A_393 = tpu.vector_load_idx %arg13[%add3A_233, %add3A_391] : memref<128x256xf32, #tpu.memory_space<vmem>>[vector<16xi32>, vector<16xi32>], vector<16xf32>,
        %mul3A_394 = arith.mulf %gather3A_392, %gather3A_393 : vector<16xf32>
        %add3A_395 = arith.addf %add3A_361, %mul3A_394 : vector<16xf32>
        %mul3A_396 = arith.mulf %gather3A_392, %gather3A_392 : vector<16xf32>
        %add3A_397 = arith.addf %add3A_363, %mul3A_396 : vector<16xf32>
        %mul3A_398 = arith.mulf %gather3A_393, %gather3A_393 : vector<16xf32>
        %add3A_399 = arith.addf %add3A_365, %mul3A_398 : vector<16xf32>
        %add3A_400 = arith.constant 1 : i32
        %add3A_401 = vector.broadcast %add3A_400 : i32 to vector<16xi32>
        %add3A_402 = arith.addi %and3A_388, %add3A_401 : vector<16xi32>
        %and3A_403 = arith.constant 127 : i32
        %and3A_404 = vector.broadcast %and3A_403 : i32 to vector<16xi32>
        %and3A_405 = arith.andi %add3A_402, %and3A_404 : vector<16xi32>
        scf.yield %and3A_405, %add3A_378, %add3A_395, %add3A_380, %add3A_397, %add3A_382, %add3A_399 : vector<16xi32>, vector<16xf32>, vector<16xf32>, vector<16xf32>, vector<16xf32>, vector<16xf32>, vector<16xf32>
      }
      %scan3A_242 = arith.constant 16 : i32
      %iota3A_243 = tpu.iota {dimensions = array<i32: 0>} : vector<16xi32>
      %scan3A_244 = arith.constant 0 : i32
      %scan3A_245 = arith.constant 16 : i32
      %scan3A_246 = arith.addi %scan3A_244, %scan3A_245 : i32
      %scan3A_247 = arith.constant 1 : i32
      %scan3A_248:7 = scf.for %scan3A_264 = %scan3A_244 to %scan3A_246 step %scan3A_247 iter_args(%scan3A_265 = %iota3A_243, %scan3A_266 = %scan3A_241#1, %scan3A_267 = %scan3A_241#2, %scan3A_268 = %scan3A_241#3, %scan3A_269 = %scan3A_241#4, %scan3A_270 = %scan3A_241#5, %scan3A_271 = %scan3A_241#6) -> (vector<16xi32>, vector<16xf32>, vector<16xf32>, vector<16xf32>, vector<16xf32>, vector<16xf32>, vector<16xf32>)  : i32 {
        %add3A_272 = arith.constant 128 : i32
        %add3A_273 = vector.broadcast %add3A_272 : i32 to vector<16xi32>
        %add3A_274 = arith.addi %scan3A_265, %add3A_273 : vector<16xi32>
        %gather3A = tpu.vector_load_idx %arg11[%add3A_230, %add3A_274] : memref<128x256xf32, #tpu.memory_space<vmem>>[vector<16xi32>, vector<16xi32>], vector<16xf32>,
        %gather3A_275 = tpu.vector_load_idx %arg13[%add3A_233, %add3A_274] : memref<128x256xf32, #tpu.memory_space<vmem>>[vector<16xi32>, vector<16xi32>], vector<16xf32>,
        %mul3A_276 = arith.mulf %gather3A, %gather3A_275 : vector<16xf32>
        %add3A_277 = arith.addf %scan3A_266, %mul3A_276 : vector<16xf32>
        %mul3A_278 = arith.mulf %gather3A, %gather3A : vector<16xf32>
        %add3A_279 = arith.addf %scan3A_268, %mul3A_278 : vector<16xf32>
        %mul3A_280 = arith.mulf %gather3A_275, %gather3A_275 : vector<16xf32>
        %add3A_281 = arith.addf %scan3A_270, %mul3A_280 : vector<16xf32>
        %add3A_282 = arith.constant 1 : i32
        %add3A_283 = vector.broadcast %add3A_282 : i32 to vector<16xi32>
        %add3A_284 = arith.addi %scan3A_265, %add3A_283 : vector<16xi32>
        %and3A = arith.constant 127 : i32
        %and3A_285 = vector.broadcast %and3A : i32 to vector<16xi32>
        %and3A_286 = arith.andi %add3A_284, %and3A_285 : vector<16xi32>
        %add3A_287 = arith.constant 128 : i32
        %add3A_288 = vector.broadcast %add3A_287 : i32 to vector<16xi32>
        %add3A_289 = arith.addi %and3A_286, %add3A_288 : vector<16xi32>
        %gather3A_290 = tpu.vector_load_idx %arg11[%add3A_230, %add3A_289] : memref<128x256xf32, #tpu.memory_space<vmem>>[vector<16xi32>, vector<16xi32>], vector<16xf32>,
        %gather3A_291 = tpu.vector_load_idx %arg13[%add3A_233, %add3A_289] : memref<128x256xf32, #tpu.memory_space<vmem>>[vector<16xi32>, vector<16xi32>], vector<16xf32>,
        %mul3A_292 = arith.mulf %gather3A_290, %gather3A_291 : vector<16xf32>
        %add3A_293 = arith.addf %scan3A_267, %mul3A_292 : vector<16xf32>
        %mul3A_294 = arith.mulf %gather3A_290, %gather3A_290 : vector<16xf32>
        %add3A_295 = arith.addf %scan3A_269, %mul3A_294 : vector<16xf32>
        %mul3A_296 = arith.mulf %gather3A_291, %gather3A_291 : vector<16xf32>
        %add3A_297 = arith.addf %scan3A_271, %mul3A_296 : vector<16xf32>
        %add3A_298 = arith.constant 1 : i32
        %add3A_299 = vector.broadcast %add3A_298 : i32 to vector<16xi32>
        %add3A_300 = arith.addi %and3A_286, %add3A_299 : vector<16xi32>
        %and3A_301 = arith.constant 127 : i32
        %and3A_302 = vector.broadcast %and3A_301 : i32 to vector<16xi32>
        %and3A_303 = arith.andi %add3A_300, %and3A_302 : vector<16xi32>
        %add3A_304 = arith.constant 128 : i32
        %add3A_305 = vector.broadcast %add3A_304 : i32 to vector<16xi32>
        %add3A_306 = arith.addi %and3A_303, %add3A_305 : vector<16xi32>
        %gather3A_307 = tpu.vector_load_idx %arg11[%add3A_230, %add3A_306] : memref<128x256xf32, #tpu.memory_space<vmem>>[vector<16xi32>, vector<16xi32>], vector<16xf32>,
        %gather3A_308 = tpu.vector_load_idx %arg13[%add3A_233, %add3A_306] : memref<128x256xf32, #tpu.memory_space<vmem>>[vector<16xi32>, vector<16xi32>], vector<16xf32>,
        %mul3A_309 = arith.mulf %gather3A_307, %gather3A_308 : vector<16xf32>
        %add3A_310 = arith.addf %add3A_277, %mul3A_309 : vector<16xf32>
        %mul3A_311 = arith.mulf %gather3A_307, %gather3A_307 : vector<16xf32>
        %add3A_312 = arith.addf %add3A_279, %mul3A_311 : vector<16xf32>
        %mul3A_313 = arith.mulf %gather3A_308, %gather3A_308 : vector<16xf32>
        %add3A_314 = arith.addf %add3A_281, %mul3A_313 : vector<16xf32>
        %add3A_315 = arith.constant 1 : i32
        %add3A_316 = vector.broadcast %add3A_315 : i32 to vector<16xi32>
        %add3A_317 = arith.addi %and3A_303, %add3A_316 : vector<16xi32>
        %and3A_318 = arith.constant 127 : i32
        %and3A_319 = vector.broadcast %and3A_318 : i32 to vector<16xi32>
        %and3A_320 = arith.andi %add3A_317, %and3A_319 : vector<16xi32>
        %add3A_321 = arith.constant 128 : i32
        %add3A_322 = vector.broadcast %add3A_321 : i32 to vector<16xi32>
        %add3A_323 = arith.addi %and3A_320, %add3A_322 : vector<16xi32>
        %gather3A_324 = tpu.vector_load_idx %arg11[%add3A_230, %add3A_323] : memref<128x256xf32, #tpu.memory_space<vmem>>[vector<16xi32>, vector<16xi32>], vector<16xf32>,
        %gather3A_325 = tpu.vector_load_idx %arg13[%add3A_233, %add3A_323] : memref<128x256xf32, #tpu.memory_space<vmem>>[vector<16xi32>, vector<16xi32>], vector<16xf32>,
        %mul3A_326 = arith.mulf %gather3A_324, %gather3A_325 : vector<16xf32>
        %add3A_327 = arith.addf %add3A_293, %mul3A_326 : vector<16xf32>
        %mul3A_328 = arith.mulf %gather3A_324, %gather3A_324 : vector<16xf32>
        %add3A_329 = arith.addf %add3A_295, %mul3A_328 : vector<16xf32>
        %mul3A_330 = arith.mulf %gather3A_325, %gather3A_325 : vector<16xf32>
        %add3A_331 = arith.addf %add3A_297, %mul3A_330 : vector<16xf32>
        %add3A_332 = arith.constant 1 : i32
        %add3A_333 = vector.broadcast %add3A_332 : i32 to vector<16xi32>
        %add3A_334 = arith.addi %and3A_320, %add3A_333 : vector<16xi32>
        %and3A_335 = arith.constant 127 : i32
        %and3A_336 = vector.broadcast %and3A_335 : i32 to vector<16xi32>
        %and3A_337 = arith.andi %add3A_334, %and3A_336 : vector<16xi32>
        %add3A_338 = arith.constant 128 : i32
        %add3A_339 = vector.broadcast %add3A_338 : i32 to vector<16xi32>
        %add3A_340 = arith.addi %and3A_337, %add3A_339 : vector<16xi32>
        %gather3A_341 = tpu.vector_load_idx %arg11[%add3A_230, %add3A_340] : memref<128x256xf32, #tpu.memory_space<vmem>>[vector<16xi32>, vector<16xi32>], vector<16xf32>,
        %gather3A_342 = tpu.vector_load_idx %arg13[%add3A_233, %add3A_340] : memref<128x256xf32, #tpu.memory_space<vmem>>[vector<16xi32>, vector<16xi32>], vector<16xf32>,
        %mul3A_343 = arith.mulf %gather3A_341, %gather3A_342 : vector<16xf32>
        %add3A_344 = arith.addf %add3A_310, %mul3A_343 : vector<16xf32>
        %mul3A_345 = arith.mulf %gather3A_341, %gather3A_341 : vector<16xf32>
        %add3A_346 = arith.addf %add3A_312, %mul3A_345 : vector<16xf32>
        %mul3A_347 = arith.mulf %gather3A_342, %gather3A_342 : vector<16xf32>
        %add3A_348 = arith.addf %add3A_314, %mul3A_347 : vector<16xf32>
        %add3A_349 = arith.constant 1 : i32
        %add3A_350 = vector.broadcast %add3A_349 : i32 to vector<16xi32>
        %add3A_351 = arith.addi %and3A_337, %add3A_350 : vector<16xi32>
        %and3A_352 = arith.constant 127 : i32
        %and3A_353 = vector.broadcast %and3A_352 : i32 to vector<16xi32>
        %and3A_354 = arith.andi %add3A_351, %and3A_353 : vector<16xi32>
        %add3A_355 = arith.constant 128 : i32
        %add3A_356 = vector.broadcast %add3A_355 : i32 to vector<16xi32>
        %add3A_357 = arith.addi %and3A_354, %add3A_356 : vector<16xi32>
        %gather3A_358 = tpu.vector_load_idx %arg11[%add3A_230, %add3A_357] : memref<128x256xf32, #tpu.memory_space<vmem>>[vector<16xi32>, vector<16xi32>], vector<16xf32>,
        %gather3A_359 = tpu.vector_load_idx %arg13[%add3A_233, %add3A_357] : memref<128x256xf32, #tpu.memory_space<vmem>>[vector<16xi32>, vector<16xi32>], vector<16xf32>,
        %mul3A_360 = arith.mulf %gather3A_358, %gather3A_359 : vector<16xf32>
        %add3A_361 = arith.addf %add3A_327, %mul3A_360 : vector<16xf32>
        %mul3A_362 = arith.mulf %gather3A_358, %gather3A_358 : vector<16xf32>
        %add3A_363 = arith.addf %add3A_329, %mul3A_362 : vector<16xf32>
        %mul3A_364 = arith.mulf %gather3A_359, %gather3A_359 : vector<16xf32>
        %add3A_365 = arith.addf %add3A_331, %mul3A_364 : vector<16xf32>
        %add3A_366 = arith.constant 1 : i32
        %add3A_367 = vector.broadcast %add3A_366 : i32 to vector<16xi32>
        %add3A_368 = arith.addi %and3A_354, %add3A_367 : vector<16xi32>
        %and3A_369 = arith.constant 127 : i32
        %and3A_370 = vector.broadcast %and3A_369 : i32 to vector<16xi32>
        %and3A_371 = arith.andi %add3A_368, %and3A_370 : vector<16xi32>
        %add3A_372 = arith.constant 128 : i32
        %add3A_373 = vector.broadcast %add3A_372 : i32 to vector<16xi32>
        %add3A_374 = arith.addi %and3A_371, %add3A_373 : vector<16xi32>
        %gather3A_375 = tpu.vector_load_idx %arg11[%add3A_230, %add3A_374] : memref<128x256xf32, #tpu.memory_space<vmem>>[vector<16xi32>, vector<16xi32>], vector<16xf32>,
        %gather3A_376 = tpu.vector_load_idx %arg13[%add3A_233, %add3A_374] : memref<128x256xf32, #tpu.memory_space<vmem>>[vector<16xi32>, vector<16xi32>], vector<16xf32>,
        %mul3A_377 = arith.mulf %gather3A_375, %gather3A_376 : vector<16xf32>
        %add3A_378 = arith.addf %add3A_344, %mul3A_377 : vector<16xf32>
        %mul3A_379 = arith.mulf %gather3A_375, %gather3A_375 : vector<16xf32>
        %add3A_380 = arith.addf %add3A_346, %mul3A_379 : vector<16xf32>
        %mul3A_381 = arith.mulf %gather3A_376, %gather3A_376 : vector<16xf32>
        %add3A_382 = arith.addf %add3A_348, %mul3A_381 : vector<16xf32>
        %add3A_383 = arith.constant 1 : i32
        %add3A_384 = vector.broadcast %add3A_383 : i32 to vector<16xi32>
        %add3A_385 = arith.addi %and3A_371, %add3A_384 : vector<16xi32>
        %and3A_386 = arith.constant 127 : i32
        %and3A_387 = vector.broadcast %and3A_386 : i32 to vector<16xi32>
        %and3A_388 = arith.andi %add3A_385, %and3A_387 : vector<16xi32>
        %add3A_389 = arith.constant 128 : i32
        %add3A_390 = vector.broadcast %add3A_389 : i32 to vector<16xi32>
        %add3A_391 = arith.addi %and3A_388, %add3A_390 : vector<16xi32>
        %gather3A_392 = tpu.vector_load_idx %arg11[%add3A_230, %add3A_391] : memref<128x256xf32, #tpu.memory_space<vmem>>[vector<16xi32>, vector<16xi32>], vector<16xf32>,
        %gather3A_393 = tpu.vector_load_idx %arg13[%add3A_233, %add3A_391] : memref<128x256xf32, #tpu.memory_space<vmem>>[vector<16xi32>, vector<16xi32>], vector<16xf32>,
        %mul3A_394 = arith.mulf %gather3A_392, %gather3A_393 : vector<16xf32>
        %add3A_395 = arith.addf %add3A_361, %mul3A_394 : vector<16xf32>
        %mul3A_396 = arith.mulf %gather3A_392, %gather3A_392 : vector<16xf32>
        %add3A_397 = arith.addf %add3A_363, %mul3A_396 : vector<16xf32>
        %mul3A_398 = arith.mulf %gather3A_393, %gather3A_393 : vector<16xf32>
        %add3A_399 = arith.addf %add3A_365, %mul3A_398 : vector<16xf32>
        %add3A_400 = arith.constant 1 : i32
        %add3A_401 = vector.broadcast %add3A_400 : i32 to vector<16xi32>
        %add3A_402 = arith.addi %and3A_388, %add3A_401 : vector<16xi32>
        %and3A_403 = arith.constant 127 : i32
        %and3A_404 = vector.broadcast %and3A_403 : i32 to vector<16xi32>
        %and3A_405 = arith.andi %add3A_402, %and3A_404 : vector<16xi32>
        scf.yield %and3A_405, %add3A_378, %add3A_395, %add3A_380, %add3A_397, %add3A_382, %add3A_399 : vector<16xi32>, vector<16xf32>, vector<16xf32>, vector<16xf32>, vector<16xf32>, vector<16xf32>, vector<16xf32>
      }
      %scan3A_249 = arith.constant 16 : i32
      %add3A_250 = arith.addf %scan3A_248#1, %scan3A_248#2 : vector<16xf32>
      %add3A_251 = arith.addf %scan3A_248#3, %scan3A_248#4 : vector<16xf32>
      %add3A_252 = arith.addf %scan3A_248#5, %scan3A_248#6 : vector<16xf32>
      %mul3A_253 = arith.constant 16 : i32
      %mul3A_254 = arith.muli %scan3A_222, %mul3A_253 : i32
      %swap3A_255 = arith.constant 3 : i32
      %swap3A_256 = arith.index_cast %swap3A_255 : i32 to index
      %swap3A_257 = arith.index_cast %mul3A_254 : i32 to index
      %swap3A_258 = tpu.vector_load %arg14[%swap3A_256, %swap3A_257] {strides = array<i32>} : memref<8x128xf32, #tpu.memory_space<vmem>>, vector<16xf32>,
      tpu.vector_store %arg14[%swap3A_256, %swap3A_257], %add3A_250 {strides = array<i32>} : memref<8x128xf32, #tpu.memory_space<vmem>>, vector<16xf32>,
      %swap3A_259 = arith.constant 4 : i32
      %swap3A_260 = arith.index_cast %swap3A_259 : i32 to index
      %swap3A_261 = arith.index_cast %mul3A_254 : i32 to index
      %swap3A_262 = tpu.vector_load %arg14[%swap3A_260, %swap3A_261] {strides = array<i32>} : memref<8x128xf32, #tpu.memory_space<vmem>>, vector<16xf32>,
      tpu.vector_store %arg14[%swap3A_260, %swap3A_261], %add3A_252 {strides = array<i32>} : memref<8x128xf32, #tpu.memory_space<vmem>>, vector<16xf32>,
      %scan3A_263 = arith.constant 0 : i32
      scf.yield %scan3A_263 : i32
    }
    %scan3A_136 = arith.constant 4 : i32
    %dma_start3A_137 = arith.constant 0 : i32
    %dma_start3A_138 = arith.constant 0 : i32
    %dma_start3A_139 = tpu.memref_slice %arg11[%dma_start3A_137, %dma_start3A_138] : memref<128x256xf32, #tpu.memory_space<vmem>> -> memref<64x256xf32, #tpu.memory_space<vmem>>
    %dma_start3A_140 = arith.constant 0 : i32
    %dma_start3A_141 = tpu.memref_slice %arg9[%dma_start3A_140] : memref<128xi32, #tpu.memory_space<vmem>> -> memref<64xi32, #tpu.memory_space<vmem>>
    %dma_start3A_142 = arith.constant 0 : i32
    %dma_start3A_143 = arith.constant 0 : i32
    %dma_start3A_144 = tpu.memref_slice %arg3[%dma_start3A_142, %dma_start3A_143] : memref<10000x256xf32, #tpu.memory_space<hbm>> -> memref<10000x256xf32, #tpu.memory_space<hbm>>
    tpu.enqueue_indirect_dma source(%dma_start3A_144 : memref<10000x256xf32, #tpu.memory_space<hbm>>) target(%dma_start3A_139 : memref<64x256xf32, #tpu.memory_space<vmem>>) offsets(%dma_start3A_141 : memref<64xi32, #tpu.memory_space<vmem>>) semaphore(%arg16 : memref<!tpu.dma_semaphore, #tpu.memory_space<semaphore_mem>>)
    %dma_wait3A_145 = arith.constant 64 : i32
    %dma_wait3A_146 = arith.constant 0 : i32
    %dma_wait3A_147 = tpu.memref_slice %arg13[%dma_wait3A_145, %dma_wait3A_146] : memref<128x256xf32, #tpu.memory_space<vmem>> -> memref<64x256xf32, #tpu.memory_space<vmem>>
    %dma_wait3A_148 = arith.constant 0 : i32
    %dma_wait3A_149 = tpu.memref_slice %arg8[%dma_wait3A_148] : memref<128xi32, #tpu.memory_space<vmem>> -> memref<64xi32, #tpu.memory_space<vmem>>
    %dma_wait3A_150 = arith.constant 0 : i32
    %dma_wait3A_151 = arith.constant 0 : i32
    %dma_wait3A_152 = tpu.memref_slice %arg3[%dma_wait3A_150, %dma_wait3A_151] : memref<10000x256xf32, #tpu.memory_space<hbm>> -> memref<10000x256xf32, #tpu.memory_space<hbm>>
    tpu.wait_indirect_dma semaphore(%arg16 : memref<!tpu.dma_semaphore, #tpu.memory_space<semaphore_mem>>) src(%dma_wait3A_152 : memref<10000x256xf32, #tpu.memory_space<hbm>>) dst(%dma_wait3A_147 : memref<64x256xf32, #tpu.memory_space<vmem>>)
    %dma_wait3A_153 = arith.constant 0 : i32
    %dma_wait3A_154 = arith.constant 0 : i32
    %dma_wait3A_155 = tpu.memref_slice %arg12[%dma_wait3A_153, %dma_wait3A_154] : memref<128x256xf32, #tpu.memory_space<vmem>> -> memref<64x256xf32, #tpu.memory_space<vmem>>
    %dma_wait3A_156 = arith.constant 64 : i32
    %dma_wait3A_157 = tpu.memref_slice %arg10[%dma_wait3A_156] : memref<128xi32, #tpu.memory_space<vmem>> -> memref<64xi32, #tpu.memory_space<vmem>>
    %dma_wait3A_158 = arith.constant 0 : i32
    %dma_wait3A_159 = arith.constant 0 : i32
    %dma_wait3A_160 = tpu.memref_slice %arg2[%dma_wait3A_158, %dma_wait3A_159] : memref<10000x256xf32, #tpu.memory_space<hbm>> -> memref<10000x256xf32, #tpu.memory_space<hbm>>
    tpu.wait_indirect_dma semaphore(%arg16 : memref<!tpu.dma_semaphore, #tpu.memory_space<semaphore_mem>>) src(%dma_wait3A_160 : memref<10000x256xf32, #tpu.memory_space<hbm>>) dst(%dma_wait3A_155 : memref<64x256xf32, #tpu.memory_space<vmem>>)
    %scan3A_161 = arith.constant 0 : i32
    %scan3A_162 = arith.constant 4 : i32
    %scan3A_163 = arith.constant 4 : i32
    %scan3A_164 = arith.addi %scan3A_162, %scan3A_163 : i32
    %scan3A_165 = arith.constant 1 : i32
    %scan3A_166 = scf.for %scan3A_222 = %scan3A_162 to %scan3A_164 step %scan3A_165 iter_args(%scan3A_223 = %scan3A_161) -> (i32)  : i32 {
      %iota3A = tpu.iota {dimensions = array<i32: 0>} : vector<16xi32>
      %mul3A_224 = arith.constant 16 : i32
      %mul3A_225 = arith.muli %scan3A_222, %mul3A_224 : i32
      %add3A_226 = vector.broadcast %mul3A_225 : i32 to vector<16xi32>
      %add3A_227 = arith.addi %iota3A, %add3A_226 : vector<16xi32>
      %add3A_228 = arith.constant 0 : i32
      %add3A_229 = vector.broadcast %add3A_228 : i32 to vector<16xi32>
      %add3A_230 = arith.addi %add3A_227, %add3A_229 : vector<16xi32>
      %add3A_231 = arith.constant -64 : i32
      %add3A_232 = vector.broadcast %add3A_231 : i32 to vector<16xi32>
      %add3A_233 = arith.addi %add3A_227, %add3A_232 : vector<16xi32>
      %broadcast_in_dim3A_234 = arith.constant 0.000000e+00 : f32
      %broadcast_in_dim3A_235 = vector.broadcast %broadcast_in_dim3A_234 : f32 to vector<16xf32>
      %iota3A_236 = tpu.iota {dimensions = array<i32: 0>} : vector<16xi32>
      %scan3A_237 = arith.constant 0 : i32
      %scan3A_238 = arith.constant 16 : i32
      %scan3A_239 = arith.addi %scan3A_237, %scan3A_238 : i32
      %scan3A_240 = arith.constant 1 : i32
      %scan3A_241:7 = scf.for %scan3A_264 = %scan3A_237 to %scan3A_239 step %scan3A_240 iter_args(%scan3A_265 = %iota3A_236, %scan3A_266 = %broadcast_in_dim3A_235, %scan3A_267 = %broadcast_in_dim3A_235, %scan3A_268 = %broadcast_in_dim3A_235, %scan3A_269 = %broadcast_in_dim3A_235, %scan3A_270 = %broadcast_in_dim3A_235, %scan3A_271 = %broadcast_in_dim3A_235) -> (vector<16xi32>, vector<16xf32>, vector<16xf32>, vector<16xf32>, vector<16xf32>, vector<16xf32>, vector<16xf32>)  : i32 {
        %add3A_272 = arith.constant 0 : i32
        %add3A_273 = vector.broadcast %add3A_272 : i32 to vector<16xi32>
        %add3A_274 = arith.addi %scan3A_265, %add3A_273 : vector<16xi32>
        %gather3A = tpu.vector_load_idx %arg11[%add3A_230, %add3A_274] : memref<128x256xf32, #tpu.memory_space<vmem>>[vector<16xi32>, vector<16xi32>], vector<16xf32>,
        %gather3A_275 = tpu.vector_load_idx %arg12[%add3A_233, %add3A_274] : memref<128x256xf32, #tpu.memory_space<vmem>>[vector<16xi32>, vector<16xi32>], vector<16xf32>,
        %mul3A_276 = arith.mulf %gather3A, %gather3A_275 : vector<16xf32>
        %add3A_277 = arith.addf %scan3A_266, %mul3A_276 : vector<16xf32>
        %mul3A_278 = arith.mulf %gather3A, %gather3A : vector<16xf32>
        %add3A_279 = arith.addf %scan3A_268, %mul3A_278 : vector<16xf32>
        %mul3A_280 = arith.mulf %gather3A_275, %gather3A_275 : vector<16xf32>
        %add3A_281 = arith.addf %scan3A_270, %mul3A_280 : vector<16xf32>
        %add3A_282 = arith.constant 1 : i32
        %add3A_283 = vector.broadcast %add3A_282 : i32 to vector<16xi32>
        %add3A_284 = arith.addi %scan3A_265, %add3A_283 : vector<16xi32>
        %and3A = arith.constant 127 : i32
        %and3A_285 = vector.broadcast %and3A : i32 to vector<16xi32>
        %and3A_286 = arith.andi %add3A_284, %and3A_285 : vector<16xi32>
        %add3A_287 = arith.constant 0 : i32
        %add3A_288 = vector.broadcast %add3A_287 : i32 to vector<16xi32>
        %add3A_289 = arith.addi %and3A_286, %add3A_288 : vector<16xi32>
        %gather3A_290 = tpu.vector_load_idx %arg11[%add3A_230, %add3A_289] : memref<128x256xf32, #tpu.memory_space<vmem>>[vector<16xi32>, vector<16xi32>], vector<16xf32>,
        %gather3A_291 = tpu.vector_load_idx %arg12[%add3A_233, %add3A_289] : memref<128x256xf32, #tpu.memory_space<vmem>>[vector<16xi32>, vector<16xi32>], vector<16xf32>,
        %mul3A_292 = arith.mulf %gather3A_290, %gather3A_291 : vector<16xf32>
        %add3A_293 = arith.addf %scan3A_267, %mul3A_292 : vector<16xf32>
        %mul3A_294 = arith.mulf %gather3A_290, %gather3A_290 : vector<16xf32>
        %add3A_295 = arith.addf %scan3A_269, %mul3A_294 : vector<16xf32>
        %mul3A_296 = arith.mulf %gather3A_291, %gather3A_291 : vector<16xf32>
        %add3A_297 = arith.addf %scan3A_271, %mul3A_296 : vector<16xf32>
        %add3A_298 = arith.constant 1 : i32
        %add3A_299 = vector.broadcast %add3A_298 : i32 to vector<16xi32>
        %add3A_300 = arith.addi %and3A_286, %add3A_299 : vector<16xi32>
        %and3A_301 = arith.constant 127 : i32
        %and3A_302 = vector.broadcast %and3A_301 : i32 to vector<16xi32>
        %and3A_303 = arith.andi %add3A_300, %and3A_302 : vector<16xi32>
        %add3A_304 = arith.constant 0 : i32
        %add3A_305 = vector.broadcast %add3A_304 : i32 to vector<16xi32>
        %add3A_306 = arith.addi %and3A_303, %add3A_305 : vector<16xi32>
        %gather3A_307 = tpu.vector_load_idx %arg11[%add3A_230, %add3A_306] : memref<128x256xf32, #tpu.memory_space<vmem>>[vector<16xi32>, vector<16xi32>], vector<16xf32>,
        %gather3A_308 = tpu.vector_load_idx %arg12[%add3A_233, %add3A_306] : memref<128x256xf32, #tpu.memory_space<vmem>>[vector<16xi32>, vector<16xi32>], vector<16xf32>,
        %mul3A_309 = arith.mulf %gather3A_307, %gather3A_308 : vector<16xf32>
        %add3A_310 = arith.addf %add3A_277, %mul3A_309 : vector<16xf32>
        %mul3A_311 = arith.mulf %gather3A_307, %gather3A_307 : vector<16xf32>
        %add3A_312 = arith.addf %add3A_279, %mul3A_311 : vector<16xf32>
        %mul3A_313 = arith.mulf %gather3A_308, %gather3A_308 : vector<16xf32>
        %add3A_314 = arith.addf %add3A_281, %mul3A_313 : vector<16xf32>
        %add3A_315 = arith.constant 1 : i32
        %add3A_316 = vector.broadcast %add3A_315 : i32 to vector<16xi32>
        %add3A_317 = arith.addi %and3A_303, %add3A_316 : vector<16xi32>
        %and3A_318 = arith.constant 127 : i32
        %and3A_319 = vector.broadcast %and3A_318 : i32 to vector<16xi32>
        %and3A_320 = arith.andi %add3A_317, %and3A_319 : vector<16xi32>
        %add3A_321 = arith.constant 0 : i32
        %add3A_322 = vector.broadcast %add3A_321 : i32 to vector<16xi32>
        %add3A_323 = arith.addi %and3A_320, %add3A_322 : vector<16xi32>
        %gather3A_324 = tpu.vector_load_idx %arg11[%add3A_230, %add3A_323] : memref<128x256xf32, #tpu.memory_space<vmem>>[vector<16xi32>, vector<16xi32>], vector<16xf32>,
        %gather3A_325 = tpu.vector_load_idx %arg12[%add3A_233, %add3A_323] : memref<128x256xf32, #tpu.memory_space<vmem>>[vector<16xi32>, vector<16xi32>], vector<16xf32>,
        %mul3A_326 = arith.mulf %gather3A_324, %gather3A_325 : vector<16xf32>
        %add3A_327 = arith.addf %add3A_293, %mul3A_326 : vector<16xf32>
        %mul3A_328 = arith.mulf %gather3A_324, %gather3A_324 : vector<16xf32>
        %add3A_329 = arith.addf %add3A_295, %mul3A_328 : vector<16xf32>
        %mul3A_330 = arith.mulf %gather3A_325, %gather3A_325 : vector<16xf32>
        %add3A_331 = arith.addf %add3A_297, %mul3A_330 : vector<16xf32>
        %add3A_332 = arith.constant 1 : i32
        %add3A_333 = vector.broadcast %add3A_332 : i32 to vector<16xi32>
        %add3A_334 = arith.addi %and3A_320, %add3A_333 : vector<16xi32>
        %and3A_335 = arith.constant 127 : i32
        %and3A_336 = vector.broadcast %and3A_335 : i32 to vector<16xi32>
        %and3A_337 = arith.andi %add3A_334, %and3A_336 : vector<16xi32>
        %add3A_338 = arith.constant 0 : i32
        %add3A_339 = vector.broadcast %add3A_338 : i32 to vector<16xi32>
        %add3A_340 = arith.addi %and3A_337, %add3A_339 : vector<16xi32>
        %gather3A_341 = tpu.vector_load_idx %arg11[%add3A_230, %add3A_340] : memref<128x256xf32, #tpu.memory_space<vmem>>[vector<16xi32>, vector<16xi32>], vector<16xf32>,
        %gather3A_342 = tpu.vector_load_idx %arg12[%add3A_233, %add3A_340] : memref<128x256xf32, #tpu.memory_space<vmem>>[vector<16xi32>, vector<16xi32>], vector<16xf32>,
        %mul3A_343 = arith.mulf %gather3A_341, %gather3A_342 : vector<16xf32>
        %add3A_344 = arith.addf %add3A_310, %mul3A_343 : vector<16xf32>
        %mul3A_345 = arith.mulf %gather3A_341, %gather3A_341 : vector<16xf32>
        %add3A_346 = arith.addf %add3A_312, %mul3A_345 : vector<16xf32>
        %mul3A_347 = arith.mulf %gather3A_342, %gather3A_342 : vector<16xf32>
        %add3A_348 = arith.addf %add3A_314, %mul3A_347 : vector<16xf32>
        %add3A_349 = arith.constant 1 : i32
        %add3A_350 = vector.broadcast %add3A_349 : i32 to vector<16xi32>
        %add3A_351 = arith.addi %and3A_337, %add3A_350 : vector<16xi32>
        %and3A_352 = arith.constant 127 : i32
        %and3A_353 = vector.broadcast %and3A_352 : i32 to vector<16xi32>
        %and3A_354 = arith.andi %add3A_351, %and3A_353 : vector<16xi32>
        %add3A_355 = arith.constant 0 : i32
        %add3A_356 = vector.broadcast %add3A_355 : i32 to vector<16xi32>
        %add3A_357 = arith.addi %and3A_354, %add3A_356 : vector<16xi32>
        %gather3A_358 = tpu.vector_load_idx %arg11[%add3A_230, %add3A_357] : memref<128x256xf32, #tpu.memory_space<vmem>>[vector<16xi32>, vector<16xi32>], vector<16xf32>,
        %gather3A_359 = tpu.vector_load_idx %arg12[%add3A_233, %add3A_357] : memref<128x256xf32, #tpu.memory_space<vmem>>[vector<16xi32>, vector<16xi32>], vector<16xf32>,
        %mul3A_360 = arith.mulf %gather3A_358, %gather3A_359 : vector<16xf32>
        %add3A_361 = arith.addf %add3A_327, %mul3A_360 : vector<16xf32>
        %mul3A_362 = arith.mulf %gather3A_358, %gather3A_358 : vector<16xf32>
        %add3A_363 = arith.addf %add3A_329, %mul3A_362 : vector<16xf32>
        %mul3A_364 = arith.mulf %gather3A_359, %gather3A_359 : vector<16xf32>
        %add3A_365 = arith.addf %add3A_331, %mul3A_364 : vector<16xf32>
        %add3A_366 = arith.constant 1 : i32
        %add3A_367 = vector.broadcast %add3A_366 : i32 to vector<16xi32>
        %add3A_368 = arith.addi %and3A_354, %add3A_367 : vector<16xi32>
        %and3A_369 = arith.constant 127 : i32
        %and3A_370 = vector.broadcast %and3A_369 : i32 to vector<16xi32>
        %and3A_371 = arith.andi %add3A_368, %and3A_370 : vector<16xi32>
        %add3A_372 = arith.constant 0 : i32
        %add3A_373 = vector.broadcast %add3A_372 : i32 to vector<16xi32>
        %add3A_374 = arith.addi %and3A_371, %add3A_373 : vector<16xi32>
        %gather3A_375 = tpu.vector_load_idx %arg11[%add3A_230, %add3A_374] : memref<128x256xf32, #tpu.memory_space<vmem>>[vector<16xi32>, vector<16xi32>], vector<16xf32>,
        %gather3A_376 = tpu.vector_load_idx %arg12[%add3A_233, %add3A_374] : memref<128x256xf32, #tpu.memory_space<vmem>>[vector<16xi32>, vector<16xi32>], vector<16xf32>,
        %mul3A_377 = arith.mulf %gather3A_375, %gather3A_376 : vector<16xf32>
        %add3A_378 = arith.addf %add3A_344, %mul3A_377 : vector<16xf32>
        %mul3A_379 = arith.mulf %gather3A_375, %gather3A_375 : vector<16xf32>
        %add3A_380 = arith.addf %add3A_346, %mul3A_379 : vector<16xf32>
        %mul3A_381 = arith.mulf %gather3A_376, %gather3A_376 : vector<16xf32>
        %add3A_382 = arith.addf %add3A_348, %mul3A_381 : vector<16xf32>
        %add3A_383 = arith.constant 1 : i32
        %add3A_384 = vector.broadcast %add3A_383 : i32 to vector<16xi32>
        %add3A_385 = arith.addi %and3A_371, %add3A_384 : vector<16xi32>
        %and3A_386 = arith.constant 127 : i32
        %and3A_387 = vector.broadcast %and3A_386 : i32 to vector<16xi32>
        %and3A_388 = arith.andi %add3A_385, %and3A_387 : vector<16xi32>
        %add3A_389 = arith.constant 0 : i32
        %add3A_390 = vector.broadcast %add3A_389 : i32 to vector<16xi32>
        %add3A_391 = arith.addi %and3A_388, %add3A_390 : vector<16xi32>
        %gather3A_392 = tpu.vector_load_idx %arg11[%add3A_230, %add3A_391] : memref<128x256xf32, #tpu.memory_space<vmem>>[vector<16xi32>, vector<16xi32>], vector<16xf32>,
        %gather3A_393 = tpu.vector_load_idx %arg12[%add3A_233, %add3A_391] : memref<128x256xf32, #tpu.memory_space<vmem>>[vector<16xi32>, vector<16xi32>], vector<16xf32>,
        %mul3A_394 = arith.mulf %gather3A_392, %gather3A_393 : vector<16xf32>
        %add3A_395 = arith.addf %add3A_361, %mul3A_394 : vector<16xf32>
        %mul3A_396 = arith.mulf %gather3A_392, %gather3A_392 : vector<16xf32>
        %add3A_397 = arith.addf %add3A_363, %mul3A_396 : vector<16xf32>
        %mul3A_398 = arith.mulf %gather3A_393, %gather3A_393 : vector<16xf32>
        %add3A_399 = arith.addf %add3A_365, %mul3A_398 : vector<16xf32>
        %add3A_400 = arith.constant 1 : i32
        %add3A_401 = vector.broadcast %add3A_400 : i32 to vector<16xi32>
        %add3A_402 = arith.addi %and3A_388, %add3A_401 : vector<16xi32>
        %and3A_403 = arith.constant 127 : i32
        %and3A_404 = vector.broadcast %and3A_403 : i32 to vector<16xi32>
        %and3A_405 = arith.andi %add3A_402, %and3A_404 : vector<16xi32>
        scf.yield %and3A_405, %add3A_378, %add3A_395, %add3A_380, %add3A_397, %add3A_382, %add3A_399 : vector<16xi32>, vector<16xf32>, vector<16xf32>, vector<16xf32>, vector<16xf32>, vector<16xf32>, vector<16xf32>
      }
      %scan3A_242 = arith.constant 16 : i32
      %iota3A_243 = tpu.iota {dimensions = array<i32: 0>} : vector<16xi32>
      %scan3A_244 = arith.constant 0 : i32
      %scan3A_245 = arith.constant 16 : i32
      %scan3A_246 = arith.addi %scan3A_244, %scan3A_245 : i32
      %scan3A_247 = arith.constant 1 : i32
      %scan3A_248:7 = scf.for %scan3A_264 = %scan3A_244 to %scan3A_246 step %scan3A_247 iter_args(%scan3A_265 = %iota3A_243, %scan3A_266 = %scan3A_241#1, %scan3A_267 = %scan3A_241#2, %scan3A_268 = %scan3A_241#3, %scan3A_269 = %scan3A_241#4, %scan3A_270 = %scan3A_241#5, %scan3A_271 = %scan3A_241#6) -> (vector<16xi32>, vector<16xf32>, vector<16xf32>, vector<16xf32>, vector<16xf32>, vector<16xf32>, vector<16xf32>)  : i32 {
        %add3A_272 = arith.constant 128 : i32
        %add3A_273 = vector.broadcast %add3A_272 : i32 to vector<16xi32>
        %add3A_274 = arith.addi %scan3A_265, %add3A_273 : vector<16xi32>
        %gather3A = tpu.vector_load_idx %arg11[%add3A_230, %add3A_274] : memref<128x256xf32, #tpu.memory_space<vmem>>[vector<16xi32>, vector<16xi32>], vector<16xf32>,
        %gather3A_275 = tpu.vector_load_idx %arg12[%add3A_233, %add3A_274] : memref<128x256xf32, #tpu.memory_space<vmem>>[vector<16xi32>, vector<16xi32>], vector<16xf32>,
        %mul3A_276 = arith.mulf %gather3A, %gather3A_275 : vector<16xf32>
        %add3A_277 = arith.addf %scan3A_266, %mul3A_276 : vector<16xf32>
        %mul3A_278 = arith.mulf %gather3A, %gather3A : vector<16xf32>
        %add3A_279 = arith.addf %scan3A_268, %mul3A_278 : vector<16xf32>
        %mul3A_280 = arith.mulf %gather3A_275, %gather3A_275 : vector<16xf32>
        %add3A_281 = arith.addf %scan3A_270, %mul3A_280 : vector<16xf32>
        %add3A_282 = arith.constant 1 : i32
        %add3A_283 = vector.broadcast %add3A_282 : i32 to vector<16xi32>
        %add3A_284 = arith.addi %scan3A_265, %add3A_283 : vector<16xi32>
        %and3A = arith.constant 127 : i32
        %and3A_285 = vector.broadcast %and3A : i32 to vector<16xi32>
        %and3A_286 = arith.andi %add3A_284, %and3A_285 : vector<16xi32>
        %add3A_287 = arith.constant 128 : i32
        %add3A_288 = vector.broadcast %add3A_287 : i32 to vector<16xi32>
        %add3A_289 = arith.addi %and3A_286, %add3A_288 : vector<16xi32>
        %gather3A_290 = tpu.vector_load_idx %arg11[%add3A_230, %add3A_289] : memref<128x256xf32, #tpu.memory_space<vmem>>[vector<16xi32>, vector<16xi32>], vector<16xf32>,
        %gather3A_291 = tpu.vector_load_idx %arg12[%add3A_233, %add3A_289] : memref<128x256xf32, #tpu.memory_space<vmem>>[vector<16xi32>, vector<16xi32>], vector<16xf32>,
        %mul3A_292 = arith.mulf %gather3A_290, %gather3A_291 : vector<16xf32>
        %add3A_293 = arith.addf %scan3A_267, %mul3A_292 : vector<16xf32>
        %mul3A_294 = arith.mulf %gather3A_290, %gather3A_290 : vector<16xf32>
        %add3A_295 = arith.addf %scan3A_269, %mul3A_294 : vector<16xf32>
        %mul3A_296 = arith.mulf %gather3A_291, %gather3A_291 : vector<16xf32>
        %add3A_297 = arith.addf %scan3A_271, %mul3A_296 : vector<16xf32>
        %add3A_298 = arith.constant 1 : i32
        %add3A_299 = vector.broadcast %add3A_298 : i32 to vector<16xi32>
        %add3A_300 = arith.addi %and3A_286, %add3A_299 : vector<16xi32>
        %and3A_301 = arith.constant 127 : i32
        %and3A_302 = vector.broadcast %and3A_301 : i32 to vector<16xi32>
        %and3A_303 = arith.andi %add3A_300, %and3A_302 : vector<16xi32>
        %add3A_304 = arith.constant 128 : i32
        %add3A_305 = vector.broadcast %add3A_304 : i32 to vector<16xi32>
        %add3A_306 = arith.addi %and3A_303, %add3A_305 : vector<16xi32>
        %gather3A_307 = tpu.vector_load_idx %arg11[%add3A_230, %add3A_306] : memref<128x256xf32, #tpu.memory_space<vmem>>[vector<16xi32>, vector<16xi32>], vector<16xf32>,
        %gather3A_308 = tpu.vector_load_idx %arg12[%add3A_233, %add3A_306] : memref<128x256xf32, #tpu.memory_space<vmem>>[vector<16xi32>, vector<16xi32>], vector<16xf32>,
        %mul3A_309 = arith.mulf %gather3A_307, %gather3A_308 : vector<16xf32>
        %add3A_310 = arith.addf %add3A_277, %mul3A_309 : vector<16xf32>
        %mul3A_311 = arith.mulf %gather3A_307, %gather3A_307 : vector<16xf32>
        %add3A_312 = arith.addf %add3A_279, %mul3A_311 : vector<16xf32>
        %mul3A_313 = arith.mulf %gather3A_308, %gather3A_308 : vector<16xf32>
        %add3A_314 = arith.addf %add3A_281, %mul3A_313 : vector<16xf32>
        %add3A_315 = arith.constant 1 : i32
        %add3A_316 = vector.broadcast %add3A_315 : i32 to vector<16xi32>
        %add3A_317 = arith.addi %and3A_303, %add3A_316 : vector<16xi32>
        %and3A_318 = arith.constant 127 : i32
        %and3A_319 = vector.broadcast %and3A_318 : i32 to vector<16xi32>
        %and3A_320 = arith.andi %add3A_317, %and3A_319 : vector<16xi32>
        %add3A_321 = arith.constant 128 : i32
        %add3A_322 = vector.broadcast %add3A_321 : i32 to vector<16xi32>
        %add3A_323 = arith.addi %and3A_320, %add3A_322 : vector<16xi32>
        %gather3A_324 = tpu.vector_load_idx %arg11[%add3A_230, %add3A_323] : memref<128x256xf32, #tpu.memory_space<vmem>>[vector<16xi32>, vector<16xi32>], vector<16xf32>,
        %gather3A_325 = tpu.vector_load_idx %arg12[%add3A_233, %add3A_323] : memref<128x256xf32, #tpu.memory_space<vmem>>[vector<16xi32>, vector<16xi32>], vector<16xf32>,
        %mul3A_326 = arith.mulf %gather3A_324, %gather3A_325 : vector<16xf32>
        %add3A_327 = arith.addf %add3A_293, %mul3A_326 : vector<16xf32>
        %mul3A_328 = arith.mulf %gather3A_324, %gather3A_324 : vector<16xf32>
        %add3A_329 = arith.addf %add3A_295, %mul3A_328 : vector<16xf32>
        %mul3A_330 = arith.mulf %gather3A_325, %gather3A_325 : vector<16xf32>
        %add3A_331 = arith.addf %add3A_297, %mul3A_330 : vector<16xf32>
        %add3A_332 = arith.constant 1 : i32
        %add3A_333 = vector.broadcast %add3A_332 : i32 to vector<16xi32>
        %add3A_334 = arith.addi %and3A_320, %add3A_333 : vector<16xi32>
        %and3A_335 = arith.constant 127 : i32
        %and3A_336 = vector.broadcast %and3A_335 : i32 to vector<16xi32>
        %and3A_337 = arith.andi %add3A_334, %and3A_336 : vector<16xi32>
        %add3A_338 = arith.constant 128 : i32
        %add3A_339 = vector.broadcast %add3A_338 : i32 to vector<16xi32>
        %add3A_340 = arith.addi %and3A_337, %add3A_339 : vector<16xi32>
        %gather3A_341 = tpu.vector_load_idx %arg11[%add3A_230, %add3A_340] : memref<128x256xf32, #tpu.memory_space<vmem>>[vector<16xi32>, vector<16xi32>], vector<16xf32>,
        %gather3A_342 = tpu.vector_load_idx %arg12[%add3A_233, %add3A_340] : memref<128x256xf32, #tpu.memory_space<vmem>>[vector<16xi32>, vector<16xi32>], vector<16xf32>,
        %mul3A_343 = arith.mulf %gather3A_341, %gather3A_342 : vector<16xf32>
        %add3A_344 = arith.addf %add3A_310, %mul3A_343 : vector<16xf32>
        %mul3A_345 = arith.mulf %gather3A_341, %gather3A_341 : vector<16xf32>
        %add3A_346 = arith.addf %add3A_312, %mul3A_345 : vector<16xf32>
        %mul3A_347 = arith.mulf %gather3A_342, %gather3A_342 : vector<16xf32>
        %add3A_348 = arith.addf %add3A_314, %mul3A_347 : vector<16xf32>
        %add3A_349 = arith.constant 1 : i32
        %add3A_350 = vector.broadcast %add3A_349 : i32 to vector<16xi32>
        %add3A_351 = arith.addi %and3A_337, %add3A_350 : vector<16xi32>
        %and3A_352 = arith.constant 127 : i32
        %and3A_353 = vector.broadcast %and3A_352 : i32 to vector<16xi32>
        %and3A_354 = arith.andi %add3A_351, %and3A_353 : vector<16xi32>
        %add3A_355 = arith.constant 128 : i32
        %add3A_356 = vector.broadcast %add3A_355 : i32 to vector<16xi32>
        %add3A_357 = arith.addi %and3A_354, %add3A_356 : vector<16xi32>
        %gather3A_358 = tpu.vector_load_idx %arg11[%add3A_230, %add3A_357] : memref<128x256xf32, #tpu.memory_space<vmem>>[vector<16xi32>, vector<16xi32>], vector<16xf32>,
        %gather3A_359 = tpu.vector_load_idx %arg12[%add3A_233, %add3A_357] : memref<128x256xf32, #tpu.memory_space<vmem>>[vector<16xi32>, vector<16xi32>], vector<16xf32>,
        %mul3A_360 = arith.mulf %gather3A_358, %gather3A_359 : vector<16xf32>
        %add3A_361 = arith.addf %add3A_327, %mul3A_360 : vector<16xf32>
        %mul3A_362 = arith.mulf %gather3A_358, %gather3A_358 : vector<16xf32>
        %add3A_363 = arith.addf %add3A_329, %mul3A_362 : vector<16xf32>
        %mul3A_364 = arith.mulf %gather3A_359, %gather3A_359 : vector<16xf32>
        %add3A_365 = arith.addf %add3A_331, %mul3A_364 : vector<16xf32>
        %add3A_366 = arith.constant 1 : i32
        %add3A_367 = vector.broadcast %add3A_366 : i32 to vector<16xi32>
        %add3A_368 = arith.addi %and3A_354, %add3A_367 : vector<16xi32>
        %and3A_369 = arith.constant 127 : i32
        %and3A_370 = vector.broadcast %and3A_369 : i32 to vector<16xi32>
        %and3A_371 = arith.andi %add3A_368, %and3A_370 : vector<16xi32>
        %add3A_372 = arith.constant 128 : i32
        %add3A_373 = vector.broadcast %add3A_372 : i32 to vector<16xi32>
        %add3A_374 = arith.addi %and3A_371, %add3A_373 : vector<16xi32>
        %gather3A_375 = tpu.vector_load_idx %arg11[%add3A_230, %add3A_374] : memref<128x256xf32, #tpu.memory_space<vmem>>[vector<16xi32>, vector<16xi32>], vector<16xf32>,
        %gather3A_376 = tpu.vector_load_idx %arg12[%add3A_233, %add3A_374] : memref<128x256xf32, #tpu.memory_space<vmem>>[vector<16xi32>, vector<16xi32>], vector<16xf32>,
        %mul3A_377 = arith.mulf %gather3A_375, %gather3A_376 : vector<16xf32>
        %add3A_378 = arith.addf %add3A_344, %mul3A_377 : vector<16xf32>
        %mul3A_379 = arith.mulf %gather3A_375, %gather3A_375 : vector<16xf32>
        %add3A_380 = arith.addf %add3A_346, %mul3A_379 : vector<16xf32>
        %mul3A_381 = arith.mulf %gather3A_376, %gather3A_376 : vector<16xf32>
        %add3A_382 = arith.addf %add3A_348, %mul3A_381 : vector<16xf32>
        %add3A_383 = arith.constant 1 : i32
        %add3A_384 = vector.broadcast %add3A_383 : i32 to vector<16xi32>
        %add3A_385 = arith.addi %and3A_371, %add3A_384 : vector<16xi32>
        %and3A_386 = arith.constant 127 : i32
        %and3A_387 = vector.broadcast %and3A_386 : i32 to vector<16xi32>
        %and3A_388 = arith.andi %add3A_385, %and3A_387 : vector<16xi32>
        %add3A_389 = arith.constant 128 : i32
        %add3A_390 = vector.broadcast %add3A_389 : i32 to vector<16xi32>
        %add3A_391 = arith.addi %and3A_388, %add3A_390 : vector<16xi32>
        %gather3A_392 = tpu.vector_load_idx %arg11[%add3A_230, %add3A_391] : memref<128x256xf32, #tpu.memory_space<vmem>>[vector<16xi32>, vector<16xi32>], vector<16xf32>,
        %gather3A_393 = tpu.vector_load_idx %arg12[%add3A_233, %add3A_391] : memref<128x256xf32, #tpu.memory_space<vmem>>[vector<16xi32>, vector<16xi32>], vector<16xf32>,
        %mul3A_394 = arith.mulf %gather3A_392, %gather3A_393 : vector<16xf32>
        %add3A_395 = arith.addf %add3A_361, %mul3A_394 : vector<16xf32>
        %mul3A_396 = arith.mulf %gather3A_392, %gather3A_392 : vector<16xf32>
        %add3A_397 = arith.addf %add3A_363, %mul3A_396 : vector<16xf32>
        %mul3A_398 = arith.mulf %gather3A_393, %gather3A_393 : vector<16xf32>
        %add3A_399 = arith.addf %add3A_365, %mul3A_398 : vector<16xf32>
        %add3A_400 = arith.constant 1 : i32
        %add3A_401 = vector.broadcast %add3A_400 : i32 to vector<16xi32>
        %add3A_402 = arith.addi %and3A_388, %add3A_401 : vector<16xi32>
        %and3A_403 = arith.constant 127 : i32
        %and3A_404 = vector.broadcast %and3A_403 : i32 to vector<16xi32>
        %and3A_405 = arith.andi %add3A_402, %and3A_404 : vector<16xi32>
        scf.yield %and3A_405, %add3A_378, %add3A_395, %add3A_380, %add3A_397, %add3A_382, %add3A_399 : vector<16xi32>, vector<16xf32>, vector<16xf32>, vector<16xf32>, vector<16xf32>, vector<16xf32>, vector<16xf32>
      }
      %scan3A_249 = arith.constant 16 : i32
      %add3A_250 = arith.addf %scan3A_248#1, %scan3A_248#2 : vector<16xf32>
      %add3A_251 = arith.addf %scan3A_248#3, %scan3A_248#4 : vector<16xf32>
      %add3A_252 = arith.addf %scan3A_248#5, %scan3A_248#6 : vector<16xf32>
      %mul3A_253 = arith.constant 16 : i32
      %mul3A_254 = arith.muli %scan3A_222, %mul3A_253 : i32
      %swap3A_255 = arith.constant 3 : i32
      %swap3A_256 = arith.index_cast %swap3A_255 : i32 to index
      %swap3A_257 = arith.index_cast %mul3A_254 : i32 to index
      %swap3A_258 = tpu.vector_load %arg14[%swap3A_256, %swap3A_257] {strides = array<i32>} : memref<8x128xf32, #tpu.memory_space<vmem>>, vector<16xf32>,
      tpu.vector_store %arg14[%swap3A_256, %swap3A_257], %add3A_250 {strides = array<i32>} : memref<8x128xf32, #tpu.memory_space<vmem>>, vector<16xf32>,
      %swap3A_259 = arith.constant 4 : i32
      %swap3A_260 = arith.index_cast %swap3A_259 : i32 to index
      %swap3A_261 = arith.index_cast %mul3A_254 : i32 to index
      %swap3A_262 = tpu.vector_load %arg14[%swap3A_260, %swap3A_261] {strides = array<i32>} : memref<8x128xf32, #tpu.memory_space<vmem>>, vector<16xf32>,
      tpu.vector_store %arg14[%swap3A_260, %swap3A_261], %add3A_252 {strides = array<i32>} : memref<8x128xf32, #tpu.memory_space<vmem>>, vector<16xf32>,
      %scan3A_263 = arith.constant 0 : i32
      scf.yield %scan3A_263 : i32
    }
    %scan3A_167 = arith.constant 4 : i32
    %dma_start3A_168 = arith.constant 64 : i32
    %dma_start3A_169 = arith.constant 0 : i32
    %dma_start3A_170 = tpu.memref_slice %arg11[%dma_start3A_168, %dma_start3A_169] : memref<128x256xf32, #tpu.memory_space<vmem>> -> memref<64x256xf32, #tpu.memory_space<vmem>>
    %dma_start3A_171 = arith.constant 64 : i32
    %dma_start3A_172 = tpu.memref_slice %arg9[%dma_start3A_171] : memref<128xi32, #tpu.memory_space<vmem>> -> memref<64xi32, #tpu.memory_space<vmem>>
    %dma_start3A_173 = arith.constant 0 : i32
    %dma_start3A_174 = arith.constant 0 : i32
    %dma_start3A_175 = tpu.memref_slice %arg3[%dma_start3A_173, %dma_start3A_174] : memref<10000x256xf32, #tpu.memory_space<hbm>> -> memref<10000x256xf32, #tpu.memory_space<hbm>>
    tpu.enqueue_indirect_dma source(%dma_start3A_175 : memref<10000x256xf32, #tpu.memory_space<hbm>>) target(%dma_start3A_170 : memref<64x256xf32, #tpu.memory_space<vmem>>) offsets(%dma_start3A_172 : memref<64xi32, #tpu.memory_space<vmem>>) semaphore(%arg16 : memref<!tpu.dma_semaphore, #tpu.memory_space<semaphore_mem>>)
    %dma_wait3A_176 = arith.constant 64 : i32
    %dma_wait3A_177 = arith.constant 0 : i32
    %dma_wait3A_178 = tpu.memref_slice %arg12[%dma_wait3A_176, %dma_wait3A_177] : memref<128x256xf32, #tpu.memory_space<vmem>> -> memref<64x256xf32, #tpu.memory_space<vmem>>
    %dma_wait3A_179 = arith.constant 64 : i32
    %dma_wait3A_180 = tpu.memref_slice %arg8[%dma_wait3A_179] : memref<128xi32, #tpu.memory_space<vmem>> -> memref<64xi32, #tpu.memory_space<vmem>>
    %dma_wait3A_181 = arith.constant 0 : i32
    %dma_wait3A_182 = arith.constant 0 : i32
    %dma_wait3A_183 = tpu.memref_slice %arg3[%dma_wait3A_181, %dma_wait3A_182] : memref<10000x256xf32, #tpu.memory_space<hbm>> -> memref<10000x256xf32, #tpu.memory_space<hbm>>
    tpu.wait_indirect_dma semaphore(%arg16 : memref<!tpu.dma_semaphore, #tpu.memory_space<semaphore_mem>>) src(%dma_wait3A_183 : memref<10000x256xf32, #tpu.memory_space<hbm>>) dst(%dma_wait3A_178 : memref<64x256xf32, #tpu.memory_space<vmem>>)
    %dma_wait3A_184 = arith.constant 0 : i32
    %dma_wait3A_185 = arith.constant 0 : i32
    %dma_wait3A_186 = tpu.memref_slice %arg11[%dma_wait3A_184, %dma_wait3A_185] : memref<128x256xf32, #tpu.memory_space<vmem>> -> memref<64x256xf32, #tpu.memory_space<vmem>>
    %dma_wait3A_187 = arith.constant 0 : i32
    %dma_wait3A_188 = tpu.memref_slice %arg9[%dma_wait3A_187] : memref<128xi32, #tpu.memory_space<vmem>> -> memref<64xi32, #tpu.memory_space<vmem>>
    %dma_wait3A_189 = arith.constant 0 : i32
    %dma_wait3A_190 = arith.constant 0 : i32
    %dma_wait3A_191 = tpu.memref_slice %arg3[%dma_wait3A_189, %dma_wait3A_190] : memref<10000x256xf32, #tpu.memory_space<hbm>> -> memref<10000x256xf32, #tpu.memory_space<hbm>>
    tpu.wait_indirect_dma semaphore(%arg16 : memref<!tpu.dma_semaphore, #tpu.memory_space<semaphore_mem>>) src(%dma_wait3A_191 : memref<10000x256xf32, #tpu.memory_space<hbm>>) dst(%dma_wait3A_186 : memref<64x256xf32, #tpu.memory_space<vmem>>)
    %scan3A_192 = arith.constant 0 : i32
    %scan3A_193 = arith.constant 0 : i32
    %scan3A_194 = arith.constant 4 : i32
    %scan3A_195 = arith.addi %scan3A_193, %scan3A_194 : i32
    %scan3A_196 = arith.constant 1 : i32
    %scan3A_197 = scf.for %scan3A_222 = %scan3A_193 to %scan3A_195 step %scan3A_196 iter_args(%scan3A_223 = %scan3A_192) -> (i32)  : i32 {
      %iota3A = tpu.iota {dimensions = array<i32: 0>} : vector<16xi32>
      %mul3A_224 = arith.constant 16 : i32
      %mul3A_225 = arith.muli %scan3A_222, %mul3A_224 : i32
      %add3A_226 = vector.broadcast %mul3A_225 : i32 to vector<16xi32>
      %add3A_227 = arith.addi %iota3A, %add3A_226 : vector<16xi32>
      %add3A_228 = arith.constant 64 : i32
      %add3A_229 = vector.broadcast %add3A_228 : i32 to vector<16xi32>
      %add3A_230 = arith.addi %add3A_227, %add3A_229 : vector<16xi32>
      %add3A_231 = arith.constant 0 : i32
      %add3A_232 = vector.broadcast %add3A_231 : i32 to vector<16xi32>
      %add3A_233 = arith.addi %add3A_227, %add3A_232 : vector<16xi32>
      %broadcast_in_dim3A_234 = arith.constant 0.000000e+00 : f32
      %broadcast_in_dim3A_235 = vector.broadcast %broadcast_in_dim3A_234 : f32 to vector<16xf32>
      %iota3A_236 = tpu.iota {dimensions = array<i32: 0>} : vector<16xi32>
      %scan3A_237 = arith.constant 0 : i32
      %scan3A_238 = arith.constant 16 : i32
      %scan3A_239 = arith.addi %scan3A_237, %scan3A_238 : i32
      %scan3A_240 = arith.constant 1 : i32
      %scan3A_241:7 = scf.for %scan3A_268 = %scan3A_237 to %scan3A_239 step %scan3A_240 iter_args(%scan3A_269 = %iota3A_236, %scan3A_270 = %broadcast_in_dim3A_235, %scan3A_271 = %broadcast_in_dim3A_235, %scan3A_272 = %broadcast_in_dim3A_235, %scan3A_273 = %broadcast_in_dim3A_235, %scan3A_274 = %broadcast_in_dim3A_235, %scan3A_275 = %broadcast_in_dim3A_235) -> (vector<16xi32>, vector<16xf32>, vector<16xf32>, vector<16xf32>, vector<16xf32>, vector<16xf32>, vector<16xf32>)  : i32 {
        %add3A_276 = arith.constant 0 : i32
        %add3A_277 = vector.broadcast %add3A_276 : i32 to vector<16xi32>
        %add3A_278 = arith.addi %scan3A_269, %add3A_277 : vector<16xi32>
        %gather3A = tpu.vector_load_idx %arg13[%add3A_230, %add3A_278] : memref<128x256xf32, #tpu.memory_space<vmem>>[vector<16xi32>, vector<16xi32>], vector<16xf32>,
        %gather3A_279 = tpu.vector_load_idx %arg11[%add3A_233, %add3A_278] : memref<128x256xf32, #tpu.memory_space<vmem>>[vector<16xi32>, vector<16xi32>], vector<16xf32>,
        %mul3A_280 = arith.mulf %gather3A, %gather3A_279 : vector<16xf32>
        %add3A_281 = arith.addf %scan3A_270, %mul3A_280 : vector<16xf32>
        %mul3A_282 = arith.mulf %gather3A, %gather3A : vector<16xf32>
        %add3A_283 = arith.addf %scan3A_272, %mul3A_282 : vector<16xf32>
        %mul3A_284 = arith.mulf %gather3A_279, %gather3A_279 : vector<16xf32>
        %add3A_285 = arith.addf %scan3A_274, %mul3A_284 : vector<16xf32>
        %add3A_286 = arith.constant 1 : i32
        %add3A_287 = vector.broadcast %add3A_286 : i32 to vector<16xi32>
        %add3A_288 = arith.addi %scan3A_269, %add3A_287 : vector<16xi32>
        %and3A = arith.constant 127 : i32
        %and3A_289 = vector.broadcast %and3A : i32 to vector<16xi32>
        %and3A_290 = arith.andi %add3A_288, %and3A_289 : vector<16xi32>
        %add3A_291 = arith.constant 0 : i32
        %add3A_292 = vector.broadcast %add3A_291 : i32 to vector<16xi32>
        %add3A_293 = arith.addi %and3A_290, %add3A_292 : vector<16xi32>
        %gather3A_294 = tpu.vector_load_idx %arg13[%add3A_230, %add3A_293] : memref<128x256xf32, #tpu.memory_space<vmem>>[vector<16xi32>, vector<16xi32>], vector<16xf32>,
        %gather3A_295 = tpu.vector_load_idx %arg11[%add3A_233, %add3A_293] : memref<128x256xf32, #tpu.memory_space<vmem>>[vector<16xi32>, vector<16xi32>], vector<16xf32>,
        %mul3A_296 = arith.mulf %gather3A_294, %gather3A_295 : vector<16xf32>
        %add3A_297 = arith.addf %scan3A_271, %mul3A_296 : vector<16xf32>
        %mul3A_298 = arith.mulf %gather3A_294, %gather3A_294 : vector<16xf32>
        %add3A_299 = arith.addf %scan3A_273, %mul3A_298 : vector<16xf32>
        %mul3A_300 = arith.mulf %gather3A_295, %gather3A_295 : vector<16xf32>
        %add3A_301 = arith.addf %scan3A_275, %mul3A_300 : vector<16xf32>
        %add3A_302 = arith.constant 1 : i32
        %add3A_303 = vector.broadcast %add3A_302 : i32 to vector<16xi32>
        %add3A_304 = arith.addi %and3A_290, %add3A_303 : vector<16xi32>
        %and3A_305 = arith.constant 127 : i32
        %and3A_306 = vector.broadcast %and3A_305 : i32 to vector<16xi32>
        %and3A_307 = arith.andi %add3A_304, %and3A_306 : vector<16xi32>
        %add3A_308 = arith.constant 0 : i32
        %add3A_309 = vector.broadcast %add3A_308 : i32 to vector<16xi32>
        %add3A_310 = arith.addi %and3A_307, %add3A_309 : vector<16xi32>
        %gather3A_311 = tpu.vector_load_idx %arg13[%add3A_230, %add3A_310] : memref<128x256xf32, #tpu.memory_space<vmem>>[vector<16xi32>, vector<16xi32>], vector<16xf32>,
        %gather3A_312 = tpu.vector_load_idx %arg11[%add3A_233, %add3A_310] : memref<128x256xf32, #tpu.memory_space<vmem>>[vector<16xi32>, vector<16xi32>], vector<16xf32>,
        %mul3A_313 = arith.mulf %gather3A_311, %gather3A_312 : vector<16xf32>
        %add3A_314 = arith.addf %add3A_281, %mul3A_313 : vector<16xf32>
        %mul3A_315 = arith.mulf %gather3A_311, %gather3A_311 : vector<16xf32>
        %add3A_316 = arith.addf %add3A_283, %mul3A_315 : vector<16xf32>
        %mul3A_317 = arith.mulf %gather3A_312, %gather3A_312 : vector<16xf32>
        %add3A_318 = arith.addf %add3A_285, %mul3A_317 : vector<16xf32>
        %add3A_319 = arith.constant 1 : i32
        %add3A_320 = vector.broadcast %add3A_319 : i32 to vector<16xi32>
        %add3A_321 = arith.addi %and3A_307, %add3A_320 : vector<16xi32>
        %and3A_322 = arith.constant 127 : i32
        %and3A_323 = vector.broadcast %and3A_322 : i32 to vector<16xi32>
        %and3A_324 = arith.andi %add3A_321, %and3A_323 : vector<16xi32>
        %add3A_325 = arith.constant 0 : i32
        %add3A_326 = vector.broadcast %add3A_325 : i32 to vector<16xi32>
        %add3A_327 = arith.addi %and3A_324, %add3A_326 : vector<16xi32>
        %gather3A_328 = tpu.vector_load_idx %arg13[%add3A_230, %add3A_327] : memref<128x256xf32, #tpu.memory_space<vmem>>[vector<16xi32>, vector<16xi32>], vector<16xf32>,
        %gather3A_329 = tpu.vector_load_idx %arg11[%add3A_233, %add3A_327] : memref<128x256xf32, #tpu.memory_space<vmem>>[vector<16xi32>, vector<16xi32>], vector<16xf32>,
        %mul3A_330 = arith.mulf %gather3A_328, %gather3A_329 : vector<16xf32>
        %add3A_331 = arith.addf %add3A_297, %mul3A_330 : vector<16xf32>
        %mul3A_332 = arith.mulf %gather3A_328, %gather3A_328 : vector<16xf32>
        %add3A_333 = arith.addf %add3A_299, %mul3A_332 : vector<16xf32>
        %mul3A_334 = arith.mulf %gather3A_329, %gather3A_329 : vector<16xf32>
        %add3A_335 = arith.addf %add3A_301, %mul3A_334 : vector<16xf32>
        %add3A_336 = arith.constant 1 : i32
        %add3A_337 = vector.broadcast %add3A_336 : i32 to vector<16xi32>
        %add3A_338 = arith.addi %and3A_324, %add3A_337 : vector<16xi32>
        %and3A_339 = arith.constant 127 : i32
        %and3A_340 = vector.broadcast %and3A_339 : i32 to vector<16xi32>
        %and3A_341 = arith.andi %add3A_338, %and3A_340 : vector<16xi32>
        %add3A_342 = arith.constant 0 : i32
        %add3A_343 = vector.broadcast %add3A_342 : i32 to vector<16xi32>
        %add3A_344 = arith.addi %and3A_341, %add3A_343 : vector<16xi32>
        %gather3A_345 = tpu.vector_load_idx %arg13[%add3A_230, %add3A_344] : memref<128x256xf32, #tpu.memory_space<vmem>>[vector<16xi32>, vector<16xi32>], vector<16xf32>,
        %gather3A_346 = tpu.vector_load_idx %arg11[%add3A_233, %add3A_344] : memref<128x256xf32, #tpu.memory_space<vmem>>[vector<16xi32>, vector<16xi32>], vector<16xf32>,
        %mul3A_347 = arith.mulf %gather3A_345, %gather3A_346 : vector<16xf32>
        %add3A_348 = arith.addf %add3A_314, %mul3A_347 : vector<16xf32>
        %mul3A_349 = arith.mulf %gather3A_345, %gather3A_345 : vector<16xf32>
        %add3A_350 = arith.addf %add3A_316, %mul3A_349 : vector<16xf32>
        %mul3A_351 = arith.mulf %gather3A_346, %gather3A_346 : vector<16xf32>
        %add3A_352 = arith.addf %add3A_318, %mul3A_351 : vector<16xf32>
        %add3A_353 = arith.constant 1 : i32
        %add3A_354 = vector.broadcast %add3A_353 : i32 to vector<16xi32>
        %add3A_355 = arith.addi %and3A_341, %add3A_354 : vector<16xi32>
        %and3A_356 = arith.constant 127 : i32
        %and3A_357 = vector.broadcast %and3A_356 : i32 to vector<16xi32>
        %and3A_358 = arith.andi %add3A_355, %and3A_357 : vector<16xi32>
        %add3A_359 = arith.constant 0 : i32
        %add3A_360 = vector.broadcast %add3A_359 : i32 to vector<16xi32>
        %add3A_361 = arith.addi %and3A_358, %add3A_360 : vector<16xi32>
        %gather3A_362 = tpu.vector_load_idx %arg13[%add3A_230, %add3A_361] : memref<128x256xf32, #tpu.memory_space<vmem>>[vector<16xi32>, vector<16xi32>], vector<16xf32>,
        %gather3A_363 = tpu.vector_load_idx %arg11[%add3A_233, %add3A_361] : memref<128x256xf32, #tpu.memory_space<vmem>>[vector<16xi32>, vector<16xi32>], vector<16xf32>,
        %mul3A_364 = arith.mulf %gather3A_362, %gather3A_363 : vector<16xf32>
        %add3A_365 = arith.addf %add3A_331, %mul3A_364 : vector<16xf32>
        %mul3A_366 = arith.mulf %gather3A_362, %gather3A_362 : vector<16xf32>
        %add3A_367 = arith.addf %add3A_333, %mul3A_366 : vector<16xf32>
        %mul3A_368 = arith.mulf %gather3A_363, %gather3A_363 : vector<16xf32>
        %add3A_369 = arith.addf %add3A_335, %mul3A_368 : vector<16xf32>
        %add3A_370 = arith.constant 1 : i32
        %add3A_371 = vector.broadcast %add3A_370 : i32 to vector<16xi32>
        %add3A_372 = arith.addi %and3A_358, %add3A_371 : vector<16xi32>
        %and3A_373 = arith.constant 127 : i32
        %and3A_374 = vector.broadcast %and3A_373 : i32 to vector<16xi32>
        %and3A_375 = arith.andi %add3A_372, %and3A_374 : vector<16xi32>
        %add3A_376 = arith.constant 0 : i32
        %add3A_377 = vector.broadcast %add3A_376 : i32 to vector<16xi32>
        %add3A_378 = arith.addi %and3A_375, %add3A_377 : vector<16xi32>
        %gather3A_379 = tpu.vector_load_idx %arg13[%add3A_230, %add3A_378] : memref<128x256xf32, #tpu.memory_space<vmem>>[vector<16xi32>, vector<16xi32>], vector<16xf32>,
        %gather3A_380 = tpu.vector_load_idx %arg11[%add3A_233, %add3A_378] : memref<128x256xf32, #tpu.memory_space<vmem>>[vector<16xi32>, vector<16xi32>], vector<16xf32>,
        %mul3A_381 = arith.mulf %gather3A_379, %gather3A_380 : vector<16xf32>
        %add3A_382 = arith.addf %add3A_348, %mul3A_381 : vector<16xf32>
        %mul3A_383 = arith.mulf %gather3A_379, %gather3A_379 : vector<16xf32>
        %add3A_384 = arith.addf %add3A_350, %mul3A_383 : vector<16xf32>
        %mul3A_385 = arith.mulf %gather3A_380, %gather3A_380 : vector<16xf32>
        %add3A_386 = arith.addf %add3A_352, %mul3A_385 : vector<16xf32>
        %add3A_387 = arith.constant 1 : i32
        %add3A_388 = vector.broadcast %add3A_387 : i32 to vector<16xi32>
        %add3A_389 = arith.addi %and3A_375, %add3A_388 : vector<16xi32>
        %and3A_390 = arith.constant 127 : i32
        %and3A_391 = vector.broadcast %and3A_390 : i32 to vector<16xi32>
        %and3A_392 = arith.andi %add3A_389, %and3A_391 : vector<16xi32>
        %add3A_393 = arith.constant 0 : i32
        %add3A_394 = vector.broadcast %add3A_393 : i32 to vector<16xi32>
        %add3A_395 = arith.addi %and3A_392, %add3A_394 : vector<16xi32>
        %gather3A_396 = tpu.vector_load_idx %arg13[%add3A_230, %add3A_395] : memref<128x256xf32, #tpu.memory_space<vmem>>[vector<16xi32>, vector<16xi32>], vector<16xf32>,
        %gather3A_397 = tpu.vector_load_idx %arg11[%add3A_233, %add3A_395] : memref<128x256xf32, #tpu.memory_space<vmem>>[vector<16xi32>, vector<16xi32>], vector<16xf32>,
        %mul3A_398 = arith.mulf %gather3A_396, %gather3A_397 : vector<16xf32>
        %add3A_399 = arith.addf %add3A_365, %mul3A_398 : vector<16xf32>
        %mul3A_400 = arith.mulf %gather3A_396, %gather3A_396 : vector<16xf32>
        %add3A_401 = arith.addf %add3A_367, %mul3A_400 : vector<16xf32>
        %mul3A_402 = arith.mulf %gather3A_397, %gather3A_397 : vector<16xf32>
        %add3A_403 = arith.addf %add3A_369, %mul3A_402 : vector<16xf32>
        %add3A_404 = arith.constant 1 : i32
        %add3A_405 = vector.broadcast %add3A_404 : i32 to vector<16xi32>
        %add3A_406 = arith.addi %and3A_392, %add3A_405 : vector<16xi32>
        %and3A_407 = arith.constant 127 : i32
        %and3A_408 = vector.broadcast %and3A_407 : i32 to vector<16xi32>
        %and3A_409 = arith.andi %add3A_406, %and3A_408 : vector<16xi32>
        scf.yield %and3A_409, %add3A_382, %add3A_399, %add3A_384, %add3A_401, %add3A_386, %add3A_403 : vector<16xi32>, vector<16xf32>, vector<16xf32>, vector<16xf32>, vector<16xf32>, vector<16xf32>, vector<16xf32>
      }
      %scan3A_242 = arith.constant 16 : i32
      %iota3A_243 = tpu.iota {dimensions = array<i32: 0>} : vector<16xi32>
      %scan3A_244 = arith.constant 0 : i32
      %scan3A_245 = arith.constant 16 : i32
      %scan3A_246 = arith.addi %scan3A_244, %scan3A_245 : i32
      %scan3A_247 = arith.constant 1 : i32
      %scan3A_248:7 = scf.for %scan3A_268 = %scan3A_244 to %scan3A_246 step %scan3A_247 iter_args(%scan3A_269 = %iota3A_243, %scan3A_270 = %scan3A_241#1, %scan3A_271 = %scan3A_241#2, %scan3A_272 = %scan3A_241#3, %scan3A_273 = %scan3A_241#4, %scan3A_274 = %scan3A_241#5, %scan3A_275 = %scan3A_241#6) -> (vector<16xi32>, vector<16xf32>, vector<16xf32>, vector<16xf32>, vector<16xf32>, vector<16xf32>, vector<16xf32>)  : i32 {
        %add3A_276 = arith.constant 128 : i32
        %add3A_277 = vector.broadcast %add3A_276 : i32 to vector<16xi32>
        %add3A_278 = arith.addi %scan3A_269, %add3A_277 : vector<16xi32>
        %gather3A = tpu.vector_load_idx %arg13[%add3A_230, %add3A_278] : memref<128x256xf32, #tpu.memory_space<vmem>>[vector<16xi32>, vector<16xi32>], vector<16xf32>,
        %gather3A_279 = tpu.vector_load_idx %arg11[%add3A_233, %add3A_278] : memref<128x256xf32, #tpu.memory_space<vmem>>[vector<16xi32>, vector<16xi32>], vector<16xf32>,
        %mul3A_280 = arith.mulf %gather3A, %gather3A_279 : vector<16xf32>
        %add3A_281 = arith.addf %scan3A_270, %mul3A_280 : vector<16xf32>
        %mul3A_282 = arith.mulf %gather3A, %gather3A : vector<16xf32>
        %add3A_283 = arith.addf %scan3A_272, %mul3A_282 : vector<16xf32>
        %mul3A_284 = arith.mulf %gather3A_279, %gather3A_279 : vector<16xf32>
        %add3A_285 = arith.addf %scan3A_274, %mul3A_284 : vector<16xf32>
        %add3A_286 = arith.constant 1 : i32
        %add3A_287 = vector.broadcast %add3A_286 : i32 to vector<16xi32>
        %add3A_288 = arith.addi %scan3A_269, %add3A_287 : vector<16xi32>
        %and3A = arith.constant 127 : i32
        %and3A_289 = vector.broadcast %and3A : i32 to vector<16xi32>
        %and3A_290 = arith.andi %add3A_288, %and3A_289 : vector<16xi32>
        %add3A_291 = arith.constant 128 : i32
        %add3A_292 = vector.broadcast %add3A_291 : i32 to vector<16xi32>
        %add3A_293 = arith.addi %and3A_290, %add3A_292 : vector<16xi32>
        %gather3A_294 = tpu.vector_load_idx %arg13[%add3A_230, %add3A_293] : memref<128x256xf32, #tpu.memory_space<vmem>>[vector<16xi32>, vector<16xi32>], vector<16xf32>,
        %gather3A_295 = tpu.vector_load_idx %arg11[%add3A_233, %add3A_293] : memref<128x256xf32, #tpu.memory_space<vmem>>[vector<16xi32>, vector<16xi32>], vector<16xf32>,
        %mul3A_296 = arith.mulf %gather3A_294, %gather3A_295 : vector<16xf32>
        %add3A_297 = arith.addf %scan3A_271, %mul3A_296 : vector<16xf32>
        %mul3A_298 = arith.mulf %gather3A_294, %gather3A_294 : vector<16xf32>
        %add3A_299 = arith.addf %scan3A_273, %mul3A_298 : vector<16xf32>
        %mul3A_300 = arith.mulf %gather3A_295, %gather3A_295 : vector<16xf32>
        %add3A_301 = arith.addf %scan3A_275, %mul3A_300 : vector<16xf32>
        %add3A_302 = arith.constant 1 : i32
        %add3A_303 = vector.broadcast %add3A_302 : i32 to vector<16xi32>
        %add3A_304 = arith.addi %and3A_290, %add3A_303 : vector<16xi32>
        %and3A_305 = arith.constant 127 : i32
        %and3A_306 = vector.broadcast %and3A_305 : i32 to vector<16xi32>
        %and3A_307 = arith.andi %add3A_304, %and3A_306 : vector<16xi32>
        %add3A_308 = arith.constant 128 : i32
        %add3A_309 = vector.broadcast %add3A_308 : i32 to vector<16xi32>
        %add3A_310 = arith.addi %and3A_307, %add3A_309 : vector<16xi32>
        %gather3A_311 = tpu.vector_load_idx %arg13[%add3A_230, %add3A_310] : memref<128x256xf32, #tpu.memory_space<vmem>>[vector<16xi32>, vector<16xi32>], vector<16xf32>,
        %gather3A_312 = tpu.vector_load_idx %arg11[%add3A_233, %add3A_310] : memref<128x256xf32, #tpu.memory_space<vmem>>[vector<16xi32>, vector<16xi32>], vector<16xf32>,
        %mul3A_313 = arith.mulf %gather3A_311, %gather3A_312 : vector<16xf32>
        %add3A_314 = arith.addf %add3A_281, %mul3A_313 : vector<16xf32>
        %mul3A_315 = arith.mulf %gather3A_311, %gather3A_311 : vector<16xf32>
        %add3A_316 = arith.addf %add3A_283, %mul3A_315 : vector<16xf32>
        %mul3A_317 = arith.mulf %gather3A_312, %gather3A_312 : vector<16xf32>
        %add3A_318 = arith.addf %add3A_285, %mul3A_317 : vector<16xf32>
        %add3A_319 = arith.constant 1 : i32
        %add3A_320 = vector.broadcast %add3A_319 : i32 to vector<16xi32>
        %add3A_321 = arith.addi %and3A_307, %add3A_320 : vector<16xi32>
        %and3A_322 = arith.constant 127 : i32
        %and3A_323 = vector.broadcast %and3A_322 : i32 to vector<16xi32>
        %and3A_324 = arith.andi %add3A_321, %and3A_323 : vector<16xi32>
        %add3A_325 = arith.constant 128 : i32
        %add3A_326 = vector.broadcast %add3A_325 : i32 to vector<16xi32>
        %add3A_327 = arith.addi %and3A_324, %add3A_326 : vector<16xi32>
        %gather3A_328 = tpu.vector_load_idx %arg13[%add3A_230, %add3A_327] : memref<128x256xf32, #tpu.memory_space<vmem>>[vector<16xi32>, vector<16xi32>], vector<16xf32>,
        %gather3A_329 = tpu.vector_load_idx %arg11[%add3A_233, %add3A_327] : memref<128x256xf32, #tpu.memory_space<vmem>>[vector<16xi32>, vector<16xi32>], vector<16xf32>,
        %mul3A_330 = arith.mulf %gather3A_328, %gather3A_329 : vector<16xf32>
        %add3A_331 = arith.addf %add3A_297, %mul3A_330 : vector<16xf32>
        %mul3A_332 = arith.mulf %gather3A_328, %gather3A_328 : vector<16xf32>
        %add3A_333 = arith.addf %add3A_299, %mul3A_332 : vector<16xf32>
        %mul3A_334 = arith.mulf %gather3A_329, %gather3A_329 : vector<16xf32>
        %add3A_335 = arith.addf %add3A_301, %mul3A_334 : vector<16xf32>
        %add3A_336 = arith.constant 1 : i32
        %add3A_337 = vector.broadcast %add3A_336 : i32 to vector<16xi32>
        %add3A_338 = arith.addi %and3A_324, %add3A_337 : vector<16xi32>
        %and3A_339 = arith.constant 127 : i32
        %and3A_340 = vector.broadcast %and3A_339 : i32 to vector<16xi32>
        %and3A_341 = arith.andi %add3A_338, %and3A_340 : vector<16xi32>
        %add3A_342 = arith.constant 128 : i32
        %add3A_343 = vector.broadcast %add3A_342 : i32 to vector<16xi32>
        %add3A_344 = arith.addi %and3A_341, %add3A_343 : vector<16xi32>
        %gather3A_345 = tpu.vector_load_idx %arg13[%add3A_230, %add3A_344] : memref<128x256xf32, #tpu.memory_space<vmem>>[vector<16xi32>, vector<16xi32>], vector<16xf32>,
        %gather3A_346 = tpu.vector_load_idx %arg11[%add3A_233, %add3A_344] : memref<128x256xf32, #tpu.memory_space<vmem>>[vector<16xi32>, vector<16xi32>], vector<16xf32>,
        %mul3A_347 = arith.mulf %gather3A_345, %gather3A_346 : vector<16xf32>
        %add3A_348 = arith.addf %add3A_314, %mul3A_347 : vector<16xf32>
        %mul3A_349 = arith.mulf %gather3A_345, %gather3A_345 : vector<16xf32>
        %add3A_350 = arith.addf %add3A_316, %mul3A_349 : vector<16xf32>
        %mul3A_351 = arith.mulf %gather3A_346, %gather3A_346 : vector<16xf32>
        %add3A_352 = arith.addf %add3A_318, %mul3A_351 : vector<16xf32>
        %add3A_353 = arith.constant 1 : i32
        %add3A_354 = vector.broadcast %add3A_353 : i32 to vector<16xi32>
        %add3A_355 = arith.addi %and3A_341, %add3A_354 : vector<16xi32>
        %and3A_356 = arith.constant 127 : i32
        %and3A_357 = vector.broadcast %and3A_356 : i32 to vector<16xi32>
        %and3A_358 = arith.andi %add3A_355, %and3A_357 : vector<16xi32>
        %add3A_359 = arith.constant 128 : i32
        %add3A_360 = vector.broadcast %add3A_359 : i32 to vector<16xi32>
        %add3A_361 = arith.addi %and3A_358, %add3A_360 : vector<16xi32>
        %gather3A_362 = tpu.vector_load_idx %arg13[%add3A_230, %add3A_361] : memref<128x256xf32, #tpu.memory_space<vmem>>[vector<16xi32>, vector<16xi32>], vector<16xf32>,
        %gather3A_363 = tpu.vector_load_idx %arg11[%add3A_233, %add3A_361] : memref<128x256xf32, #tpu.memory_space<vmem>>[vector<16xi32>, vector<16xi32>], vector<16xf32>,
        %mul3A_364 = arith.mulf %gather3A_362, %gather3A_363 : vector<16xf32>
        %add3A_365 = arith.addf %add3A_331, %mul3A_364 : vector<16xf32>
        %mul3A_366 = arith.mulf %gather3A_362, %gather3A_362 : vector<16xf32>
        %add3A_367 = arith.addf %add3A_333, %mul3A_366 : vector<16xf32>
        %mul3A_368 = arith.mulf %gather3A_363, %gather3A_363 : vector<16xf32>
        %add3A_369 = arith.addf %add3A_335, %mul3A_368 : vector<16xf32>
        %add3A_370 = arith.constant 1 : i32
        %add3A_371 = vector.broadcast %add3A_370 : i32 to vector<16xi32>
        %add3A_372 = arith.addi %and3A_358, %add3A_371 : vector<16xi32>
        %and3A_373 = arith.constant 127 : i32
        %and3A_374 = vector.broadcast %and3A_373 : i32 to vector<16xi32>
        %and3A_375 = arith.andi %add3A_372, %and3A_374 : vector<16xi32>
        %add3A_376 = arith.constant 128 : i32
        %add3A_377 = vector.broadcast %add3A_376 : i32 to vector<16xi32>
        %add3A_378 = arith.addi %and3A_375, %add3A_377 : vector<16xi32>
        %gather3A_379 = tpu.vector_load_idx %arg13[%add3A_230, %add3A_378] : memref<128x256xf32, #tpu.memory_space<vmem>>[vector<16xi32>, vector<16xi32>], vector<16xf32>,
        %gather3A_380 = tpu.vector_load_idx %arg11[%add3A_233, %add3A_378] : memref<128x256xf32, #tpu.memory_space<vmem>>[vector<16xi32>, vector<16xi32>], vector<16xf32>,
        %mul3A_381 = arith.mulf %gather3A_379, %gather3A_380 : vector<16xf32>
        %add3A_382 = arith.addf %add3A_348, %mul3A_381 : vector<16xf32>
        %mul3A_383 = arith.mulf %gather3A_379, %gather3A_379 : vector<16xf32>
        %add3A_384 = arith.addf %add3A_350, %mul3A_383 : vector<16xf32>
        %mul3A_385 = arith.mulf %gather3A_380, %gather3A_380 : vector<16xf32>
        %add3A_386 = arith.addf %add3A_352, %mul3A_385 : vector<16xf32>
        %add3A_387 = arith.constant 1 : i32
        %add3A_388 = vector.broadcast %add3A_387 : i32 to vector<16xi32>
        %add3A_389 = arith.addi %and3A_375, %add3A_388 : vector<16xi32>
        %and3A_390 = arith.constant 127 : i32
        %and3A_391 = vector.broadcast %and3A_390 : i32 to vector<16xi32>
        %and3A_392 = arith.andi %add3A_389, %and3A_391 : vector<16xi32>
        %add3A_393 = arith.constant 128 : i32
        %add3A_394 = vector.broadcast %add3A_393 : i32 to vector<16xi32>
        %add3A_395 = arith.addi %and3A_392, %add3A_394 : vector<16xi32>
        %gather3A_396 = tpu.vector_load_idx %arg13[%add3A_230, %add3A_395] : memref<128x256xf32, #tpu.memory_space<vmem>>[vector<16xi32>, vector<16xi32>], vector<16xf32>,
        %gather3A_397 = tpu.vector_load_idx %arg11[%add3A_233, %add3A_395] : memref<128x256xf32, #tpu.memory_space<vmem>>[vector<16xi32>, vector<16xi32>], vector<16xf32>,
        %mul3A_398 = arith.mulf %gather3A_396, %gather3A_397 : vector<16xf32>
        %add3A_399 = arith.addf %add3A_365, %mul3A_398 : vector<16xf32>
        %mul3A_400 = arith.mulf %gather3A_396, %gather3A_396 : vector<16xf32>
        %add3A_401 = arith.addf %add3A_367, %mul3A_400 : vector<16xf32>
        %mul3A_402 = arith.mulf %gather3A_397, %gather3A_397 : vector<16xf32>
        %add3A_403 = arith.addf %add3A_369, %mul3A_402 : vector<16xf32>
        %add3A_404 = arith.constant 1 : i32
        %add3A_405 = vector.broadcast %add3A_404 : i32 to vector<16xi32>
        %add3A_406 = arith.addi %and3A_392, %add3A_405 : vector<16xi32>
        %and3A_407 = arith.constant 127 : i32
        %and3A_408 = vector.broadcast %and3A_407 : i32 to vector<16xi32>
        %and3A_409 = arith.andi %add3A_406, %and3A_408 : vector<16xi32>
        scf.yield %and3A_409, %add3A_382, %add3A_399, %add3A_384, %add3A_401, %add3A_386, %add3A_403 : vector<16xi32>, vector<16xf32>, vector<16xf32>, vector<16xf32>, vector<16xf32>, vector<16xf32>, vector<16xf32>
      }
      %scan3A_249 = arith.constant 16 : i32
      %add3A_250 = arith.addf %scan3A_248#1, %scan3A_248#2 : vector<16xf32>
      %add3A_251 = arith.addf %scan3A_248#3, %scan3A_248#4 : vector<16xf32>
      %add3A_252 = arith.addf %scan3A_248#5, %scan3A_248#6 : vector<16xf32>
      %mul3A_253 = arith.constant 16 : i32
      %mul3A_254 = arith.muli %scan3A_222, %mul3A_253 : i32
      %swap3A_255 = arith.constant 5 : i32
      %swap3A_256 = arith.index_cast %swap3A_255 : i32 to index
      %swap3A_257 = arith.index_cast %mul3A_254 : i32 to index
      %swap3A_258 = tpu.vector_load %arg14[%swap3A_256, %swap3A_257] {strides = array<i32>} : memref<8x128xf32, #tpu.memory_space<vmem>>, vector<16xf32>,
      tpu.vector_store %arg14[%swap3A_256, %swap3A_257], %add3A_250 {strides = array<i32>} : memref<8x128xf32, #tpu.memory_space<vmem>>, vector<16xf32>,
      %swap3A_259 = arith.constant 6 : i32
      %swap3A_260 = arith.index_cast %swap3A_259 : i32 to index
      %swap3A_261 = arith.index_cast %mul3A_254 : i32 to index
      %swap3A_262 = tpu.vector_load %arg14[%swap3A_260, %swap3A_261] {strides = array<i32>} : memref<8x128xf32, #tpu.memory_space<vmem>>, vector<16xf32>,
      tpu.vector_store %arg14[%swap3A_260, %swap3A_261], %add3A_251 {strides = array<i32>} : memref<8x128xf32, #tpu.memory_space<vmem>>, vector<16xf32>,
      %swap3A_263 = arith.constant 7 : i32
      %swap3A_264 = arith.index_cast %swap3A_263 : i32 to index
      %swap3A_265 = arith.index_cast %mul3A_254 : i32 to index
      %swap3A_266 = tpu.vector_load %arg14[%swap3A_264, %swap3A_265] {strides = array<i32>} : memref<8x128xf32, #tpu.memory_space<vmem>>, vector<16xf32>,
      tpu.vector_store %arg14[%swap3A_264, %swap3A_265], %add3A_252 {strides = array<i32>} : memref<8x128xf32, #tpu.memory_space<vmem>>, vector<16xf32>,
      %scan3A_267 = arith.constant 0 : i32
      scf.yield %scan3A_267 : i32
    }
    %scan3A_198 = arith.constant 4 : i32
    %dma_wait3A_199 = arith.constant 64 : i32
    %dma_wait3A_200 = arith.constant 0 : i32
    %dma_wait3A_201 = tpu.memref_slice %arg11[%dma_wait3A_199, %dma_wait3A_200] : memref<128x256xf32, #tpu.memory_space<vmem>> -> memref<64x256xf32, #tpu.memory_space<vmem>>
    %dma_wait3A_202 = arith.constant 64 : i32
    %dma_wait3A_203 = tpu.memref_slice %arg9[%dma_wait3A_202] : memref<128xi32, #tpu.memory_space<vmem>> -> memref<64xi32, #tpu.memory_space<vmem>>
    %dma_wait3A_204 = arith.constant 0 : i32
    %dma_wait3A_205 = arith.constant 0 : i32
    %dma_wait3A_206 = tpu.memref_slice %arg3[%dma_wait3A_204, %dma_wait3A_205] : memref<10000x256xf32, #tpu.memory_space<hbm>> -> memref<10000x256xf32, #tpu.memory_space<hbm>>
    tpu.wait_indirect_dma semaphore(%arg16 : memref<!tpu.dma_semaphore, #tpu.memory_space<semaphore_mem>>) src(%dma_wait3A_206 : memref<10000x256xf32, #tpu.memory_space<hbm>>) dst(%dma_wait3A_201 : memref<64x256xf32, #tpu.memory_space<vmem>>)
    %scan3A_207 = arith.constant 0 : i32
    %scan3A_208 = arith.constant 4 : i32
    %scan3A_209 = arith.constant 4 : i32
    %scan3A_210 = arith.addi %scan3A_208, %scan3A_209 : i32
    %scan3A_211 = arith.constant 1 : i32
    %scan3A_212 = scf.for %scan3A_222 = %scan3A_208 to %scan3A_210 step %scan3A_211 iter_args(%scan3A_223 = %scan3A_207) -> (i32)  : i32 {
      %iota3A = tpu.iota {dimensions = array<i32: 0>} : vector<16xi32>
      %mul3A_224 = arith.constant 16 : i32
      %mul3A_225 = arith.muli %scan3A_222, %mul3A_224 : i32
      %add3A_226 = vector.broadcast %mul3A_225 : i32 to vector<16xi32>
      %add3A_227 = arith.addi %iota3A, %add3A_226 : vector<16xi32>
      %add3A_228 = arith.constant 0 : i32
      %add3A_229 = vector.broadcast %add3A_228 : i32 to vector<16xi32>
      %add3A_230 = arith.addi %add3A_227, %add3A_229 : vector<16xi32>
      %add3A_231 = arith.constant 0 : i32
      %add3A_232 = vector.broadcast %add3A_231 : i32 to vector<16xi32>
      %add3A_233 = arith.addi %add3A_227, %add3A_232 : vector<16xi32>
      %broadcast_in_dim3A_234 = arith.constant 0.000000e+00 : f32
      %broadcast_in_dim3A_235 = vector.broadcast %broadcast_in_dim3A_234 : f32 to vector<16xf32>
      %iota3A_236 = tpu.iota {dimensions = array<i32: 0>} : vector<16xi32>
      %scan3A_237 = arith.constant 0 : i32
      %scan3A_238 = arith.constant 16 : i32
      %scan3A_239 = arith.addi %scan3A_237, %scan3A_238 : i32
      %scan3A_240 = arith.constant 1 : i32
      %scan3A_241:7 = scf.for %scan3A_268 = %scan3A_237 to %scan3A_239 step %scan3A_240 iter_args(%scan3A_269 = %iota3A_236, %scan3A_270 = %broadcast_in_dim3A_235, %scan3A_271 = %broadcast_in_dim3A_235, %scan3A_272 = %broadcast_in_dim3A_235, %scan3A_273 = %broadcast_in_dim3A_235, %scan3A_274 = %broadcast_in_dim3A_235, %scan3A_275 = %broadcast_in_dim3A_235) -> (vector<16xi32>, vector<16xf32>, vector<16xf32>, vector<16xf32>, vector<16xf32>, vector<16xf32>, vector<16xf32>)  : i32 {
        %add3A_276 = arith.constant 0 : i32
        %add3A_277 = vector.broadcast %add3A_276 : i32 to vector<16xi32>
        %add3A_278 = arith.addi %scan3A_269, %add3A_277 : vector<16xi32>
        %gather3A = tpu.vector_load_idx %arg12[%add3A_230, %add3A_278] : memref<128x256xf32, #tpu.memory_space<vmem>>[vector<16xi32>, vector<16xi32>], vector<16xf32>,
        %gather3A_279 = tpu.vector_load_idx %arg11[%add3A_233, %add3A_278] : memref<128x256xf32, #tpu.memory_space<vmem>>[vector<16xi32>, vector<16xi32>], vector<16xf32>,
        %mul3A_280 = arith.mulf %gather3A, %gather3A_279 : vector<16xf32>
        %add3A_281 = arith.addf %scan3A_270, %mul3A_280 : vector<16xf32>
        %mul3A_282 = arith.mulf %gather3A, %gather3A : vector<16xf32>
        %add3A_283 = arith.addf %scan3A_272, %mul3A_282 : vector<16xf32>
        %mul3A_284 = arith.mulf %gather3A_279, %gather3A_279 : vector<16xf32>
        %add3A_285 = arith.addf %scan3A_274, %mul3A_284 : vector<16xf32>
        %add3A_286 = arith.constant 1 : i32
        %add3A_287 = vector.broadcast %add3A_286 : i32 to vector<16xi32>
        %add3A_288 = arith.addi %scan3A_269, %add3A_287 : vector<16xi32>
        %and3A = arith.constant 127 : i32
        %and3A_289 = vector.broadcast %and3A : i32 to vector<16xi32>
        %and3A_290 = arith.andi %add3A_288, %and3A_289 : vector<16xi32>
        %add3A_291 = arith.constant 0 : i32
        %add3A_292 = vector.broadcast %add3A_291 : i32 to vector<16xi32>
        %add3A_293 = arith.addi %and3A_290, %add3A_292 : vector<16xi32>
        %gather3A_294 = tpu.vector_load_idx %arg12[%add3A_230, %add3A_293] : memref<128x256xf32, #tpu.memory_space<vmem>>[vector<16xi32>, vector<16xi32>], vector<16xf32>,
        %gather3A_295 = tpu.vector_load_idx %arg11[%add3A_233, %add3A_293] : memref<128x256xf32, #tpu.memory_space<vmem>>[vector<16xi32>, vector<16xi32>], vector<16xf32>,
        %mul3A_296 = arith.mulf %gather3A_294, %gather3A_295 : vector<16xf32>
        %add3A_297 = arith.addf %scan3A_271, %mul3A_296 : vector<16xf32>
        %mul3A_298 = arith.mulf %gather3A_294, %gather3A_294 : vector<16xf32>
        %add3A_299 = arith.addf %scan3A_273, %mul3A_298 : vector<16xf32>
        %mul3A_300 = arith.mulf %gather3A_295, %gather3A_295 : vector<16xf32>
        %add3A_301 = arith.addf %scan3A_275, %mul3A_300 : vector<16xf32>
        %add3A_302 = arith.constant 1 : i32
        %add3A_303 = vector.broadcast %add3A_302 : i32 to vector<16xi32>
        %add3A_304 = arith.addi %and3A_290, %add3A_303 : vector<16xi32>
        %and3A_305 = arith.constant 127 : i32
        %and3A_306 = vector.broadcast %and3A_305 : i32 to vector<16xi32>
        %and3A_307 = arith.andi %add3A_304, %and3A_306 : vector<16xi32>
        %add3A_308 = arith.constant 0 : i32
        %add3A_309 = vector.broadcast %add3A_308 : i32 to vector<16xi32>
        %add3A_310 = arith.addi %and3A_307, %add3A_309 : vector<16xi32>
        %gather3A_311 = tpu.vector_load_idx %arg12[%add3A_230, %add3A_310] : memref<128x256xf32, #tpu.memory_space<vmem>>[vector<16xi32>, vector<16xi32>], vector<16xf32>,
        %gather3A_312 = tpu.vector_load_idx %arg11[%add3A_233, %add3A_310] : memref<128x256xf32, #tpu.memory_space<vmem>>[vector<16xi32>, vector<16xi32>], vector<16xf32>,
        %mul3A_313 = arith.mulf %gather3A_311, %gather3A_312 : vector<16xf32>
        %add3A_314 = arith.addf %add3A_281, %mul3A_313 : vector<16xf32>
        %mul3A_315 = arith.mulf %gather3A_311, %gather3A_311 : vector<16xf32>
        %add3A_316 = arith.addf %add3A_283, %mul3A_315 : vector<16xf32>
        %mul3A_317 = arith.mulf %gather3A_312, %gather3A_312 : vector<16xf32>
        %add3A_318 = arith.addf %add3A_285, %mul3A_317 : vector<16xf32>
        %add3A_319 = arith.constant 1 : i32
        %add3A_320 = vector.broadcast %add3A_319 : i32 to vector<16xi32>
        %add3A_321 = arith.addi %and3A_307, %add3A_320 : vector<16xi32>
        %and3A_322 = arith.constant 127 : i32
        %and3A_323 = vector.broadcast %and3A_322 : i32 to vector<16xi32>
        %and3A_324 = arith.andi %add3A_321, %and3A_323 : vector<16xi32>
        %add3A_325 = arith.constant 0 : i32
        %add3A_326 = vector.broadcast %add3A_325 : i32 to vector<16xi32>
        %add3A_327 = arith.addi %and3A_324, %add3A_326 : vector<16xi32>
        %gather3A_328 = tpu.vector_load_idx %arg12[%add3A_230, %add3A_327] : memref<128x256xf32, #tpu.memory_space<vmem>>[vector<16xi32>, vector<16xi32>], vector<16xf32>,
        %gather3A_329 = tpu.vector_load_idx %arg11[%add3A_233, %add3A_327] : memref<128x256xf32, #tpu.memory_space<vmem>>[vector<16xi32>, vector<16xi32>], vector<16xf32>,
        %mul3A_330 = arith.mulf %gather3A_328, %gather3A_329 : vector<16xf32>
        %add3A_331 = arith.addf %add3A_297, %mul3A_330 : vector<16xf32>
        %mul3A_332 = arith.mulf %gather3A_328, %gather3A_328 : vector<16xf32>
        %add3A_333 = arith.addf %add3A_299, %mul3A_332 : vector<16xf32>
        %mul3A_334 = arith.mulf %gather3A_329, %gather3A_329 : vector<16xf32>
        %add3A_335 = arith.addf %add3A_301, %mul3A_334 : vector<16xf32>
        %add3A_336 = arith.constant 1 : i32
        %add3A_337 = vector.broadcast %add3A_336 : i32 to vector<16xi32>
        %add3A_338 = arith.addi %and3A_324, %add3A_337 : vector<16xi32>
        %and3A_339 = arith.constant 127 : i32
        %and3A_340 = vector.broadcast %and3A_339 : i32 to vector<16xi32>
        %and3A_341 = arith.andi %add3A_338, %and3A_340 : vector<16xi32>
        %add3A_342 = arith.constant 0 : i32
        %add3A_343 = vector.broadcast %add3A_342 : i32 to vector<16xi32>
        %add3A_344 = arith.addi %and3A_341, %add3A_343 : vector<16xi32>
        %gather3A_345 = tpu.vector_load_idx %arg12[%add3A_230, %add3A_344] : memref<128x256xf32, #tpu.memory_space<vmem>>[vector<16xi32>, vector<16xi32>], vector<16xf32>,
        %gather3A_346 = tpu.vector_load_idx %arg11[%add3A_233, %add3A_344] : memref<128x256xf32, #tpu.memory_space<vmem>>[vector<16xi32>, vector<16xi32>], vector<16xf32>,
        %mul3A_347 = arith.mulf %gather3A_345, %gather3A_346 : vector<16xf32>
        %add3A_348 = arith.addf %add3A_314, %mul3A_347 : vector<16xf32>
        %mul3A_349 = arith.mulf %gather3A_345, %gather3A_345 : vector<16xf32>
        %add3A_350 = arith.addf %add3A_316, %mul3A_349 : vector<16xf32>
        %mul3A_351 = arith.mulf %gather3A_346, %gather3A_346 : vector<16xf32>
        %add3A_352 = arith.addf %add3A_318, %mul3A_351 : vector<16xf32>
        %add3A_353 = arith.constant 1 : i32
        %add3A_354 = vector.broadcast %add3A_353 : i32 to vector<16xi32>
        %add3A_355 = arith.addi %and3A_341, %add3A_354 : vector<16xi32>
        %and3A_356 = arith.constant 127 : i32
        %and3A_357 = vector.broadcast %and3A_356 : i32 to vector<16xi32>
        %and3A_358 = arith.andi %add3A_355, %and3A_357 : vector<16xi32>
        %add3A_359 = arith.constant 0 : i32
        %add3A_360 = vector.broadcast %add3A_359 : i32 to vector<16xi32>
        %add3A_361 = arith.addi %and3A_358, %add3A_360 : vector<16xi32>
        %gather3A_362 = tpu.vector_load_idx %arg12[%add3A_230, %add3A_361] : memref<128x256xf32, #tpu.memory_space<vmem>>[vector<16xi32>, vector<16xi32>], vector<16xf32>,
        %gather3A_363 = tpu.vector_load_idx %arg11[%add3A_233, %add3A_361] : memref<128x256xf32, #tpu.memory_space<vmem>>[vector<16xi32>, vector<16xi32>], vector<16xf32>,
        %mul3A_364 = arith.mulf %gather3A_362, %gather3A_363 : vector<16xf32>
        %add3A_365 = arith.addf %add3A_331, %mul3A_364 : vector<16xf32>
        %mul3A_366 = arith.mulf %gather3A_362, %gather3A_362 : vector<16xf32>
        %add3A_367 = arith.addf %add3A_333, %mul3A_366 : vector<16xf32>
        %mul3A_368 = arith.mulf %gather3A_363, %gather3A_363 : vector<16xf32>
        %add3A_369 = arith.addf %add3A_335, %mul3A_368 : vector<16xf32>
        %add3A_370 = arith.constant 1 : i32
        %add3A_371 = vector.broadcast %add3A_370 : i32 to vector<16xi32>
        %add3A_372 = arith.addi %and3A_358, %add3A_371 : vector<16xi32>
        %and3A_373 = arith.constant 127 : i32
        %and3A_374 = vector.broadcast %and3A_373 : i32 to vector<16xi32>
        %and3A_375 = arith.andi %add3A_372, %and3A_374 : vector<16xi32>
        %add3A_376 = arith.constant 0 : i32
        %add3A_377 = vector.broadcast %add3A_376 : i32 to vector<16xi32>
        %add3A_378 = arith.addi %and3A_375, %add3A_377 : vector<16xi32>
        %gather3A_379 = tpu.vector_load_idx %arg12[%add3A_230, %add3A_378] : memref<128x256xf32, #tpu.memory_space<vmem>>[vector<16xi32>, vector<16xi32>], vector<16xf32>,
        %gather3A_380 = tpu.vector_load_idx %arg11[%add3A_233, %add3A_378] : memref<128x256xf32, #tpu.memory_space<vmem>>[vector<16xi32>, vector<16xi32>], vector<16xf32>,
        %mul3A_381 = arith.mulf %gather3A_379, %gather3A_380 : vector<16xf32>
        %add3A_382 = arith.addf %add3A_348, %mul3A_381 : vector<16xf32>
        %mul3A_383 = arith.mulf %gather3A_379, %gather3A_379 : vector<16xf32>
        %add3A_384 = arith.addf %add3A_350, %mul3A_383 : vector<16xf32>
        %mul3A_385 = arith.mulf %gather3A_380, %gather3A_380 : vector<16xf32>
        %add3A_386 = arith.addf %add3A_352, %mul3A_385 : vector<16xf32>
        %add3A_387 = arith.constant 1 : i32
        %add3A_388 = vector.broadcast %add3A_387 : i32 to vector<16xi32>
        %add3A_389 = arith.addi %and3A_375, %add3A_388 : vector<16xi32>
        %and3A_390 = arith.constant 127 : i32
        %and3A_391 = vector.broadcast %and3A_390 : i32 to vector<16xi32>
        %and3A_392 = arith.andi %add3A_389, %and3A_391 : vector<16xi32>
        %add3A_393 = arith.constant 0 : i32
        %add3A_394 = vector.broadcast %add3A_393 : i32 to vector<16xi32>
        %add3A_395 = arith.addi %and3A_392, %add3A_394 : vector<16xi32>
        %gather3A_396 = tpu.vector_load_idx %arg12[%add3A_230, %add3A_395] : memref<128x256xf32, #tpu.memory_space<vmem>>[vector<16xi32>, vector<16xi32>], vector<16xf32>,
        %gather3A_397 = tpu.vector_load_idx %arg11[%add3A_233, %add3A_395] : memref<128x256xf32, #tpu.memory_space<vmem>>[vector<16xi32>, vector<16xi32>], vector<16xf32>,
        %mul3A_398 = arith.mulf %gather3A_396, %gather3A_397 : vector<16xf32>
        %add3A_399 = arith.addf %add3A_365, %mul3A_398 : vector<16xf32>
        %mul3A_400 = arith.mulf %gather3A_396, %gather3A_396 : vector<16xf32>
        %add3A_401 = arith.addf %add3A_367, %mul3A_400 : vector<16xf32>
        %mul3A_402 = arith.mulf %gather3A_397, %gather3A_397 : vector<16xf32>
        %add3A_403 = arith.addf %add3A_369, %mul3A_402 : vector<16xf32>
        %add3A_404 = arith.constant 1 : i32
        %add3A_405 = vector.broadcast %add3A_404 : i32 to vector<16xi32>
        %add3A_406 = arith.addi %and3A_392, %add3A_405 : vector<16xi32>
        %and3A_407 = arith.constant 127 : i32
        %and3A_408 = vector.broadcast %and3A_407 : i32 to vector<16xi32>
        %and3A_409 = arith.andi %add3A_406, %and3A_408 : vector<16xi32>
        scf.yield %and3A_409, %add3A_382, %add3A_399, %add3A_384, %add3A_401, %add3A_386, %add3A_403 : vector<16xi32>, vector<16xf32>, vector<16xf32>, vector<16xf32>, vector<16xf32>, vector<16xf32>, vector<16xf32>
      }
      %scan3A_242 = arith.constant 16 : i32
      %iota3A_243 = tpu.iota {dimensions = array<i32: 0>} : vector<16xi32>
      %scan3A_244 = arith.constant 0 : i32
      %scan3A_245 = arith.constant 16 : i32
      %scan3A_246 = arith.addi %scan3A_244, %scan3A_245 : i32
      %scan3A_247 = arith.constant 1 : i32
      %scan3A_248:7 = scf.for %scan3A_268 = %scan3A_244 to %scan3A_246 step %scan3A_247 iter_args(%scan3A_269 = %iota3A_243, %scan3A_270 = %scan3A_241#1, %scan3A_271 = %scan3A_241#2, %scan3A_272 = %scan3A_241#3, %scan3A_273 = %scan3A_241#4, %scan3A_274 = %scan3A_241#5, %scan3A_275 = %scan3A_241#6) -> (vector<16xi32>, vector<16xf32>, vector<16xf32>, vector<16xf32>, vector<16xf32>, vector<16xf32>, vector<16xf32>)  : i32 {
        %add3A_276 = arith.constant 128 : i32
        %add3A_277 = vector.broadcast %add3A_276 : i32 to vector<16xi32>
        %add3A_278 = arith.addi %scan3A_269, %add3A_277 : vector<16xi32>
        %gather3A = tpu.vector_load_idx %arg12[%add3A_230, %add3A_278] : memref<128x256xf32, #tpu.memory_space<vmem>>[vector<16xi32>, vector<16xi32>], vector<16xf32>,
        %gather3A_279 = tpu.vector_load_idx %arg11[%add3A_233, %add3A_278] : memref<128x256xf32, #tpu.memory_space<vmem>>[vector<16xi32>, vector<16xi32>], vector<16xf32>,
        %mul3A_280 = arith.mulf %gather3A, %gather3A_279 : vector<16xf32>
        %add3A_281 = arith.addf %scan3A_270, %mul3A_280 : vector<16xf32>
        %mul3A_282 = arith.mulf %gather3A, %gather3A : vector<16xf32>
        %add3A_283 = arith.addf %scan3A_272, %mul3A_282 : vector<16xf32>
        %mul3A_284 = arith.mulf %gather3A_279, %gather3A_279 : vector<16xf32>
        %add3A_285 = arith.addf %scan3A_274, %mul3A_284 : vector<16xf32>
        %add3A_286 = arith.constant 1 : i32
        %add3A_287 = vector.broadcast %add3A_286 : i32 to vector<16xi32>
        %add3A_288 = arith.addi %scan3A_269, %add3A_287 : vector<16xi32>
        %and3A = arith.constant 127 : i32
        %and3A_289 = vector.broadcast %and3A : i32 to vector<16xi32>
        %and3A_290 = arith.andi %add3A_288, %and3A_289 : vector<16xi32>
        %add3A_291 = arith.constant 128 : i32
        %add3A_292 = vector.broadcast %add3A_291 : i32 to vector<16xi32>
        %add3A_293 = arith.addi %and3A_290, %add3A_292 : vector<16xi32>
        %gather3A_294 = tpu.vector_load_idx %arg12[%add3A_230, %add3A_293] : memref<128x256xf32, #tpu.memory_space<vmem>>[vector<16xi32>, vector<16xi32>], vector<16xf32>,
        %gather3A_295 = tpu.vector_load_idx %arg11[%add3A_233, %add3A_293] : memref<128x256xf32, #tpu.memory_space<vmem>>[vector<16xi32>, vector<16xi32>], vector<16xf32>,
        %mul3A_296 = arith.mulf %gather3A_294, %gather3A_295 : vector<16xf32>
        %add3A_297 = arith.addf %scan3A_271, %mul3A_296 : vector<16xf32>
        %mul3A_298 = arith.mulf %gather3A_294, %gather3A_294 : vector<16xf32>
        %add3A_299 = arith.addf %scan3A_273, %mul3A_298 : vector<16xf32>
        %mul3A_300 = arith.mulf %gather3A_295, %gather3A_295 : vector<16xf32>
        %add3A_301 = arith.addf %scan3A_275, %mul3A_300 : vector<16xf32>
        %add3A_302 = arith.constant 1 : i32
        %add3A_303 = vector.broadcast %add3A_302 : i32 to vector<16xi32>
        %add3A_304 = arith.addi %and3A_290, %add3A_303 : vector<16xi32>
        %and3A_305 = arith.constant 127 : i32
        %and3A_306 = vector.broadcast %and3A_305 : i32 to vector<16xi32>
        %and3A_307 = arith.andi %add3A_304, %and3A_306 : vector<16xi32>
        %add3A_308 = arith.constant 128 : i32
        %add3A_309 = vector.broadcast %add3A_308 : i32 to vector<16xi32>
        %add3A_310 = arith.addi %and3A_307, %add3A_309 : vector<16xi32>
        %gather3A_311 = tpu.vector_load_idx %arg12[%add3A_230, %add3A_310] : memref<128x256xf32, #tpu.memory_space<vmem>>[vector<16xi32>, vector<16xi32>], vector<16xf32>,
        %gather3A_312 = tpu.vector_load_idx %arg11[%add3A_233, %add3A_310] : memref<128x256xf32, #tpu.memory_space<vmem>>[vector<16xi32>, vector<16xi32>], vector<16xf32>,
        %mul3A_313 = arith.mulf %gather3A_311, %gather3A_312 : vector<16xf32>
        %add3A_314 = arith.addf %add3A_281, %mul3A_313 : vector<16xf32>
        %mul3A_315 = arith.mulf %gather3A_311, %gather3A_311 : vector<16xf32>
        %add3A_316 = arith.addf %add3A_283, %mul3A_315 : vector<16xf32>
        %mul3A_317 = arith.mulf %gather3A_312, %gather3A_312 : vector<16xf32>
        %add3A_318 = arith.addf %add3A_285, %mul3A_317 : vector<16xf32>
        %add3A_319 = arith.constant 1 : i32
        %add3A_320 = vector.broadcast %add3A_319 : i32 to vector<16xi32>
        %add3A_321 = arith.addi %and3A_307, %add3A_320 : vector<16xi32>
        %and3A_322 = arith.constant 127 : i32
        %and3A_323 = vector.broadcast %and3A_322 : i32 to vector<16xi32>
        %and3A_324 = arith.andi %add3A_321, %and3A_323 : vector<16xi32>
        %add3A_325 = arith.constant 128 : i32
        %add3A_326 = vector.broadcast %add3A_325 : i32 to vector<16xi32>
        %add3A_327 = arith.addi %and3A_324, %add3A_326 : vector<16xi32>
        %gather3A_328 = tpu.vector_load_idx %arg12[%add3A_230, %add3A_327] : memref<128x256xf32, #tpu.memory_space<vmem>>[vector<16xi32>, vector<16xi32>], vector<16xf32>,
        %gather3A_329 = tpu.vector_load_idx %arg11[%add3A_233, %add3A_327] : memref<128x256xf32, #tpu.memory_space<vmem>>[vector<16xi32>, vector<16xi32>], vector<16xf32>,
        %mul3A_330 = arith.mulf %gather3A_328, %gather3A_329 : vector<16xf32>
        %add3A_331 = arith.addf %add3A_297, %mul3A_330 : vector<16xf32>
        %mul3A_332 = arith.mulf %gather3A_328, %gather3A_328 : vector<16xf32>
        %add3A_333 = arith.addf %add3A_299, %mul3A_332 : vector<16xf32>
        %mul3A_334 = arith.mulf %gather3A_329, %gather3A_329 : vector<16xf32>
        %add3A_335 = arith.addf %add3A_301, %mul3A_334 : vector<16xf32>
        %add3A_336 = arith.constant 1 : i32
        %add3A_337 = vector.broadcast %add3A_336 : i32 to vector<16xi32>
        %add3A_338 = arith.addi %and3A_324, %add3A_337 : vector<16xi32>
        %and3A_339 = arith.constant 127 : i32
        %and3A_340 = vector.broadcast %and3A_339 : i32 to vector<16xi32>
        %and3A_341 = arith.andi %add3A_338, %and3A_340 : vector<16xi32>
        %add3A_342 = arith.constant 128 : i32
        %add3A_343 = vector.broadcast %add3A_342 : i32 to vector<16xi32>
        %add3A_344 = arith.addi %and3A_341, %add3A_343 : vector<16xi32>
        %gather3A_345 = tpu.vector_load_idx %arg12[%add3A_230, %add3A_344] : memref<128x256xf32, #tpu.memory_space<vmem>>[vector<16xi32>, vector<16xi32>], vector<16xf32>,
        %gather3A_346 = tpu.vector_load_idx %arg11[%add3A_233, %add3A_344] : memref<128x256xf32, #tpu.memory_space<vmem>>[vector<16xi32>, vector<16xi32>], vector<16xf32>,
        %mul3A_347 = arith.mulf %gather3A_345, %gather3A_346 : vector<16xf32>
        %add3A_348 = arith.addf %add3A_314, %mul3A_347 : vector<16xf32>
        %mul3A_349 = arith.mulf %gather3A_345, %gather3A_345 : vector<16xf32>
        %add3A_350 = arith.addf %add3A_316, %mul3A_349 : vector<16xf32>
        %mul3A_351 = arith.mulf %gather3A_346, %gather3A_346 : vector<16xf32>
        %add3A_352 = arith.addf %add3A_318, %mul3A_351 : vector<16xf32>
        %add3A_353 = arith.constant 1 : i32
        %add3A_354 = vector.broadcast %add3A_353 : i32 to vector<16xi32>
        %add3A_355 = arith.addi %and3A_341, %add3A_354 : vector<16xi32>
        %and3A_356 = arith.constant 127 : i32
        %and3A_357 = vector.broadcast %and3A_356 : i32 to vector<16xi32>
        %and3A_358 = arith.andi %add3A_355, %and3A_357 : vector<16xi32>
        %add3A_359 = arith.constant 128 : i32
        %add3A_360 = vector.broadcast %add3A_359 : i32 to vector<16xi32>
        %add3A_361 = arith.addi %and3A_358, %add3A_360 : vector<16xi32>
        %gather3A_362 = tpu.vector_load_idx %arg12[%add3A_230, %add3A_361] : memref<128x256xf32, #tpu.memory_space<vmem>>[vector<16xi32>, vector<16xi32>], vector<16xf32>,
        %gather3A_363 = tpu.vector_load_idx %arg11[%add3A_233, %add3A_361] : memref<128x256xf32, #tpu.memory_space<vmem>>[vector<16xi32>, vector<16xi32>], vector<16xf32>,
        %mul3A_364 = arith.mulf %gather3A_362, %gather3A_363 : vector<16xf32>
        %add3A_365 = arith.addf %add3A_331, %mul3A_364 : vector<16xf32>
        %mul3A_366 = arith.mulf %gather3A_362, %gather3A_362 : vector<16xf32>
        %add3A_367 = arith.addf %add3A_333, %mul3A_366 : vector<16xf32>
        %mul3A_368 = arith.mulf %gather3A_363, %gather3A_363 : vector<16xf32>
        %add3A_369 = arith.addf %add3A_335, %mul3A_368 : vector<16xf32>
        %add3A_370 = arith.constant 1 : i32
        %add3A_371 = vector.broadcast %add3A_370 : i32 to vector<16xi32>
        %add3A_372 = arith.addi %and3A_358, %add3A_371 : vector<16xi32>
        %and3A_373 = arith.constant 127 : i32
        %and3A_374 = vector.broadcast %and3A_373 : i32 to vector<16xi32>
        %and3A_375 = arith.andi %add3A_372, %and3A_374 : vector<16xi32>
        %add3A_376 = arith.constant 128 : i32
        %add3A_377 = vector.broadcast %add3A_376 : i32 to vector<16xi32>
        %add3A_378 = arith.addi %and3A_375, %add3A_377 : vector<16xi32>
        %gather3A_379 = tpu.vector_load_idx %arg12[%add3A_230, %add3A_378] : memref<128x256xf32, #tpu.memory_space<vmem>>[vector<16xi32>, vector<16xi32>], vector<16xf32>,
        %gather3A_380 = tpu.vector_load_idx %arg11[%add3A_233, %add3A_378] : memref<128x256xf32, #tpu.memory_space<vmem>>[vector<16xi32>, vector<16xi32>], vector<16xf32>,
        %mul3A_381 = arith.mulf %gather3A_379, %gather3A_380 : vector<16xf32>
        %add3A_382 = arith.addf %add3A_348, %mul3A_381 : vector<16xf32>
        %mul3A_383 = arith.mulf %gather3A_379, %gather3A_379 : vector<16xf32>
        %add3A_384 = arith.addf %add3A_350, %mul3A_383 : vector<16xf32>
        %mul3A_385 = arith.mulf %gather3A_380, %gather3A_380 : vector<16xf32>
        %add3A_386 = arith.addf %add3A_352, %mul3A_385 : vector<16xf32>
        %add3A_387 = arith.constant 1 : i32
        %add3A_388 = vector.broadcast %add3A_387 : i32 to vector<16xi32>
        %add3A_389 = arith.addi %and3A_375, %add3A_388 : vector<16xi32>
        %and3A_390 = arith.constant 127 : i32
        %and3A_391 = vector.broadcast %and3A_390 : i32 to vector<16xi32>
        %and3A_392 = arith.andi %add3A_389, %and3A_391 : vector<16xi32>
        %add3A_393 = arith.constant 128 : i32
        %add3A_394 = vector.broadcast %add3A_393 : i32 to vector<16xi32>
        %add3A_395 = arith.addi %and3A_392, %add3A_394 : vector<16xi32>
        %gather3A_396 = tpu.vector_load_idx %arg12[%add3A_230, %add3A_395] : memref<128x256xf32, #tpu.memory_space<vmem>>[vector<16xi32>, vector<16xi32>], vector<16xf32>,
        %gather3A_397 = tpu.vector_load_idx %arg11[%add3A_233, %add3A_395] : memref<128x256xf32, #tpu.memory_space<vmem>>[vector<16xi32>, vector<16xi32>], vector<16xf32>,
        %mul3A_398 = arith.mulf %gather3A_396, %gather3A_397 : vector<16xf32>
        %add3A_399 = arith.addf %add3A_365, %mul3A_398 : vector<16xf32>
        %mul3A_400 = arith.mulf %gather3A_396, %gather3A_396 : vector<16xf32>
        %add3A_401 = arith.addf %add3A_367, %mul3A_400 : vector<16xf32>
        %mul3A_402 = arith.mulf %gather3A_397, %gather3A_397 : vector<16xf32>
        %add3A_403 = arith.addf %add3A_369, %mul3A_402 : vector<16xf32>
        %add3A_404 = arith.constant 1 : i32
        %add3A_405 = vector.broadcast %add3A_404 : i32 to vector<16xi32>
        %add3A_406 = arith.addi %and3A_392, %add3A_405 : vector<16xi32>
        %and3A_407 = arith.constant 127 : i32
        %and3A_408 = vector.broadcast %and3A_407 : i32 to vector<16xi32>
        %and3A_409 = arith.andi %add3A_406, %and3A_408 : vector<16xi32>
        scf.yield %and3A_409, %add3A_382, %add3A_399, %add3A_384, %add3A_401, %add3A_386, %add3A_403 : vector<16xi32>, vector<16xf32>, vector<16xf32>, vector<16xf32>, vector<16xf32>, vector<16xf32>, vector<16xf32>
      }
      %scan3A_249 = arith.constant 16 : i32
      %add3A_250 = arith.addf %scan3A_248#1, %scan3A_248#2 : vector<16xf32>
      %add3A_251 = arith.addf %scan3A_248#3, %scan3A_248#4 : vector<16xf32>
      %add3A_252 = arith.addf %scan3A_248#5, %scan3A_248#6 : vector<16xf32>
      %mul3A_253 = arith.constant 16 : i32
      %mul3A_254 = arith.muli %scan3A_222, %mul3A_253 : i32
      %swap3A_255 = arith.constant 5 : i32
      %swap3A_256 = arith.index_cast %swap3A_255 : i32 to index
      %swap3A_257 = arith.index_cast %mul3A_254 : i32 to index
      %swap3A_258 = tpu.vector_load %arg14[%swap3A_256, %swap3A_257] {strides = array<i32>} : memref<8x128xf32, #tpu.memory_space<vmem>>, vector<16xf32>,
      tpu.vector_store %arg14[%swap3A_256, %swap3A_257], %add3A_250 {strides = array<i32>} : memref<8x128xf32, #tpu.memory_space<vmem>>, vector<16xf32>,
      %swap3A_259 = arith.constant 6 : i32
      %swap3A_260 = arith.index_cast %swap3A_259 : i32 to index
      %swap3A_261 = arith.index_cast %mul3A_254 : i32 to index
      %swap3A_262 = tpu.vector_load %arg14[%swap3A_260, %swap3A_261] {strides = array<i32>} : memref<8x128xf32, #tpu.memory_space<vmem>>, vector<16xf32>,
      tpu.vector_store %arg14[%swap3A_260, %swap3A_261], %add3A_251 {strides = array<i32>} : memref<8x128xf32, #tpu.memory_space<vmem>>, vector<16xf32>,
      %swap3A_263 = arith.constant 7 : i32
      %swap3A_264 = arith.index_cast %swap3A_263 : i32 to index
      %swap3A_265 = arith.index_cast %mul3A_254 : i32 to index
      %swap3A_266 = tpu.vector_load %arg14[%swap3A_264, %swap3A_265] {strides = array<i32>} : memref<8x128xf32, #tpu.memory_space<vmem>>, vector<16xf32>,
      tpu.vector_store %arg14[%swap3A_264, %swap3A_265], %add3A_252 {strides = array<i32>} : memref<8x128xf32, #tpu.memory_space<vmem>>, vector<16xf32>,
      %scan3A_267 = arith.constant 0 : i32
      scf.yield %scan3A_267 : i32
    }
    %scan3A_213 = arith.constant 4 : i32
    %broadcast_in_dim3A = arith.constant 0.000000e+00 : f32
    %broadcast_in_dim3A_214 = vector.broadcast %broadcast_in_dim3A : f32 to vector<16xf32>
    %scan3A_215 = arith.constant 0 : i32
    %scan3A_216 = arith.constant 8 : i32
    %scan3A_217 = arith.addi %scan3A_215, %scan3A_216 : i32
    %scan3A_218 = arith.constant 1 : i32
    %scan3A_219 = scf.for %scan3A_222 = %scan3A_215 to %scan3A_217 step %scan3A_218 iter_args(%scan3A_223 = %broadcast_in_dim3A_214) -> (vector<16xf32>)  : i32 {
      %mul3A_224 = arith.constant 16 : i32
      %mul3A_225 = arith.muli %scan3A_222, %mul3A_224 : i32
      %get3A = arith.constant 0 : i32
      %get3A_226 = arith.index_cast %get3A : i32 to index
      %get3A_227 = arith.index_cast %mul3A_225 : i32 to index
      %get3A_228 = tpu.vector_load %arg14[%get3A_226, %get3A_227] {strides = array<i32>} : memref<8x128xf32, #tpu.memory_space<vmem>>, vector<16xf32>,
      %get3A_229 = arith.constant 1 : i32
      %get3A_230 = arith.index_cast %get3A_229 : i32 to index
      %get3A_231 = arith.index_cast %mul3A_225 : i32 to index
      %get3A_232 = tpu.vector_load %arg14[%get3A_230, %get3A_231] {strides = array<i32>} : memref<8x128xf32, #tpu.memory_space<vmem>>, vector<16xf32>,
      %get3A_233 = arith.constant 2 : i32
      %get3A_234 = arith.index_cast %get3A_233 : i32 to index
      %get3A_235 = arith.index_cast %mul3A_225 : i32 to index
      %get3A_236 = tpu.vector_load %arg14[%get3A_234, %get3A_235] {strides = array<i32>} : memref<8x128xf32, #tpu.memory_space<vmem>>, vector<16xf32>,
      %mul3A_237 = arith.mulf %get3A_232, %get3A_236 : vector<16xf32>
      %bitcast3A = vector.bitcast %mul3A_237 : vector<16xf32> to vector<16xi32>
      %shift_right_arithmetic3A = arith.constant 1 : i32
      %shift_right_arithmetic3A_238 = vector.broadcast %shift_right_arithmetic3A : i32 to vector<16xi32>
      %shift_right_arithmetic3A_239 = arith.shrsi %bitcast3A, %shift_right_arithmetic3A_238 : vector<16xi32>
      %sub3A = arith.constant 1597463007 : i32
      %sub3A_240 = vector.broadcast %sub3A : i32 to vector<16xi32>
      %sub3A_241 = arith.subi %sub3A_240, %shift_right_arithmetic3A_239 : vector<16xi32>
      %bitcast3A_242 = vector.bitcast %sub3A_241 : vector<16xi32> to vector<16xf32>
      %mul3A_243 = arith.constant 5.000000e-01 : f32
      %mul3A_244 = vector.broadcast %mul3A_243 : f32 to vector<16xf32>
      %mul3A_245 = arith.mulf %mul3A_244, %mul3A_237 : vector<16xf32>
      %mul3A_246 = arith.mulf %mul3A_245, %bitcast3A_242 : vector<16xf32>
      %mul3A_247 = arith.mulf %mul3A_246, %bitcast3A_242 : vector<16xf32>
      %sub3A_248 = arith.constant 1.500000e+00 : f32
      %sub3A_249 = vector.broadcast %sub3A_248 : f32 to vector<16xf32>
      %sub3A_250 = arith.subf %sub3A_249, %mul3A_247 : vector<16xf32>
      %mul3A_251 = arith.mulf %bitcast3A_242, %sub3A_250 : vector<16xf32>
      %mul3A_252 = arith.constant 5.000000e-01 : f32
      %mul3A_253 = vector.broadcast %mul3A_252 : f32 to vector<16xf32>
      %mul3A_254 = arith.mulf %mul3A_253, %mul3A_237 : vector<16xf32>
      %mul3A_255 = arith.mulf %mul3A_254, %mul3A_251 : vector<16xf32>
      %mul3A_256 = arith.mulf %mul3A_255, %mul3A_251 : vector<16xf32>
      %sub3A_257 = arith.constant 1.500000e+00 : f32
      %sub3A_258 = vector.broadcast %sub3A_257 : f32 to vector<16xf32>
      %sub3A_259 = arith.subf %sub3A_258, %mul3A_256 : vector<16xf32>
      %mul3A_260 = arith.mulf %mul3A_251, %sub3A_259 : vector<16xf32>
      %mul3A_261 = arith.constant 5.000000e-01 : f32
      %mul3A_262 = vector.broadcast %mul3A_261 : f32 to vector<16xf32>
      %mul3A_263 = arith.mulf %mul3A_262, %mul3A_237 : vector<16xf32>
      %mul3A_264 = arith.mulf %mul3A_263, %mul3A_260 : vector<16xf32>
      %mul3A_265 = arith.mulf %mul3A_264, %mul3A_260 : vector<16xf32>
      %sub3A_266 = arith.constant 1.500000e+00 : f32
      %sub3A_267 = vector.broadcast %sub3A_266 : f32 to vector<16xf32>
      %sub3A_268 = arith.subf %sub3A_267, %mul3A_265 : vector<16xf32>
      %mul3A_269 = arith.mulf %mul3A_260, %sub3A_268 : vector<16xf32>
      %mul3A_270 = arith.mulf %mul3A_237, %mul3A_269 : vector<16xf32>
      %max3A = arith.constant 9.99999993E-9 : f32
      %max3A_271 = vector.broadcast %max3A : f32 to vector<16xf32>
      %max3A_272 = arith.maximumf %mul3A_270, %max3A_271 : vector<16xf32>
      %div3A = arith.divf %get3A_228, %max3A_272 : vector<16xf32>
      %get3A_273 = arith.constant 3 : i32
      %get3A_274 = arith.index_cast %get3A_273 : i32 to index
      %get3A_275 = arith.index_cast %mul3A_225 : i32 to index
      %get3A_276 = tpu.vector_load %arg14[%get3A_274, %get3A_275] {strides = array<i32>} : memref<8x128xf32, #tpu.memory_space<vmem>>, vector<16xf32>,
      %get3A_277 = arith.constant 1 : i32
      %get3A_278 = arith.index_cast %get3A_277 : i32 to index
      %get3A_279 = arith.index_cast %mul3A_225 : i32 to index
      %get3A_280 = tpu.vector_load %arg14[%get3A_278, %get3A_279] {strides = array<i32>} : memref<8x128xf32, #tpu.memory_space<vmem>>, vector<16xf32>,
      %get3A_281 = arith.constant 4 : i32
      %get3A_282 = arith.index_cast %get3A_281 : i32 to index
      %get3A_283 = arith.index_cast %mul3A_225 : i32 to index
      %get3A_284 = tpu.vector_load %arg14[%get3A_282, %get3A_283] {strides = array<i32>} : memref<8x128xf32, #tpu.memory_space<vmem>>, vector<16xf32>,
      %mul3A_285 = arith.mulf %get3A_280, %get3A_284 : vector<16xf32>
      %bitcast3A_286 = vector.bitcast %mul3A_285 : vector<16xf32> to vector<16xi32>
      %shift_right_arithmetic3A_287 = arith.constant 1 : i32
      %shift_right_arithmetic3A_288 = vector.broadcast %shift_right_arithmetic3A_287 : i32 to vector<16xi32>
      %shift_right_arithmetic3A_289 = arith.shrsi %bitcast3A_286, %shift_right_arithmetic3A_288 : vector<16xi32>
      %sub3A_290 = arith.constant 1597463007 : i32
      %sub3A_291 = vector.broadcast %sub3A_290 : i32 to vector<16xi32>
      %sub3A_292 = arith.subi %sub3A_291, %shift_right_arithmetic3A_289 : vector<16xi32>
      %bitcast3A_293 = vector.bitcast %sub3A_292 : vector<16xi32> to vector<16xf32>
      %mul3A_294 = arith.constant 5.000000e-01 : f32
      %mul3A_295 = vector.broadcast %mul3A_294 : f32 to vector<16xf32>
      %mul3A_296 = arith.mulf %mul3A_295, %mul3A_285 : vector<16xf32>
      %mul3A_297 = arith.mulf %mul3A_296, %bitcast3A_293 : vector<16xf32>
      %mul3A_298 = arith.mulf %mul3A_297, %bitcast3A_293 : vector<16xf32>
      %sub3A_299 = arith.constant 1.500000e+00 : f32
      %sub3A_300 = vector.broadcast %sub3A_299 : f32 to vector<16xf32>
      %sub3A_301 = arith.subf %sub3A_300, %mul3A_298 : vector<16xf32>
      %mul3A_302 = arith.mulf %bitcast3A_293, %sub3A_301 : vector<16xf32>
      %mul3A_303 = arith.constant 5.000000e-01 : f32
      %mul3A_304 = vector.broadcast %mul3A_303 : f32 to vector<16xf32>
      %mul3A_305 = arith.mulf %mul3A_304, %mul3A_285 : vector<16xf32>
      %mul3A_306 = arith.mulf %mul3A_305, %mul3A_302 : vector<16xf32>
      %mul3A_307 = arith.mulf %mul3A_306, %mul3A_302 : vector<16xf32>
      %sub3A_308 = arith.constant 1.500000e+00 : f32
      %sub3A_309 = vector.broadcast %sub3A_308 : f32 to vector<16xf32>
      %sub3A_310 = arith.subf %sub3A_309, %mul3A_307 : vector<16xf32>
      %mul3A_311 = arith.mulf %mul3A_302, %sub3A_310 : vector<16xf32>
      %mul3A_312 = arith.constant 5.000000e-01 : f32
      %mul3A_313 = vector.broadcast %mul3A_312 : f32 to vector<16xf32>
      %mul3A_314 = arith.mulf %mul3A_313, %mul3A_285 : vector<16xf32>
      %mul3A_315 = arith.mulf %mul3A_314, %mul3A_311 : vector<16xf32>
      %mul3A_316 = arith.mulf %mul3A_315, %mul3A_311 : vector<16xf32>
      %sub3A_317 = arith.constant 1.500000e+00 : f32
      %sub3A_318 = vector.broadcast %sub3A_317 : f32 to vector<16xf32>
      %sub3A_319 = arith.subf %sub3A_318, %mul3A_316 : vector<16xf32>
      %mul3A_320 = arith.mulf %mul3A_311, %sub3A_319 : vector<16xf32>
      %mul3A_321 = arith.mulf %mul3A_285, %mul3A_320 : vector<16xf32>
      %max3A_322 = arith.constant 9.99999993E-9 : f32
      %max3A_323 = vector.broadcast %max3A_322 : f32 to vector<16xf32>
      %max3A_324 = arith.maximumf %mul3A_321, %max3A_323 : vector<16xf32>
      %div3A_325 = arith.divf %get3A_276, %max3A_324 : vector<16xf32>
      %get3A_326 = arith.constant 5 : i32
      %get3A_327 = arith.index_cast %get3A_326 : i32 to index
      %get3A_328 = arith.index_cast %mul3A_225 : i32 to index
      %get3A_329 = tpu.vector_load %arg14[%get3A_327, %get3A_328] {strides = array<i32>} : memref<8x128xf32, #tpu.memory_space<vmem>>, vector<16xf32>,
      %get3A_330 = arith.constant 6 : i32
      %get3A_331 = arith.index_cast %get3A_330 : i32 to index
      %get3A_332 = arith.index_cast %mul3A_225 : i32 to index
      %get3A_333 = tpu.vector_load %arg14[%get3A_331, %get3A_332] {strides = array<i32>} : memref<8x128xf32, #tpu.memory_space<vmem>>, vector<16xf32>,
      %get3A_334 = arith.constant 7 : i32
      %get3A_335 = arith.index_cast %get3A_334 : i32 to index
      %get3A_336 = arith.index_cast %mul3A_225 : i32 to index
      %get3A_337 = tpu.vector_load %arg14[%get3A_335, %get3A_336] {strides = array<i32>} : memref<8x128xf32, #tpu.memory_space<vmem>>, vector<16xf32>,
      %mul3A_338 = arith.mulf %get3A_333, %get3A_337 : vector<16xf32>
      %bitcast3A_339 = vector.bitcast %mul3A_338 : vector<16xf32> to vector<16xi32>
      %shift_right_arithmetic3A_340 = arith.constant 1 : i32
      %shift_right_arithmetic3A_341 = vector.broadcast %shift_right_arithmetic3A_340 : i32 to vector<16xi32>
      %shift_right_arithmetic3A_342 = arith.shrsi %bitcast3A_339, %shift_right_arithmetic3A_341 : vector<16xi32>
      %sub3A_343 = arith.constant 1597463007 : i32
      %sub3A_344 = vector.broadcast %sub3A_343 : i32 to vector<16xi32>
      %sub3A_345 = arith.subi %sub3A_344, %shift_right_arithmetic3A_342 : vector<16xi32>
      %bitcast3A_346 = vector.bitcast %sub3A_345 : vector<16xi32> to vector<16xf32>
      %mul3A_347 = arith.constant 5.000000e-01 : f32
      %mul3A_348 = vector.broadcast %mul3A_347 : f32 to vector<16xf32>
      %mul3A_349 = arith.mulf %mul3A_348, %mul3A_338 : vector<16xf32>
      %mul3A_350 = arith.mulf %mul3A_349, %bitcast3A_346 : vector<16xf32>
      %mul3A_351 = arith.mulf %mul3A_350, %bitcast3A_346 : vector<16xf32>
      %sub3A_352 = arith.constant 1.500000e+00 : f32
      %sub3A_353 = vector.broadcast %sub3A_352 : f32 to vector<16xf32>
      %sub3A_354 = arith.subf %sub3A_353, %mul3A_351 : vector<16xf32>
      %mul3A_355 = arith.mulf %bitcast3A_346, %sub3A_354 : vector<16xf32>
      %mul3A_356 = arith.constant 5.000000e-01 : f32
      %mul3A_357 = vector.broadcast %mul3A_356 : f32 to vector<16xf32>
      %mul3A_358 = arith.mulf %mul3A_357, %mul3A_338 : vector<16xf32>
      %mul3A_359 = arith.mulf %mul3A_358, %mul3A_355 : vector<16xf32>
      %mul3A_360 = arith.mulf %mul3A_359, %mul3A_355 : vector<16xf32>
      %sub3A_361 = arith.constant 1.500000e+00 : f32
      %sub3A_362 = vector.broadcast %sub3A_361 : f32 to vector<16xf32>
      %sub3A_363 = arith.subf %sub3A_362, %mul3A_360 : vector<16xf32>
      %mul3A_364 = arith.mulf %mul3A_355, %sub3A_363 : vector<16xf32>
      %mul3A_365 = arith.constant 5.000000e-01 : f32
      %mul3A_366 = vector.broadcast %mul3A_365 : f32 to vector<16xf32>
      %mul3A_367 = arith.mulf %mul3A_366, %mul3A_338 : vector<16xf32>
      %mul3A_368 = arith.mulf %mul3A_367, %mul3A_364 : vector<16xf32>
      %mul3A_369 = arith.mulf %mul3A_368, %mul3A_364 : vector<16xf32>
      %sub3A_370 = arith.constant 1.500000e+00 : f32
      %sub3A_371 = vector.broadcast %sub3A_370 : f32 to vector<16xf32>
      %sub3A_372 = arith.subf %sub3A_371, %mul3A_369 : vector<16xf32>
      %mul3A_373 = arith.mulf %mul3A_364, %sub3A_372 : vector<16xf32>
      %mul3A_374 = arith.mulf %mul3A_338, %mul3A_373 : vector<16xf32>
      %max3A_375 = arith.constant 9.99999993E-9 : f32
      %max3A_376 = vector.broadcast %max3A_375 : f32 to vector<16xf32>
      %max3A_377 = arith.maximumf %mul3A_374, %max3A_376 : vector<16xf32>
      %div3A_378 = arith.divf %get3A_329, %max3A_377 : vector<16xf32>
      %sub3A_379 = arith.subf %div3A, %div3A_378 : vector<16xf32>
      %abs3A = math.absf %sub3A_379 : vector<16xf32>
      %sub3A_380 = arith.constant 5.000000e-01 : f32
      %sub3A_381 = vector.broadcast %sub3A_380 : f32 to vector<16xf32>
      %sub3A_382 = arith.subf %sub3A_381, %div3A_325 : vector<16xf32>
      %max3A_383 = arith.constant 0.000000e+00 : f32
      %max3A_384 = vector.broadcast %max3A_383 : f32 to vector<16xf32>
      %max3A_385 = arith.maximumf %max3A_384, %sub3A_382 : vector<16xf32>
      %mul3A_386 = arith.constant 1.000000e-01 : f32
      %mul3A_387 = vector.broadcast %mul3A_386 : f32 to vector<16xf32>
      %mul3A_388 = arith.mulf %mul3A_387, %max3A_385 : vector<16xf32>
      %add3A_389 = arith.addf %abs3A, %mul3A_388 : vector<16xf32>
      %get3A_390 = arith.index_cast %mul3A_225 : i32 to index
      %get3A_391 = tpu.vector_load %arg8[%get3A_390] {strides = array<i32>} : memref<128xi32, #tpu.memory_space<vmem>>, vector<16xi32>,
      %get3A_392 = arith.index_cast %mul3A_225 : i32 to index
      %get3A_393 = tpu.vector_load %arg9[%get3A_392] {strides = array<i32>} : memref<128xi32, #tpu.memory_space<vmem>>, vector<16xi32>,
      %get3A_394 = arith.index_cast %mul3A_225 : i32 to index
      %get3A_395 = tpu.vector_load %arg10[%get3A_394] {strides = array<i32>} : memref<128xi32, #tpu.memory_space<vmem>>, vector<16xi32>,
      %ne3A = arith.cmpi ne, %get3A_395, %get3A_391 : vector<16xi32>
      %ne3A_396 = arith.cmpi ne, %get3A_395, %get3A_393 : vector<16xi32>
      %and3A = arith.andi %ne3A, %ne3A_396 : vector<16xi1>
      %jit3A = arith.constant 0.000000e+00 : f32
      %broadcast_in_dim3A_397 = vector.broadcast %jit3A : f32 to vector<16xf32>
      %select_n3A = arith.select %and3A, %add3A_389, %broadcast_in_dim3A_397 : vector<16xi1>, vector<16xf32>
      %add3A_398 = arith.addf %scan3A_223, %select_n3A : vector<16xf32>
      scf.yield %add3A_398 : vector<16xf32>
    }
    %scan3A_220 = arith.constant 8 : i32
    %swap3A = arith.constant 0 : index
    %swap3A_221 = tpu.vector_load %arg15[%swap3A] {strides = array<i32>} : memref<16xf32, #tpu.memory_space<vmem>>, vector<16xf32>,
    tpu.vector_store %arg15[%swap3A], %scan3A_219 {strides = array<i32>} : memref<16xf32, #tpu.memory_space<vmem>>, vector<16xf32>,
    "tpu.region"() ({
      %run_scoped3A = tpu.sem_alloc : memref<!tpu.dma_semaphore, #tpu.memory_space<semaphore_mem>>
      %dma_start3A_222 = arith.constant 0 : i32
      %dma_start3A_223 = tpu.memref_slice %arg7[%add3A, %dma_start3A_222] : memref<32x16xf32, #tpu.memory_space<hbm>> -> memref<1x16xf32, #tpu.memory_space<hbm>>
      %dma_start3A_224 = tpu.memref_squeeze %dma_start3A_223 : memref<1x16xf32, #tpu.memory_space<hbm>> -> memref<16xf32, #tpu.memory_space<hbm>>
      %dma_start3A_225 = arith.constant 0 : i32
      %dma_start3A_226 = tpu.memref_slice %arg7[%add3A, %dma_start3A_225] : memref<32x16xf32, #tpu.memory_space<hbm>> -> memref<1x16xf32, #tpu.memory_space<hbm>>
      %dma_start3A_227 = tpu.memref_squeeze %dma_start3A_226 : memref<1x16xf32, #tpu.memory_space<hbm>> -> memref<16xf32, #tpu.memory_space<hbm>>
      tpu.enqueue_dma source(%arg15 : memref<16xf32, #tpu.memory_space<vmem>>) target(%dma_start3A_227 : memref<16xf32, #tpu.memory_space<hbm>>) target_semaphore(%run_scoped3A : memref<!tpu.dma_semaphore, #tpu.memory_space<semaphore_mem>>)
      %dma_wait3A_228 = arith.constant 0 : i32
      %dma_wait3A_229 = tpu.memref_slice %arg7[%add3A, %dma_wait3A_228] : memref<32x16xf32, #tpu.memory_space<hbm>> -> memref<1x16xf32, #tpu.memory_space<hbm>>
      %dma_wait3A_230 = tpu.memref_squeeze %dma_wait3A_229 : memref<1x16xf32, #tpu.memory_space<hbm>> -> memref<16xf32, #tpu.memory_space<hbm>>
      %dma_wait3A_231 = arith.constant 0 : i32
      %dma_wait3A_232 = tpu.memref_slice %arg7[%add3A, %dma_wait3A_231] : memref<32x16xf32, #tpu.memory_space<hbm>> -> memref<1x16xf32, #tpu.memory_space<hbm>>
      %dma_wait3A_233 = tpu.memref_squeeze %dma_wait3A_232 : memref<1x16xf32, #tpu.memory_space<hbm>> -> memref<16xf32, #tpu.memory_space<hbm>>
      tpu.wait_dma2 semaphore(%run_scoped3A : memref<!tpu.dma_semaphore, #tpu.memory_space<semaphore_mem>>) src(%arg15 : memref<16xf32, #tpu.memory_space<vmem>>) dst(%dma_wait3A_233 : memref<16xf32, #tpu.memory_space<hbm>>)
      tpu.yield
    }) : () -> ()
    return
  }
}

</mosaic_0001>

<sc_bundles>
// kernel: kernel.3.cloned.1.call-start
scs
__scs_entry_jumppad:
0x0: {  	(pc) =	sbr.rel $0x88, $3  }
0x1: {  	(tag) =	ssettag $0x0;
	lr =	simm.s32 $0x1  }
0x2: {  	[smem:$0x3F9E] =	sst lr;
	_ =	strace $0xD0000000  }
0x3: {  	_ = 	snop  }
0x4: {  	_ = 	snop  }
0x5: {  	_ = 	snop  }
0x6: {  	_ = 	snop  }
0x7: {  	_ = 	snop  }
__scs_overlays_trampoline_lowered:
0x8: {  	[smem:$0x3FAD] =	sst s0  }
0x9: {  	[smem:$0x3FAE] =	sst s1  }
0xa: {  	[smem:$0x3FAF] =	sst s2  }
0xb: {  	[smem:$0x3FB0] =	sst s3  }
0xc: {  	[smem:$0x3FB1] =	sst s4  }
0xd: {  	[smem:$0x3FB2] =	sst s5  }
0xe: {  	[smem:$0x3FB3] =	sst s6  }
0xf: {  	[smem:$0x3FB4] =	sst s7  }
0x10: {  	[smem:$0x3FB5] =	sst s8  }
0x11: {  	[smem:$0x3FB6] =	sst s9;
	s0 =	simm.s32 @!p0 $0x0  }
0x12: {  	s1 =	sld [smem:$0x3F9C];
	s0 =	simm.s32 @p0 $0x1  }
0x13: {  	[smem:$0x3FB7] =	sst s0;
	s0 =	simm.s32 @!p1 $0x0  }
0x14: {  	s2 =	sld [smem:$0x3F9B];
	s0 =	simm.s32 @p1 $0x1  }
0x15: {  	[smem:$0x3FB8] =	sst s0;
	s0 =	simm.s32 @!p2 $0x0  }
0x16: {  	s3 =	sld [smem:$0x3FDB];
	s0 =	simm.s32 @p2 $0x1  }
0x17: {  	s4 =	simm.s32 $0x1BF5;
	[smem:$0x3FBA] =	sst s0  }
0x18: {  	s0 =	sld [smem:$0x3F9D];
	_ =	swait.ge [sflag:s4], $0x0  }
0x19: {  	s7 =	sld [smem:$0x3F9E]  }
0x1a: {  	s8 =	sadd.s32 $0xFFFFE003, lr  }
0x1b: {  	s9 =	sadd.s32 $0xFFFFFEF7, lr;
	s5 =	simm.s32 $0xFFFFFFFF;
	p2 =	slt.u32 s8, $0xFFFFF086  }
0x1c: {  	p1 =	slt.u32 s9, $0xF7A;
	s5 =	simm.s32 @!p2 $0x0  }
0x1d: {  	s5 =	simm.s32 @p1 $0x1;
	p0 =	seq.s32 s7, s2  }
0x1e: {  	s7 =	smul.u32 @!p0 $0xF7A, s2;
	p2 =	seq.s32 @!p0 s5, $0x0  }
0x1f: {  	s9 =	smul.u32 $0xF7A, s1;
	s8 =	simm.s32 @!p0 $0x1BF5;
	p2 =	por !p2, p0  }
0x20: {  	[sflag:s8] =	ssyncset.s32 @!p0 $0xFFFFF086;
	s6 =	sadd.s32 @!p0 s3, s7;
	s7 =	simm.s32 @!p0 $0x108  }
0x21: {  	s3 =	sadd.s32 s3, s9;
	s6 =	sadd.s32 @!p0 $0x88, s6;
	s7 =	simm.s32 @p2 $0x1082  }
0x22: {  	[simem:s7], [sflag:s8] =	dma.local @!p0 [hbm:s6], $0xF7A  }
0x23: {  	s9 =	sor.u32 $0xD0000000, s2;
	s6 =	simm.s32 $0x108;
	_ =	swait.ge @!p0 [sflag:s8], $0x0  }
0x24: {  	s3 =	sadd.s32 $0x88, s3;
	s6 =	simm.s32 @!p1 $0x1082;
	[sflag:s4] =	ssyncset.s32 $0xFFFFF086  }
0x25: {  	[simem:s6], [sflag:s4] =	dma.local [hbm:s3], $0xF7A  }
0x26: {  	[smem:$0x3F9E] =	sst s1;
	(tag) =	ssettag s2;
	_ =	strace s9  }
0x27: {  	s1 =	sld [smem:$0x3FAE]  }
0x28: {  	s2 =	sld [smem:$0x3FAF]  }
0x29: {  	s4 =	sld [smem:$0x3FB1]  }
0x2a: {  	p0 =	seq.s32 s5, $0x0;
	s5 =	sld [smem:$0x3FB2]  }
0x2b: {  	s6 =	sld [smem:$0x3FB3]  }
0x2c: {  	s7 =	sld [smem:$0x3FB4]  }
0x2d: {  	s3 =	simm.s32 $0x108;
	s8 =	sld [smem:$0x3FB5]  }
0x2e: {  	s3 =	simm.s32 @!p0 $0x1082;
	s9 =	sld [smem:$0x3FB6]  }
0x2f: {  	lr =	sadd.s32 s0, s3;
	s0 =	sld [smem:$0x3FAD]  }
0x30: {  	s3 =	sld [smem:$0x3FB0]  }
0x31: {  	[smem:$0x3FB9] =	sst s10  }
0x32: {  	s10 =	sld [smem:$0x3FB7];
	_ =	sdelay $0x3  }
0x33: {  	p0 =	seq.s32 s10, $0x1;
	s10 =	sld [smem:$0x3FB9];
	_ =	sdelay $0x3  }
0x34: {  	[smem:$0x3FB9] =	sst s10  }
0x35: {  	s10 =	sld [smem:$0x3FB8];
	_ =	sdelay $0x3  }
0x36: {  	p1 =	seq.s32 s10, $0x1;
	s10 =	sld [smem:$0x3FB9];
	_ =	sdelay $0x3  }
0x37: {  	[smem:$0x3FB9] =	sst s10  }
0x38: {  	s10 =	sld [smem:$0x3FBA]  }
0x39: {  	_ = 	snop;
	(pc) =	sbr.ind lr, $3  }
0x3a: {  	_ = 	snop  }
0x3b: {  	_ = 	snop  }
0x3c: {  	p2 =	seq.s32 s10, $0x1;
	s10 =	sld [smem:$0x3FB9]  }
0x3d: {  	_ =	shalt  }
0x3e: {  	_ =	shalt  }
0x3f: {  	_ =	shalt  }
0x40: {  	_ =	shalt  }
0x41: {  	_ =	shalt  }
0x42: {  	_ =	shalt  }
0x43: {  	_ =	shalt  }
0x44: {  	_ =	shalt  }
0x45: {  	_ =	shalt  }
0x46: {  	_ =	shalt  }
0x47: {  	_ =	shalt  }
0x48: {  	_ =	shalt  }
0x49: {  	_ =	shalt  }
0x4a: {  	_ =	shalt  }
0x4b: {  	_ =	shalt  }
0x4c: {  	_ =	shalt  }
0x4d: {  	_ =	shalt  }
0x4e: {  	_ =	shalt  }
0x4f: {  	_ =	shalt  }
0x50: {  	_ =	shalt  }
0x51: {  	_ =	shalt  }
0x52: {  	_ =	shalt  }
0x53: {  	_ =	shalt  }
0x54: {  	_ =	shalt  }
0x55: {  	_ =	shalt  }
0x56: {  	_ =	shalt  }
0x57: {  	_ =	shalt  }
0x58: {  	_ =	shalt  }
0x59: {  	_ =	shalt  }
0x5a: {  	_ =	shalt  }
0x5b: {  	_ =	shalt  }
0x5c: {  	_ =	shalt  }
0x5d: {  	_ =	shalt  }
0x5e: {  	_ =	shalt  }
0x5f: {  	_ =	shalt  }
0x60: {  	_ =	shalt  }
0x61: {  	_ =	shalt  }
0x62: {  	_ =	shalt  }
0x63: {  	_ =	shalt  }
0x64: {  	_ =	shalt  }
0x65: {  	_ =	shalt  }
0x66: {  	_ =	shalt  }
0x67: {  	_ =	shalt  }
0x68: {  	_ =	shalt  }
0x69: {  	_ =	shalt  }
0x6a: {  	_ =	shalt  }
0x6b: {  	_ =	shalt  }
0x6c: {  	_ =	shalt  }
0x6d: {  	_ =	shalt  }
0x6e: {  	_ =	shalt  }
0x6f: {  	_ =	shalt  }
0x70: {  	_ =	shalt  }
0x71: {  	_ =	shalt  }
0x72: {  	_ =	shalt  }
0x73: {  	_ =	shalt  }
0x74: {  	_ =	shalt  }
0x75: {  	_ =	shalt  }
0x76: {  	_ =	shalt  }
0x77: {  	_ =	shalt  }
0x78: {  	_ =	shalt  }
0x79: {  	_ =	shalt  }
0x7a: {  	_ =	shalt  }
0x7b: {  	_ =	shalt  }
0x7c: {  	_ =	shalt  }
0x7d: {  	_ =	shalt  }
0x7e: {  	_ =	shalt  }
0x7f: {  	_ =	shalt  }
0x80: {  	_ =	shalt  }
0x81: {  	_ =	shalt  }
0x82: {  	_ =	shalt  }
0x83: {  	_ =	shalt  }
0x84: {  	_ =	shalt  }
0x85: {  	_ =	shalt  }
0x86: {  	_ =	shalt  }
0x87: {  	_ =	shalt  }
.Lfunc_end0:
.L_simem_size_0:
called_computation_lowered:
.L_overlay_start_0:
0x88: {  	s2 =	sld [smem:$0x3FD9]  }
0x89: {  	s3 =	sld [smem:$0x3FFE];
	_ =	sdelay $0x1  }
0x8a: {  	s1 =	srdreg.scid  }
0x8b: {  	s0 =	sand.u32 $0x1, s1  }
0x8c: {  	s17 =	sshll.u32 s0, $0xA;
	s2 =	sadd.s32 s3, s2  }
0x8d: {  	s2 =	sadd.s32 s2, s17  }
0x8e: {  	[smem:$0x3FC5] =	sst s2  }
0x8f: {  	_ = 	snop  }
0x90: {  	s2 =	sld [smem:$0x3FC9]  }
0x91: {  	s18 =	sld [smem:$0x3FC8];
	(tm) =	ssettm $0x1  }
0x92: {  	s4 =	sld [smem:$0x3FFB];
	_ =	sdelay $0x3  }
0x93: {  	_ =	strace s4  }
0x94: {  	s4 =	sld [smem:$0x3FFC];
	_ =	sdelay $0x3  }
0x95: {  	_ =	strace s4  }
0x96: {  	s4 =	sld [smem:$0x3FFD];
	_ =	sdelay $0x3  }
0x97: {  	_ =	strace s4  }
0x98: {  	_ =	strace $0x8FFFFFFF  }
0x99: {  	s19 =	sld [smem:$0x3FDB];
	_ =	sdelay $0x1  }
0x9a: {  	s5 =	simm.s32 $_scs_section_size  }
0x9b: {  	s6 =	simm.s32 $_size__tile_overlayer_lowered;
	s7 =	simm.s32 $_tile_overlayer_lowered  }
0x9c: {  	s22 =	simm.s32 $0x1BFF;
	s21 =	sshll.u32 s7, $0x1;
	s4 =	sadd.s32 s5, s19  }
0x9d: {  	s8 =	simm.s32 $0x0;
	s20 =	sshll.u32 s6, $0x1;
	s6 =	sadd.s32 s21, s4  }
0x9e: {  	[timem:s8], [sflag:s22] =	dma.local [hbm:s6], s20  }
0x9f: {  	_ =	swait.ge [sflag:s22], s20  }
0xa0: {  	s5 =	ssub.s32 $0x0, s20;
	[sflag:s22] =	ssyncset.done $0x0  }
0xa1: {  	[sflag:s22] =	ssyncadd.s32 s5;
	_ =	sdelay $0x1  }
0xa2: {  	s23 =	simm.s32 $0x1B8B  }
0xa3: {  	_ =	swait.ge [sflag:s23], $0x1  }
0xa4: {  	[sflag:s23] =	ssyncset.done $0x0  }
0xa5: {  	s25 =	simm.s32 $0x1B8E;
	s24 =	sld [smem:$0x3FFE];
	[sflag:s23] =	ssyncadd.s32 $0xFFFFFFFF  }
0xa6: {  	s26 =	simm.s32 $execute0_lowered;
	[smem:$0x3FD2] =	sst s25  }
0xa7: {  	s6 =	sshll.u32 s26, $0x1;
	_ =	strace $0x80000046;
	[dreg:$0x1] =	wrdreg $0xFFFFFFFF  }
0xa8: {  	s28 =	simm.s32 $_size_execute0_lowered;
	s4 =	sadd.s32 s4, s6;
	[dreg:$0x0] =	wrdreg $0x0  }
0xa9: {  	s6 =	sshll.u32 s28, $0x1;
	[dreg:$0x2] =	wrdreg s4  }
0xaa: {  	[dreg:$0x3] =	wrdreg s6  }
0xab: {  	[dreg:$0x4] =	wrdreg $0xC0  }
0xac: {  	_ =	task [dreg:s8], $0x5FFFF  }
0xad: {  	[dreg:$0x1] =	wrdreg $0xFFFFFFFF  }
0xae: {  	[dreg:$0x0] =	wrdreg $0x60  }
0xaf: {  	[dreg:$0x2] =	wrdreg s2  }
0xb0: {  	[dreg:$0x3] =	wrdreg s18  }
0xb1: {  	[dreg:$0x4] =	wrdreg s24  }
0xb2: {  	[dreg:$0x5] =	wrdreg $0x9  }
0xb3: {  	_ =	task.clear_ibuf [dreg:s8], $0x6FFFF;
	_ =	strace $0x90000046  }
0xb4: {  	s29 =	simm.s32 $0x9;
	_ =	strace $0x80000048  }
0xb5: {  	_ =	swait.ge [sflag:s29], $0x1  }
0xb6: {  	[sflag:s29] =	ssyncadd.s32 $0xFFFFFFFF  }
0xb7: {  	_ =	strace $0x90000048  }
0xb8: {  	_ =	sfence  }
0xb9: {  	s30 =	sld [smem:$0x0];
	_ =	sdelay $0x2  }
0xba: {  	s31 =	sshll.u32 s1, $0xD;
	s1 =	sshrl.u32 s1, $0x2  }
0xbb: {  	s3 =	sand.u32 $0x4000, s31;
	s1 =	sadd.s32 s1, s30  }
0xbc: {  	s0 =	sor.u32 s3, s0;
	s1 =	sshll.u32 s1, $0x11  }
0xbd: {  	s0 =	sor.u32 s1, s0  }
0xbe: {  	s0 =	sadd.s32 $0x8F2B, s0  }
0xbf: {  	[sflag:s0] =	ssyncadd.remote.s32 $0x1  }
0xc0: {  	_ =	sfence.sel $0xFFFF  }
0xc1: {  	[dreg:$0x0] =	wrdreg $0xFFFFFFFF;
	(pc) =	sbr.abs _section_cstart, $3  }
0xc2: {  	[dreg:$0x1] =	wrdreg $0xFFFFFFFF  }
0xc3: {  	_ =	task.clear_ibuf [dreg:s8], $0x2FFFF;
	_ =	strace $0x9FFFFFFF  }
0xc4: {  	(tm) =	ssettm $0x7FFFFFFF  }
0xc5: {  	_ =	shalt  }
tec
execute0_lowered:
.L_overlay_start_1:
0x0: {  	(tag) =	ssettag $0x1  }
0x1: {  	s1 =	rddreg [dreg:$0x0]  }
0x2: {  	s2 =	rddreg [dreg:$0x1]  }
0x3: {  	s0 =	rddreg [dreg:$0x2];
	s3 =	srdreg.scid;
	s4 =	simm.s32 $0x0  }
0x4: {  	s5 =	stileid.u32;
	s12 =	simm.s32 $0x2;
	s13 =	simm.s32 $0x180  }
0x5: {  	s21 =	simm.s32 $0x8180;
	s10 =	simm.s32 $0x6180;
	s11 =	simm.s32 $0x6980  }
0x6: {  	s14 =	simm.s32 $0x7180;
	s15 =	simm.s32 $0x7980;
	s16 =	simm.s32 $0xC180  }
0x7: {  	s17 =	simm.s32 $0xC980;
	s18 =	simm.s32 $0xD180;
	s19 =	simm.s32 $0xD980  }
0x8: {  	s20 =	simm.s32 $0xE180;
	s22 =	simm.s32 $0xE980;
	s23 =	simm.s32 $0xF180  }
0x9: {  	s24 =	simm.s32 $0xF980;
	s25 =	simm.s32 $0x10180;
	s26 =	simm.s32 $0x1  }
0xa: {  	s28 =	simm.s32 $0x3;
	s29 =	simm.s32 $0x0;
	s3 =	sand.u32 $0x1, s3  }
0xb: {  	s5 =	sshll.u32 s5, $0x5;
	s6 =	sshll.u32 s3, $0x4;
	s3 =	ssub.s32 $0x2, s3  }
0xc: {  	[smem:$0x7FF] =	sst s4;
	s5 =	sor.u32 s6, s5;
	s31 =	sshrl.u32 s3, $0x1  }
0xd: {  	v2 =	vlaneseq.u32;
	_ =	strace $0x80000047;
	s0 =	sadd.s32 s5, s0;
	s3 =	ssub.s32 s3, s31  }
0xe: {  	vm0 =	vmmov $0xffff;
	v1 =	vshrl.u32 v2, $0x3;
	s5 =	sadd.s32 $0x400, s0;
	s6 =	sadd.s32 $0x200, s0;
	s7 =	sadd.s32 $0x600, s0  }
0xf: {  	v0 =	vand.u32 $0x7, v2;
	v2 =	vor.u32 $0x8, v2;
	v1 =	vmul.u32 $0x8, v1;
	s8 =	sadd.s32 $0x800, s0;
	s9 =	smax.u32 s3, $0x1;
	s3 =	simm.s32 $0x980  }
.LBB2_1:
0x10: {  	[tilespmem:s4], [sflag:$0x2] =	stream.linear.gather [hbm4b:s5+s4], $0x80, $0x38;
	[tilespmem:$0x18600] =	vst v63  }
0x11: {  	s0 =	simm.s32 $0x80  }
0x12: {  	[tilespmem:s0], [sflag:$0x2] =	stream.linear.gather [hbm4b:s6+s4], $0x80, $0x38;
	[tilespmem:$0x18600] =	vst v63  }
0x13: {  	s31 =	simm.s32 $0x100  }
0x14: {  	[tilespmem:s31], [sflag:$0x2] =	stream.linear.gather [hbm4b:s7+s4], $0x80, $0x38;
	[tilespmem:$0x18600] =	vst v63  }
0x15: {  	_ =	swait.ge [sflag:s12], $0x80  }
0x16: {  	[sflag:s12] =	ssyncset.done $0x0  }
0x17: {  	[sflag:s12] =	ssyncadd.s32 $0xFFFFFF80  }
0x18: {  	_ =	swait.ge [sflag:s12], $0x80  }
0x19: {  	[sflag:s12] =	ssyncset.done $0x0  }
0x1a: {  	[sflag:s12] =	ssyncadd.s32 $0xFFFFFF80  }
0x1b: {  	_ =	swait.ge [sflag:s12], $0x80  }
0x1c: {  	[sflag:s12] =	ssyncset.done $0x0  }
0x1d: {  	[sflag:s12] =	ssyncadd.s32 $0xFFFFFF80  }
0x1e: {  	v3 =	vld [tilespmem:$0x0];
	_ =	sdelay $0x4  }
0x1f: {  	v4 =	vshll.u32 v3, $0x1  }
0x20: {  	v3 =	vand.u32 $0x7, v3;
	v4 =	vand.u32 $0xFFFFFFF0, v4  }
0x21: {  	v3 =	vor.u32 v3, v4  }
0x22: {  	v4 =	vperm.xlane v3, v0;
	_ =	sdelay $0x1  }
0x23: {  	v3 =	vperm.xlane v3, v2;
	v4 =	vadd.s32 v1, v4;
	_ =	sdelay $0x1  }
0x24: {  	v3 =	vadd.s32 v1, v3;
	_ =	sdelay $0x2  }
0x25: {  	[tilespmem:s13], [sflag:$0x1] =	stream.indirect_vreg.gather [hbm4b:s1+s4], $0x80, v4, vm0, $0xb8;
	[tilespmem:$0x18600] =	vst v63  }
0x26: {  	_ = 	snop  }
0x27: {  	[tilespmem:s3], [sflag:$0x1] =	stream.indirect_vreg.gather [hbm4b:s1+s4], $0x80, v3, vm0, $0xb8;
	[tilespmem:$0x18600] =	vst v63  }
0x28: {  	v3 =	vld [tilespmem:$0x10];
	_ =	sdelay $0x4  }
0x29: {  	v41 =	vshll.u32 v3, $0x1  }
0x2a: {  	v3 =	vand.u32 $0x7, v3;
	v4 =	vand.u32 $0xFFFFFFF0, v41  }
0x2b: {  	v3 =	vor.u32 v3, v4  }
0x2c: {  	v4 =	vperm.xlane v3, v0;
	_ =	sdelay $0x1  }
0x2d: {  	v3 =	vperm.xlane v3, v2;
	v4 =	vadd.s32 v1, v4;
	_ =	sdelay $0x1  }
0x2e: {  	v3 =	vadd.s32 v1, v3;
	_ =	sdelay $0x1  }
0x2f: {  	s31 =	simm.s32 $0x1180  }
0x30: {  	[tilespmem:s31], [sflag:$0x1] =	stream.indirect_vreg.gather [hbm4b:s1+s4], $0x80, v4, vm0, $0xb8;
	[tilespmem:$0x18600] =	vst v63  }
0x31: {  	s31 =	simm.s32 $0x1980  }
0x32: {  	[tilespmem:s31], [sflag:$0x1] =	stream.indirect_vreg.gather [hbm4b:s1+s4], $0x80, v3, vm0, $0xb8;
	[tilespmem:$0x18600] =	vst v63  }
0x33: {  	v3 =	vld [tilespmem:$0x20];
	_ =	sdelay $0x4  }
0x34: {  	v42 =	vshll.u32 v3, $0x1  }
0x35: {  	v3 =	vand.u32 $0x7, v3;
	v4 =	vand.u32 $0xFFFFFFF0, v42  }
0x36: {  	v3 =	vor.u32 v3, v4  }
0x37: {  	v4 =	vperm.xlane v3, v0;
	_ =	sdelay $0x1  }
0x38: {  	v3 =	vperm.xlane v3, v2;
	v4 =	vadd.s32 v1, v4;
	_ =	sdelay $0x1  }
0x39: {  	v3 =	vadd.s32 v1, v3;
	_ =	sdelay $0x1  }
0x3a: {  	s31 =	simm.s32 $0x2180  }
0x3b: {  	[tilespmem:s31], [sflag:$0x1] =	stream.indirect_vreg.gather [hbm4b:s1+s4], $0x80, v4, vm0, $0xb8;
	[tilespmem:$0x18600] =	vst v63  }
0x3c: {  	s31 =	simm.s32 $0x2980  }
0x3d: {  	[tilespmem:s31], [sflag:$0x1] =	stream.indirect_vreg.gather [hbm4b:s1+s4], $0x80, v3, vm0, $0xb8;
	[tilespmem:$0x18600] =	vst v63  }
0x3e: {  	v3 =	vld [tilespmem:$0x30];
	_ =	sdelay $0x4  }
0x3f: {  	v43 =	vshll.u32 v3, $0x1  }
0x40: {  	v3 =	vand.u32 $0x7, v3;
	v4 =	vand.u32 $0xFFFFFFF0, v43  }
0x41: {  	v3 =	vor.u32 v3, v4  }
0x42: {  	v4 =	vperm.xlane v3, v0;
	_ =	sdelay $0x1  }
0x43: {  	v3 =	vperm.xlane v3, v2;
	v4 =	vadd.s32 v1, v4;
	_ =	sdelay $0x1  }
0x44: {  	v3 =	vadd.s32 v1, v3;
	_ =	sdelay $0x1  }
0x45: {  	s31 =	simm.s32 $0x3180  }
0x46: {  	[tilespmem:s31], [sflag:$0x1] =	stream.indirect_vreg.gather [hbm4b:s1+s4], $0x80, v4, vm0, $0xb8;
	[tilespmem:$0x18600] =	vst v63  }
0x47: {  	s31 =	simm.s32 $0x3980  }
0x48: {  	[tilespmem:s31], [sflag:$0x1] =	stream.indirect_vreg.gather [hbm4b:s1+s4], $0x80, v3, vm0, $0xb8;
	[tilespmem:$0x18600] =	vst v63  }
0x49: {  	v3 =	vld [tilespmem:$0x80];
	_ =	sdelay $0x4  }
0x4a: {  	v44 =	vshll.u32 v3, $0x1  }
0x4b: {  	v3 =	vand.u32 $0x7, v3;
	v4 =	vand.u32 $0xFFFFFFF0, v44  }
0x4c: {  	v3 =	vor.u32 v3, v4  }
0x4d: {  	v4 =	vperm.xlane v3, v0;
	_ =	sdelay $0x1  }
0x4e: {  	v3 =	vperm.xlane v3, v2;
	v4 =	vadd.s32 v1, v4;
	_ =	sdelay $0x1  }
0x4f: {  	v3 =	vadd.s32 v1, v3;
	_ =	sdelay $0x2  }
0x50: {  	[tilespmem:s21], [sflag:$0x1] =	stream.indirect_vreg.gather [hbm4b:s1+s4], $0x80, v4, vm0, $0xb8;
	[tilespmem:$0x18600] =	vst v63  }
0x51: {  	s31 =	simm.s32 $0x8980  }
0x52: {  	[tilespmem:s31], [sflag:$0x1] =	stream.indirect_vreg.gather [hbm4b:s1+s4], $0x80, v3, vm0, $0xb8;
	[tilespmem:$0x18600] =	vst v63  }
0x53: {  	v3 =	vld [tilespmem:$0x90];
	_ =	sdelay $0x4  }
0x54: {  	v45 =	vshll.u32 v3, $0x1  }
0x55: {  	v3 =	vand.u32 $0x7, v3;
	v4 =	vand.u32 $0xFFFFFFF0, v45  }
0x56: {  	v3 =	vor.u32 v3, v4  }
0x57: {  	v4 =	vperm.xlane v3, v0;
	_ =	sdelay $0x1  }
0x58: {  	v3 =	vperm.xlane v3, v2;
	v4 =	vadd.s32 v1, v4;
	_ =	sdelay $0x1  }
0x59: {  	v3 =	vadd.s32 v1, v3;
	_ =	sdelay $0x1  }
0x5a: {  	s31 =	simm.s32 $0x9180  }
0x5b: {  	[tilespmem:s31], [sflag:$0x1] =	stream.indirect_vreg.gather [hbm4b:s1+s4], $0x80, v4, vm0, $0xb8;
	[tilespmem:$0x18600] =	vst v63  }
0x5c: {  	s31 =	simm.s32 $0x9980  }
0x5d: {  	[tilespmem:s31], [sflag:$0x1] =	stream.indirect_vreg.gather [hbm4b:s1+s4], $0x80, v3, vm0, $0xb8;
	[tilespmem:$0x18600] =	vst v63  }
0x5e: {  	v3 =	vld [tilespmem:$0xA0];
	_ =	sdelay $0x4  }
0x5f: {  	v46 =	vshll.u32 v3, $0x1  }
0x60: {  	v3 =	vand.u32 $0x7, v3;
	v4 =	vand.u32 $0xFFFFFFF0, v46  }
0x61: {  	v3 =	vor.u32 v3, v4  }
0x62: {  	v4 =	vperm.xlane v3, v0;
	_ =	sdelay $0x1  }
0x63: {  	v3 =	vperm.xlane v3, v2;
	v4 =	vadd.s32 v1, v4;
	_ =	sdelay $0x1  }
0x64: {  	v3 =	vadd.s32 v1, v3;
	_ =	sdelay $0x1  }
0x65: {  	s31 =	simm.s32 $0xA180  }
0x66: {  	[tilespmem:s31], [sflag:$0x1] =	stream.indirect_vreg.gather [hbm4b:s1+s4], $0x80, v4, vm0, $0xb8;
	[tilespmem:$0x18600] =	vst v63  }
0x67: {  	s31 =	simm.s32 $0xA980  }
0x68: {  	[tilespmem:s31], [sflag:$0x1] =	stream.indirect_vreg.gather [hbm4b:s1+s4], $0x80, v3, vm0, $0xb8;
	[tilespmem:$0x18600] =	vst v63  }
0x69: {  	v3 =	vld [tilespmem:$0xB0];
	_ =	sdelay $0x4  }
0x6a: {  	v47 =	vshll.u32 v3, $0x1  }
0x6b: {  	v3 =	vand.u32 $0x7, v3;
	v4 =	vand.u32 $0xFFFFFFF0, v47  }
0x6c: {  	v3 =	vor.u32 v3, v4  }
0x6d: {  	v4 =	vperm.xlane v3, v0;
	_ =	sdelay $0x1  }
0x6e: {  	v3 =	vperm.xlane v3, v2;
	v4 =	vadd.s32 v1, v4;
	_ =	sdelay $0x1  }
0x6f: {  	v3 =	vadd.s32 v1, v3;
	_ =	sdelay $0x1  }
0x70: {  	s31 =	simm.s32 $0xB180  }
0x71: {  	[tilespmem:s31], [sflag:$0x1] =	stream.indirect_vreg.gather [hbm4b:s1+s4], $0x80, v4, vm0, $0xb8;
	[tilespmem:$0x18600] =	vst v63  }
0x72: {  	s31 =	simm.s32 $0xB980  }
0x73: {  	[tilespmem:s31], [sflag:$0x1] =	stream.indirect_vreg.gather [hbm4b:s1+s4], $0x80, v3, vm0, $0xb8;
	[tilespmem:$0x18600] =	vst v63  }
0x74: {  	v3 =	vld [tilespmem:$0x40];
	_ =	sdelay $0x4  }
0x75: {  	v48 =	vshll.u32 v3, $0x1  }
0x76: {  	v3 =	vand.u32 $0x7, v3;
	v4 =	vand.u32 $0xFFFFFFF0, v48  }
0x77: {  	v3 =	vor.u32 v3, v4  }
0x78: {  	v4 =	vperm.xlane v3, v0;
	_ =	sdelay $0x1  }
0x79: {  	v3 =	vperm.xlane v3, v2;
	v4 =	vadd.s32 v1, v4;
	_ =	sdelay $0x1  }
0x7a: {  	v3 =	vadd.s32 v1, v3;
	_ =	sdelay $0x1  }
0x7b: {  	s31 =	simm.s32 $0x4180  }
0x7c: {  	[tilespmem:s31], [sflag:$0x1] =	stream.indirect_vreg.gather [hbm4b:s1+s4], $0x80, v4, vm0, $0xb8;
	[tilespmem:$0x18600] =	vst v63  }
0x7d: {  	s31 =	simm.s32 $0x4980  }
0x7e: {  	[tilespmem:s31], [sflag:$0x1] =	stream.indirect_vreg.gather [hbm4b:s1+s4], $0x80, v3, vm0, $0xb8;
	[tilespmem:$0x18600] =	vst v63  }
0x7f: {  	v3 =	vld [tilespmem:$0x50];
	_ =	sdelay $0x4  }
0x80: {  	v49 =	vshll.u32 v3, $0x1  }
0x81: {  	v3 =	vand.u32 $0x7, v3;
	v4 =	vand.u32 $0xFFFFFFF0, v49  }
0x82: {  	v3 =	vor.u32 v3, v4  }
0x83: {  	v4 =	vperm.xlane v3, v0;
	_ =	sdelay $0x1  }
0x84: {  	v3 =	vperm.xlane v3, v2;
	v4 =	vadd.s32 v1, v4;
	_ =	sdelay $0x1  }
0x85: {  	v3 =	vadd.s32 v1, v3;
	_ =	sdelay $0x1  }
0x86: {  	s31 =	simm.s32 $0x5180  }
0x87: {  	[tilespmem:s31], [sflag:$0x1] =	stream.indirect_vreg.gather [hbm4b:s1+s4], $0x80, v4, vm0, $0xb8;
	[tilespmem:$0x18600] =	vst v63  }
0x88: {  	s31 =	simm.s32 $0x5980  }
0x89: {  	[tilespmem:s31], [sflag:$0x1] =	stream.indirect_vreg.gather [hbm4b:s1+s4], $0x80, v3, vm0, $0xb8;
	[tilespmem:$0x18600] =	vst v63  }
0x8a: {  	v3 =	vld [tilespmem:$0x60];
	_ =	sdelay $0x4  }
0x8b: {  	v50 =	vshll.u32 v3, $0x1  }
0x8c: {  	v3 =	vand.u32 $0x7, v3;
	v4 =	vand.u32 $0xFFFFFFF0, v50  }
0x8d: {  	v3 =	vor.u32 v3, v4  }
0x8e: {  	v4 =	vperm.xlane v3, v0;
	_ =	sdelay $0x1  }
0x8f: {  	v3 =	vperm.xlane v3, v2;
	v4 =	vadd.s32 v1, v4;
	_ =	sdelay $0x1  }
0x90: {  	v3 =	vadd.s32 v1, v3;
	_ =	sdelay $0x2  }
0x91: {  	[tilespmem:s10], [sflag:$0x1] =	stream.indirect_vreg.gather [hbm4b:s1+s4], $0x80, v4, vm0, $0xb8;
	[tilespmem:$0x18600] =	vst v63  }
0x92: {  	_ = 	snop  }
0x93: {  	[tilespmem:s11], [sflag:$0x1] =	stream.indirect_vreg.gather [hbm4b:s1+s4], $0x80, v3, vm0, $0xb8;
	[tilespmem:$0x18600] =	vst v63  }
0x94: {  	v3 =	vld [tilespmem:$0x70];
	_ =	sdelay $0x4  }
0x95: {  	v51 =	vshll.u32 v3, $0x1  }
0x96: {  	v3 =	vand.u32 $0x7, v3;
	v4 =	vand.u32 $0xFFFFFFF0, v51  }
0x97: {  	v3 =	vor.u32 v3, v4  }
0x98: {  	v4 =	vperm.xlane v3, v0;
	_ =	sdelay $0x1  }
0x99: {  	v3 =	vperm.xlane v3, v2;
	v4 =	vadd.s32 v1, v4;
	_ =	sdelay $0x1  }
0x9a: {  	v3 =	vadd.s32 v1, v3;
	_ =	sdelay $0x2  }
0x9b: {  	[tilespmem:s14], [sflag:$0x1] =	stream.indirect_vreg.gather [hbm4b:s1+s4], $0x80, v4, vm0, $0xb8;
	[tilespmem:$0x18600] =	vst v63  }
0x9c: {  	_ = 	snop  }
0x9d: {  	[tilespmem:s15], [sflag:$0x1] =	stream.indirect_vreg.gather [hbm4b:s1+s4], $0x80, v3, vm0, $0xb8;
	[tilespmem:$0x18600] =	vst v63  }
0x9e: {  	v3 =	vld [tilespmem:$0xC0];
	_ =	sdelay $0x4  }
0x9f: {  	v52 =	vshll.u32 v3, $0x1  }
0xa0: {  	v3 =	vand.u32 $0x7, v3;
	v4 =	vand.u32 $0xFFFFFFF0, v52  }
0xa1: {  	v3 =	vor.u32 v3, v4  }
0xa2: {  	v4 =	vperm.xlane v3, v0;
	_ =	sdelay $0x1  }
0xa3: {  	v3 =	vperm.xlane v3, v2;
	v4 =	vadd.s32 v1, v4;
	_ =	sdelay $0x1  }
0xa4: {  	v3 =	vadd.s32 v1, v3;
	_ =	sdelay $0x2  }
0xa5: {  	[tilespmem:s16], [sflag:$0x1] =	stream.indirect_vreg.gather [hbm4b:s1+s4], $0x80, v4, vm0, $0xb8;
	[tilespmem:$0x18600] =	vst v63  }
0xa6: {  	_ = 	snop  }
0xa7: {  	[tilespmem:s17], [sflag:$0x1] =	stream.indirect_vreg.gather [hbm4b:s1+s4], $0x80, v3, vm0, $0xb8;
	[tilespmem:$0x18600] =	vst v63  }
0xa8: {  	v3 =	vld [tilespmem:$0xD0];
	_ =	sdelay $0x4  }
0xa9: {  	v53 =	vshll.u32 v3, $0x1  }
0xaa: {  	v3 =	vand.u32 $0x7, v3;
	v4 =	vand.u32 $0xFFFFFFF0, v53  }
0xab: {  	v3 =	vor.u32 v3, v4  }
0xac: {  	v4 =	vperm.xlane v3, v0;
	_ =	sdelay $0x1  }
0xad: {  	v3 =	vperm.xlane v3, v2;
	v4 =	vadd.s32 v1, v4;
	_ =	sdelay $0x1  }
0xae: {  	v3 =	vadd.s32 v1, v3;
	_ =	sdelay $0x2  }
0xaf: {  	[tilespmem:s18], [sflag:$0x1] =	stream.indirect_vreg.gather [hbm4b:s1+s4], $0x80, v4, vm0, $0xb8;
	[tilespmem:$0x18600] =	vst v63  }
0xb0: {  	_ = 	snop  }
0xb1: {  	[tilespmem:s19], [sflag:$0x1] =	stream.indirect_vreg.gather [hbm4b:s1+s4], $0x80, v3, vm0, $0xb8;
	[tilespmem:$0x18600] =	vst v63  }
0xb2: {  	v3 =	vld [tilespmem:$0xE0];
	_ =	sdelay $0x4  }
0xb3: {  	v54 =	vshll.u32 v3, $0x1  }
0xb4: {  	v3 =	vand.u32 $0x7, v3;
	v4 =	vand.u32 $0xFFFFFFF0, v54  }
0xb5: {  	v3 =	vor.u32 v3, v4  }
0xb6: {  	v4 =	vperm.xlane v3, v0;
	_ =	sdelay $0x1  }
0xb7: {  	v3 =	vperm.xlane v3, v2;
	v4 =	vadd.s32 v1, v4;
	_ =	sdelay $0x1  }
0xb8: {  	v3 =	vadd.s32 v1, v3;
	_ =	sdelay $0x2  }
0xb9: {  	[tilespmem:s20], [sflag:$0x1] =	stream.indirect_vreg.gather [hbm4b:s1+s4], $0x80, v4, vm0, $0xb8;
	[tilespmem:$0x18600] =	vst v63  }
0xba: {  	_ = 	snop  }
0xbb: {  	[tilespmem:s22], [sflag:$0x1] =	stream.indirect_vreg.gather [hbm4b:s1+s4], $0x80, v3, vm0, $0xb8;
	[tilespmem:$0x18600] =	vst v63  }
0xbc: {  	v3 =	vld [tilespmem:$0xF0];
	_ =	sdelay $0x4  }
0xbd: {  	v55 =	vshll.u32 v3, $0x1  }
0xbe: {  	v3 =	vand.u32 $0x7, v3;
	v4 =	vand.u32 $0xFFFFFFF0, v55  }
0xbf: {  	v3 =	vor.u32 v3, v4  }
0xc0: {  	v4 =	vperm.xlane v3, v0;
	_ =	sdelay $0x1  }
0xc1: {  	v3 =	vperm.xlane v3, v2;
	v4 =	vadd.s32 v1, v4;
	_ =	sdelay $0x1  }
0xc2: {  	v3 =	vadd.s32 v1, v3;
	_ =	sdelay $0x2  }
0xc3: {  	[tilespmem:s23], [sflag:$0x1] =	stream.indirect_vreg.gather [hbm4b:s1+s4], $0x80, v4, vm0, $0xb8;
	[tilespmem:$0x18600] =	vst v63  }
0xc4: {  	_ = 	snop  }
0xc5: {  	[tilespmem:s24], [sflag:$0x1] =	stream.indirect_vreg.gather [hbm4b:s1+s4], $0x80, v3, vm0, $0xb8;
	[tilespmem:$0x18600] =	vst v63  }
0xc6: {  	v3 =	vld [tilespmem:$0x100];
	_ =	sdelay $0x4  }
0xc7: {  	v56 =	vshll.u32 v3, $0x1  }
0xc8: {  	v3 =	vand.u32 $0x7, v3;
	v4 =	vand.u32 $0xFFFFFFF0, v56  }
0xc9: {  	v3 =	vor.u32 v3, v4  }
0xca: {  	v4 =	vperm.xlane v3, v0;
	_ =	sdelay $0x1  }
0xcb: {  	v3 =	vperm.xlane v3, v2;
	v4 =	vadd.s32 v1, v4;
	_ =	sdelay $0x1  }
0xcc: {  	v3 =	vadd.s32 v1, v3;
	_ =	sdelay $0x2  }
0xcd: {  	[tilespmem:s25], [sflag:$0x1] =	stream.indirect_vreg.gather [hbm4b:s1+s4], $0x80, v4, vm0, $0xb8;
	[tilespmem:$0x18600] =	vst v63  }
0xce: {  	s31 =	simm.s32 $0x10980  }
0xcf: {  	[tilespmem:s31], [sflag:$0x1] =	stream.indirect_vreg.gather [hbm4b:s1+s4], $0x80, v3, vm0, $0xb8;
	[tilespmem:$0x18600] =	vst v63  }
0xd0: {  	v3 =	vld [tilespmem:$0x110];
	_ =	sdelay $0x4  }
0xd1: {  	v57 =	vshll.u32 v3, $0x1  }
0xd2: {  	v3 =	vand.u32 $0x7, v3;
	v4 =	vand.u32 $0xFFFFFFF0, v57  }
0xd3: {  	v3 =	vor.u32 v3, v4  }
0xd4: {  	v4 =	vperm.xlane v3, v0;
	_ =	sdelay $0x1  }
0xd5: {  	v3 =	vperm.xlane v3, v2;
	v4 =	vadd.s32 v1, v4;
	_ =	sdelay $0x1  }
0xd6: {  	v3 =	vadd.s32 v1, v3;
	_ =	sdelay $0x1  }
0xd7: {  	s31 =	simm.s32 $0x11180  }
0xd8: {  	[tilespmem:s31], [sflag:$0x1] =	stream.indirect_vreg.gather [hbm4b:s1+s4], $0x80, v4, vm0, $0xb8;
	[tilespmem:$0x18600] =	vst v63  }
0xd9: {  	s31 =	simm.s32 $0x11980  }
0xda: {  	[tilespmem:s31], [sflag:$0x1] =	stream.indirect_vreg.gather [hbm4b:s1+s4], $0x80, v3, vm0, $0xb8;
	[tilespmem:$0x18600] =	vst v63  }
0xdb: {  	v3 =	vld [tilespmem:$0x120];
	_ =	sdelay $0x4  }
0xdc: {  	v58 =	vshll.u32 v3, $0x1  }
0xdd: {  	v3 =	vand.u32 $0x7, v3;
	v4 =	vand.u32 $0xFFFFFFF0, v58  }
0xde: {  	v3 =	vor.u32 v3, v4  }
0xdf: {  	v4 =	vperm.xlane v3, v0;
	_ =	sdelay $0x1  }
0xe0: {  	v3 =	vperm.xlane v3, v2;
	v4 =	vadd.s32 v1, v4;
	_ =	sdelay $0x1  }
0xe1: {  	v3 =	vadd.s32 v1, v3;
	_ =	sdelay $0x1  }
0xe2: {  	s31 =	simm.s32 $0x12180  }
0xe3: {  	[tilespmem:s31], [sflag:$0x1] =	stream.indirect_vreg.gather [hbm4b:s1+s4], $0x80, v4, vm0, $0xb8;
	[tilespmem:$0x18600] =	vst v63  }
0xe4: {  	s31 =	simm.s32 $0x12980  }
0xe5: {  	[tilespmem:s31], [sflag:$0x1] =	stream.indirect_vreg.gather [hbm4b:s1+s4], $0x80, v3, vm0, $0xb8;
	[tilespmem:$0x18600] =	vst v63  }
0xe6: {  	v3 =	vld [tilespmem:$0x130];
	_ =	sdelay $0x4  }
0xe7: {  	v59 =	vshll.u32 v3, $0x1  }
0xe8: {  	v3 =	vand.u32 $0x7, v3;
	v4 =	vand.u32 $0xFFFFFFF0, v59  }
0xe9: {  	v3 =	vor.u32 v3, v4  }
0xea: {  	v4 =	vperm.xlane v3, v0;
	_ =	sdelay $0x1  }
0xeb: {  	v3 =	vperm.xlane v3, v2;
	v4 =	vadd.s32 v1, v4;
	_ =	sdelay $0x1  }
0xec: {  	v3 =	vadd.s32 v1, v3;
	_ =	sdelay $0x1  }
0xed: {  	s31 =	simm.s32 $0x13180  }
0xee: {  	[tilespmem:s31], [sflag:$0x1] =	stream.indirect_vreg.gather [hbm4b:s1+s4], $0x80, v4, vm0, $0xb8;
	[tilespmem:$0x18600] =	vst v63  }
0xef: {  	s31 =	simm.s32 $0x13980  }
0xf0: {  	[tilespmem:s31], [sflag:$0x1] =	stream.indirect_vreg.gather [hbm4b:s1+s4], $0x80, v3, vm0, $0xb8;
	[tilespmem:$0x18600] =	vst v63  }
0xf1: {  	v3 =	vld [tilespmem:$0x0];
	_ =	sdelay $0x4  }
0xf2: {  	v60 =	vshll.u32 v3, $0x1  }
0xf3: {  	v3 =	vand.u32 $0x7, v3;
	v4 =	vand.u32 $0xFFFFFFF0, v60  }
0xf4: {  	v3 =	vor.u32 v3, v4  }
0xf5: {  	v4 =	vperm.xlane v3, v0;
	_ =	sdelay $0x1  }
0xf6: {  	v3 =	vperm.xlane v3, v2;
	v4 =	vadd.s32 v1, v4;
	_ =	sdelay $0x1  }
0xf7: {  	v3 =	vadd.s32 v1, v3;
	_ =	sdelay $0x1  }
0xf8: {  	s31 =	simm.s32 $0x14180  }
0xf9: {  	[tilespmem:s31], [sflag:$0x1] =	stream.indirect_vreg.gather [hbm4b:s2+s4], $0x80, v4, vm0, $0xb8;
	[tilespmem:$0x18600] =	vst v63  }
0xfa: {  	s31 =	simm.s32 $0x14980  }
0xfb: {  	[tilespmem:s31], [sflag:$0x1] =	stream.indirect_vreg.gather [hbm4b:s2+s4], $0x80, v3, vm0, $0xb8;
	[tilespmem:$0x18600] =	vst v63  }
0xfc: {  	v3 =	vld [tilespmem:$0x10];
	_ =	sdelay $0x4  }
0xfd: {  	v61 =	vshll.u32 v3, $0x1  }
0xfe: {  	v3 =	vand.u32 $0x7, v3;
	v4 =	vand.u32 $0xFFFFFFF0, v61  }
0xff: {  	v3 =	vor.u32 v3, v4  }
0x100: {  	v4 =	vperm.xlane v3, v0;
	_ =	sdelay $0x1  }
0x101: {  	v3 =	vperm.xlane v3, v2;
	v4 =	vadd.s32 v1, v4;
	_ =	sdelay $0x1  }
0x102: {  	v3 =	vadd.s32 v1, v3;
	_ =	sdelay $0x1  }
0x103: {  	s31 =	simm.s32 $0x15180  }
0x104: {  	[tilespmem:s31], [sflag:$0x1] =	stream.indirect_vreg.gather [hbm4b:s2+s4], $0x80, v4, vm0, $0xb8;
	[tilespmem:$0x18600] =	vst v63  }
0x105: {  	s31 =	simm.s32 $0x15980  }
0x106: {  	[tilespmem:s31], [sflag:$0x1] =	stream.indirect_vreg.gather [hbm4b:s2+s4], $0x80, v3, vm0, $0xb8;
	[tilespmem:$0x18600] =	vst v63  }
0x107: {  	v3 =	vld [tilespmem:$0x20];
	_ =	sdelay $0x4  }
0x108: {  	v62 =	vshll.u32 v3, $0x1  }
0x109: {  	v3 =	vand.u32 $0x7, v3;
	v4 =	vand.u32 $0xFFFFFFF0, v62  }
0x10a: {  	v3 =	vor.u32 v3, v4  }
0x10b: {  	v4 =	vperm.xlane v3, v0;
	_ =	sdelay $0x1  }
0x10c: {  	v3 =	vperm.xlane v3, v2;
	v4 =	vadd.s32 v1, v4;
	_ =	sdelay $0x1  }
0x10d: {  	v3 =	vadd.s32 v1, v3;
	_ =	sdelay $0x1  }
0x10e: {  	s31 =	simm.s32 $0x16180  }
0x10f: {  	[tilespmem:s31], [sflag:$0x1] =	stream.indirect_vreg.gather [hbm4b:s2+s4], $0x80, v4, vm0, $0xb8;
	[tilespmem:$0x18600] =	vst v63  }
0x110: {  	s31 =	simm.s32 $0x16980  }
0x111: {  	[tilespmem:s31], [sflag:$0x1] =	stream.indirect_vreg.gather [hbm4b:s2+s4], $0x80, v3, vm0, $0xb8;
	[tilespmem:$0x18600] =	vst v63  }
0x112: {  	v3 =	vld [tilespmem:$0x30];
	_ =	sdelay $0x4  }
0x113: {  	v63 =	vshll.u32 v3, $0x1  }
0x114: {  	v3 =	vand.u32 $0x7, v3;
	v4 =	vand.u32 $0xFFFFFFF0, v63  }
0x115: {  	v3 =	vor.u32 v3, v4  }
0x116: {  	v4 =	vperm.xlane v3, v0;
	_ =	sdelay $0x1  }
0x117: {  	v3 =	vperm.xlane v3, v2;
	v4 =	vadd.s32 v1, v4;
	_ =	sdelay $0x1  }
0x118: {  	v3 =	vadd.s32 v1, v3;
	_ =	sdelay $0x1  }
0x119: {  	s31 =	simm.s32 $0x17180  }
0x11a: {  	[tilespmem:s31], [sflag:$0x1] =	stream.indirect_vreg.gather [hbm4b:s2+s4], $0x80, v4, vm0, $0xb8;
	[tilespmem:$0x18600] =	vst v63  }
0x11b: {  	s31 =	simm.s32 $0x17980  }
0x11c: {  	[tilespmem:s31], [sflag:$0x1] =	stream.indirect_vreg.gather [hbm4b:s2+s4], $0x80, v3, vm0, $0xb8;
	[tilespmem:$0x18600] =	vst v63  }
0x11d: {  	_ =	swait.ge [sflag:s26], $0x4000  }
0x11e: {  	[sflag:s26] =	ssyncset.done $0x0  }
0x11f: {  	[sflag:s26] =	ssyncadd.s32 $0xFFFFC000  }
0x120: {  	_ =	swait.ge [sflag:s26], $0x4000  }
0x121: {  	[sflag:s26] =	ssyncset.done $0x0  }
0x122: {  	s30 =	simm.s32 $0x0;
	[sflag:s26] =	ssyncadd.s32 $0xFFFFC000  }
.LBB2_2:
0x123: {  	s31 =	sshll.u32 s30, $0x4;
	v5 =	vlaneseq.u32  }
0x124: {  	v3 =	vmov s31;
	v4 =	vmul.u32 $0x100, v5  }
0x125: {  	v6 =	vand.u32 $0x7, v5;
	v3 =	vshll.u32 v3, $0x8  }
0x126: {  	v3 =	vor.u32 v4, v3;
	v4 =	vmul.u32 $0x80, v6  }
0x127: {  	v3 =	vand.u32 $0x3800, v3  }
0x128: {  	v4 =	vor.u32 v4, v3  }
0x129: {  	v6 =	vadd.s32 $0x1, v5;
	v8 =	vor.u32 v4, v5  }
0x12a: {  	v6 =	vand.u32 $0x7F, v6  }
0x12b: {  	v10 =	vadd.s32 $0x2, v5;
	v6 =	vor.u32 v4, v6  }
0x12c: {  	v10 =	vand.u32 $0x7F, v10  }
0x12d: {  	v9 =	vadd.s32 $0x3, v5;
	v10 =	vor.u32 v4, v10  }
0x12e: {  	v9 =	vand.u32 $0x7F, v9;
	v11 =	vld.idx.msk [tilespmem:v8+s13+$0x0], $0xffff  }
0x12f: {  	v15 =	vadd.s32 $0x6, v5;
	v9 =	vor.u32 v4, v9;
	v12 =	vld.idx.msk [tilespmem:v8+s21+$0x0], $0xffff  }
0x130: {  	v15 =	vand.u32 $0x7F, v15;
	v8 =	vadd.s32 $0x4, v5;
	v13 =	vld.idx.msk [tilespmem:v6+s13+$0x0], $0xffff  }
0x131: {  	v17 =	vor.u32 v4, v15;
	v6 =	vld.idx.msk [tilespmem:v6+s21+$0x0], $0xffff;
	v8 =	vand.u32 $0x7F, v8  }
0x132: {  	v16 =	vadd.s32 $0x5, v5;
	v18 =	vld.idx.msk [tilespmem:v10+s13+$0x0], $0xffff;
	v14 =	vor.u32 v4, v8  }
0x133: {  	v16 =	vand.u32 $0x7F, v16;
	v22 =	vld.idx.msk [tilespmem:v10+s21+$0x0], $0xffff  }
0x134: {  	v23 =	vor.u32 v4, v16;
	v15 =	vld.idx.msk [tilespmem:v9+s21+$0x0], $0xffff  }
0x135: {  	v7 =	vimm.f32 $0.0e+00;
	v20 =	vadd.s32 $0x7, v5;
	v8 =	vld.idx.msk [tilespmem:v9+s13+$0x0], $0xffff  }
0x136: {  	v27 =	vand.u32 $0x7F, v20;
	v10 =	vld.idx.msk [tilespmem:v17+s13+$0x0], $0xffff;
	v19 =	vmul.f32 v11, v11;
	v11 =	vmul.f32 v12, v11  }
0x137: {  	v5 =	vadd.s32 $0x8, v5;
	v12 =	vmul.f32 v12, v12;
	v21 =	vmul.f32 v13, v13;
	v9 =	vld.idx.msk [tilespmem:v14+s21+$0x0], $0xffff  }
0x138: {  	v5 =	vand.u32 $0x7F, v5;
	v24 =	vmul.f32 v6, v6;
	v29 =	vmul.f32 v22, v22;
	v14 =	vld.idx.msk [tilespmem:v14+s13+$0x0], $0xffff  }
0x139: {  	v16 =	vadd.f32 v19, v7;
	v19 =	vmul.f32 v6, v13;
	v26 =	vadd.f32 v21, v7;
	v6 =	vld.idx.msk [tilespmem:v23+s13+$0x0], $0xffff  }
0x13a: {  	v25 =	vmul.f32 v8, v8;
	v21 =	vadd.f32 v11, v7;
	v28 =	vadd.f32 v12, v7;
	v13 =	vld.idx.msk [tilespmem:v17+s21+$0x0], $0xffff  }
0x13b: {  	v20 =	vadd.f32 v24, v7;
	v17 =	vor.u32 v4, v27;
	v11 =	vld.idx.msk [tilespmem:v23+s21+$0x0], $0xffff;
	v23 =	vmul.f32 v22, v18  }
0x13c: {  	s0 =	simm.s32 $0xF;
	v22 =	vmul.f32 v18, v18;
	v12 =	vadd.f32 v25, v26;
	v18 =	vadd.f32 v29, v28  }
.LBB2_3:
0x13d: {  	p0 =	seq.s32 s0, $0x1;
	s0 =	sadd.s32 $0xFFFFFFFF, s0;
	v7 =	vadd.f32 v19, v7;
	v8 =	vmul.f32 v15, v8;
	v15 =	vmul.f32 v15, v15  }
0x13e: {  	v19 =	vadd.f32 v23, v21;
	v21 =	vmul.f32 v14, v14;
	v23 =	vmul.f32 v9, v9  }
0x13f: {  	v24 =	vadd.s32 $0x3, v5;
	v7 =	vadd.f32 v8, v7;
	v8 =	vadd.f32 v15, v20  }
0x140: {  	v16 =	vadd.f32 v22, v16;
	v9 =	vmul.f32 v9, v14;
	v15 =	vadd.s32 $0x1, v5;
	v14 =	vld.idx.msk [tilespmem:v17+s13+$0x0], $0xffff  }
0x141: {  	v22 =	vmul.f32 v10, v10;
	v20 =	vor.u32 v4, v5;
	v15 =	vand.u32 $0x7F, v15;
	v17 =	vld.idx.msk [tilespmem:v17+s21+$0x0], $0xffff  }
0x142: {  	v25 =	vadd.s32 $0x2, v5;
	v18 =	vadd.f32 v23, v18;
	v15 =	vor.u32 v4, v15  }
0x143: {  	v24 =	vand.u32 $0x7F, v24;
	v23 =	vand.u32 $0x7F, v25;
	v25 =	vmul.f32 v13, v10  }
0x144: {  	v10 =	vor.u32 v4, v23;
	v23 =	vor.u32 v4, v24;
	v24 =	vmul.f32 v6, v6  }
0x145: {  	v16 =	vadd.f32 v21, v16;
	v21 =	vmul.f32 v11, v11;
	v13 =	vmul.f32 v13, v13  }
0x146: {  	v19 =	vadd.f32 v9, v19;
	v9 =	vadd.f32 v24, v12;
	v12 =	vmul.f32 v14, v14;
	v26 =	vld.idx.msk [tilespmem:v20+s13+$0x0], $0xffff  }
0x147: {  	v16 =	vadd.f32 v22, v16;
	v13 =	vadd.f32 v13, v18;
	v24 =	vadd.s32 $0x4, v5;
	v20 =	vld.idx.msk [tilespmem:v20+s21+$0x0], $0xffff  }
0x148: {  	v6 =	vmul.f32 v11, v6;
	v11 =	vadd.f32 v21, v8;
	v22 =	vand.u32 $0x7F, v24;
	v18 =	vld.idx.msk [tilespmem:v15+s13+$0x0], $0xffff  }
0x149: {  	v22 =	vor.u32 v4, v22;
	v14 =	vmul.f32 v17, v14;
	v21 =	vld.idx.msk [tilespmem:v15+s21+$0x0], $0xffff;
	v15 =	vadd.s32 $0x6, v5  }
0x14a: {  	v24 =	vadd.s32 $0x5, v5;
	v12 =	vadd.f32 v12, v9;
	v8 =	vld.idx.msk [tilespmem:v23+s13+$0x0], $0xffff;
	v15 =	vand.u32 $0x7F, v15  }
0x14b: {  	v6 =	vadd.f32 v6, v7;
	v9 =	vand.u32 $0x7F, v24;
	v27 =	vld.idx.msk [tilespmem:v10+s13+$0x0], $0xffff;
	v24 =	vor.u32 v4, v15  }
0x14c: {  	v30 =	vor.u32 v4, v9;
	v28 =	vmul.f32 v26, v26;
	v29 =	vld.idx.msk [tilespmem:v10+s21+$0x0], $0xffff;
	v10 =	vmul.f32 v17, v17  }
0x14d: {  	v7 =	vadd.f32 v14, v6;
	v17 =	vmul.f32 v20, v26;
	v20 =	vmul.f32 v20, v20;
	v15 =	vld.idx.msk [tilespmem:v23+s21+$0x0], $0xffff  }
0x14e: {  	v23 =	vadd.s32 $0x7, v5;
	v5 =	vadd.s32 $0x8, v5;
	v9 =	vld.idx.msk [tilespmem:v22+s21+$0x0], $0xffff;
	v11 =	vadd.f32 v10, v11  }
0x14f: {  	v6 =	vmul.f32 v18, v18;
	v26 =	vmul.f32 v21, v21;
	v5 =	vand.u32 $0x7F, v5;
	v14 =	vld.idx.msk [tilespmem:v22+s13+$0x0], $0xffff  }
.Ltmp0:
0x150: {  	v25 =	vadd.f32 v25, v19;
	v16 =	vadd.f32 v28, v16;
	v22 =	vmul.f32 v8, v8;
	v10 =	vld.idx.msk [tilespmem:v24+s13+$0x0], $0xffff;
	(pc) =	sbr.rel @!p0 .LBB2_3-.Ltmp0, $4  }
0x151: {  	v19 =	vmul.f32 v21, v18;
	v18 =	vand.u32 $0x7F, v23;
	v12 =	vadd.f32 v6, v12;
	v6 =	vld.idx.msk [tilespmem:v30+s13+$0x0], $0xffff  }
0x152: {  	v21 =	vadd.f32 v17, v25;
	v25 =	vadd.f32 v20, v13;
	v28 =	vmul.f32 v29, v29;
	v13 =	vld.idx.msk [tilespmem:v24+s21+$0x0], $0xffff  }
0x153: {  	v17 =	vor.u32 v4, v18;
	v20 =	vadd.f32 v26, v11;
	v12 =	vadd.f32 v22, v12;
	v11 =	vld.idx.msk [tilespmem:v30+s21+$0x0], $0xffff  }
0x154: {  	v23 =	vmul.f32 v29, v27;
	v22 =	vmul.f32 v27, v27;
	v18 =	vadd.f32 v28, v25  }
0x155: {  	_ =	sdelay $0x1  }
0x156: {  	v5 =	vmul.f32 v15, v8  }
0x157: {  	v4 =	vadd.f32 v19, v7;
	v7 =	vmul.f32 v15, v15;
	v15 =	vmul.f32 v14, v14  }
0x158: {  	v19 =	vmul.f32 v9, v9;
	v9 =	vmul.f32 v9, v14;
	v14 =	vld.idx.msk [tilespmem:v17+s21+$0x0], $0xffff  }
0x159: {  	v4 =	vadd.f32 v5, v4;
	v5 =	vld.idx.msk [tilespmem:v17+s13+$0x0], $0xffff  }
0x15a: {  	v8 =	vadd.f32 v23, v21;
	v7 =	vadd.f32 v7, v20;
	v17 =	vmul.f32 v10, v10  }
0x15b: {  	v20 =	vmul.f32 v13, v10;
	v10 =	vadd.f32 v19, v18;
	v18 =	vmul.f32 v6, v6  }
0x15c: {  	v19 =	vmul.f32 v11, v11;
	v11 =	vmul.f32 v11, v6  }
0x15d: {  	v8 =	vadd.f32 v9, v8;
	v9 =	vadd.f32 v18, v12  }
0x15e: {  	v4 =	vadd.f32 v11, v4;
	v12 =	vmul.f32 v5, v5;
	v5 =	vmul.f32 v14, v5  }
0x15f: {  	v7 =	vadd.f32 v19, v7;
	v11 =	vmul.f32 v14, v14  }
0x160: {  	v5 =	vadd.f32 v5, v4;
	v4 =	vlaneseq.u32  }
0x161: {  	v11 =	vadd.f32 v11, v7;
	v7 =	vand.u32 $0x7, v4  }
0x162: {  	v7 =	vmul.u32 $0x80, v7  }
0x163: {  	v16 =	vadd.f32 v22, v16;
	v13 =	vmul.f32 v13, v13  }
0x164: {  	v7 =	vor.u32 $0x400, v7  }
0x165: {  	v15 =	vadd.f32 v15, v16;
	v10 =	vadd.f32 v13, v10;
	v3 =	vor.u32 v7, v3  }
0x166: {  	v16 =	vadd.f32 v20, v8;
	v13 =	vadd.s32 $0x2, v4;
	v8 =	vor.u32 v3, v4  }
0x167: {  	v13 =	vand.u32 $0x7F, v13;
	v7 =	vadd.s32 $0x1, v4  }
0x168: {  	v7 =	vand.u32 $0x7F, v7;
	v13 =	vor.u32 v3, v13  }
0x169: {  	v12 =	vadd.f32 v12, v9;
	v9 =	vadd.s32 $0x3, v4;
	v7 =	vor.u32 v3, v7  }
0x16a: {  	v9 =	vand.u32 $0x7F, v9  }
0x16b: {  	v6 =	vadd.f32 v17, v15;
	v15 =	vadd.s32 $0x4, v4;
	v9 =	vor.u32 v3, v9;
	v14 =	vld.idx.msk [tilespmem:v8+s13+$0x0], $0xffff  }
0x16c: {  	v15 =	vand.u32 $0x7F, v15;
	v8 =	vld.idx.msk [tilespmem:v8+s21+$0x0], $0xffff  }
0x16d: {  	v15 =	vor.u32 v3, v15;
	v23 =	vld.idx.msk [tilespmem:v13+s21+$0x0], $0xffff  }
0x16e: {  	v19 =	vadd.s32 $0x6, v4;
	v17 =	vld.idx.msk [tilespmem:v7+s13+$0x0], $0xffff  }
0x16f: {  	v20 =	vadd.s32 $0x5, v4;
	v19 =	vand.u32 $0x7F, v19;
	v18 =	vld.idx.msk [tilespmem:v7+s21+$0x0], $0xffff  }
0x170: {  	v20 =	vand.u32 $0x7F, v20;
	v22 =	vor.u32 v3, v19;
	v7 =	vld.idx.msk [tilespmem:v9+s13+$0x0], $0xffff  }
0x171: {  	v26 =	vadd.s32 $0x7, v4;
	v24 =	vor.u32 v3, v20;
	v21 =	vld.idx.msk [tilespmem:v13+s13+$0x0], $0xffff  }
0x172: {  	v26 =	vand.u32 $0x7F, v26;
	v13 =	vld.idx.msk [tilespmem:v15+s13+$0x0], $0xffff;
	v19 =	vmul.f32 v14, v14;
	v20 =	vmul.f32 v8, v14  }
0x173: {  	v4 =	vadd.s32 $0x8, v4;
	v25 =	vmul.f32 v8, v8;
	v14 =	vld.idx.msk [tilespmem:v9+s21+$0x0], $0xffff;
	v63 =	vmul.f32 v23, v23  }
0x174: {  	v4 =	vand.u32 $0x7F, v4;
	v8 =	vld.idx.msk [tilespmem:v15+s21+$0x0], $0xffff;
	v27 =	vmul.f32 v17, v17;
	v28 =	vmul.f32 v18, v18  }
0x175: {  	v9 =	vld.idx.msk [tilespmem:v22+s13+$0x0], $0xffff;
	v29 =	vmul.f32 v7, v7;
	v15 =	vadd.f32 v19, v6;
	v20 =	vadd.f32 v20, v16  }
0x176: {  	v19 =	vmul.f32 v18, v17;
	v6 =	vld.idx.msk [tilespmem:v24+s13+$0x0], $0xffff;
	v25 =	vadd.f32 v25, v10;
	v17 =	vadd.f32 v27, v12  }
0x177: {  	v16 =	vor.u32 v3, v26;
	v12 =	vld.idx.msk [tilespmem:v22+s21+$0x0], $0xffff;
	v18 =	vadd.f32 v28, v11;
	v22 =	vmul.f32 v23, v21  }
0x178: {  	s0 =	simm.s32 $0xF;
	v10 =	vld.idx.msk [tilespmem:v24+s21+$0x0], $0xffff;
	v21 =	vmul.f32 v21, v21;
	v11 =	vadd.f32 v29, v17;
	v17 =	vadd.f32 v63, v25  }
.LBB2_5:
0x179: {  	p0 =	sne.s32 s0, $0x1;
	s0 =	sadd.s32 $0xFFFFFFFF, s0;
	v5 =	vadd.f32 v19, v5;
	v7 =	vmul.f32 v14, v7;
	v14 =	vmul.f32 v14, v14  }
0x17a: {  	v19 =	vadd.f32 v22, v20;
	v20 =	vmul.f32 v13, v13;
	v22 =	vmul.f32 v8, v8  }
0x17b: {  	v23 =	vadd.s32 $0x3, v4;
	v5 =	vadd.f32 v7, v5;
	v7 =	vadd.f32 v14, v18  }
0x17c: {  	v15 =	vadd.f32 v21, v15;
	v8 =	vmul.f32 v8, v13;
	v14 =	vadd.s32 $0x1, v4;
	v13 =	vld.idx.msk [tilespmem:v16+s13+$0x0], $0xffff  }
0x17d: {  	v21 =	vmul.f32 v9, v9;
	v18 =	vor.u32 v3, v4;
	v14 =	vand.u32 $0x7F, v14;
	v16 =	vld.idx.msk [tilespmem:v16+s21+$0x0], $0xffff  }
0x17e: {  	v24 =	vadd.s32 $0x2, v4;
	v17 =	vadd.f32 v22, v17;
	v14 =	vor.u32 v3, v14  }
0x17f: {  	v23 =	vand.u32 $0x7F, v23;
	v22 =	vand.u32 $0x7F, v24;
	v24 =	vmul.f32 v12, v9  }
0x180: {  	v9 =	vor.u32 v3, v22;
	v22 =	vor.u32 v3, v23;
	v23 =	vmul.f32 v6, v6  }
0x181: {  	v15 =	vadd.f32 v20, v15;
	v20 =	vmul.f32 v10, v10;
	v12 =	vmul.f32 v12, v12  }
0x182: {  	v19 =	vadd.f32 v8, v19;
	v8 =	vadd.f32 v23, v11;
	v11 =	vmul.f32 v13, v13;
	v25 =	vld.idx.msk [tilespmem:v18+s13+$0x0], $0xffff  }
0x183: {  	v15 =	vadd.f32 v21, v15;
	v12 =	vadd.f32 v12, v17;
	v23 =	vadd.s32 $0x4, v4;
	v18 =	vld.idx.msk [tilespmem:v18+s21+$0x0], $0xffff  }
0x184: {  	v6 =	vmul.f32 v10, v6;
	v10 =	vadd.f32 v20, v7;
	v21 =	vand.u32 $0x7F, v23;
	v17 =	vld.idx.msk [tilespmem:v14+s13+$0x0], $0xffff  }
0x185: {  	v21 =	vor.u32 v3, v21;
	v13 =	vmul.f32 v16, v13;
	v20 =	vld.idx.msk [tilespmem:v14+s21+$0x0], $0xffff;
	v14 =	vadd.s32 $0x6, v4  }
0x186: {  	v23 =	vadd.s32 $0x5, v4;
	v11 =	vadd.f32 v11, v8;
	v7 =	vld.idx.msk [tilespmem:v22+s13+$0x0], $0xffff;
	v14 =	vand.u32 $0x7F, v14  }
0x187: {  	v5 =	vadd.f32 v6, v5;
	v8 =	vand.u32 $0x7F, v23;
	v26 =	vld.idx.msk [tilespmem:v9+s13+$0x0], $0xffff;
	v23 =	vor.u32 v3, v14  }
0x188: {  	v28 =	vor.u32 v3, v8;
	v6 =	vmul.f32 v25, v25;
	v27 =	vld.idx.msk [tilespmem:v9+s21+$0x0], $0xffff;
	v9 =	vmul.f32 v16, v16  }
0x189: {  	v5 =	vadd.f32 v13, v5;
	v16 =	vmul.f32 v18, v25;
	v18 =	vmul.f32 v18, v18;
	v14 =	vld.idx.msk [tilespmem:v22+s21+$0x0], $0xffff  }
0x18a: {  	v22 =	vadd.s32 $0x7, v4;
	v4 =	vadd.s32 $0x8, v4;
	v8 =	vld.idx.msk [tilespmem:v21+s21+$0x0], $0xffff;
	v10 =	vadd.f32 v9, v10  }
0x18b: {  	v25 =	vmul.f32 v17, v17;
	v29 =	vmul.f32 v20, v20;
	v4 =	vand.u32 $0x7F, v4;
	v13 =	vld.idx.msk [tilespmem:v21+s13+$0x0], $0xffff  }
.Ltmp1:
0x18c: {  	v24 =	vadd.f32 v24, v19;
	v15 =	vadd.f32 v6, v15;
	v21 =	vmul.f32 v7, v7;
	v9 =	vld.idx.msk [tilespmem:v23+s13+$0x0], $0xffff;
	(pc) =	sbr.rel @p0 .LBB2_5-.Ltmp1, $4  }
0x18d: {  	v19 =	vmul.f32 v20, v17;
	v17 =	vand.u32 $0x7F, v22;
	v11 =	vadd.f32 v25, v11;
	v6 =	vld.idx.msk [tilespmem:v28+s13+$0x0], $0xffff  }
0x18e: {  	v20 =	vadd.f32 v16, v24;
	v24 =	vadd.f32 v18, v12;
	v25 =	vmul.f32 v27, v27;
	v12 =	vld.idx.msk [tilespmem:v23+s21+$0x0], $0xffff  }
0x18f: {  	v16 =	vor.u32 v3, v17;
	v18 =	vadd.f32 v29, v10;
	v11 =	vadd.f32 v21, v11;
	v10 =	vld.idx.msk [tilespmem:v28+s21+$0x0], $0xffff  }
0x190: {  	v22 =	vmul.f32 v27, v26;
	v21 =	vmul.f32 v26, v26;
	v17 =	vadd.f32 v25, v24  }
0x191: {  	_ =	sdelay $0x2  }
0x192: {  	v4 =	vmul.f32 v14, v7;
	v47 =	vmul.f32 v14, v14  }
0x193: {  	v49 =	vld.idx.msk [tilespmem:v16+s13+$0x0], $0xffff;
	v50 =	vmul.f32 v13, v13;
	v51 =	vmul.f32 v8, v8  }
0x194: {  	v3 =	vadd.f32 v19, v5;
	v52 =	vld.idx.msk [tilespmem:v16+s21+$0x0], $0xffff;
	v53 =	vmul.f32 v8, v13;
	v54 =	vmul.f32 v9, v9  }
0x195: {  	v48 =	vadd.f32 v22, v20;
	v15 =	vadd.f32 v21, v15;
	v56 =	vmul.f32 v6, v6  }
0x196: {  	v3 =	vadd.f32 v4, v3;
	v5 =	vadd.f32 v47, v18;
	v55 =	vmul.f32 v12, v9  }
0x197: {  	v4 =	vadd.f32 v51, v17;
	v59 =	vmul.f32 v12, v12;
	v57 =	vmul.f32 v10, v6  }
0x198: {  	v15 =	vadd.f32 v50, v15;
	v58 =	vmul.f32 v10, v10;
	v7 =	vadd.f32 v53, v48  }
0x199: {  	v60 =	vadd.f32 v56, v11;
	v61 =	vmul.f32 v52, v49;
	v3 =	vadd.f32 v57, v3  }
0x19a: {  	v4 =	vadd.f32 v59, v4;
	v62 =	vmul.f32 v49, v49;
	v5 =	vadd.f32 v58, v5  }
0x19b: {  	s30 =	sadd.s32 $0x1, s30;
	v63 =	vmul.f32 v52, v52;
	v7 =	vadd.f32 v55, v7;
	v3 =	vadd.f32 v61, v3  }
0x19c: {  	p0 =	sne.s32 s30, $0x4;
	v13 =	vadd.f32 v54, v15;
	v6 =	vadd.f32 v62, v60  }
.Ltmp2:
0x19d: {  	v5 =	vadd.f32 v63, v5;
	v3 =	vadd.f32 v3, v7;
	(pc) =	sbr.rel @p0 .LBB2_2-.Ltmp2, $4  }
0x19e: {  	v6 =	vadd.f32 v6, v13  }
0x19f: {  	v4 =	vadd.f32 v5, v4;
	[tilespmem:s31+$0x18180] =	vst v3  }
0x1a0: {  	[tilespmem:s31+$0x18200] =	vst v6  }
0x1a1: {  	[tilespmem:s31+$0x18280] =	vst v4  }
0x1a2: {  	v3 =	vld [tilespmem:$0x140];
	_ =	sdelay $0x4  }
0x1a3: {  	v4 =	vshll.u32 v3, $0x1  }
0x1a4: {  	v3 =	vand.u32 $0x7, v3;
	v4 =	vand.u32 $0xFFFFFFF0, v4  }
0x1a5: {  	v3 =	vor.u32 v3, v4  }
0x1a6: {  	v4 =	vperm.xlane v3, v0;
	_ =	sdelay $0x1  }
0x1a7: {  	v3 =	vperm.xlane v3, v2;
	v4 =	vadd.s32 v1, v4;
	_ =	sdelay $0x1  }
0x1a8: {  	v3 =	vadd.s32 v1, v3;
	_ =	sdelay $0x2  }
0x1a9: {  	[tilespmem:s21], [sflag:$0x1] =	stream.indirect_vreg.gather [hbm4b:s1+s4], $0x80, v4, vm0, $0xb8;
	[tilespmem:$0x18600] =	vst v63  }
0x1aa: {  	s0 =	simm.s32 $0x8980  }
0x1ab: {  	[tilespmem:s0], [sflag:$0x1] =	stream.indirect_vreg.gather [hbm4b:s1+s4], $0x80, v3, vm0, $0xb8;
	[tilespmem:$0x18600] =	vst v63  }
0x1ac: {  	v3 =	vld [tilespmem:$0x150];
	_ =	sdelay $0x4  }
0x1ad: {  	v61 =	vshll.u32 v3, $0x1  }
0x1ae: {  	v3 =	vand.u32 $0x7, v3;
	v4 =	vand.u32 $0xFFFFFFF0, v61  }
0x1af: {  	v3 =	vor.u32 v3, v4  }
0x1b0: {  	v4 =	vperm.xlane v3, v0;
	_ =	sdelay $0x1  }
0x1b1: {  	v3 =	vperm.xlane v3, v2;
	v4 =	vadd.s32 v1, v4;
	_ =	sdelay $0x1  }
0x1b2: {  	v3 =	vadd.s32 v1, v3;
	_ =	sdelay $0x1  }
0x1b3: {  	s31 =	simm.s32 $0x9180  }
0x1b4: {  	[tilespmem:s31], [sflag:$0x1] =	stream.indirect_vreg.gather [hbm4b:s1+s4], $0x80, v4, vm0, $0xb8;
	[tilespmem:$0x18600] =	vst v63  }
0x1b5: {  	s31 =	simm.s32 $0x9980  }
0x1b6: {  	[tilespmem:s31], [sflag:$0x1] =	stream.indirect_vreg.gather [hbm4b:s1+s4], $0x80, v3, vm0, $0xb8;
	[tilespmem:$0x18600] =	vst v63  }
0x1b7: {  	v3 =	vld [tilespmem:$0x160];
	_ =	sdelay $0x4  }
0x1b8: {  	v62 =	vshll.u32 v3, $0x1  }
0x1b9: {  	v3 =	vand.u32 $0x7, v3;
	v4 =	vand.u32 $0xFFFFFFF0, v62  }
0x1ba: {  	v3 =	vor.u32 v3, v4  }
0x1bb: {  	v4 =	vperm.xlane v3, v0;
	_ =	sdelay $0x1  }
0x1bc: {  	v3 =	vperm.xlane v3, v2;
	v4 =	vadd.s32 v1, v4;
	_ =	sdelay $0x1  }
0x1bd: {  	v3 =	vadd.s32 v1, v3;
	_ =	sdelay $0x1  }
0x1be: {  	s31 =	simm.s32 $0xA180  }
0x1bf: {  	[tilespmem:s31], [sflag:$0x1] =	stream.indirect_vreg.gather [hbm4b:s1+s4], $0x80, v4, vm0, $0xb8;
	[tilespmem:$0x18600] =	vst v63  }
0x1c0: {  	s31 =	simm.s32 $0xA980  }
0x1c1: {  	[tilespmem:s31], [sflag:$0x1] =	stream.indirect_vreg.gather [hbm4b:s1+s4], $0x80, v3, vm0, $0xb8;
	[tilespmem:$0x18600] =	vst v63  }
0x1c2: {  	v3 =	vld [tilespmem:$0x170];
	_ =	sdelay $0x4  }
0x1c3: {  	v63 =	vshll.u32 v3, $0x1  }
0x1c4: {  	v3 =	vand.u32 $0x7, v3;
	v4 =	vand.u32 $0xFFFFFFF0, v63  }
0x1c5: {  	v3 =	vor.u32 v3, v4  }
0x1c6: {  	v4 =	vperm.xlane v3, v0;
	_ =	sdelay $0x1  }
0x1c7: {  	v3 =	vperm.xlane v3, v2;
	v4 =	vadd.s32 v1, v4;
	_ =	sdelay $0x1  }
0x1c8: {  	v3 =	vadd.s32 v1, v3;
	_ =	sdelay $0x1  }
0x1c9: {  	s31 =	simm.s32 $0xB180  }
0x1ca: {  	[tilespmem:s31], [sflag:$0x1] =	stream.indirect_vreg.gather [hbm4b:s1+s4], $0x80, v4, vm0, $0xb8;
	[tilespmem:$0x18600] =	vst v63  }
0x1cb: {  	s31 =	simm.s32 $0xB980  }
0x1cc: {  	[tilespmem:s31], [sflag:$0x1] =	stream.indirect_vreg.gather [hbm4b:s1+s4], $0x80, v3, vm0, $0xb8;
	[tilespmem:$0x18600] =	vst v63  }
0x1cd: {  	_ =	swait.ge [sflag:s26], $0x4000  }
0x1ce: {  	[sflag:s26] =	ssyncset.done $0x0  }
0x1cf: {  	[sflag:s26] =	ssyncadd.s32 $0xFFFFC000  }
0x1d0: {  	_ =	swait.ge [sflag:s26], $0x4000  }
0x1d1: {  	[sflag:s26] =	ssyncset.done $0x0  }
0x1d2: {  	s30 =	simm.s32 $0x4;
	[sflag:s26] =	ssyncadd.s32 $0xFFFFC000  }
.LBB2_8:
0x1d3: {  	s31 =	sshll.u32 s30, $0x4;
	v5 =	vlaneseq.u32  }
0x1d4: {  	v3 =	vmov s31;
	v4 =	vmul.u32 $0x100, v5  }
0x1d5: {  	v6 =	vand.u32 $0x7, v5;
	v3 =	vshll.u32 v3, $0x8  }
0x1d6: {  	v3 =	vor.u32 v4, v3;
	v4 =	vmul.u32 $0x80, v6  }
0x1d7: {  	v3 =	vand.u32 $0x7800, v3  }
0x1d8: {  	v4 =	vor.u32 v4, v3  }
0x1d9: {  	v6 =	vadd.s32 $0x1, v5;
	v8 =	vor.u32 v4, v5  }
0x1da: {  	v6 =	vand.u32 $0x7F, v6  }
0x1db: {  	v10 =	vadd.s32 $0x2, v5;
	v6 =	vor.u32 v4, v6  }
0x1dc: {  	v10 =	vand.u32 $0x7F, v10  }
0x1dd: {  	v9 =	vadd.s32 $0x3, v5;
	v10 =	vor.u32 v4, v10  }
0x1de: {  	v9 =	vand.u32 $0x7F, v9;
	v11 =	vld.idx.msk [tilespmem:v8+s13+$0x0], $0xffff  }
0x1df: {  	v15 =	vadd.s32 $0x6, v5;
	v9 =	vor.u32 v4, v9;
	v12 =	vld.idx.msk [tilespmem:v8+s21+$0x0], $0xffff  }
0x1e0: {  	v15 =	vand.u32 $0x7F, v15;
	v8 =	vadd.s32 $0x4, v5;
	v13 =	vld.idx.msk [tilespmem:v6+s13+$0x0], $0xffff  }
0x1e1: {  	v17 =	vor.u32 v4, v15;
	v6 =	vld.idx.msk [tilespmem:v6+s21+$0x0], $0xffff;
	v8 =	vand.u32 $0x7F, v8  }
0x1e2: {  	v16 =	vadd.s32 $0x5, v5;
	v18 =	vld.idx.msk [tilespmem:v10+s13+$0x0], $0xffff;
	v14 =	vor.u32 v4, v8  }
0x1e3: {  	v16 =	vand.u32 $0x7F, v16;
	v22 =	vld.idx.msk [tilespmem:v10+s21+$0x0], $0xffff  }
0x1e4: {  	v23 =	vor.u32 v4, v16;
	v15 =	vld.idx.msk [tilespmem:v9+s21+$0x0], $0xffff  }
0x1e5: {  	v7 =	vimm.f32 $0.0e+00;
	v20 =	vadd.s32 $0x7, v5;
	v8 =	vld.idx.msk [tilespmem:v9+s13+$0x0], $0xffff  }
0x1e6: {  	v27 =	vand.u32 $0x7F, v20;
	v10 =	vld.idx.msk [tilespmem:v17+s13+$0x0], $0xffff;
	v19 =	vmul.f32 v11, v11;
	v11 =	vmul.f32 v12, v11  }
0x1e7: {  	v5 =	vadd.s32 $0x8, v5;
	v12 =	vmul.f32 v12, v12;
	v21 =	vmul.f32 v13, v13;
	v9 =	vld.idx.msk [tilespmem:v14+s21+$0x0], $0xffff  }
0x1e8: {  	v5 =	vand.u32 $0x7F, v5;
	v24 =	vmul.f32 v6, v6;
	v29 =	vmul.f32 v22, v22;
	v14 =	vld.idx.msk [tilespmem:v14+s13+$0x0], $0xffff  }
0x1e9: {  	v16 =	vadd.f32 v19, v7;
	v19 =	vmul.f32 v6, v13;
	v26 =	vadd.f32 v21, v7;
	v6 =	vld.idx.msk [tilespmem:v23+s13+$0x0], $0xffff  }
0x1ea: {  	v25 =	vmul.f32 v8, v8;
	v21 =	vadd.f32 v11, v7;
	v28 =	vadd.f32 v12, v7;
	v13 =	vld.idx.msk [tilespmem:v17+s21+$0x0], $0xffff  }
0x1eb: {  	v20 =	vadd.f32 v24, v7;
	v17 =	vor.u32 v4, v27;
	v11 =	vld.idx.msk [tilespmem:v23+s21+$0x0], $0xffff;
	v23 =	vmul.f32 v22, v18  }
0x1ec: {  	s0 =	simm.s32 $0xF;
	v22 =	vmul.f32 v18, v18;
	v12 =	vadd.f32 v25, v26;
	v18 =	vadd.f32 v29, v28  }
.LBB2_9:
0x1ed: {  	p0 =	seq.s32 s0, $0x1;
	s0 =	sadd.s32 $0xFFFFFFFF, s0;
	v7 =	vadd.f32 v19, v7;
	v8 =	vmul.f32 v15, v8;
	v15 =	vmul.f32 v15, v15  }
0x1ee: {  	v19 =	vadd.f32 v23, v21;
	v21 =	vmul.f32 v14, v14;
	v23 =	vmul.f32 v9, v9  }
0x1ef: {  	v24 =	vadd.s32 $0x3, v5;
	v7 =	vadd.f32 v8, v7;
	v8 =	vadd.f32 v15, v20  }
0x1f0: {  	v16 =	vadd.f32 v22, v16;
	v9 =	vmul.f32 v9, v14;
	v15 =	vadd.s32 $0x1, v5;
	v14 =	vld.idx.msk [tilespmem:v17+s13+$0x0], $0xffff  }
0x1f1: {  	v22 =	vmul.f32 v10, v10;
	v20 =	vor.u32 v4, v5;
	v15 =	vand.u32 $0x7F, v15;
	v17 =	vld.idx.msk [tilespmem:v17+s21+$0x0], $0xffff  }
0x1f2: {  	v25 =	vadd.s32 $0x2, v5;
	v18 =	vadd.f32 v23, v18;
	v15 =	vor.u32 v4, v15  }
0x1f3: {  	v24 =	vand.u32 $0x7F, v24;
	v23 =	vand.u32 $0x7F, v25;
	v25 =	vmul.f32 v13, v10  }
0x1f4: {  	v10 =	vor.u32 v4, v23;
	v23 =	vor.u32 v4, v24;
	v24 =	vmul.f32 v6, v6  }
0x1f5: {  	v16 =	vadd.f32 v21, v16;
	v21 =	vmul.f32 v11, v11;
	v13 =	vmul.f32 v13, v13  }
0x1f6: {  	v19 =	vadd.f32 v9, v19;
	v9 =	vadd.f32 v24, v12;
	v12 =	vmul.f32 v14, v14;
	v26 =	vld.idx.msk [tilespmem:v20+s13+$0x0], $0xffff  }
0x1f7: {  	v16 =	vadd.f32 v22, v16;
	v13 =	vadd.f32 v13, v18;
	v24 =	vadd.s32 $0x4, v5;
	v20 =	vld.idx.msk [tilespmem:v20+s21+$0x0], $0xffff  }
0x1f8: {  	v6 =	vmul.f32 v11, v6;
	v11 =	vadd.f32 v21, v8;
	v22 =	vand.u32 $0x7F, v24;
	v18 =	vld.idx.msk [tilespmem:v15+s13+$0x0], $0xffff  }
0x1f9: {  	v22 =	vor.u32 v4, v22;
	v14 =	vmul.f32 v17, v14;
	v21 =	vld.idx.msk [tilespmem:v15+s21+$0x0], $0xffff;
	v15 =	vadd.s32 $0x6, v5  }
0x1fa: {  	v24 =	vadd.s32 $0x5, v5;
	v12 =	vadd.f32 v12, v9;
	v8 =	vld.idx.msk [tilespmem:v23+s13+$0x0], $0xffff;
	v15 =	vand.u32 $0x7F, v15  }
0x1fb: {  	v6 =	vadd.f32 v6, v7;
	v9 =	vand.u32 $0x7F, v24;
	v27 =	vld.idx.msk [tilespmem:v10+s13+$0x0], $0xffff;
	v24 =	vor.u32 v4, v15  }
0x1fc: {  	v30 =	vor.u32 v4, v9;
	v28 =	vmul.f32 v26, v26;
	v29 =	vld.idx.msk [tilespmem:v10+s21+$0x0], $0xffff;
	v10 =	vmul.f32 v17, v17  }
0x1fd: {  	v7 =	vadd.f32 v14, v6;
	v17 =	vmul.f32 v20, v26;
	v20 =	vmul.f32 v20, v20;
	v15 =	vld.idx.msk [tilespmem:v23+s21+$0x0], $0xffff  }
0x1fe: {  	v23 =	vadd.s32 $0x7, v5;
	v5 =	vadd.s32 $0x8, v5;
	v9 =	vld.idx.msk [tilespmem:v22+s21+$0x0], $0xffff;
	v11 =	vadd.f32 v10, v11  }
0x1ff: {  	v6 =	vmul.f32 v18, v18;
	v26 =	vmul.f32 v21, v21;
	v5 =	vand.u32 $0x7F, v5;
	v14 =	vld.idx.msk [tilespmem:v22+s13+$0x0], $0xffff  }
.Ltmp3:
0x200: {  	v25 =	vadd.f32 v25, v19;
	v16 =	vadd.f32 v28, v16;
	v22 =	vmul.f32 v8, v8;
	v10 =	vld.idx.msk [tilespmem:v24+s13+$0x0], $0xffff;
	(pc) =	sbr.rel @!p0 .LBB2_9-.Ltmp3, $4  }
0x201: {  	v19 =	vmul.f32 v21, v18;
	v18 =	vand.u32 $0x7F, v23;
	v12 =	vadd.f32 v6, v12;
	v6 =	vld.idx.msk [tilespmem:v30+s13+$0x0], $0xffff  }
0x202: {  	v21 =	vadd.f32 v17, v25;
	v25 =	vadd.f32 v20, v13;
	v28 =	vmul.f32 v29, v29;
	v13 =	vld.idx.msk [tilespmem:v24+s21+$0x0], $0xffff  }
0x203: {  	v17 =	vor.u32 v4, v18;
	v20 =	vadd.f32 v26, v11;
	v12 =	vadd.f32 v22, v12;
	v11 =	vld.idx.msk [tilespmem:v30+s21+$0x0], $0xffff  }
0x204: {  	v23 =	vmul.f32 v29, v27;
	v22 =	vmul.f32 v27, v27;
	v18 =	vadd.f32 v28, v25  }
0x205: {  	_ =	sdelay $0x1  }
0x206: {  	v5 =	vmul.f32 v15, v8  }
0x207: {  	v4 =	vadd.f32 v19, v7;
	v7 =	vmul.f32 v15, v15;
	v15 =	vmul.f32 v14, v14  }
0x208: {  	v19 =	vmul.f32 v9, v9;
	v9 =	vmul.f32 v9, v14;
	v14 =	vld.idx.msk [tilespmem:v17+s21+$0x0], $0xffff  }
0x209: {  	v4 =	vadd.f32 v5, v4;
	v5 =	vld.idx.msk [tilespmem:v17+s13+$0x0], $0xffff  }
0x20a: {  	v8 =	vadd.f32 v23, v21;
	v7 =	vadd.f32 v7, v20;
	v17 =	vmul.f32 v10, v10  }
0x20b: {  	v20 =	vmul.f32 v13, v10;
	v10 =	vadd.f32 v19, v18;
	v18 =	vmul.f32 v6, v6  }
0x20c: {  	v19 =	vmul.f32 v11, v11;
	v11 =	vmul.f32 v11, v6  }
0x20d: {  	v8 =	vadd.f32 v9, v8;
	v9 =	vadd.f32 v18, v12  }
0x20e: {  	v4 =	vadd.f32 v11, v4;
	v12 =	vmul.f32 v5, v5;
	v5 =	vmul.f32 v14, v5  }
0x20f: {  	v7 =	vadd.f32 v19, v7;
	v11 =	vmul.f32 v14, v14  }
0x210: {  	v5 =	vadd.f32 v5, v4;
	v4 =	vlaneseq.u32  }
0x211: {  	v11 =	vadd.f32 v11, v7;
	v7 =	vand.u32 $0x7, v4  }
0x212: {  	v7 =	vmul.u32 $0x80, v7  }
0x213: {  	v16 =	vadd.f32 v22, v16;
	v13 =	vmul.f32 v13, v13  }
0x214: {  	v7 =	vor.u32 $0x400, v7  }
0x215: {  	v15 =	vadd.f32 v15, v16;
	v10 =	vadd.f32 v13, v10;
	v3 =	vor.u32 v7, v3  }
0x216: {  	v16 =	vadd.f32 v20, v8;
	v13 =	vadd.s32 $0x2, v4;
	v8 =	vor.u32 v3, v4  }
0x217: {  	v13 =	vand.u32 $0x7F, v13;
	v7 =	vadd.s32 $0x1, v4  }
0x218: {  	v7 =	vand.u32 $0x7F, v7;
	v13 =	vor.u32 v3, v13  }
0x219: {  	v12 =	vadd.f32 v12, v9;
	v9 =	vadd.s32 $0x3, v4;
	v7 =	vor.u32 v3, v7  }
0x21a: {  	v9 =	vand.u32 $0x7F, v9  }
0x21b: {  	v6 =	vadd.f32 v17, v15;
	v15 =	vadd.s32 $0x4, v4;
	v9 =	vor.u32 v3, v9;
	v14 =	vld.idx.msk [tilespmem:v8+s13+$0x0], $0xffff  }
0x21c: {  	v15 =	vand.u32 $0x7F, v15;
	v8 =	vld.idx.msk [tilespmem:v8+s21+$0x0], $0xffff  }
0x21d: {  	v15 =	vor.u32 v3, v15;
	v23 =	vld.idx.msk [tilespmem:v13+s21+$0x0], $0xffff  }
0x21e: {  	v19 =	vadd.s32 $0x6, v4;
	v17 =	vld.idx.msk [tilespmem:v7+s13+$0x0], $0xffff  }
0x21f: {  	v20 =	vadd.s32 $0x5, v4;
	v19 =	vand.u32 $0x7F, v19;
	v18 =	vld.idx.msk [tilespmem:v7+s21+$0x0], $0xffff  }
0x220: {  	v20 =	vand.u32 $0x7F, v20;
	v22 =	vor.u32 v3, v19;
	v7 =	vld.idx.msk [tilespmem:v9+s13+$0x0], $0xffff  }
0x221: {  	v26 =	vadd.s32 $0x7, v4;
	v24 =	vor.u32 v3, v20;
	v21 =	vld.idx.msk [tilespmem:v13+s13+$0x0], $0xffff  }
0x222: {  	v26 =	vand.u32 $0x7F, v26;
	v13 =	vld.idx.msk [tilespmem:v15+s13+$0x0], $0xffff;
	v19 =	vmul.f32 v14, v14;
	v20 =	vmul.f32 v8, v14  }
0x223: {  	v4 =	vadd.s32 $0x8, v4;
	v25 =	vmul.f32 v8, v8;
	v14 =	vld.idx.msk [tilespmem:v9+s21+$0x0], $0xffff;
	v63 =	vmul.f32 v23, v23  }
0x224: {  	v4 =	vand.u32 $0x7F, v4;
	v8 =	vld.idx.msk [tilespmem:v15+s21+$0x0], $0xffff;
	v27 =	vmul.f32 v17, v17;
	v28 =	vmul.f32 v18, v18  }
0x225: {  	v9 =	vld.idx.msk [tilespmem:v22+s13+$0x0], $0xffff;
	v29 =	vmul.f32 v7, v7;
	v15 =	vadd.f32 v19, v6;
	v20 =	vadd.f32 v20, v16  }
0x226: {  	v19 =	vmul.f32 v18, v17;
	v6 =	vld.idx.msk [tilespmem:v24+s13+$0x0], $0xffff;
	v25 =	vadd.f32 v25, v10;
	v17 =	vadd.f32 v27, v12  }
0x227: {  	v16 =	vor.u32 v3, v26;
	v12 =	vld.idx.msk [tilespmem:v22+s21+$0x0], $0xffff;
	v18 =	vadd.f32 v28, v11;
	v22 =	vmul.f32 v23, v21  }
0x228: {  	s0 =	simm.s32 $0xF;
	v10 =	vld.idx.msk [tilespmem:v24+s21+$0x0], $0xffff;
	v21 =	vmul.f32 v21, v21;
	v11 =	vadd.f32 v29, v17;
	v17 =	vadd.f32 v63, v25  }
.LBB2_11:
0x229: {  	p0 =	sne.s32 s0, $0x1;
	s0 =	sadd.s32 $0xFFFFFFFF, s0;
	v5 =	vadd.f32 v19, v5;
	v7 =	vmul.f32 v14, v7;
	v14 =	vmul.f32 v14, v14  }
0x22a: {  	v19 =	vadd.f32 v22, v20;
	v20 =	vmul.f32 v13, v13;
	v22 =	vmul.f32 v8, v8  }
0x22b: {  	v23 =	vadd.s32 $0x3, v4;
	v5 =	vadd.f32 v7, v5;
	v7 =	vadd.f32 v14, v18  }
0x22c: {  	v15 =	vadd.f32 v21, v15;
	v8 =	vmul.f32 v8, v13;
	v14 =	vadd.s32 $0x1, v4;
	v13 =	vld.idx.msk [tilespmem:v16+s13+$0x0], $0xffff  }
0x22d: {  	v21 =	vmul.f32 v9, v9;
	v18 =	vor.u32 v3, v4;
	v14 =	vand.u32 $0x7F, v14;
	v16 =	vld.idx.msk [tilespmem:v16+s21+$0x0], $0xffff  }
0x22e: {  	v24 =	vadd.s32 $0x2, v4;
	v17 =	vadd.f32 v22, v17;
	v14 =	vor.u32 v3, v14  }
0x22f: {  	v23 =	vand.u32 $0x7F, v23;
	v22 =	vand.u32 $0x7F, v24;
	v24 =	vmul.f32 v12, v9  }
0x230: {  	v9 =	vor.u32 v3, v22;
	v22 =	vor.u32 v3, v23;
	v23 =	vmul.f32 v6, v6  }
0x231: {  	v15 =	vadd.f32 v20, v15;
	v20 =	vmul.f32 v10, v10;
	v12 =	vmul.f32 v12, v12  }
0x232: {  	v19 =	vadd.f32 v8, v19;
	v8 =	vadd.f32 v23, v11;
	v11 =	vmul.f32 v13, v13;
	v25 =	vld.idx.msk [tilespmem:v18+s13+$0x0], $0xffff  }
0x233: {  	v15 =	vadd.f32 v21, v15;
	v12 =	vadd.f32 v12, v17;
	v23 =	vadd.s32 $0x4, v4;
	v18 =	vld.idx.msk [tilespmem:v18+s21+$0x0], $0xffff  }
0x234: {  	v6 =	vmul.f32 v10, v6;
	v10 =	vadd.f32 v20, v7;
	v21 =	vand.u32 $0x7F, v23;
	v17 =	vld.idx.msk [tilespmem:v14+s13+$0x0], $0xffff  }
0x235: {  	v21 =	vor.u32 v3, v21;
	v13 =	vmul.f32 v16, v13;
	v20 =	vld.idx.msk [tilespmem:v14+s21+$0x0], $0xffff;
	v14 =	vadd.s32 $0x6, v4  }
0x236: {  	v23 =	vadd.s32 $0x5, v4;
	v11 =	vadd.f32 v11, v8;
	v7 =	vld.idx.msk [tilespmem:v22+s13+$0x0], $0xffff;
	v14 =	vand.u32 $0x7F, v14  }
0x237: {  	v5 =	vadd.f32 v6, v5;
	v8 =	vand.u32 $0x7F, v23;
	v26 =	vld.idx.msk [tilespmem:v9+s13+$0x0], $0xffff;
	v23 =	vor.u32 v3, v14  }
0x238: {  	v28 =	vor.u32 v3, v8;
	v6 =	vmul.f32 v25, v25;
	v27 =	vld.idx.msk [tilespmem:v9+s21+$0x0], $0xffff;
	v9 =	vmul.f32 v16, v16  }
0x239: {  	v5 =	vadd.f32 v13, v5;
	v16 =	vmul.f32 v18, v25;
	v18 =	vmul.f32 v18, v18;
	v14 =	vld.idx.msk [tilespmem:v22+s21+$0x0], $0xffff  }
0x23a: {  	v22 =	vadd.s32 $0x7, v4;
	v4 =	vadd.s32 $0x8, v4;
	v8 =	vld.idx.msk [tilespmem:v21+s21+$0x0], $0xffff;
	v10 =	vadd.f32 v9, v10  }
0x23b: {  	v25 =	vmul.f32 v17, v17;
	v29 =	vmul.f32 v20, v20;
	v4 =	vand.u32 $0x7F, v4;
	v13 =	vld.idx.msk [tilespmem:v21+s13+$0x0], $0xffff  }
.Ltmp4:
0x23c: {  	v24 =	vadd.f32 v24, v19;
	v15 =	vadd.f32 v6, v15;
	v21 =	vmul.f32 v7, v7;
	v9 =	vld.idx.msk [tilespmem:v23+s13+$0x0], $0xffff;
	(pc) =	sbr.rel @p0 .LBB2_11-.Ltmp4, $4  }
0x23d: {  	v19 =	vmul.f32 v20, v17;
	v17 =	vand.u32 $0x7F, v22;
	v11 =	vadd.f32 v25, v11;
	v6 =	vld.idx.msk [tilespmem:v28+s13+$0x0], $0xffff  }
0x23e: {  	v20 =	vadd.f32 v16, v24;
	v24 =	vadd.f32 v18, v12;
	v25 =	vmul.f32 v27, v27;
	v12 =	vld.idx.msk [tilespmem:v23+s21+$0x0], $0xffff  }
0x23f: {  	v16 =	vor.u32 v3, v17;
	v18 =	vadd.f32 v29, v10;
	v11 =	vadd.f32 v21, v11;
	v10 =	vld.idx.msk [tilespmem:v28+s21+$0x0], $0xffff  }
0x240: {  	v22 =	vmul.f32 v27, v26;
	v21 =	vmul.f32 v26, v26;
	v17 =	vadd.f32 v25, v24  }
0x241: {  	_ =	sdelay $0x2  }
0x242: {  	v4 =	vmul.f32 v14, v7;
	v47 =	vmul.f32 v14, v14  }
0x243: {  	v49 =	vld.idx.msk [tilespmem:v16+s13+$0x0], $0xffff;
	v50 =	vmul.f32 v13, v13;
	v51 =	vmul.f32 v8, v8  }
0x244: {  	v3 =	vadd.f32 v19, v5;
	v52 =	vld.idx.msk [tilespmem:v16+s21+$0x0], $0xffff;
	v53 =	vmul.f32 v8, v13;
	v54 =	vmul.f32 v9, v9  }
0x245: {  	v48 =	vadd.f32 v22, v20;
	v15 =	vadd.f32 v21, v15;
	v56 =	vmul.f32 v6, v6  }
0x246: {  	v3 =	vadd.f32 v4, v3;
	v5 =	vadd.f32 v47, v18;
	v55 =	vmul.f32 v12, v9  }
0x247: {  	v4 =	vadd.f32 v51, v17;
	v59 =	vmul.f32 v12, v12;
	v57 =	vmul.f32 v10, v6  }
0x248: {  	v15 =	vadd.f32 v50, v15;
	v58 =	vmul.f32 v10, v10;
	v7 =	vadd.f32 v53, v48  }
0x249: {  	v60 =	vadd.f32 v56, v11;
	v61 =	vmul.f32 v52, v49;
	v3 =	vadd.f32 v57, v3  }
0x24a: {  	v4 =	vadd.f32 v59, v4;
	v62 =	vmul.f32 v49, v49;
	v5 =	vadd.f32 v58, v5  }
0x24b: {  	s30 =	sadd.s32 $0x1, s30;
	v63 =	vmul.f32 v52, v52;
	v7 =	vadd.f32 v55, v7;
	v3 =	vadd.f32 v61, v3  }
0x24c: {  	p0 =	sne.s32 s30, $0x8;
	v13 =	vadd.f32 v54, v15;
	v6 =	vadd.f32 v62, v60  }
.Ltmp5:
0x24d: {  	v5 =	vadd.f32 v63, v5;
	v3 =	vadd.f32 v3, v7;
	(pc) =	sbr.rel @p0 .LBB2_8-.Ltmp5, $4  }
0x24e: {  	v6 =	vadd.f32 v6, v13  }
0x24f: {  	v4 =	vadd.f32 v5, v4;
	[tilespmem:s31+$0x18180] =	vst v3  }
0x250: {  	[tilespmem:s31+$0x18200] =	vst v6  }
0x251: {  	[tilespmem:s31+$0x18280] =	vst v4  }
0x252: {  	v3 =	vld [tilespmem:$0x40];
	_ =	sdelay $0x4  }
0x253: {  	v4 =	vshll.u32 v3, $0x1  }
0x254: {  	v3 =	vand.u32 $0x7, v3;
	v4 =	vand.u32 $0xFFFFFFF0, v4  }
0x255: {  	v3 =	vor.u32 v3, v4  }
0x256: {  	v4 =	vperm.xlane v3, v0;
	_ =	sdelay $0x1  }
0x257: {  	v3 =	vperm.xlane v3, v2;
	v4 =	vadd.s32 v1, v4;
	_ =	sdelay $0x1  }
0x258: {  	v3 =	vadd.s32 v1, v3;
	_ =	sdelay $0x1  }
0x259: {  	s30 =	simm.s32 $0x0  }
0x25a: {  	[tilespmem:s16], [sflag:$0x1] =	stream.indirect_vreg.gather [hbm4b:s2+s30], $0x80, v4, vm0, $0xb8;
	[tilespmem:$0x18600] =	vst v63  }
0x25b: {  	_ = 	snop  }
0x25c: {  	[tilespmem:s17], [sflag:$0x1] =	stream.indirect_vreg.gather [hbm4b:s2+s30], $0x80, v3, vm0, $0xb8;
	[tilespmem:$0x18600] =	vst v63  }
0x25d: {  	v3 =	vld [tilespmem:$0x50];
	_ =	sdelay $0x4  }
0x25e: {  	v61 =	vshll.u32 v3, $0x1  }
0x25f: {  	v3 =	vand.u32 $0x7, v3;
	v4 =	vand.u32 $0xFFFFFFF0, v61  }
0x260: {  	v3 =	vor.u32 v3, v4  }
0x261: {  	v4 =	vperm.xlane v3, v0;
	_ =	sdelay $0x1  }
0x262: {  	v3 =	vperm.xlane v3, v2;
	v4 =	vadd.s32 v1, v4;
	_ =	sdelay $0x1  }
0x263: {  	v3 =	vadd.s32 v1, v3;
	_ =	sdelay $0x2  }
0x264: {  	[tilespmem:s18], [sflag:$0x1] =	stream.indirect_vreg.gather [hbm4b:s2+s30], $0x80, v4, vm0, $0xb8;
	[tilespmem:$0x18600] =	vst v63  }
0x265: {  	_ = 	snop  }
0x266: {  	[tilespmem:s19], [sflag:$0x1] =	stream.indirect_vreg.gather [hbm4b:s2+s30], $0x80, v3, vm0, $0xb8;
	[tilespmem:$0x18600] =	vst v63  }
0x267: {  	v3 =	vld [tilespmem:$0x60];
	_ =	sdelay $0x4  }
0x268: {  	v62 =	vshll.u32 v3, $0x1  }
0x269: {  	v3 =	vand.u32 $0x7, v3;
	v4 =	vand.u32 $0xFFFFFFF0, v62  }
0x26a: {  	v3 =	vor.u32 v3, v4  }
0x26b: {  	v4 =	vperm.xlane v3, v0;
	_ =	sdelay $0x1  }
0x26c: {  	v3 =	vperm.xlane v3, v2;
	v4 =	vadd.s32 v1, v4;
	_ =	sdelay $0x1  }
0x26d: {  	v3 =	vadd.s32 v1, v3;
	_ =	sdelay $0x2  }
0x26e: {  	[tilespmem:s20], [sflag:$0x1] =	stream.indirect_vreg.gather [hbm4b:s2+s30], $0x80, v4, vm0, $0xb8;
	[tilespmem:$0x18600] =	vst v63  }
0x26f: {  	_ = 	snop  }
0x270: {  	[tilespmem:s22], [sflag:$0x1] =	stream.indirect_vreg.gather [hbm4b:s2+s30], $0x80, v3, vm0, $0xb8;
	[tilespmem:$0x18600] =	vst v63  }
0x271: {  	v3 =	vld [tilespmem:$0x70];
	_ =	sdelay $0x4  }
0x272: {  	v63 =	vshll.u32 v3, $0x1  }
0x273: {  	v3 =	vand.u32 $0x7, v3;
	v4 =	vand.u32 $0xFFFFFFF0, v63  }
0x274: {  	v3 =	vor.u32 v3, v4  }
0x275: {  	v4 =	vperm.xlane v3, v0;
	_ =	sdelay $0x1  }
0x276: {  	v3 =	vperm.xlane v3, v2;
	v4 =	vadd.s32 v1, v4;
	_ =	sdelay $0x1  }
0x277: {  	v3 =	vadd.s32 v1, v3;
	_ =	sdelay $0x2  }
0x278: {  	[tilespmem:s23], [sflag:$0x1] =	stream.indirect_vreg.gather [hbm4b:s2+s30], $0x80, v4, vm0, $0xb8;
	[tilespmem:$0x18600] =	vst v63  }
0x279: {  	_ = 	snop  }
0x27a: {  	[tilespmem:s24], [sflag:$0x1] =	stream.indirect_vreg.gather [hbm4b:s2+s30], $0x80, v3, vm0, $0xb8;
	[tilespmem:$0x18600] =	vst v63  }
0x27b: {  	_ =	swait.ge [sflag:s26], $0x4000  }
0x27c: {  	[sflag:s26] =	ssyncset.done $0x0  }
0x27d: {  	[sflag:s26] =	ssyncadd.s32 $0xFFFFC000  }
.LBB2_14:
0x27e: {  	s31 =	sshll.u32 s30, $0x4;
	v6 =	vlaneseq.u32  }
0x27f: {  	v3 =	vmov s31;
	v4 =	vmul.u32 $0x100, v6  }
0x280: {  	v5 =	vand.u32 $0x7, v6;
	v3 =	vshll.u32 v3, $0x8  }
0x281: {  	v3 =	vor.u32 v4, v3;
	v4 =	vmul.u32 $0x80, v5  }
0x282: {  	v3 =	vand.u32 $0x3800, v3  }
0x283: {  	v4 =	vor.u32 v4, v3  }
0x284: {  	v7 =	vadd.s32 $0x1, v6;
	v5 =	vor.u32 v4, v6  }
0x285: {  	v7 =	vand.u32 $0x7F, v7  }
0x286: {  	v8 =	vadd.s32 $0x2, v6;
	v9 =	vor.u32 v4, v7  }
0x287: {  	v7 =	vand.u32 $0x7F, v8  }
0x288: {  	v12 =	vor.u32 v4, v7;
	v7 =	vadd.s32 $0x4, v6  }
0x289: {  	v8 =	vadd.s32 $0x3, v6;
	v7 =	vand.u32 $0x7F, v7;
	v11 =	vld.idx.msk [tilespmem:v5+s13+$0x0], $0xffff  }
0x28a: {  	v10 =	vimm.f32 $0.0e+00;
	v8 =	vand.u32 $0x7F, v8;
	v22 =	vor.u32 v4, v7;
	v13 =	vld.idx.msk [tilespmem:v5+s25+$0x0], $0xffff  }
0x28b: {  	v16 =	vadd.s32 $0x5, v6;
	v17 =	vadd.s32 $0x7, v6;
	v14 =	vor.u32 v4, v8;
	v15 =	vld.idx.msk [tilespmem:v9+s25+$0x0], $0xffff  }
0x28c: {  	v17 =	vand.u32 $0x7F, v17;
	v5 =	vadd.s32 $0x8, v6;
	v19 =	vld.idx.msk [tilespmem:v9+s13+$0x0], $0xffff;
	v9 =	vand.u32 $0x7F, v16  }
0x28d: {  	v6 =	vadd.s32 $0x6, v6;
	v5 =	vand.u32 $0x7F, v5;
	v24 =	vld.idx.msk [tilespmem:v12+s25+$0x0], $0xffff;
	v27 =	vor.u32 v4, v9  }
0x28e: {  	v6 =	vand.u32 $0x7F, v6;
	v30 =	vld.idx.msk [tilespmem:v12+s13+$0x0], $0xffff;
	v7 =	vadd.s32 $0x3, v5;
	v8 =	vadd.s32 $0x8, v5  }
0x28f: {  	v21 =	vor.u32 v4, v6;
	v28 =	vadd.s32 $0x1, v5;
	v29 =	vadd.s32 $0x2, v5;
	v9 =	vld.idx.msk [tilespmem:v22+s25+$0x0], $0xffff  }
0x290: {  	v8 =	vand.u32 $0x7F, v8;
	v16 =	vmul.f32 v13, v11;
	v11 =	vld.idx.msk [tilespmem:v14+s25+$0x0], $0xffff;
	v18 =	vmul.f32 v13, v13  }
0x291: {  	v28 =	vand.u32 $0x7F, v28;
	v12 =	vmul.f32 v15, v15;
	v25 =	vmul.f32 v15, v19  }
0x292: {  	v20 =	vld.idx.msk [tilespmem:v14+s13+$0x0], $0xffff;
	v19 =	vor.u32 v4, v17;
	v26 =	vmul.f32 v24, v24;
	v13 =	vadd.f32 v16, v10  }
0x293: {  	v15 =	vld.idx.msk [tilespmem:v27+s13+$0x0], $0xffff;
	v16 =	vadd.s32 $0x4, v5;
	v23 =	vadd.f32 v18, v10;
	v18 =	vor.u32 v4, v5  }
0x294: {  	v6 =	vand.u32 $0x7F, v16;
	v14 =	vmul.f32 v9, v9;
	v16 =	vld.idx.msk [tilespmem:v27+s25+$0x0], $0xffff;
	v27 =	vmul.f32 v24, v30  }
0x295: {  	s0 =	simm.s32 $0xE;
	v24 =	vld.idx.msk [tilespmem:v22+s13+$0x0], $0xffff;
	v22 =	vimm.f32 $0.0e+00;
	v6 =	vor.u32 v4, v6;
	v17 =	vmul.f32 v11, v11  }
.LBB2_15:
0x296: {  	p0 =	seq.s32 s0, $0x1;
	s0 =	sadd.s32 $0xFFFFFFFF, s0;
	v28 =	vor.u32 v4, v28;
	v29 =	vand.u32 $0x7F, v29;
	v23 =	vadd.f32 v26, v23;
	v26 =	vld.idx.msk [tilespmem:v21+s25+$0x0], $0xffff;
	v30 =	vmovc v8  }
0x297: {  	v7 =	vand.u32 $0x7F, v7;
	v29 =	vor.u32 v4, v29;
	v13 =	vadd.f32 v27, v13;
	v21 =	vld.idx.msk [tilespmem:v21+s13+$0x0], $0xffff  }
0x298: {  	v10 =	vadd.f32 v25, v10;
	v11 =	vmul.f32 v11, v20;
	v31 =	vor.u32 v4, v7;
	v27 =	vld.idx.msk [tilespmem:v18+s13+$0x0], $0xffff  }
0x299: {  	v12 =	vadd.f32 v12, v22;
	v7 =	vadd.s32 $0x3, v8;
	v8 =	vadd.s32 $0x8, v8;
	v20 =	vld.idx.msk [tilespmem:v19+s13+$0x0], $0xffff  }
0x29a: {  	v8 =	vand.u32 $0x7F, v8;
	v10 =	vadd.f32 v11, v10;
	v11 =	vmul.f32 v16, v15;
	v18 =	vld.idx.msk [tilespmem:v18+s25+$0x0], $0xffff  }
0x29b: {  	v12 =	vadd.f32 v17, v12;
	v15 =	vmul.f32 v16, v16;
	v9 =	vmul.f32 v9, v24;
	v16 =	vld.idx.msk [tilespmem:v19+s25+$0x0], $0xffff  }
0x29c: {  	v14 =	vadd.f32 v14, v23;
	v10 =	vadd.f32 v11, v10;
	v11 =	vmul.f32 v26, v26;
	v17 =	vld.idx.msk [tilespmem:v28+s25+$0x0], $0xffff  }
0x29d: {  	v19 =	vadd.s32 $0x7, v5;
	v9 =	vadd.f32 v9, v13;
	v13 =	vmul.f32 v26, v21;
	v24 =	vld.idx.msk [tilespmem:v29+s13+$0x0], $0xffff  }
0x29e: {  	v21 =	vadd.s32 $0x5, v5;
	v19 =	vand.u32 $0x7F, v19;
	v14 =	vadd.f32 v11, v14;
	v32 =	vld.idx.msk [tilespmem:v29+s25+$0x0], $0xffff  }
0x29f: {  	v22 =	vadd.s32 $0x6, v5;
	v5 =	vmovc v30;
	v21 =	vand.u32 $0x7F, v21;
	v13 =	vadd.f32 v13, v9;
	v25 =	vld.idx.msk [tilespmem:v28+s13+$0x0], $0xffff  }
0x2a0: {  	v15 =	vadd.f32 v15, v12;
	v23 =	vmul.f32 v18, v27;
	v27 =	vor.u32 v4, v21;
	v11 =	vld.idx.msk [tilespmem:v31+s25+$0x0], $0xffff  }
0x2a1: {  	v21 =	vand.u32 $0x7F, v22;
	v26 =	vmul.f32 v16, v20;
	v16 =	vmul.f32 v16, v16;
	v9 =	vld.idx.msk [tilespmem:v6+s25+$0x0], $0xffff  }
0x2a2: {  	v18 =	vmul.f32 v18, v18;
	v13 =	vadd.f32 v23, v13  }
0x2a3: {  	v21 =	vor.u32 v4, v21;
	v12 =	vmul.f32 v17, v17;
	v22 =	vadd.f32 v16, v15  }
.Ltmp6:
0x2a4: {  	v23 =	vadd.f32 v18, v14;
	v15 =	vadd.s32 $0x4, v5;
	v10 =	vadd.f32 v26, v10;
	v20 =	vld.idx.msk [tilespmem:v31+s13+$0x0], $0xffff;
	(pc) =	sbr.rel @!p0 .LBB2_15-.Ltmp6, $4  }
0x2a5: {  	v18 =	vor.u32 v4, v5;
	v14 =	vand.u32 $0x7F, v15;
	v25 =	vmul.f32 v17, v25;
	v15 =	vld.idx.msk [tilespmem:v27+s13+$0x0], $0xffff  }
0x2a6: {  	v19 =	vor.u32 v4, v19;
	v26 =	vmul.f32 v32, v32;
	v30 =	vor.u32 v4, v14  }
0x2a7: {  	v28 =	vadd.s32 $0x1, v5;
	v17 =	vmul.f32 v11, v11;
	v14 =	vmul.f32 v9, v9;
	v16 =	vld.idx.msk [tilespmem:v27+s25+$0x0], $0xffff  }
0x2a8: {  	v29 =	vadd.s32 $0x2, v5;
	v28 =	vand.u32 $0x7F, v28;
	v27 =	vmul.f32 v32, v24;
	v24 =	vld.idx.msk [tilespmem:v6+s13+$0x0], $0xffff;
	v6 =	vmovc v30  }
0x2a9: {  	_ =	sdelay $0x3  }
0x2aa: {  	v8 =	vld.idx.msk [tilespmem:v21+s25+$0x0], $0xffff  }
0x2ab: {  	v28 =	vor.u32 v4, v28;
	v21 =	vld.idx.msk [tilespmem:v21+s13+$0x0], $0xffff  }
0x2ac: {  	v29 =	vand.u32 $0x7F, v29;
	v30 =	vld.idx.msk [tilespmem:v18+s13+$0x0], $0xffff  }
0x2ad: {  	v31 =	vld.idx.msk [tilespmem:v19+s13+$0x0], $0xffff;
	v29 =	vor.u32 v4, v29  }
0x2ae: {  	v7 =	vand.u32 $0x7F, v7;
	v18 =	vld.idx.msk [tilespmem:v18+s25+$0x0], $0xffff  }
0x2af: {  	v10 =	vadd.f32 v25, v10;
	v11 =	vmul.f32 v11, v20;
	v19 =	vld.idx.msk [tilespmem:v19+s25+$0x0], $0xffff;
	v7 =	vor.u32 v4, v7  }
0x2b0: {  	v20 =	vadd.f32 v26, v23;
	v12 =	vadd.f32 v12, v22;
	v23 =	vadd.s32 $0x5, v5;
	v22 =	vld.idx.msk [tilespmem:v28+s25+$0x0], $0xffff  }
0x2b1: {  	v25 =	vadd.s32 $0x6, v5;
	v5 =	vadd.s32 $0x7, v5;
	v9 =	vmul.f32 v9, v24;
	v24 =	vld.idx.msk [tilespmem:v28+s13+$0x0], $0xffff  }
0x2b2: {  	v13 =	vadd.f32 v27, v13;
	v23 =	vand.u32 $0x7F, v23;
	v10 =	vadd.f32 v11, v10;
	v11 =	vld.idx.msk [tilespmem:v29+s13+$0x0], $0xffff  }
0x2b3: {  	v25 =	vand.u32 $0x7F, v25;
	v12 =	vadd.f32 v17, v12;
	v23 =	vor.u32 v4, v23;
	v17 =	vld.idx.msk [tilespmem:v29+s25+$0x0], $0xffff  }
0x2b4: {  	v5 =	vand.u32 $0x7F, v5;
	v14 =	vadd.f32 v14, v20;
	v25 =	vor.u32 v4, v25;
	v20 =	vld.idx.msk [tilespmem:v7+s25+$0x0], $0xffff  }
0x2b5: {  	v15 =	vmul.f32 v16, v15;
	v9 =	vadd.f32 v9, v13;
	v13 =	vmul.f32 v8, v21;
	v21 =	vld.idx.msk [tilespmem:v6+s25+$0x0], $0xffff  }
0x2b6: {  	v4 =	vor.u32 v4, v5;
	v16 =	vmul.f32 v16, v16;
	v8 =	vmul.f32 v8, v8;
	v7 =	vld.idx.msk [tilespmem:v7+s13+$0x0], $0xffff  }
0x2b7: {  	v10 =	vadd.f32 v15, v10;
	v6 =	vld.idx.msk [tilespmem:v6+s13+$0x0], $0xffff;
	v9 =	vadd.f32 v13, v9;
	v13 =	vmul.f32 v18, v30  }
0x2b8: {  	v15 =	vld.idx.msk [tilespmem:v23+s13+$0x0], $0xffff;
	v5 =	vadd.f32 v8, v14;
	v8 =	vadd.f32 v16, v12;
	v12 =	vmul.f32 v19, v31  }
0x2b9: {  	v14 =	vld.idx.msk [tilespmem:v23+s25+$0x0], $0xffff;
	v16 =	vmul.f32 v19, v19;
	v9 =	vadd.f32 v13, v9;
	v13 =	vmul.f32 v18, v18  }
0x2ba: {  	v19 =	vld.idx.msk [tilespmem:v25+s25+$0x0], $0xffff;
	v18 =	vmul.f32 v22, v22;
	v10 =	vadd.f32 v12, v10;
	v12 =	vmul.f32 v22, v24  }
0x2bb: {  	v8 =	vadd.f32 v16, v8;
	v16 =	vld.idx.msk [tilespmem:v25+s13+$0x0], $0xffff;
	v22 =	vmul.f32 v20, v20;
	v7 =	vmul.f32 v20, v7  }
0x2bc: {  	v20 =	vmul.f32 v21, v21;
	v11 =	vmul.f32 v17, v11;
	v10 =	vadd.f32 v12, v10;
	v12 =	vld.idx.msk [tilespmem:v4+s13+$0x0], $0xffff  }
0x2bd: {  	v6 =	vmul.f32 v21, v6;
	v5 =	vadd.f32 v13, v5;
	v13 =	vmul.f32 v17, v17;
	v4 =	vld.idx.msk [tilespmem:v4+s25+$0x0], $0xffff  }
0x2be: {  	v8 =	vadd.f32 v18, v8;
	v9 =	vadd.f32 v11, v9;
	v11 =	vmul.f32 v14, v14  }
0x2bf: {  	v5 =	vadd.f32 v13, v5;
	v7 =	vadd.f32 v7, v10;
	v10 =	vmul.f32 v14, v15  }
0x2c0: {  	v8 =	vadd.f32 v22, v8;
	v6 =	vadd.f32 v6, v9;
	v9 =	vmul.f32 v19, v16  }
0x2c1: {  	v5 =	vadd.f32 v20, v5;
	v7 =	vadd.f32 v10, v7;
	v10 =	vmul.f32 v19, v19  }
0x2c2: {  	v8 =	vadd.f32 v11, v8;
	v11 =	vmul.f32 v4, v12;
	v4 =	vmul.f32 v4, v4  }
0x2c3: {  	v5 =	vadd.f32 v10, v5;
	v10 =	vlaneseq.u32  }
0x2c4: {  	v12 =	vadd.f32 v9, v6;
	v6 =	vadd.f32 v4, v8;
	v4 =	vand.u32 $0x7, v10  }
0x2c5: {  	v4 =	vmul.u32 $0x80, v4;
	_ =	sdelay $0x1  }
0x2c6: {  	v4 =	vor.u32 $0x400, v4  }
0x2c7: {  	v3 =	vor.u32 v4, v3  }
0x2c8: {  	v9 =	vadd.f32 v11, v7;
	v7 =	vadd.s32 $0x1, v10;
	v4 =	vor.u32 v3, v10  }
0x2c9: {  	v7 =	vand.u32 $0x7F, v7  }
0x2ca: {  	v8 =	vadd.s32 $0x2, v10;
	v11 =	vor.u32 v3, v7  }
0x2cb: {  	v7 =	vand.u32 $0x7F, v8  }
0x2cc: {  	v13 =	vor.u32 v3, v7  }
0x2cd: {  	v8 =	vadd.s32 $0x3, v10;
	v14 =	vld.idx.msk [tilespmem:v4+s13+$0x0], $0xffff  }
0x2ce: {  	v7 =	vadd.s32 $0x4, v10;
	v8 =	vand.u32 $0x7F, v8;
	v16 =	vld.idx.msk [tilespmem:v4+s25+$0x0], $0xffff  }
0x2cf: {  	v7 =	vand.u32 $0x7F, v7;
	v15 =	vor.u32 v3, v8;
	v17 =	vld.idx.msk [tilespmem:v11+s25+$0x0], $0xffff  }
0x2d0: {  	v18 =	vadd.s32 $0x5, v10;
	v24 =	vor.u32 v3, v7;
	v20 =	vld.idx.msk [tilespmem:v11+s13+$0x0], $0xffff  }
0x2d1: {  	v19 =	vadd.s32 $0x7, v10;
	v18 =	vand.u32 $0x7F, v18;
	v4 =	vadd.s32 $0x8, v10;
	v26 =	vld.idx.msk [tilespmem:v13+s25+$0x0], $0xffff  }
0x2d2: {  	v27 =	vor.u32 v3, v18;
	v18 =	vadd.s32 $0x6, v10;
	v4 =	vand.u32 $0x7F, v4;
	v29 =	vld.idx.msk [tilespmem:v13+s13+$0x0], $0xffff  }
0x2d3: {  	v28 =	vand.u32 $0x7F, v19;
	v13 =	vand.u32 $0x7F, v18;
	v8 =	vadd.s32 $0x8, v4  }
0x2d4: {  	v7 =	vadd.s32 $0x3, v4;
	v11 =	vld.idx.msk [tilespmem:v15+s25+$0x0], $0xffff;
	v21 =	vor.u32 v3, v13;
	v13 =	vadd.s32 $0x4, v4  }
0x2d5: {  	v19 =	vor.u32 v3, v4;
	v8 =	vand.u32 $0x7F, v8;
	v10 =	vld.idx.msk [tilespmem:v24+s25+$0x0], $0xffff;
	v14 =	vmul.f32 v16, v14  }
0x2d6: {  	v16 =	vmul.f32 v16, v16;
	v22 =	vmul.f32 v17, v20;
	v20 =	vor.u32 v3, v28  }
0x2d7: {  	v18 =	vld.idx.msk [tilespmem:v15+s13+$0x0], $0xffff;
	v28 =	vadd.s32 $0x1, v4;
	v25 =	vmul.f32 v26, v26;
	v26 =	vmul.f32 v26, v29  }
0x2d8: {  	v15 =	vld.idx.msk [tilespmem:v27+s13+$0x0], $0xffff;
	v14 =	vadd.f32 v14, v12;
	v12 =	vmul.f32 v17, v17;
	v23 =	vadd.f32 v16, v5  }
0x2d9: {  	v5 =	vand.u32 $0x7F, v13;
	v17 =	vmul.f32 v11, v11;
	v16 =	vld.idx.msk [tilespmem:v27+s25+$0x0], $0xffff;
	v27 =	vand.u32 $0x7F, v28  }
0x2da: {  	s0 =	simm.s32 $0xE;
	v24 =	vld.idx.msk [tilespmem:v24+s13+$0x0], $0xffff;
	v28 =	vadd.s32 $0x2, v4;
	v5 =	vor.u32 v3, v5;
	v13 =	vmul.f32 v10, v10  }
.LBB2_17:
0x2db: {  	p0 =	sne.s32 s0, $0x1;
	s0 =	sadd.s32 $0xFFFFFFFF, s0;
	v27 =	vor.u32 v3, v27;
	v28 =	vand.u32 $0x7F, v28;
	v23 =	vadd.f32 v25, v23;
	v25 =	vld.idx.msk [tilespmem:v21+s25+$0x0], $0xffff;
	v29 =	vmovc v8  }
0x2dc: {  	v7 =	vand.u32 $0x7F, v7;
	v28 =	vor.u32 v3, v28;
	v14 =	vadd.f32 v26, v14;
	v21 =	vld.idx.msk [tilespmem:v21+s13+$0x0], $0xffff  }
0x2dd: {  	v9 =	vadd.f32 v22, v9;
	v11 =	vmul.f32 v11, v18;
	v30 =	vor.u32 v3, v7;
	v26 =	vld.idx.msk [tilespmem:v19+s13+$0x0], $0xffff  }
0x2de: {  	v6 =	vadd.f32 v12, v6;
	v7 =	vadd.s32 $0x3, v8;
	v8 =	vadd.s32 $0x8, v8;
	v12 =	vld.idx.msk [tilespmem:v20+s13+$0x0], $0xffff  }
0x2df: {  	v8 =	vand.u32 $0x7F, v8;
	v9 =	vadd.f32 v11, v9;
	v11 =	vmul.f32 v16, v15;
	v18 =	vld.idx.msk [tilespmem:v19+s25+$0x0], $0xffff  }
0x2e0: {  	v6 =	vadd.f32 v17, v6;
	v15 =	vmul.f32 v16, v16;
	v10 =	vmul.f32 v10, v24;
	v16 =	vld.idx.msk [tilespmem:v20+s25+$0x0], $0xffff  }
0x2e1: {  	v13 =	vadd.f32 v13, v23;
	v9 =	vadd.f32 v11, v9;
	v11 =	vmul.f32 v25, v25;
	v17 =	vld.idx.msk [tilespmem:v27+s25+$0x0], $0xffff  }
0x2e2: {  	v19 =	vadd.s32 $0x7, v4;
	v10 =	vadd.f32 v10, v14;
	v14 =	vmul.f32 v25, v21;
	v24 =	vld.idx.msk [tilespmem:v28+s13+$0x0], $0xffff  }
0x2e3: {  	v20 =	vadd.s32 $0x5, v4;
	v13 =	vadd.f32 v11, v13;
	v31 =	vld.idx.msk [tilespmem:v28+s25+$0x0], $0xffff;
	v28 =	vand.u32 $0x7F, v19  }
0x2e4: {  	v19 =	vand.u32 $0x7F, v20;
	v20 =	vadd.s32 $0x6, v4;
	v14 =	vadd.f32 v14, v10;
	v4 =	vmovc v29;
	v22 =	vld.idx.msk [tilespmem:v27+s13+$0x0], $0xffff  }
0x2e5: {  	v6 =	vadd.f32 v15, v6;
	v21 =	vmul.f32 v18, v26;
	v26 =	vor.u32 v3, v19;
	v11 =	vld.idx.msk [tilespmem:v30+s25+$0x0], $0xffff  }
0x2e6: {  	v15 =	vand.u32 $0x7F, v20;
	v19 =	vmul.f32 v16, v12;
	v16 =	vmul.f32 v16, v16;
	v10 =	vld.idx.msk [tilespmem:v5+s25+$0x0], $0xffff  }
0x2e7: {  	v18 =	vmul.f32 v18, v18;
	v14 =	vadd.f32 v21, v14  }
0x2e8: {  	v12 =	vmul.f32 v17, v17;
	v21 =	vor.u32 v3, v15;
	v6 =	vadd.f32 v16, v6  }
.Ltmp7:
0x2e9: {  	v15 =	vadd.s32 $0x4, v4;
	v23 =	vadd.f32 v18, v13;
	v9 =	vadd.f32 v19, v9;
	v18 =	vld.idx.msk [tilespmem:v30+s13+$0x0], $0xffff;
	(pc) =	sbr.rel @p0 .LBB2_17-.Ltmp7, $4  }
0x2ea: {  	v19 =	vor.u32 v3, v4;
	v13 =	vand.u32 $0x7F, v15;
	v22 =	vmul.f32 v17, v22;
	v15 =	vld.idx.msk [tilespmem:v26+s13+$0x0], $0xffff  }
0x2eb: {  	v20 =	vor.u32 v3, v28;
	v29 =	vor.u32 v3, v13;
	v25 =	vmul.f32 v31, v31  }
0x2ec: {  	v27 =	vadd.s32 $0x1, v4;
	v17 =	vmul.f32 v11, v11;
	v13 =	vmul.f32 v10, v10;
	v16 =	vld.idx.msk [tilespmem:v26+s25+$0x0], $0xffff  }
0x2ed: {  	v28 =	vadd.s32 $0x2, v4;
	v27 =	vand.u32 $0x7F, v27;
	v26 =	vmul.f32 v31, v24;
	v24 =	vld.idx.msk [tilespmem:v5+s13+$0x0], $0xffff;
	v5 =	vmovc v29  }
0x2ee: {  	_ =	sdelay $0x3  }
0x2ef: {  	v8 =	vld.idx.msk [tilespmem:v21+s25+$0x0], $0xffff  }
0x2f0: {  	v60 =	vld.idx.msk [tilespmem:v21+s13+$0x0], $0xffff  }
0x2f1: {  	v29 =	vld.idx.msk [tilespmem:v19+s13+$0x0], $0xffff  }
0x2f2: {  	v27 =	vor.u32 v3, v27;
	v30 =	vld.idx.msk [tilespmem:v20+s13+$0x0], $0xffff  }
0x2f3: {  	v28 =	vand.u32 $0x7F, v28;
	v61 =	vld.idx.msk [tilespmem:v19+s25+$0x0], $0xffff  }
0x2f4: {  	v7 =	vand.u32 $0x7F, v7;
	v62 =	vld.idx.msk [tilespmem:v20+s25+$0x0], $0xffff;
	v28 =	vor.u32 v3, v28  }
0x2f5: {  	v23 =	vadd.f32 v25, v23;
	v31 =	vadd.s32 $0x5, v4;
	v9 =	vadd.f32 v22, v9;
	v40 =	vld.idx.msk [tilespmem:v5+s25+$0x0], $0xffff  }
0x2f6: {  	v11 =	vmul.f32 v11, v18;
	v6 =	vadd.f32 v12, v6;
	v48 =	vld.idx.msk [tilespmem:v5+s13+$0x0], $0xffff;
	v7 =	vor.u32 v3, v7  }
0x2f7: {  	v37 =	vadd.s32 $0x6, v4;
	v39 =	vadd.s32 $0x7, v4;
	v34 =	vand.u32 $0x7F, v31;
	v63 =	vld.idx.msk [tilespmem:v27+s25+$0x0], $0xffff  }
0x2f8: {  	v14 =	vadd.f32 v26, v14;
	v4 =	vand.u32 $0x7F, v39;
	v22 =	vor.u32 v3, v34;
	v36 =	vld.idx.msk [tilespmem:v27+s13+$0x0], $0xffff  }
0x2f9: {  	v9 =	vadd.f32 v11, v9;
	v10 =	vmul.f32 v10, v24;
	v24 =	vand.u32 $0x7F, v37;
	v33 =	vld.idx.msk [tilespmem:v28+s13+$0x0], $0xffff  }
0x2fa: {  	v6 =	vadd.f32 v17, v6;
	v15 =	vmul.f32 v16, v15;
	v24 =	vor.u32 v3, v24;
	v35 =	vld.idx.msk [tilespmem:v28+s25+$0x0], $0xffff  }
0x2fb: {  	v13 =	vadd.f32 v13, v23;
	v41 =	vmul.f32 v16, v16;
	v21 =	vmul.f32 v8, v60;
	v38 =	vld.idx.msk [tilespmem:v7+s25+$0x0], $0xffff  }
0x2fc: {  	v8 =	vmul.f32 v8, v8;
	v3 =	vor.u32 v3, v4;
	v43 =	vadd.f32 v15, v9;
	v7 =	vld.idx.msk [tilespmem:v7+s13+$0x0], $0xffff  }
0x2fd: {  	v45 =	vmul.f32 v61, v29;
	v6 =	vadd.f32 v41, v6;
	v47 =	vmul.f32 v62, v30;
	v42 =	vld.idx.msk [tilespmem:v22+s13+$0x0], $0xffff  }
0x2fe: {  	v49 =	vmul.f32 v62, v62;
	v50 =	vmul.f32 v61, v61;
	v10 =	vadd.f32 v10, v14;
	v46 =	vld.idx.msk [tilespmem:v22+s25+$0x0], $0xffff  }
0x2ff: {  	v57 =	vmul.f32 v40, v40;
	v8 =	vadd.f32 v8, v13;
	v4 =	vadd.f32 v47, v43;
	v51 =	vld.idx.msk [tilespmem:v24+s25+$0x0], $0xffff  }
0x300: {  	v6 =	vadd.f32 v49, v6;
	v44 =	vadd.f32 v21, v10;
	v52 =	vmul.f32 v63, v63;
	v53 =	vld.idx.msk [tilespmem:v24+s13+$0x0], $0xffff  }
0x301: {  	v8 =	vadd.f32 v50, v8;
	v11 =	vmul.f32 v63, v36;
	v55 =	vld.idx.msk [tilespmem:v3+s13+$0x0], $0xffff;
	v54 =	vmul.f32 v35, v35  }
0x302: {  	v9 =	vadd.f32 v45, v44;
	v3 =	vld.idx.msk [tilespmem:v3+s25+$0x0], $0xffff;
	v56 =	vmul.f32 v38, v38;
	v12 =	vmul.f32 v35, v33  }
0x303: {  	v7 =	vmul.f32 v38, v7;
	v4 =	vadd.f32 v11, v4;
	v6 =	vadd.f32 v52, v6  }
0x304: {  	v5 =	vmul.f32 v40, v48;
	v8 =	vadd.f32 v54, v8;
	v9 =	vadd.f32 v12, v9  }
0x305: {  	v58 =	vmul.f32 v46, v42;
	v4 =	vadd.f32 v7, v4;
	v6 =	vadd.f32 v56, v6  }
0x306: {  	v59 =	vmul.f32 v46, v46;
	v8 =	vadd.f32 v57, v8;
	v5 =	vadd.f32 v5, v9  }
0x307: {  	v60 =	vmul.f32 v51, v53;
	v61 =	vmul.f32 v3, v55;
	v4 =	vadd.f32 v58, v4  }
0x308: {  	s30 =	sadd.s32 $0x1, s30;
	v62 =	vmul.f32 v51, v51;
	v3 =	vmul.f32 v3, v3;
	v6 =	vadd.f32 v59, v6  }
0x309: {  	p0 =	sne.s32 s30, $0x4;
	v5 =	vadd.f32 v60, v5;
	v4 =	vadd.f32 v61, v4  }
.Ltmp8:
0x30a: {  	v63 =	vadd.f32 v62, v8;
	v3 =	vadd.f32 v3, v6;
	(pc) =	sbr.rel @p0 .LBB2_14-.Ltmp8, $4  }
0x30b: {  	v4 =	vadd.f32 v4, v5  }
0x30c: {  	v3 =	vadd.f32 v3, v63  }
0x30d: {  	[tilespmem:s31+$0x18300] =	vst v4  }
0x30e: {  	[tilespmem:s31+$0x18380] =	vst v3  }
0x30f: {  	v3 =	vld [tilespmem:$0x80];
	_ =	sdelay $0x4  }
0x310: {  	v4 =	vshll.u32 v3, $0x1  }
0x311: {  	v3 =	vand.u32 $0x7, v3;
	v4 =	vand.u32 $0xFFFFFFF0, v4  }
0x312: {  	v3 =	vor.u32 v3, v4  }
0x313: {  	v4 =	vperm.xlane v3, v0;
	_ =	sdelay $0x1  }
0x314: {  	v3 =	vperm.xlane v3, v2;
	v4 =	vadd.s32 v1, v4;
	_ =	sdelay $0x1  }
0x315: {  	v3 =	vadd.s32 v1, v3;
	_ =	sdelay $0x2  }
0x316: {  	[tilespmem:s13], [sflag:$0x1] =	stream.indirect_vreg.gather [hbm4b:s2+s4], $0x80, v4, vm0, $0xb8;
	[tilespmem:$0x18600] =	vst v63  }
0x317: {  	_ = 	snop  }
0x318: {  	[tilespmem:s3], [sflag:$0x1] =	stream.indirect_vreg.gather [hbm4b:s2+s4], $0x80, v3, vm0, $0xb8;
	[tilespmem:$0x18600] =	vst v63  }
0x319: {  	v3 =	vld [tilespmem:$0x90];
	_ =	sdelay $0x4  }
0x31a: {  	v61 =	vshll.u32 v3, $0x1  }
0x31b: {  	v3 =	vand.u32 $0x7, v3;
	v4 =	vand.u32 $0xFFFFFFF0, v61  }
0x31c: {  	v3 =	vor.u32 v3, v4  }
0x31d: {  	v4 =	vperm.xlane v3, v0;
	_ =	sdelay $0x1  }
0x31e: {  	v3 =	vperm.xlane v3, v2;
	v4 =	vadd.s32 v1, v4;
	_ =	sdelay $0x1  }
0x31f: {  	v3 =	vadd.s32 v1, v3;
	_ =	sdelay $0x1  }
0x320: {  	s0 =	simm.s32 $0x1180  }
0x321: {  	[tilespmem:s0], [sflag:$0x1] =	stream.indirect_vreg.gather [hbm4b:s2+s4], $0x80, v4, vm0, $0xb8;
	[tilespmem:$0x18600] =	vst v63  }
0x322: {  	s31 =	simm.s32 $0x1980  }
0x323: {  	[tilespmem:s31], [sflag:$0x1] =	stream.indirect_vreg.gather [hbm4b:s2+s4], $0x80, v3, vm0, $0xb8;
	[tilespmem:$0x18600] =	vst v63  }
0x324: {  	v3 =	vld [tilespmem:$0xA0];
	_ =	sdelay $0x4  }
0x325: {  	v62 =	vshll.u32 v3, $0x1  }
0x326: {  	v3 =	vand.u32 $0x7, v3;
	v4 =	vand.u32 $0xFFFFFFF0, v62  }
0x327: {  	v3 =	vor.u32 v3, v4  }
0x328: {  	v4 =	vperm.xlane v3, v0;
	_ =	sdelay $0x1  }
0x329: {  	v3 =	vperm.xlane v3, v2;
	v4 =	vadd.s32 v1, v4;
	_ =	sdelay $0x1  }
0x32a: {  	v3 =	vadd.s32 v1, v3;
	_ =	sdelay $0x1  }
0x32b: {  	s3 =	simm.s32 $0x2180  }
0x32c: {  	[tilespmem:s3], [sflag:$0x1] =	stream.indirect_vreg.gather [hbm4b:s2+s4], $0x80, v4, vm0, $0xb8;
	[tilespmem:$0x18600] =	vst v63  }
0x32d: {  	s31 =	simm.s32 $0x2980  }
0x32e: {  	[tilespmem:s31], [sflag:$0x1] =	stream.indirect_vreg.gather [hbm4b:s2+s4], $0x80, v3, vm0, $0xb8;
	[tilespmem:$0x18600] =	vst v63  }
0x32f: {  	v3 =	vld [tilespmem:$0xB0];
	_ =	sdelay $0x4  }
0x330: {  	v63 =	vshll.u32 v3, $0x1  }
0x331: {  	v3 =	vand.u32 $0x7, v3;
	v4 =	vand.u32 $0xFFFFFFF0, v63  }
0x332: {  	v3 =	vor.u32 v3, v4  }
0x333: {  	v4 =	vperm.xlane v3, v0;
	_ =	sdelay $0x1  }
0x334: {  	v3 =	vperm.xlane v3, v2;
	v4 =	vadd.s32 v1, v4;
	_ =	sdelay $0x1  }
0x335: {  	v3 =	vadd.s32 v1, v3;
	_ =	sdelay $0x1  }
0x336: {  	s3 =	simm.s32 $0x3180  }
0x337: {  	[tilespmem:s3], [sflag:$0x1] =	stream.indirect_vreg.gather [hbm4b:s2+s4], $0x80, v4, vm0, $0xb8;
	[tilespmem:$0x18600] =	vst v63  }
0x338: {  	s31 =	simm.s32 $0x3980  }
0x339: {  	[tilespmem:s31], [sflag:$0x1] =	stream.indirect_vreg.gather [hbm4b:s2+s4], $0x80, v3, vm0, $0xb8;
	[tilespmem:$0x18600] =	vst v63  }
0x33a: {  	_ =	swait.ge [sflag:s26], $0x4000  }
0x33b: {  	[sflag:s26] =	ssyncset.done $0x0  }
0x33c: {  	[sflag:s26] =	ssyncadd.s32 $0xFFFFC000  }
0x33d: {  	_ =	swait.ge [sflag:s26], $0x4000  }
0x33e: {  	[sflag:s26] =	ssyncset.done $0x0  }
0x33f: {  	s30 =	simm.s32 $0x4;
	[sflag:s26] =	ssyncadd.s32 $0xFFFFC000  }
.LBB2_20:
0x340: {  	v8 =	vlaneseq.u32;
	s31 =	sshll.u32 s30, $0x4  }
0x341: {  	v3 =	vmul.u32 $0x100, v8;
	v4 =	vmov s31  }
0x342: {  	v6 =	vand.u32 $0x7, v8;
	v4 =	vshll.u32 v4, $0x8  }
0x343: {  	v6 =	vmul.u32 $0x80, v6;
	v5 =	vor.u32 $0xFFFFC000, v3;
	v3 =	vor.u32 v3, v4  }
0x344: {  	v11 =	vadd.s32 $0x2, v8;
	v4 =	vadd.s32 v5, v4;
	v3 =	vand.u32 $0x7800, v3  }
0x345: {  	v11 =	vand.u32 $0x7F, v11;
	v4 =	vand.u32 $0xFFFFF800, v4;
	v5 =	vor.u32 v6, v3  }
0x346: {  	v9 =	vadd.s32 $0x1, v8;
	v6 =	vor.u32 v6, v4;
	v14 =	vor.u32 v5, v11  }
0x347: {  	v12 =	vadd.s32 $0x3, v8;
	v9 =	vand.u32 $0x7F, v9;
	v10 =	vor.u32 v6, v8  }
0x348: {  	v12 =	vand.u32 $0x7F, v12;
	v13 =	vor.u32 v6, v9  }
0x349: {  	v15 =	vor.u32 v5, v12  }
0x34a: {  	v16 =	vor.u32 v5, v8  }
0x34b: {  	v9 =	vor.u32 v5, v9;
	v14 =	vld.idx.msk [tilespmem:v14+s13+$0x0], $0xffff  }
0x34c: {  	v18 =	vld.idx.msk [tilespmem:v10+s21+$0x0], $0xffff;
	v10 =	vor.u32 v6, v11  }
0x34d: {  	v12 =	vor.u32 v6, v12;
	v11 =	vld.idx.msk [tilespmem:v13+s21+$0x0], $0xffff;
	v13 =	vadd.s32 $0x4, v8  }
0x34e: {  	v23 =	vld.idx.msk [tilespmem:v15+s13+$0x0], $0xffff;
	v15 =	vadd.s32 $0x6, v8;
	v13 =	vand.u32 $0x7F, v13  }
0x34f: {  	v16 =	vld.idx.msk [tilespmem:v16+s13+$0x0], $0xffff;
	v20 =	vand.u32 $0x7F, v15;
	v19 =	vor.u32 v6, v13  }
0x350: {  	v9 =	vld.idx.msk [tilespmem:v9+s13+$0x0], $0xffff;
	v22 =	vor.u32 v6, v20  }
0x351: {  	v13 =	vor.u32 v5, v13;
	v15 =	vld.idx.msk [tilespmem:v10+s21+$0x0], $0xffff;
	v10 =	vadd.s32 $0x5, v8;
	v21 =	vmul.f32 v18, v18  }
0x352: {  	v7 =	vimm.f32 $0.0e+00;
	v17 =	vld.idx.msk [tilespmem:v12+s21+$0x0], $0xffff;
	v25 =	vor.u32 v5, v20;
	v24 =	vand.u32 $0x7F, v10  }
0x353: {  	v10 =	vadd.f32 v21, v7;
	v21 =	vor.u32 v5, v24  }
0x354: {  	v20 =	vmul.f32 v18, v16;
	v63 =	vmul.f32 v11, v11;
	v12 =	vld.idx.msk [tilespmem:v19+s21+$0x0], $0xffff;
	v19 =	vor.u32 v6, v24  }
0x355: {  	v26 =	vadd.s32 $0x7, v8;
	v16 =	vmul.f32 v11, v9;
	v8 =	vadd.s32 $0x8, v8;
	v11 =	vld.idx.msk [tilespmem:v22+s21+$0x0], $0xffff  }
0x356: {  	v8 =	vand.u32 $0x7F, v8;
	v18 =	vld.idx.msk [tilespmem:v13+s13+$0x0], $0xffff;
	v20 =	vadd.f32 v20, v7;
	v9 =	vadd.f32 v63, v7  }
0x357: {  	s0 =	simm.s32 $0xF;
	v13 =	vmul.f32 v17, v23;
	v23 =	vand.u32 $0x7F, v26;
	v22 =	vmul.f32 v15, v14;
	v14 =	vld.idx.msk [tilespmem:v25+s13+$0x0], $0xffff  }
.LBB2_21:
0x358: {  	v24 =	vor.u32 v6, v8;
	p0 =	seq.s32 s0, $0x1;
	s0 =	sadd.s32 $0xFFFFFFFF, s0;
	v15 =	vmul.f32 v15, v15;
	v17 =	vmul.f32 v17, v17;
	v21 =	vld.idx.msk [tilespmem:v21+s13+$0x0], $0xffff  }
0x359: {  	v25 =	vadd.s32 $0x1, v8;
	v26 =	vadd.s32 $0x3, v8;
	v27 =	vor.u32 v6, v23;
	v19 =	vld.idx.msk [tilespmem:v19+s21+$0x0], $0xffff  }
0x35a: {  	v28 =	vadd.s32 $0x2, v8;
	v29 =	vmul.f32 v12, v12;
	v25 =	vand.u32 $0x7F, v25  }
0x35b: {  	v23 =	vor.u32 v5, v23;
	v30 =	vor.u32 v5, v25;
	v25 =	vor.u32 v6, v25  }
0x35c: {  	v28 =	vand.u32 $0x7F, v28;
	v26 =	vand.u32 $0x7F, v26;
	v20 =	vadd.f32 v22, v20  }
0x35d: {  	v22 =	vor.u32 v5, v28;
	v28 =	vor.u32 v6, v28;
	v12 =	vmul.f32 v12, v18  }
0x35e: {  	v7 =	vadd.f32 v16, v7;
	v18 =	vor.u32 v5, v26;
	v26 =	vor.u32 v6, v26;
	v16 =	vld.idx.msk [tilespmem:v27+s21+$0x0], $0xffff  }
0x35f: {  	v31 =	vadd.s32 $0x4, v8;
	v10 =	vadd.f32 v15, v10;
	v27 =	vor.u32 v5, v8;
	v24 =	vld.idx.msk [tilespmem:v24+s21+$0x0], $0xffff  }
0x360: {  	v15 =	vand.u32 $0x7F, v31;
	v21 =	vmul.f32 v19, v21;
	v19 =	vmul.f32 v19, v19;
	v23 =	vld.idx.msk [tilespmem:v23+s13+$0x0], $0xffff  }
0x361: {  	v31 =	vor.u32 v5, v15;
	v32 =	vor.u32 v6, v15;
	v12 =	vadd.f32 v12, v20;
	v25 =	vld.idx.msk [tilespmem:v25+s21+$0x0], $0xffff  }
0x362: {  	v10 =	vadd.f32 v29, v10;
	v14 =	vmul.f32 v11, v14;
	v11 =	vmul.f32 v11, v11;
	v22 =	vld.idx.msk [tilespmem:v22+s13+$0x0], $0xffff  }
0x363: {  	v7 =	vadd.f32 v13, v7;
	v9 =	vadd.f32 v17, v9;
	v29 =	vld.idx.msk [tilespmem:v18+s13+$0x0], $0xffff  }
0x364: {  	v14 =	vadd.f32 v14, v12;
	v10 =	vadd.f32 v11, v10;
	v11 =	vmul.f32 v16, v16;
	v13 =	vld.idx.msk [tilespmem:v27+s13+$0x0], $0xffff  }
0x365: {  	v12 =	vadd.s32 $0x6, v8;
	v7 =	vadd.f32 v21, v7;
	v9 =	vadd.f32 v19, v9;
	v18 =	vld.idx.msk [tilespmem:v30+s13+$0x0], $0xffff  }
0x366: {  	v20 =	vand.u32 $0x7F, v12;
	v19 =	vadd.s32 $0x5, v8;
	v16 =	vmul.f32 v16, v23;
	v15 =	vld.idx.msk [tilespmem:v28+s21+$0x0], $0xffff  }
0x367: {  	v21 =	vmul.f32 v24, v24;
	v23 =	vor.u32 v6, v20;
	v9 =	vadd.f32 v11, v9;
	v17 =	vld.idx.msk [tilespmem:v26+s21+$0x0], $0xffff  }
0x368: {  	v11 =	vand.u32 $0x7F, v19;
	v26 =	vor.u32 v5, v20;
	v7 =	vadd.f32 v16, v7;
	v12 =	vld.idx.msk [tilespmem:v32+s21+$0x0], $0xffff  }
.Ltmp9:
0x369: {  	v10 =	vadd.f32 v21, v10;
	v21 =	vor.u32 v5, v11;
	v19 =	vor.u32 v6, v11;
	(pc) =	sbr.rel @!p0 .LBB2_21-.Ltmp9, $4  }
0x36a: {  	v11 =	vmul.f32 v24, v13;
	v13 =	vmul.f32 v25, v25  }
0x36b: {  	v24 =	vadd.s32 $0x7, v8;
	v8 =	vadd.s32 $0x8, v8;
	v16 =	vmul.f32 v25, v18;
	v18 =	vld.idx.msk [tilespmem:v31+s13+$0x0], $0xffff  }
0x36c: {  	v8 =	vand.u32 $0x7F, v8;
	v20 =	vadd.f32 v11, v14;
	v9 =	vadd.f32 v13, v9;
	v11 =	vld.idx.msk [tilespmem:v23+s21+$0x0], $0xffff  }
0x36d: {  	v22 =	vmul.f32 v15, v22;
	v13 =	vmul.f32 v17, v29;
	v23 =	vand.u32 $0x7F, v24;
	v14 =	vld.idx.msk [tilespmem:v26+s13+$0x0], $0xffff  }
0x36e: {  	_ =	sdelay $0x2  }
0x36f: {  	v6 =	vor.u32 v6, v23  }
0x370: {  	v5 =	vor.u32 v5, v23;
	v8 =	vld.idx.msk [tilespmem:v21+s13+$0x0], $0xffff  }
0x371: {  	v19 =	vld.idx.msk [tilespmem:v19+s21+$0x0], $0xffff;
	_ =	sdelay $0x1  }
0x372: {  	v15 =	vmul.f32 v15, v15;
	v7 =	vadd.f32 v16, v7  }
0x373: {  	v17 =	vmul.f32 v17, v17;
	v18 =	vmul.f32 v12, v18;
	v6 =	vld.idx.msk [tilespmem:v6+s21+$0x0], $0xffff  }
0x374: {  	v12 =	vmul.f32 v12, v12;
	v10 =	vadd.f32 v15, v10;
	v7 =	vadd.f32 v13, v7;
	v5 =	vld.idx.msk [tilespmem:v5+s13+$0x0], $0xffff  }
0x375: {  	v9 =	vadd.f32 v17, v9;
	v8 =	vmul.f32 v19, v8;
	v15 =	vmul.f32 v19, v19  }
0x376: {  	v14 =	vmul.f32 v11, v14;
	v10 =	vadd.f32 v12, v10;
	v11 =	vmul.f32 v11, v11  }
0x377: {  	v13 =	vadd.f32 v8, v7;
	v7 =	vadd.f32 v15, v9;
	v9 =	vlaneseq.u32  }
0x378: {  	v20 =	vadd.f32 v22, v20;
	v8 =	vadd.f32 v11, v10;
	v10 =	vand.u32 $0x7, v9  }
0x379: {  	v10 =	vmul.u32 $0x80, v10;
	v5 =	vmul.f32 v6, v5  }
0x37a: {  	v16 =	vadd.f32 v18, v20  }
0x37b: {  	v12 =	vmul.f32 v6, v6;
	v10 =	vor.u32 $0x400, v10;
	v5 =	vadd.f32 v5, v13  }
0x37c: {  	v3 =	vor.u32 v10, v3;
	v4 =	vor.u32 v10, v4;
	v10 =	vadd.s32 $0x1, v9  }
0x37d: {  	v13 =	vadd.s32 $0x3, v9;
	v11 =	vor.u32 v4, v9;
	v10 =	vand.u32 $0x7F, v10  }
0x37e: {  	v6 =	vadd.f32 v14, v16;
	v13 =	vand.u32 $0x7F, v13;
	v14 =	vor.u32 v4, v10  }
0x37f: {  	v7 =	vadd.f32 v12, v7;
	v12 =	vadd.s32 $0x2, v9;
	v16 =	vor.u32 v3, v13  }
0x380: {  	v12 =	vand.u32 $0x7F, v12;
	v17 =	vor.u32 v3, v9  }
0x381: {  	v15 =	vor.u32 v3, v12  }
0x382: {  	v10 =	vor.u32 v3, v10;
	v11 =	vld.idx.msk [tilespmem:v11+s21+$0x0], $0xffff  }
0x383: {  	v12 =	vor.u32 v4, v12;
	v18 =	vld.idx.msk [tilespmem:v14+s21+$0x0], $0xffff  }
0x384: {  	v14 =	vor.u32 v4, v13;
	v13 =	vadd.s32 $0x4, v9;
	v21 =	vld.idx.msk [tilespmem:v16+s13+$0x0], $0xffff  }
0x385: {  	v16 =	vld.idx.msk [tilespmem:v17+s13+$0x0], $0xffff;
	v13 =	vand.u32 $0x7F, v13  }
0x386: {  	v20 =	vld.idx.msk [tilespmem:v15+s13+$0x0], $0xffff;
	v17 =	vadd.s32 $0x6, v9;
	v15 =	vor.u32 v4, v13  }
0x387: {  	v23 =	vld.idx.msk [tilespmem:v10+s13+$0x0], $0xffff;
	v10 =	vand.u32 $0x7F, v17;
	v22 =	vor.u32 v3, v13  }
0x388: {  	v13 =	vld.idx.msk [tilespmem:v12+s21+$0x0], $0xffff;
	v12 =	vadd.s32 $0x5, v9;
	v24 =	vor.u32 v4, v10  }
0x389: {  	v25 =	vor.u32 v3, v10;
	v12 =	vand.u32 $0x7F, v12;
	v17 =	vmul.f32 v11, v11;
	v14 =	vld.idx.msk [tilespmem:v14+s21+$0x0], $0xffff  }
0x38a: {  	v19 =	vor.u32 v3, v12;
	v11 =	vmul.f32 v11, v16  }
0x38b: {  	v8 =	vadd.f32 v17, v8;
	v17 =	vor.u32 v4, v12;
	v12 =	vmul.f32 v18, v18;
	v10 =	vld.idx.msk [tilespmem:v15+s21+$0x0], $0xffff  }
0x38c: {  	v15 =	vmul.f32 v18, v23;
	v16 =	vld.idx.msk [tilespmem:v22+s13+$0x0], $0xffff;
	v22 =	vadd.s32 $0x7, v9;
	v23 =	vadd.s32 $0x8, v9  }
0x38d: {  	v18 =	vadd.f32 v11, v6;
	v9 =	vld.idx.msk [tilespmem:v24+s21+$0x0], $0xffff;
	v20 =	vmul.f32 v13, v20;
	v7 =	vadd.f32 v12, v7  }
0x38e: {  	s0 =	simm.s32 $0xF;
	v6 =	vand.u32 $0x7F, v23;
	v12 =	vld.idx.msk [tilespmem:v25+s13+$0x0], $0xffff;
	v11 =	vmul.f32 v14, v21;
	v21 =	vand.u32 $0x7F, v22  }
.LBB2_23:
0x38f: {  	v22 =	vor.u32 v4, v6;
	p0 =	sne.s32 s0, $0x1;
	s0 =	sadd.s32 $0xFFFFFFFF, s0;
	v13 =	vmul.f32 v13, v13;
	v14 =	vmul.f32 v14, v14;
	v19 =	vld.idx.msk [tilespmem:v19+s13+$0x0], $0xffff  }
0x390: {  	v23 =	vadd.s32 $0x1, v6;
	v24 =	vadd.s32 $0x3, v6;
	v25 =	vor.u32 v4, v21;
	v17 =	vld.idx.msk [tilespmem:v17+s21+$0x0], $0xffff  }
0x391: {  	v26 =	vadd.s32 $0x2, v6;
	v27 =	vmul.f32 v10, v10;
	v23 =	vand.u32 $0x7F, v23  }
0x392: {  	v21 =	vor.u32 v3, v21;
	v28 =	vor.u32 v3, v23;
	v23 =	vor.u32 v4, v23  }
0x393: {  	v26 =	vand.u32 $0x7F, v26;
	v24 =	vand.u32 $0x7F, v24;
	v18 =	vadd.f32 v20, v18  }
0x394: {  	v20 =	vor.u32 v3, v26;
	v26 =	vor.u32 v4, v26;
	v10 =	vmul.f32 v10, v16  }
0x395: {  	v5 =	vadd.f32 v15, v5;
	v16 =	vor.u32 v3, v24;
	v24 =	vor.u32 v4, v24;
	v15 =	vld.idx.msk [tilespmem:v25+s21+$0x0], $0xffff  }
0x396: {  	v29 =	vadd.s32 $0x4, v6;
	v8 =	vadd.f32 v13, v8;
	v25 =	vor.u32 v3, v6;
	v22 =	vld.idx.msk [tilespmem:v22+s21+$0x0], $0xffff  }
0x397: {  	v13 =	vand.u32 $0x7F, v29;
	v19 =	vmul.f32 v17, v19;
	v17 =	vmul.f32 v17, v17;
	v21 =	vld.idx.msk [tilespmem:v21+s13+$0x0], $0xffff  }
0x398: {  	v29 =	vor.u32 v3, v13;
	v30 =	vor.u32 v4, v13;
	v10 =	vadd.f32 v10, v18;
	v23 =	vld.idx.msk [tilespmem:v23+s21+$0x0], $0xffff  }
0x399: {  	v8 =	vadd.f32 v27, v8;
	v12 =	vmul.f32 v9, v12;
	v9 =	vmul.f32 v9, v9;
	v20 =	vld.idx.msk [tilespmem:v20+s13+$0x0], $0xffff  }
0x39a: {  	v5 =	vadd.f32 v11, v5;
	v7 =	vadd.f32 v14, v7;
	v27 =	vld.idx.msk [tilespmem:v16+s13+$0x0], $0xffff  }
0x39b: {  	v12 =	vadd.f32 v12, v10;
	v8 =	vadd.f32 v9, v8;
	v9 =	vmul.f32 v15, v15;
	v11 =	vld.idx.msk [tilespmem:v25+s13+$0x0], $0xffff  }
0x39c: {  	v10 =	vadd.s32 $0x6, v6;
	v5 =	vadd.f32 v19, v5;
	v7 =	vadd.f32 v17, v7;
	v16 =	vld.idx.msk [tilespmem:v28+s13+$0x0], $0xffff  }
0x39d: {  	v18 =	vand.u32 $0x7F, v10;
	v17 =	vadd.s32 $0x5, v6;
	v15 =	vmul.f32 v15, v21;
	v13 =	vld.idx.msk [tilespmem:v26+s21+$0x0], $0xffff  }
0x39e: {  	v19 =	vmul.f32 v22, v22;
	v21 =	vor.u32 v4, v18;
	v7 =	vadd.f32 v9, v7;
	v14 =	vld.idx.msk [tilespmem:v24+s21+$0x0], $0xffff  }
0x39f: {  	v9 =	vand.u32 $0x7F, v17;
	v24 =	vor.u32 v3, v18;
	v5 =	vadd.f32 v15, v5;
	v10 =	vld.idx.msk [tilespmem:v30+s21+$0x0], $0xffff  }
.Ltmp10:
0x3a0: {  	v8 =	vadd.f32 v19, v8;
	v19 =	vor.u32 v3, v9;
	v17 =	vor.u32 v4, v9;
	(pc) =	sbr.rel @p0 .LBB2_23-.Ltmp10, $4  }
0x3a1: {  	v9 =	vmul.f32 v22, v11;
	v11 =	vmul.f32 v23, v23  }
0x3a2: {  	v22 =	vadd.s32 $0x7, v6;
	v6 =	vadd.s32 $0x8, v6;
	v15 =	vmul.f32 v23, v16;
	v16 =	vld.idx.msk [tilespmem:v29+s13+$0x0], $0xffff  }
0x3a3: {  	v6 =	vand.u32 $0x7F, v6;
	v18 =	vadd.f32 v9, v12;
	v7 =	vadd.f32 v11, v7;
	v9 =	vld.idx.msk [tilespmem:v21+s21+$0x0], $0xffff  }
0x3a4: {  	v20 =	vmul.f32 v13, v20;
	v11 =	vmul.f32 v14, v27;
	v21 =	vand.u32 $0x7F, v22;
	v12 =	vld.idx.msk [tilespmem:v24+s13+$0x0], $0xffff  }
0x3a5: {  	_ = 	snop  }
0x3a6: {  	v4 =	vor.u32 v4, v21  }
0x3a7: {  	v3 =	vor.u32 v3, v21;
	_ =	sdelay $0x1  }
0x3a8: {  	v6 =	vld.idx.msk [tilespmem:v19+s13+$0x0], $0xffff  }
0x3a9: {  	v17 =	vld.idx.msk [tilespmem:v17+s21+$0x0], $0xffff  }
0x3aa: {  	v4 =	vld.idx.msk [tilespmem:v4+s21+$0x0], $0xffff  }
0x3ab: {  	v13 =	vmul.f32 v13, v13;
	v3 =	vld.idx.msk [tilespmem:v3+s13+$0x0], $0xffff  }
0x3ac: {  	v5 =	vadd.f32 v15, v5;
	v14 =	vmul.f32 v14, v14;
	v57 =	vmul.f32 v10, v10  }
0x3ad: {  	v18 =	vadd.f32 v20, v18;
	v16 =	vmul.f32 v10, v16;
	v8 =	vadd.f32 v13, v8  }
0x3ae: {  	v5 =	vadd.f32 v11, v5;
	v7 =	vadd.f32 v14, v7;
	v6 =	vmul.f32 v17, v6  }
0x3af: {  	v61 =	vmul.f32 v9, v9;
	v58 =	vadd.f32 v16, v18;
	v59 =	vmul.f32 v17, v17  }
0x3b0: {  	v60 =	vmul.f32 v9, v12;
	v5 =	vadd.f32 v6, v5;
	v3 =	vmul.f32 v4, v3  }
0x3b1: {  	s30 =	sadd.s32 $0x1, s30;
	v8 =	vadd.f32 v57, v8;
	v7 =	vadd.f32 v59, v7;
	v4 =	vmul.f32 v4, v4  }
0x3b2: {  	p0 =	sne.s32 s30, $0x8;
	v62 =	vadd.f32 v60, v58;
	v3 =	vadd.f32 v3, v5  }
.Ltmp11:
0x3b3: {  	v63 =	vadd.f32 v61, v8;
	v4 =	vadd.f32 v4, v7;
	(pc) =	sbr.rel @p0 .LBB2_20-.Ltmp11, $4  }
0x3b4: {  	v3 =	vadd.f32 v3, v62  }
0x3b5: {  	v4 =	vadd.f32 v4, v63  }
0x3b6: {  	[tilespmem:s31+$0x18300] =	vst v3  }
0x3b7: {  	[tilespmem:s31+$0x18380] =	vst v4  }
0x3b8: {  	v3 =	vld [tilespmem:$0xC0];
	_ =	sdelay $0x4  }
0x3b9: {  	v4 =	vshll.u32 v3, $0x1  }
0x3ba: {  	v3 =	vand.u32 $0x7, v3;
	v4 =	vand.u32 $0xFFFFFFF0, v4  }
0x3bb: {  	v3 =	vor.u32 v3, v4  }
0x3bc: {  	v4 =	vperm.xlane v3, v0;
	_ =	sdelay $0x1  }
0x3bd: {  	v3 =	vperm.xlane v3, v2;
	v4 =	vadd.s32 v1, v4;
	_ =	sdelay $0x1  }
0x3be: {  	v3 =	vadd.s32 v1, v3;
	_ =	sdelay $0x1  }
0x3bf: {  	s30 =	simm.s32 $0x0;
	s0 =	simm.s32 $0x4180  }
0x3c0: {  	[tilespmem:s0], [sflag:$0x1] =	stream.indirect_vreg.gather [hbm4b:s2+s30], $0x80, v4, vm0, $0xb8;
	[tilespmem:$0x18600] =	vst v63  }
0x3c1: {  	s31 =	simm.s32 $0x4980  }
0x3c2: {  	[tilespmem:s31], [sflag:$0x1] =	stream.indirect_vreg.gather [hbm4b:s2+s30], $0x80, v3, vm0, $0xb8;
	[tilespmem:$0x18600] =	vst v63  }
0x3c3: {  	v3 =	vld [tilespmem:$0xD0];
	_ =	sdelay $0x4  }
0x3c4: {  	v61 =	vshll.u32 v3, $0x1  }
0x3c5: {  	v3 =	vand.u32 $0x7, v3;
	v4 =	vand.u32 $0xFFFFFFF0, v61  }
0x3c6: {  	v3 =	vor.u32 v3, v4  }
0x3c7: {  	v4 =	vperm.xlane v3, v0;
	_ =	sdelay $0x1  }
0x3c8: {  	v3 =	vperm.xlane v3, v2;
	v4 =	vadd.s32 v1, v4;
	_ =	sdelay $0x1  }
0x3c9: {  	v3 =	vadd.s32 v1, v3;
	_ =	sdelay $0x1  }
0x3ca: {  	s3 =	simm.s32 $0x5180  }
0x3cb: {  	[tilespmem:s3], [sflag:$0x1] =	stream.indirect_vreg.gather [hbm4b:s2+s30], $0x80, v4, vm0, $0xb8;
	[tilespmem:$0x18600] =	vst v63  }
0x3cc: {  	s31 =	simm.s32 $0x5980  }
0x3cd: {  	[tilespmem:s31], [sflag:$0x1] =	stream.indirect_vreg.gather [hbm4b:s2+s30], $0x80, v3, vm0, $0xb8;
	[tilespmem:$0x18600] =	vst v63  }
0x3ce: {  	v3 =	vld [tilespmem:$0xE0];
	_ =	sdelay $0x4  }
0x3cf: {  	v62 =	vshll.u32 v3, $0x1  }
0x3d0: {  	v3 =	vand.u32 $0x7, v3;
	v4 =	vand.u32 $0xFFFFFFF0, v62  }
0x3d1: {  	v3 =	vor.u32 v3, v4  }
0x3d2: {  	v4 =	vperm.xlane v3, v0;
	_ =	sdelay $0x1  }
0x3d3: {  	v3 =	vperm.xlane v3, v2;
	v4 =	vadd.s32 v1, v4;
	_ =	sdelay $0x1  }
0x3d4: {  	v3 =	vadd.s32 v1, v3;
	_ =	sdelay $0x2  }
0x3d5: {  	[tilespmem:s10], [sflag:$0x1] =	stream.indirect_vreg.gather [hbm4b:s2+s30], $0x80, v4, vm0, $0xb8;
	[tilespmem:$0x18600] =	vst v63  }
0x3d6: {  	_ = 	snop  }
0x3d7: {  	[tilespmem:s11], [sflag:$0x1] =	stream.indirect_vreg.gather [hbm4b:s2+s30], $0x80, v3, vm0, $0xb8;
	[tilespmem:$0x18600] =	vst v63  }
0x3d8: {  	v3 =	vld [tilespmem:$0xF0];
	_ =	sdelay $0x4  }
0x3d9: {  	v63 =	vshll.u32 v3, $0x1  }
0x3da: {  	v3 =	vand.u32 $0x7, v3;
	v4 =	vand.u32 $0xFFFFFFF0, v63  }
0x3db: {  	v3 =	vor.u32 v3, v4  }
0x3dc: {  	v4 =	vperm.xlane v3, v0;
	_ =	sdelay $0x1  }
0x3dd: {  	v3 =	vperm.xlane v3, v2;
	v4 =	vadd.s32 v1, v4;
	_ =	sdelay $0x1  }
0x3de: {  	v3 =	vadd.s32 v1, v3;
	_ =	sdelay $0x2  }
0x3df: {  	[tilespmem:s14], [sflag:$0x1] =	stream.indirect_vreg.gather [hbm4b:s2+s30], $0x80, v4, vm0, $0xb8;
	[tilespmem:$0x18600] =	vst v63  }
0x3e0: {  	_ = 	snop  }
0x3e1: {  	[tilespmem:s15], [sflag:$0x1] =	stream.indirect_vreg.gather [hbm4b:s2+s30], $0x80, v3, vm0, $0xb8;
	[tilespmem:$0x18600] =	vst v63  }
0x3e2: {  	_ =	swait.ge [sflag:s26], $0x4000  }
0x3e3: {  	[sflag:s26] =	ssyncset.done $0x0  }
0x3e4: {  	[sflag:s26] =	ssyncadd.s32 $0xFFFFC000  }
0x3e5: {  	_ =	swait.ge [sflag:s26], $0x4000  }
0x3e6: {  	[sflag:s26] =	ssyncset.done $0x0  }
0x3e7: {  	[sflag:s26] =	ssyncadd.s32 $0xFFFFC000  }
.LBB2_26:
0x3e8: {  	v10 =	vlaneseq.u32  }
0x3e9: {  	s31 =	sshll.u32 s30, $0x4;
	v3 =	vmul.u32 $0x100, v10  }
0x3ea: {  	v4 =	vmov s31  }
0x3eb: {  	v6 =	vand.u32 $0x7, v10;
	v4 =	vshll.u32 v4, $0x8;
	v5 =	vor.u32 $0x4000, v3  }
0x3ec: {  	v7 =	vmul.u32 $0x80, v6;
	v5 =	vor.u32 v5, v4  }
0x3ed: {  	v4 =	vor.u32 v3, v4;
	v3 =	vand.u32 $0x7800, v5  }
0x3ee: {  	v4 =	vand.u32 $0x3800, v4;
	v6 =	vor.u32 v7, v3  }
0x3ef: {  	v11 =	vadd.s32 $0x1, v10;
	v5 =	vor.u32 v7, v4;
	v8 =	vor.u32 v6, v10  }
0x3f0: {  	v11 =	vand.u32 $0x7F, v11;
	v12 =	vor.u32 v5, v10  }
0x3f1: {  	v7 =	vadd.s32 $0x6, v10;
	v15 =	vor.u32 v6, v11  }
0x3f2: {  	v16 =	vadd.s32 $0x3, v10;
	v7 =	vand.u32 $0x7F, v7;
	v11 =	vor.u32 v5, v11  }
0x3f3: {  	v16 =	vand.u32 $0x7F, v16;
	v9 =	vor.u32 v5, v7;
	v7 =	vor.u32 v6, v7  }
0x3f4: {  	v14 =	vadd.s32 $0x2, v10;
	v18 =	vor.u32 v5, v16;
	v8 =	vld.idx.msk [tilespmem:v8+s25+$0x0], $0xffff  }
0x3f5: {  	v14 =	vand.u32 $0x7F, v14;
	v12 =	vld.idx.msk [tilespmem:v12+s13+$0x0], $0xffff  }
0x3f6: {  	v17 =	vor.u32 v6, v14;
	v20 =	vld.idx.msk [tilespmem:v15+s25+$0x0], $0xffff  }
0x3f7: {  	v16 =	vor.u32 v6, v16;
	v11 =	vld.idx.msk [tilespmem:v11+s13+$0x0], $0xffff  }
0x3f8: {  	v14 =	vor.u32 v5, v14;
	v19 =	vld.idx.msk [tilespmem:v7+s25+$0x0], $0xffff;
	v7 =	vadd.s32 $0x5, v10  }
0x3f9: {  	v27 =	vld.idx.msk [tilespmem:v18+s13+$0x0], $0xffff;
	v7 =	vand.u32 $0x7F, v7  }
0x3fa: {  	v15 =	vadd.s32 $0x4, v10;
	v9 =	vld.idx.msk [tilespmem:v9+s13+$0x0], $0xffff;
	v21 =	vor.u32 v6, v7  }
0x3fb: {  	v28 =	vadd.s32 $0x8, v10;
	v17 =	vld.idx.msk [tilespmem:v17+s25+$0x0], $0xffff;
	v15 =	vand.u32 $0x7F, v15;
	v22 =	vor.u32 v5, v7  }
0x3fc: {  	v29 =	vld.idx.msk [tilespmem:v16+s25+$0x0], $0xffff;
	v10 =	vadd.s32 $0x7, v10;
	v25 =	vor.u32 v6, v15;
	v24 =	vmul.f32 v8, v8  }
0x3fd: {  	v14 =	vld.idx.msk [tilespmem:v14+s13+$0x0], $0xffff;
	v30 =	vor.u32 v5, v15;
	v16 =	vmul.f32 v12, v8;
	v26 =	vmul.f32 v12, v12  }
0x3fe: {  	v23 =	vand.u32 $0x7F, v10;
	v12 =	vmul.f32 v20, v20;
	v31 =	vmul.f32 v11, v20  }
0x3ff: {  	v10 =	vand.u32 $0x7F, v28;
	v28 =	vmul.f32 v27, v27;
	v7 =	vmul.f32 v9, v9;
	v15 =	vld.idx.msk [tilespmem:v21+s25+$0x0], $0xffff  }
0x400: {  	v13 =	vimm.f32 $0.0e+00;
	v8 =	vmul.f32 v9, v19;
	v9 =	vmul.f32 v19, v19;
	v18 =	vld.idx.msk [tilespmem:v22+s13+$0x0], $0xffff  }
0x401: {  	v19 =	vmul.f32 v11, v11;
	v12 =	vadd.f32 v12, v13;
	v20 =	vadd.f32 v16, v13  }
0x402: {  	v11 =	vadd.f32 v31, v13;
	v16 =	vld.idx.msk [tilespmem:v25+s25+$0x0], $0xffff;
	v25 =	vmul.f32 v14, v17;
	v22 =	vadd.f32 v24, v13  }
0x403: {  	v21 =	vadd.f32 v26, v13;
	v24 =	vmul.f32 v17, v17;
	v26 =	vadd.f32 v19, v13  }
0x404: {  	v19 =	vmul.f32 v29, v29;
	v13 =	vmul.f32 v27, v29;
	v29 =	vor.u32 v6, v23  }
0x405: {  	s0 =	simm.s32 $0xF;
	v17 =	vld.idx.msk [tilespmem:v30+s13+$0x0], $0xffff;
	v24 =	vadd.f32 v24, v22;
	v22 =	vmul.f32 v15, v15;
	v27 =	vmul.f32 v18, v18  }
.LBB2_27:
0x406: {  	p0 =	seq.s32 s0, $0x1;
	s0 =	sadd.s32 $0xFFFFFFFF, s0;
	v14 =	vmul.f32 v14, v14;
	v15 =	vmul.f32 v18, v15;
	v18 =	vor.u32 v5, v23  }
0x407: {  	v23 =	vadd.s32 $0x4, v10;
	v30 =	vadd.s32 $0x6, v10;
	v26 =	vadd.f32 v28, v26  }
0x408: {  	v28 =	vand.u32 $0x7F, v30;
	v14 =	vadd.f32 v14, v21;
	v21 =	vmul.f32 v16, v16  }
0x409: {  	v20 =	vadd.f32 v25, v20;
	v30 =	vor.u32 v6, v28;
	v28 =	vor.u32 v5, v28;
	v25 =	vld.idx.msk [tilespmem:v29+s25+$0x0], $0xffff  }
0x40a: {  	v16 =	vmul.f32 v17, v16;
	v26 =	vadd.f32 v27, v26;
	v29 =	vor.u32 v6, v10  }
0x40b: {  	v31 =	vadd.s32 $0x3, v10;
	v12 =	vadd.f32 v19, v12;
	v27 =	vor.u32 v5, v10;
	v18 =	vld.idx.msk [tilespmem:v18+s13+$0x0], $0xffff  }
0x40c: {  	v19 =	vadd.s32 $0x1, v10;
	v17 =	vmul.f32 v17, v17;
	v21 =	vadd.f32 v21, v24  }
0x40d: {  	v19 =	vand.u32 $0x7F, v19;
	v12 =	vadd.f32 v22, v12;
	v24 =	vadd.s32 $0x2, v10  }
0x40e: {  	v22 =	vor.u32 v6, v19;
	v19 =	vor.u32 v5, v19;
	v14 =	vadd.f32 v17, v14  }
0x40f: {  	v16 =	vadd.f32 v16, v20;
	v24 =	vand.u32 $0x7F, v24;
	v17 =	vld.idx.msk [tilespmem:v29+s25+$0x0], $0xffff;
	v29 =	vand.u32 $0x7F, v31  }
0x410: {  	v11 =	vadd.f32 v13, v11;
	v20 =	vor.u32 v6, v24;
	v24 =	vor.u32 v5, v24;
	v28 =	vld.idx.msk [tilespmem:v28+s13+$0x0], $0xffff  }
0x411: {  	v31 =	vmul.f32 v25, v25;
	v13 =	vor.u32 v6, v29;
	v29 =	vor.u32 v5, v29;
	v30 =	vld.idx.msk [tilespmem:v30+s25+$0x0], $0xffff  }
0x412: {  	v32 =	vadd.s32 $0x5, v10;
	v11 =	vadd.f32 v15, v11;
	v33 =	vadd.f32 v8, v16;
	v27 =	vld.idx.msk [tilespmem:v27+s13+$0x0], $0xffff  }
0x413: {  	v8 =	vand.u32 $0x7F, v32;
	v15 =	vmul.f32 v18, v18;
	v12 =	vadd.f32 v31, v12;
	v16 =	vld.idx.msk [tilespmem:v22+s25+$0x0], $0xffff  }
0x414: {  	v21 =	vadd.f32 v9, v21;
	v31 =	vor.u32 v5, v8;
	v22 =	vor.u32 v6, v8;
	v19 =	vld.idx.msk [tilespmem:v19+s13+$0x0], $0xffff  }
0x415: {  	v9 =	vmul.f32 v18, v25;
	v8 =	vand.u32 $0x7F, v23;
	v32 =	vmul.f32 v17, v17;
	v34 =	vld.idx.msk [tilespmem:v20+s25+$0x0], $0xffff  }
0x416: {  	v26 =	vadd.f32 v15, v26;
	v25 =	vor.u32 v5, v8;
	v20 =	vor.u32 v6, v8;
	v29 =	vld.idx.msk [tilespmem:v29+s13+$0x0], $0xffff  }
0x417: {  	v35 =	vadd.f32 v7, v14;
	v11 =	vadd.f32 v9, v11;
	v7 =	vmul.f32 v28, v28;
	v13 =	vld.idx.msk [tilespmem:v13+s25+$0x0], $0xffff  }
0x418: {  	v8 =	vmul.f32 v28, v30;
	v17 =	vmul.f32 v27, v17;
	v14 =	vld.idx.msk [tilespmem:v24+s13+$0x0], $0xffff  }
0x419: {  	v24 =	vmul.f32 v27, v27;
	v23 =	vmul.f32 v16, v16;
	v15 =	vld.idx.msk [tilespmem:v22+s25+$0x0], $0xffff;
	v22 =	vadd.s32 $0x8, v10  }
0x41a: {  	v9 =	vmul.f32 v30, v30;
	v27 =	vmul.f32 v19, v16;
	v10 =	vadd.s32 $0x7, v10;
	v18 =	vld.idx.msk [tilespmem:v31+s13+$0x0], $0xffff  }
0x41b: {  	v12 =	vadd.f32 v23, v12;
	v23 =	vand.u32 $0x7F, v10;
	v10 =	vand.u32 $0x7F, v22;
	v16 =	vld.idx.msk [tilespmem:v20+s25+$0x0], $0xffff  }
.Ltmp12:
0x41c: {  	v19 =	vmul.f32 v19, v19;
	v22 =	vadd.f32 v32, v21;
	v21 =	vadd.f32 v24, v35;
	(pc) =	sbr.rel @!p0 .LBB2_27-.Ltmp12, $4  }
0x41d: {  	v24 =	vmul.f32 v34, v34;
	v20 =	vadd.f32 v17, v33;
	v11 =	vadd.f32 v27, v11;
	v17 =	vld.idx.msk [tilespmem:v25+s13+$0x0], $0xffff  }
0x41e: {  	v26 =	vadd.f32 v19, v26;
	v28 =	vmul.f32 v29, v29;
	v19 =	vmul.f32 v13, v13  }
0x41f: {  	v13 =	vmul.f32 v29, v13;
	v29 =	vor.u32 v6, v23;
	v25 =	vmul.f32 v14, v34  }
0x420: {  	v24 =	vadd.f32 v24, v22;
	v22 =	vmul.f32 v15, v15;
	v27 =	vmul.f32 v18, v18  }
0x421: {  	v5 =	vor.u32 v5, v23;
	_ =	sdelay $0x3  }
0x422: {  	v10 =	vld.idx.msk [tilespmem:v29+s25+$0x0], $0xffff  }
0x423: {  	v6 =	vmul.f32 v14, v14;
	v5 =	vld.idx.msk [tilespmem:v5+s13+$0x0], $0xffff  }
0x424: {  	v14 =	vmul.f32 v18, v15;
	v18 =	vmul.f32 v16, v16;
	v20 =	vadd.f32 v25, v20  }
0x425: {  	v12 =	vadd.f32 v19, v12;
	v11 =	vadd.f32 v13, v11;
	v16 =	vmul.f32 v17, v16  }
0x426: {  	v17 =	vmul.f32 v17, v17;
	v6 =	vadd.f32 v6, v21;
	v18 =	vadd.f32 v18, v24  }
0x427: {  	v12 =	vadd.f32 v22, v12;
	v13 =	vadd.f32 v16, v20;
	v16 =	vmul.f32 v10, v10  }
0x428: {  	v19 =	vadd.f32 v14, v11;
	v14 =	vmul.f32 v5, v5;
	v5 =	vmul.f32 v5, v10  }
0x429: {  	v11 =	vadd.f32 v8, v13;
	v8 =	vadd.f32 v16, v12;
	v10 =	vlaneseq.u32  }
0x42a: {  	v16 =	vadd.f32 v9, v18;
	v9 =	vadd.f32 v5, v19;
	v5 =	vand.u32 $0x7, v10  }
0x42b: {  	v6 =	vadd.f32 v17, v6;
	v5 =	vmul.u32 $0x80, v5;
	_ =	sdelay $0x1  }
0x42c: {  	v17 =	vadd.f32 v7, v6;
	v6 =	vor.u32 $0x400, v5  }
0x42d: {  	v5 =	vor.u32 v6, v3  }
0x42e: {  	v12 =	vadd.s32 $0x1, v10;
	v3 =	vor.u32 v6, v4;
	v6 =	vor.u32 v5, v10  }
0x42f: {  	v15 =	vadd.f32 v28, v26;
	v12 =	vand.u32 $0x7F, v12;
	v13 =	vor.u32 v3, v10  }
0x430: {  	v4 =	vadd.s32 $0x6, v10;
	v18 =	vor.u32 v5, v12  }
0x431: {  	v15 =	vadd.f32 v27, v15;
	v4 =	vand.u32 $0x7F, v4;
	v12 =	vor.u32 v3, v12  }
0x432: {  	v7 =	vor.u32 v3, v4;
	v4 =	vor.u32 v5, v4  }
0x433: {  	v14 =	vadd.f32 v14, v15;
	v15 =	vadd.s32 $0x2, v10;
	v6 =	vld.idx.msk [tilespmem:v6+s25+$0x0], $0xffff  }
0x434: {  	v19 =	vadd.s32 $0x3, v10;
	v15 =	vand.u32 $0x7F, v15;
	v23 =	vld.idx.msk [tilespmem:v13+s13+$0x0], $0xffff  }
0x435: {  	v19 =	vand.u32 $0x7F, v19;
	v20 =	vor.u32 v5, v15;
	v13 =	vor.u32 v3, v15;
	v15 =	vld.idx.msk [tilespmem:v18+s25+$0x0], $0xffff  }
0x436: {  	v21 =	vor.u32 v3, v19;
	v24 =	vld.idx.msk [tilespmem:v12+s13+$0x0], $0xffff  }
0x437: {  	v19 =	vor.u32 v5, v19;
	v22 =	vld.idx.msk [tilespmem:v4+s25+$0x0], $0xffff;
	v4 =	vadd.s32 $0x5, v10  }
0x438: {  	v18 =	vadd.s32 $0x4, v10;
	v7 =	vld.idx.msk [tilespmem:v7+s13+$0x0], $0xffff;
	v4 =	vand.u32 $0x7F, v4  }
0x439: {  	v18 =	vand.u32 $0x7F, v18;
	v12 =	vor.u32 v5, v4  }
0x43a: {  	v27 =	vld.idx.msk [tilespmem:v20+s25+$0x0], $0xffff;
	v29 =	vor.u32 v5, v18;
	v25 =	vor.u32 v3, v4  }
0x43b: {  	v28 =	vld.idx.msk [tilespmem:v21+s13+$0x0], $0xffff;
	v30 =	vor.u32 v3, v18;
	v20 =	vmul.f32 v6, v6;
	v18 =	vmul.f32 v23, v6  }
0x43c: {  	v19 =	vld.idx.msk [tilespmem:v19+s25+$0x0], $0xffff;
	v23 =	vmul.f32 v23, v23;
	v21 =	vmul.f32 v15, v15  }
0x43d: {  	v26 =	vadd.s32 $0x8, v10;
	v13 =	vld.idx.msk [tilespmem:v13+s13+$0x0], $0xffff;
	v31 =	vmul.f32 v24, v15;
	v4 =	vmul.f32 v7, v7  }
0x43e: {  	v6 =	vmul.f32 v7, v22;
	v7 =	vmul.f32 v22, v22;
	v22 =	vadd.s32 $0x7, v10;
	v12 =	vld.idx.msk [tilespmem:v12+s25+$0x0], $0xffff  }
0x43f: {  	v10 =	vadd.f32 v21, v8;
	v21 =	vand.u32 $0x7F, v22;
	v8 =	vand.u32 $0x7F, v26;
	v15 =	vld.idx.msk [tilespmem:v25+s13+$0x0], $0xffff  }
0x440: {  	v22 =	vadd.f32 v20, v16;
	v20 =	vadd.f32 v23, v17;
	v16 =	vmul.f32 v24, v24  }
0x441: {  	v18 =	vadd.f32 v18, v11;
	v9 =	vadd.f32 v31, v9;
	v17 =	vmul.f32 v19, v19  }
0x442: {  	v26 =	vmul.f32 v28, v28;
	v25 =	vmul.f32 v27, v27;
	v24 =	vadd.f32 v16, v14;
	v14 =	vld.idx.msk [tilespmem:v29+s25+$0x0], $0xffff  }
0x443: {  	v11 =	vmul.f32 v28, v19;
	v23 =	vmul.f32 v13, v27;
	v27 =	vor.u32 v5, v21  }
0x444: {  	s0 =	simm.s32 $0xF;
	v16 =	vld.idx.msk [tilespmem:v30+s13+$0x0], $0xffff;
	v22 =	vadd.f32 v25, v22;
	v19 =	vmul.f32 v12, v12;
	v25 =	vmul.f32 v15, v15  }
.LBB2_29:
0x445: {  	p0 =	sne.s32 s0, $0x1;
	s0 =	sadd.s32 $0xFFFFFFFF, s0;
	v13 =	vmul.f32 v13, v13;
	v12 =	vmul.f32 v15, v12;
	v15 =	vor.u32 v3, v21  }
0x446: {  	v21 =	vadd.s32 $0x4, v8;
	v28 =	vadd.s32 $0x6, v8;
	v24 =	vadd.f32 v26, v24  }
0x447: {  	v26 =	vand.u32 $0x7F, v28;
	v13 =	vadd.f32 v13, v20;
	v20 =	vmul.f32 v14, v14  }
0x448: {  	v18 =	vadd.f32 v23, v18;
	v28 =	vor.u32 v5, v26;
	v26 =	vor.u32 v3, v26;
	v23 =	vld.idx.msk [tilespmem:v27+s25+$0x0], $0xffff  }
0x449: {  	v14 =	vmul.f32 v16, v14;
	v24 =	vadd.f32 v25, v24;
	v27 =	vor.u32 v5, v8  }
0x44a: {  	v29 =	vadd.s32 $0x3, v8;
	v10 =	vadd.f32 v17, v10;
	v25 =	vor.u32 v3, v8;
	v15 =	vld.idx.msk [tilespmem:v15+s13+$0x0], $0xffff  }
0x44b: {  	v17 =	vadd.s32 $0x1, v8;
	v16 =	vmul.f32 v16, v16;
	v20 =	vadd.f32 v20, v22  }
0x44c: {  	v17 =	vand.u32 $0x7F, v17;
	v10 =	vadd.f32 v19, v10;
	v22 =	vadd.s32 $0x2, v8  }
0x44d: {  	v19 =	vor.u32 v5, v17;
	v17 =	vor.u32 v3, v17;
	v13 =	vadd.f32 v16, v13  }
0x44e: {  	v14 =	vadd.f32 v14, v18;
	v22 =	vand.u32 $0x7F, v22;
	v16 =	vld.idx.msk [tilespmem:v27+s25+$0x0], $0xffff;
	v27 =	vand.u32 $0x7F, v29  }
0x44f: {  	v9 =	vadd.f32 v11, v9;
	v18 =	vor.u32 v5, v22;
	v22 =	vor.u32 v3, v22;
	v26 =	vld.idx.msk [tilespmem:v26+s13+$0x0], $0xffff  }
0x450: {  	v29 =	vmul.f32 v23, v23;
	v11 =	vor.u32 v5, v27;
	v27 =	vor.u32 v3, v27;
	v28 =	vld.idx.msk [tilespmem:v28+s25+$0x0], $0xffff  }
0x451: {  	v30 =	vadd.s32 $0x5, v8;
	v9 =	vadd.f32 v12, v9;
	v31 =	vadd.f32 v6, v14;
	v25 =	vld.idx.msk [tilespmem:v25+s13+$0x0], $0xffff  }
0x452: {  	v6 =	vand.u32 $0x7F, v30;
	v12 =	vmul.f32 v15, v15;
	v10 =	vadd.f32 v29, v10;
	v14 =	vld.idx.msk [tilespmem:v19+s25+$0x0], $0xffff  }
0x453: {  	v20 =	vadd.f32 v7, v20;
	v29 =	vor.u32 v3, v6;
	v19 =	vor.u32 v5, v6;
	v17 =	vld.idx.msk [tilespmem:v17+s13+$0x0], $0xffff  }
0x454: {  	v7 =	vmul.f32 v15, v23;
	v6 =	vand.u32 $0x7F, v21;
	v30 =	vmul.f32 v16, v16;
	v32 =	vld.idx.msk [tilespmem:v18+s25+$0x0], $0xffff  }
0x455: {  	v24 =	vadd.f32 v12, v24;
	v23 =	vor.u32 v3, v6;
	v18 =	vor.u32 v5, v6;
	v27 =	vld.idx.msk [tilespmem:v27+s13+$0x0], $0xffff  }
0x456: {  	v33 =	vadd.f32 v4, v13;
	v9 =	vadd.f32 v7, v9;
	v4 =	vmul.f32 v26, v26;
	v11 =	vld.idx.msk [tilespmem:v11+s25+$0x0], $0xffff  }
0x457: {  	v6 =	vmul.f32 v26, v28;
	v16 =	vmul.f32 v25, v16;
	v13 =	vld.idx.msk [tilespmem:v22+s13+$0x0], $0xffff  }
0x458: {  	v22 =	vmul.f32 v25, v25;
	v21 =	vmul.f32 v14, v14;
	v12 =	vld.idx.msk [tilespmem:v19+s25+$0x0], $0xffff;
	v19 =	vadd.s32 $0x8, v8  }
0x459: {  	v7 =	vmul.f32 v28, v28;
	v25 =	vmul.f32 v17, v14;
	v8 =	vadd.s32 $0x7, v8;
	v15 =	vld.idx.msk [tilespmem:v29+s13+$0x0], $0xffff  }
0x45a: {  	v10 =	vadd.f32 v21, v10;
	v21 =	vand.u32 $0x7F, v8;
	v8 =	vand.u32 $0x7F, v19;
	v14 =	vld.idx.msk [tilespmem:v18+s25+$0x0], $0xffff  }
.Ltmp13:
0x45b: {  	v17 =	vmul.f32 v17, v17;
	v19 =	vadd.f32 v30, v20;
	v20 =	vadd.f32 v22, v33;
	(pc) =	sbr.rel @p0 .LBB2_29-.Ltmp13, $4  }
0x45c: {  	v22 =	vmul.f32 v32, v32;
	v18 =	vadd.f32 v16, v31;
	v9 =	vadd.f32 v25, v9;
	v16 =	vld.idx.msk [tilespmem:v23+s13+$0x0], $0xffff  }
0x45d: {  	v24 =	vadd.f32 v17, v24;
	v26 =	vmul.f32 v27, v27;
	v17 =	vmul.f32 v11, v11  }
0x45e: {  	v11 =	vmul.f32 v27, v11;
	v27 =	vor.u32 v5, v21;
	v23 =	vmul.f32 v13, v32  }
0x45f: {  	v22 =	vadd.f32 v22, v19;
	v19 =	vmul.f32 v12, v12;
	v25 =	vmul.f32 v15, v15  }
0x460: {  	v3 =	vor.u32 v3, v21;
	_ =	sdelay $0x3  }
0x461: {  	v5 =	vmul.f32 v13, v13;
	v8 =	vld.idx.msk [tilespmem:v27+s25+$0x0], $0xffff  }
0x462: {  	v56 =	vadd.f32 v26, v24;
	v57 =	vmul.f32 v14, v14;
	v18 =	vadd.f32 v23, v18;
	v3 =	vld.idx.msk [tilespmem:v3+s13+$0x0], $0xffff  }
0x463: {  	v10 =	vadd.f32 v17, v10;
	v12 =	vmul.f32 v15, v12;
	v9 =	vadd.f32 v11, v9  }
0x464: {  	v58 =	vmul.f32 v16, v14;
	v5 =	vadd.f32 v5, v20;
	v13 =	vadd.f32 v25, v56  }
0x465: {  	v60 =	vmul.f32 v16, v16;
	v59 =	vadd.f32 v57, v22;
	v10 =	vadd.f32 v19, v10  }
0x466: {  	v9 =	vadd.f32 v12, v9;
	v14 =	vadd.f32 v58, v18;
	v61 =	vmul.f32 v8, v8  }
0x467: {  	v5 =	vadd.f32 v60, v5;
	v7 =	vadd.f32 v7, v59;
	v8 =	vmul.f32 v3, v8  }
0x468: {  	s30 =	sadd.s32 $0x1, s30;
	v6 =	vadd.f32 v6, v14;
	v10 =	vadd.f32 v61, v10;
	v3 =	vmul.f32 v3, v3  }
0x469: {  	p0 =	sne.s32 s30, $0x4;
	v4 =	vadd.f32 v4, v5;
	v8 =	vadd.f32 v8, v9  }
.Ltmp14:
0x46a: {  	v63 =	vadd.f32 v10, v7;
	v3 =	vadd.f32 v3, v13;
	(pc) =	sbr.rel @p0 .LBB2_26-.Ltmp14, $4  }
0x46b: {  	v62 =	vadd.f32 v8, v6  }
0x46c: {  	[tilespmem:s31+$0x18480] =	vst v63;
	v3 =	vadd.f32 v3, v4  }
0x46d: {  	[tilespmem:s31+$0x18400] =	vst v62  }
0x46e: {  	[tilespmem:s31+$0x18500] =	vst v3  }
0x46f: {  	_ =	swait.ge [sflag:s26], $0x4000  }
0x470: {  	[sflag:s26] =	ssyncset.done $0x0  }
0x471: {  	s30 =	simm.s32 $0x4;
	[sflag:s26] =	ssyncadd.s32 $0xFFFFC000  }
.LBB2_32:
0x472: {  	s31 =	sshll.u32 s30, $0x4;
	v5 =	vlaneseq.u32  }
0x473: {  	v3 =	vmov s31;
	v4 =	vmul.u32 $0x100, v5  }
0x474: {  	v6 =	vand.u32 $0x7, v5;
	v3 =	vshll.u32 v3, $0x8  }
0x475: {  	v3 =	vor.u32 v4, v3;
	v4 =	vmul.u32 $0x80, v6  }
0x476: {  	v3 =	vand.u32 $0x7800, v3  }
0x477: {  	v4 =	vor.u32 v4, v3  }
0x478: {  	v6 =	vadd.s32 $0x1, v5;
	v8 =	vor.u32 v4, v5  }
0x479: {  	v6 =	vand.u32 $0x7F, v6  }
0x47a: {  	v10 =	vadd.s32 $0x2, v5;
	v6 =	vor.u32 v4, v6  }
0x47b: {  	v10 =	vand.u32 $0x7F, v10  }
0x47c: {  	v9 =	vadd.s32 $0x3, v5;
	v10 =	vor.u32 v4, v10  }
0x47d: {  	v9 =	vand.u32 $0x7F, v9;
	v11 =	vld.idx.msk [tilespmem:v8+s21+$0x0], $0xffff  }
0x47e: {  	v15 =	vadd.s32 $0x6, v5;
	v9 =	vor.u32 v4, v9;
	v12 =	vld.idx.msk [tilespmem:v8+s13+$0x0], $0xffff  }
0x47f: {  	v15 =	vand.u32 $0x7F, v15;
	v8 =	vadd.s32 $0x4, v5;
	v13 =	vld.idx.msk [tilespmem:v6+s21+$0x0], $0xffff  }
0x480: {  	v17 =	vor.u32 v4, v15;
	v6 =	vld.idx.msk [tilespmem:v6+s13+$0x0], $0xffff;
	v8 =	vand.u32 $0x7F, v8  }
0x481: {  	v16 =	vadd.s32 $0x5, v5;
	v18 =	vld.idx.msk [tilespmem:v10+s21+$0x0], $0xffff;
	v14 =	vor.u32 v4, v8  }
0x482: {  	v16 =	vand.u32 $0x7F, v16;
	v22 =	vld.idx.msk [tilespmem:v10+s13+$0x0], $0xffff  }
0x483: {  	v23 =	vor.u32 v4, v16;
	v15 =	vld.idx.msk [tilespmem:v9+s13+$0x0], $0xffff  }
0x484: {  	v7 =	vimm.f32 $0.0e+00;
	v20 =	vadd.s32 $0x7, v5;
	v8 =	vld.idx.msk [tilespmem:v9+s21+$0x0], $0xffff  }
0x485: {  	v27 =	vand.u32 $0x7F, v20;
	v10 =	vld.idx.msk [tilespmem:v17+s21+$0x0], $0xffff;
	v19 =	vmul.f32 v11, v11;
	v11 =	vmul.f32 v12, v11  }
0x486: {  	v5 =	vadd.s32 $0x8, v5;
	v12 =	vmul.f32 v12, v12;
	v21 =	vmul.f32 v13, v13;
	v9 =	vld.idx.msk [tilespmem:v14+s13+$0x0], $0xffff  }
0x487: {  	v5 =	vand.u32 $0x7F, v5;
	v24 =	vmul.f32 v6, v6;
	v29 =	vmul.f32 v22, v22;
	v14 =	vld.idx.msk [tilespmem:v14+s21+$0x0], $0xffff  }
0x488: {  	v16 =	vadd.f32 v19, v7;
	v19 =	vmul.f32 v6, v13;
	v26 =	vadd.f32 v21, v7;
	v6 =	vld.idx.msk [tilespmem:v23+s21+$0x0], $0xffff  }
0x489: {  	v25 =	vmul.f32 v8, v8;
	v21 =	vadd.f32 v11, v7;
	v28 =	vadd.f32 v12, v7;
	v13 =	vld.idx.msk [tilespmem:v17+s13+$0x0], $0xffff  }
0x48a: {  	v20 =	vadd.f32 v24, v7;
	v17 =	vor.u32 v4, v27;
	v11 =	vld.idx.msk [tilespmem:v23+s13+$0x0], $0xffff;
	v23 =	vmul.f32 v22, v18  }
0x48b: {  	s0 =	simm.s32 $0xF;
	v22 =	vmul.f32 v18, v18;
	v12 =	vadd.f32 v25, v26;
	v18 =	vadd.f32 v29, v28  }
.LBB2_33:
0x48c: {  	p0 =	seq.s32 s0, $0x1;
	s0 =	sadd.s32 $0xFFFFFFFF, s0;
	v7 =	vadd.f32 v19, v7;
	v8 =	vmul.f32 v15, v8;
	v15 =	vmul.f32 v15, v15  }
0x48d: {  	v19 =	vadd.f32 v23, v21;
	v21 =	vmul.f32 v14, v14;
	v23 =	vmul.f32 v9, v9  }
0x48e: {  	v24 =	vadd.s32 $0x3, v5;
	v7 =	vadd.f32 v8, v7;
	v8 =	vadd.f32 v15, v20  }
0x48f: {  	v16 =	vadd.f32 v22, v16;
	v9 =	vmul.f32 v9, v14;
	v15 =	vadd.s32 $0x1, v5;
	v14 =	vld.idx.msk [tilespmem:v17+s21+$0x0], $0xffff  }
0x490: {  	v22 =	vmul.f32 v10, v10;
	v20 =	vor.u32 v4, v5;
	v15 =	vand.u32 $0x7F, v15;
	v17 =	vld.idx.msk [tilespmem:v17+s13+$0x0], $0xffff  }
0x491: {  	v25 =	vadd.s32 $0x2, v5;
	v18 =	vadd.f32 v23, v18;
	v15 =	vor.u32 v4, v15  }
0x492: {  	v24 =	vand.u32 $0x7F, v24;
	v23 =	vand.u32 $0x7F, v25;
	v25 =	vmul.f32 v13, v10  }
0x493: {  	v10 =	vor.u32 v4, v23;
	v23 =	vor.u32 v4, v24;
	v24 =	vmul.f32 v6, v6  }
0x494: {  	v16 =	vadd.f32 v21, v16;
	v21 =	vmul.f32 v11, v11;
	v13 =	vmul.f32 v13, v13  }
0x495: {  	v19 =	vadd.f32 v9, v19;
	v9 =	vadd.f32 v24, v12;
	v12 =	vmul.f32 v14, v14;
	v26 =	vld.idx.msk [tilespmem:v20+s21+$0x0], $0xffff  }
0x496: {  	v16 =	vadd.f32 v22, v16;
	v13 =	vadd.f32 v13, v18;
	v24 =	vadd.s32 $0x4, v5;
	v20 =	vld.idx.msk [tilespmem:v20+s13+$0x0], $0xffff  }
0x497: {  	v6 =	vmul.f32 v11, v6;
	v11 =	vadd.f32 v21, v8;
	v22 =	vand.u32 $0x7F, v24;
	v18 =	vld.idx.msk [tilespmem:v15+s21+$0x0], $0xffff  }
0x498: {  	v22 =	vor.u32 v4, v22;
	v14 =	vmul.f32 v17, v14;
	v21 =	vld.idx.msk [tilespmem:v15+s13+$0x0], $0xffff;
	v15 =	vadd.s32 $0x6, v5  }
0x499: {  	v24 =	vadd.s32 $0x5, v5;
	v12 =	vadd.f32 v12, v9;
	v8 =	vld.idx.msk [tilespmem:v23+s21+$0x0], $0xffff;
	v15 =	vand.u32 $0x7F, v15  }
0x49a: {  	v6 =	vadd.f32 v6, v7;
	v9 =	vand.u32 $0x7F, v24;
	v27 =	vld.idx.msk [tilespmem:v10+s21+$0x0], $0xffff;
	v24 =	vor.u32 v4, v15  }
0x49b: {  	v30 =	vor.u32 v4, v9;
	v28 =	vmul.f32 v26, v26;
	v29 =	vld.idx.msk [tilespmem:v10+s13+$0x0], $0xffff;
	v10 =	vmul.f32 v17, v17  }
0x49c: {  	v7 =	vadd.f32 v14, v6;
	v17 =	vmul.f32 v20, v26;
	v20 =	vmul.f32 v20, v20;
	v15 =	vld.idx.msk [tilespmem:v23+s13+$0x0], $0xffff  }
0x49d: {  	v23 =	vadd.s32 $0x7, v5;
	v5 =	vadd.s32 $0x8, v5;
	v9 =	vld.idx.msk [tilespmem:v22+s13+$0x0], $0xffff;
	v11 =	vadd.f32 v10, v11  }
0x49e: {  	v6 =	vmul.f32 v18, v18;
	v26 =	vmul.f32 v21, v21;
	v5 =	vand.u32 $0x7F, v5;
	v14 =	vld.idx.msk [tilespmem:v22+s21+$0x0], $0xffff  }
.Ltmp15:
0x49f: {  	v25 =	vadd.f32 v25, v19;
	v16 =	vadd.f32 v28, v16;
	v22 =	vmul.f32 v8, v8;
	v10 =	vld.idx.msk [tilespmem:v24+s21+$0x0], $0xffff;
	(pc) =	sbr.rel @!p0 .LBB2_33-.Ltmp15, $4  }
0x4a0: {  	v19 =	vmul.f32 v21, v18;
	v18 =	vand.u32 $0x7F, v23;
	v12 =	vadd.f32 v6, v12;
	v6 =	vld.idx.msk [tilespmem:v30+s21+$0x0], $0xffff  }
0x4a1: {  	v21 =	vadd.f32 v17, v25;
	v25 =	vadd.f32 v20, v13;
	v28 =	vmul.f32 v29, v29;
	v13 =	vld.idx.msk [tilespmem:v24+s13+$0x0], $0xffff  }
0x4a2: {  	v17 =	vor.u32 v4, v18;
	v20 =	vadd.f32 v26, v11;
	v12 =	vadd.f32 v22, v12;
	v11 =	vld.idx.msk [tilespmem:v30+s13+$0x0], $0xffff  }
0x4a3: {  	v23 =	vmul.f32 v29, v27;
	v22 =	vmul.f32 v27, v27;
	v18 =	vadd.f32 v28, v25  }
0x4a4: {  	_ =	sdelay $0x1  }
0x4a5: {  	v5 =	vmul.f32 v15, v8  }
0x4a6: {  	v4 =	vadd.f32 v19, v7;
	v7 =	vmul.f32 v15, v15;
	v15 =	vmul.f32 v14, v14  }
0x4a7: {  	v19 =	vmul.f32 v9, v9;
	v9 =	vmul.f32 v9, v14;
	v14 =	vld.idx.msk [tilespmem:v17+s13+$0x0], $0xffff  }
0x4a8: {  	v4 =	vadd.f32 v5, v4;
	v5 =	vld.idx.msk [tilespmem:v17+s21+$0x0], $0xffff  }
0x4a9: {  	v8 =	vadd.f32 v23, v21;
	v7 =	vadd.f32 v7, v20;
	v17 =	vmul.f32 v10, v10  }
0x4aa: {  	v20 =	vmul.f32 v13, v10;
	v10 =	vadd.f32 v19, v18;
	v18 =	vmul.f32 v6, v6  }
0x4ab: {  	v19 =	vmul.f32 v11, v11;
	v11 =	vmul.f32 v11, v6  }
0x4ac: {  	v8 =	vadd.f32 v9, v8;
	v9 =	vadd.f32 v18, v12  }
0x4ad: {  	v4 =	vadd.f32 v11, v4;
	v12 =	vmul.f32 v5, v5;
	v5 =	vmul.f32 v14, v5  }
0x4ae: {  	v7 =	vadd.f32 v19, v7;
	v11 =	vmul.f32 v14, v14  }
0x4af: {  	v5 =	vadd.f32 v5, v4;
	v4 =	vlaneseq.u32  }
0x4b0: {  	v11 =	vadd.f32 v11, v7;
	v7 =	vand.u32 $0x7, v4  }
0x4b1: {  	v7 =	vmul.u32 $0x80, v7  }
0x4b2: {  	v16 =	vadd.f32 v22, v16;
	v13 =	vmul.f32 v13, v13  }
0x4b3: {  	v7 =	vor.u32 $0x400, v7  }
0x4b4: {  	v15 =	vadd.f32 v15, v16;
	v10 =	vadd.f32 v13, v10;
	v3 =	vor.u32 v7, v3  }
0x4b5: {  	v16 =	vadd.f32 v20, v8;
	v13 =	vadd.s32 $0x2, v4;
	v8 =	vor.u32 v3, v4  }
0x4b6: {  	v13 =	vand.u32 $0x7F, v13;
	v7 =	vadd.s32 $0x1, v4  }
0x4b7: {  	v7 =	vand.u32 $0x7F, v7;
	v13 =	vor.u32 v3, v13  }
0x4b8: {  	v12 =	vadd.f32 v12, v9;
	v9 =	vadd.s32 $0x3, v4;
	v7 =	vor.u32 v3, v7  }
0x4b9: {  	v9 =	vand.u32 $0x7F, v9  }
0x4ba: {  	v6 =	vadd.f32 v17, v15;
	v15 =	vadd.s32 $0x4, v4;
	v9 =	vor.u32 v3, v9;
	v14 =	vld.idx.msk [tilespmem:v8+s21+$0x0], $0xffff  }
0x4bb: {  	v15 =	vand.u32 $0x7F, v15;
	v8 =	vld.idx.msk [tilespmem:v8+s13+$0x0], $0xffff  }
0x4bc: {  	v15 =	vor.u32 v3, v15;
	v23 =	vld.idx.msk [tilespmem:v13+s13+$0x0], $0xffff  }
0x4bd: {  	v19 =	vadd.s32 $0x6, v4;
	v17 =	vld.idx.msk [tilespmem:v7+s21+$0x0], $0xffff  }
0x4be: {  	v20 =	vadd.s32 $0x5, v4;
	v19 =	vand.u32 $0x7F, v19;
	v18 =	vld.idx.msk [tilespmem:v7+s13+$0x0], $0xffff  }
0x4bf: {  	v20 =	vand.u32 $0x7F, v20;
	v22 =	vor.u32 v3, v19;
	v7 =	vld.idx.msk [tilespmem:v9+s21+$0x0], $0xffff  }
0x4c0: {  	v26 =	vadd.s32 $0x7, v4;
	v24 =	vor.u32 v3, v20;
	v21 =	vld.idx.msk [tilespmem:v13+s21+$0x0], $0xffff  }
0x4c1: {  	v26 =	vand.u32 $0x7F, v26;
	v13 =	vld.idx.msk [tilespmem:v15+s21+$0x0], $0xffff;
	v19 =	vmul.f32 v14, v14;
	v20 =	vmul.f32 v8, v14  }
0x4c2: {  	v4 =	vadd.s32 $0x8, v4;
	v25 =	vmul.f32 v8, v8;
	v14 =	vld.idx.msk [tilespmem:v9+s13+$0x0], $0xffff;
	v63 =	vmul.f32 v23, v23  }
0x4c3: {  	v4 =	vand.u32 $0x7F, v4;
	v8 =	vld.idx.msk [tilespmem:v15+s13+$0x0], $0xffff;
	v27 =	vmul.f32 v17, v17;
	v28 =	vmul.f32 v18, v18  }
0x4c4: {  	v9 =	vld.idx.msk [tilespmem:v22+s21+$0x0], $0xffff;
	v29 =	vmul.f32 v7, v7;
	v15 =	vadd.f32 v19, v6;
	v20 =	vadd.f32 v20, v16  }
0x4c5: {  	v19 =	vmul.f32 v18, v17;
	v6 =	vld.idx.msk [tilespmem:v24+s21+$0x0], $0xffff;
	v25 =	vadd.f32 v25, v10;
	v17 =	vadd.f32 v27, v12  }
0x4c6: {  	v16 =	vor.u32 v3, v26;
	v12 =	vld.idx.msk [tilespmem:v22+s13+$0x0], $0xffff;
	v18 =	vadd.f32 v28, v11;
	v22 =	vmul.f32 v23, v21  }
0x4c7: {  	s0 =	simm.s32 $0xF;
	v10 =	vld.idx.msk [tilespmem:v24+s13+$0x0], $0xffff;
	v21 =	vmul.f32 v21, v21;
	v11 =	vadd.f32 v29, v17;
	v17 =	vadd.f32 v63, v25  }
.LBB2_35:
0x4c8: {  	p0 =	sne.s32 s0, $0x1;
	s0 =	sadd.s32 $0xFFFFFFFF, s0;
	v5 =	vadd.f32 v19, v5;
	v7 =	vmul.f32 v14, v7;
	v14 =	vmul.f32 v14, v14  }
0x4c9: {  	v19 =	vadd.f32 v22, v20;
	v20 =	vmul.f32 v13, v13;
	v22 =	vmul.f32 v8, v8  }
0x4ca: {  	v23 =	vadd.s32 $0x3, v4;
	v5 =	vadd.f32 v7, v5;
	v7 =	vadd.f32 v14, v18  }
0x4cb: {  	v15 =	vadd.f32 v21, v15;
	v8 =	vmul.f32 v8, v13;
	v14 =	vadd.s32 $0x1, v4;
	v13 =	vld.idx.msk [tilespmem:v16+s21+$0x0], $0xffff  }
0x4cc: {  	v21 =	vmul.f32 v9, v9;
	v18 =	vor.u32 v3, v4;
	v14 =	vand.u32 $0x7F, v14;
	v16 =	vld.idx.msk [tilespmem:v16+s13+$0x0], $0xffff  }
0x4cd: {  	v24 =	vadd.s32 $0x2, v4;
	v17 =	vadd.f32 v22, v17;
	v14 =	vor.u32 v3, v14  }
0x4ce: {  	v23 =	vand.u32 $0x7F, v23;
	v22 =	vand.u32 $0x7F, v24;
	v24 =	vmul.f32 v12, v9  }
0x4cf: {  	v9 =	vor.u32 v3, v22;
	v22 =	vor.u32 v3, v23;
	v23 =	vmul.f32 v6, v6  }
0x4d0: {  	v15 =	vadd.f32 v20, v15;
	v20 =	vmul.f32 v10, v10;
	v12 =	vmul.f32 v12, v12  }
0x4d1: {  	v19 =	vadd.f32 v8, v19;
	v8 =	vadd.f32 v23, v11;
	v11 =	vmul.f32 v13, v13;
	v25 =	vld.idx.msk [tilespmem:v18+s21+$0x0], $0xffff  }
0x4d2: {  	v15 =	vadd.f32 v21, v15;
	v12 =	vadd.f32 v12, v17;
	v23 =	vadd.s32 $0x4, v4;
	v18 =	vld.idx.msk [tilespmem:v18+s13+$0x0], $0xffff  }
0x4d3: {  	v6 =	vmul.f32 v10, v6;
	v10 =	vadd.f32 v20, v7;
	v21 =	vand.u32 $0x7F, v23;
	v17 =	vld.idx.msk [tilespmem:v14+s21+$0x0], $0xffff  }
0x4d4: {  	v21 =	vor.u32 v3, v21;
	v13 =	vmul.f32 v16, v13;
	v20 =	vld.idx.msk [tilespmem:v14+s13+$0x0], $0xffff;
	v14 =	vadd.s32 $0x6, v4  }
0x4d5: {  	v23 =	vadd.s32 $0x5, v4;
	v11 =	vadd.f32 v11, v8;
	v7 =	vld.idx.msk [tilespmem:v22+s21+$0x0], $0xffff;
	v14 =	vand.u32 $0x7F, v14  }
0x4d6: {  	v5 =	vadd.f32 v6, v5;
	v8 =	vand.u32 $0x7F, v23;
	v26 =	vld.idx.msk [tilespmem:v9+s21+$0x0], $0xffff;
	v23 =	vor.u32 v3, v14  }
0x4d7: {  	v28 =	vor.u32 v3, v8;
	v6 =	vmul.f32 v25, v25;
	v27 =	vld.idx.msk [tilespmem:v9+s13+$0x0], $0xffff;
	v9 =	vmul.f32 v16, v16  }
0x4d8: {  	v5 =	vadd.f32 v13, v5;
	v16 =	vmul.f32 v18, v25;
	v18 =	vmul.f32 v18, v18;
	v14 =	vld.idx.msk [tilespmem:v22+s13+$0x0], $0xffff  }
0x4d9: {  	v22 =	vadd.s32 $0x7, v4;
	v4 =	vadd.s32 $0x8, v4;
	v8 =	vld.idx.msk [tilespmem:v21+s13+$0x0], $0xffff;
	v10 =	vadd.f32 v9, v10  }
0x4da: {  	v25 =	vmul.f32 v17, v17;
	v29 =	vmul.f32 v20, v20;
	v4 =	vand.u32 $0x7F, v4;
	v13 =	vld.idx.msk [tilespmem:v21+s21+$0x0], $0xffff  }
.Ltmp16:
0x4db: {  	v24 =	vadd.f32 v24, v19;
	v15 =	vadd.f32 v6, v15;
	v21 =	vmul.f32 v7, v7;
	v9 =	vld.idx.msk [tilespmem:v23+s21+$0x0], $0xffff;
	(pc) =	sbr.rel @p0 .LBB2_35-.Ltmp16, $4  }
0x4dc: {  	v19 =	vmul.f32 v20, v17;
	v17 =	vand.u32 $0x7F, v22;
	v11 =	vadd.f32 v25, v11;
	v6 =	vld.idx.msk [tilespmem:v28+s21+$0x0], $0xffff  }
0x4dd: {  	v20 =	vadd.f32 v16, v24;
	v24 =	vadd.f32 v18, v12;
	v25 =	vmul.f32 v27, v27;
	v12 =	vld.idx.msk [tilespmem:v23+s13+$0x0], $0xffff  }
0x4de: {  	v16 =	vor.u32 v3, v17;
	v18 =	vadd.f32 v29, v10;
	v11 =	vadd.f32 v21, v11;
	v10 =	vld.idx.msk [tilespmem:v28+s13+$0x0], $0xffff  }
0x4df: {  	v22 =	vmul.f32 v27, v26;
	v21 =	vmul.f32 v26, v26;
	v17 =	vadd.f32 v25, v24  }
0x4e0: {  	_ =	sdelay $0x2  }
0x4e1: {  	v4 =	vmul.f32 v14, v7;
	v47 =	vmul.f32 v14, v14  }
0x4e2: {  	v49 =	vld.idx.msk [tilespmem:v16+s21+$0x0], $0xffff;
	v50 =	vmul.f32 v13, v13;
	v51 =	vmul.f32 v8, v8  }
0x4e3: {  	v3 =	vadd.f32 v19, v5;
	v52 =	vld.idx.msk [tilespmem:v16+s13+$0x0], $0xffff;
	v53 =	vmul.f32 v8, v13;
	v54 =	vmul.f32 v9, v9  }
0x4e4: {  	v48 =	vadd.f32 v22, v20;
	v15 =	vadd.f32 v21, v15;
	v56 =	vmul.f32 v6, v6  }
0x4e5: {  	v3 =	vadd.f32 v4, v3;
	v5 =	vadd.f32 v47, v18;
	v55 =	vmul.f32 v12, v9  }
0x4e6: {  	v4 =	vadd.f32 v51, v17;
	v59 =	vmul.f32 v12, v12;
	v57 =	vmul.f32 v10, v6  }
0x4e7: {  	v15 =	vadd.f32 v50, v15;
	v58 =	vmul.f32 v10, v10;
	v7 =	vadd.f32 v53, v48  }
0x4e8: {  	v60 =	vadd.f32 v56, v11;
	v61 =	vmul.f32 v52, v49;
	v3 =	vadd.f32 v57, v3  }
0x4e9: {  	v4 =	vadd.f32 v59, v4;
	v62 =	vmul.f32 v49, v49;
	v5 =	vadd.f32 v58, v5  }
0x4ea: {  	s30 =	sadd.s32 $0x1, s30;
	v63 =	vmul.f32 v52, v52;
	v7 =	vadd.f32 v55, v7;
	v3 =	vadd.f32 v61, v3  }
0x4eb: {  	p0 =	sne.s32 s30, $0x8;
	v13 =	vadd.f32 v54, v15;
	v6 =	vadd.f32 v62, v60  }
.Ltmp17:
0x4ec: {  	v5 =	vadd.f32 v63, v5;
	v3 =	vadd.f32 v3, v7;
	(pc) =	sbr.rel @p0 .LBB2_32-.Ltmp17, $4  }
0x4ed: {  	v6 =	vadd.f32 v6, v13  }
0x4ee: {  	v4 =	vadd.f32 v5, v4;
	[tilespmem:s31+$0x18400] =	vst v3  }
0x4ef: {  	[tilespmem:s31+$0x18480] =	vst v6  }
0x4f0: {  	[tilespmem:s31+$0x18500] =	vst v4  }
0x4f1: {  	s0 =	simm.s32 $0x0  }
0x4f2: {  	v3 =	vld [tilespmem:s0+$0x18280]  }
0x4f3: {  	v4 =	vld [tilespmem:s0+$0x18480]  }
0x4f4: {  	v5 =	vld [tilespmem:s0+$0x18200]  }
0x4f5: {  	v6 =	vld [tilespmem:s0+$0x18380]  }
0x4f6: {  	v7 =	vld [tilespmem:s0+$0x18500];
	_ =	sdelay $0x3  }
0x4f7: {  	v3 =	vmul.f32 v3, v5;
	v10 =	vmul.f32 v6, v5  }
0x4f8: {  	v11 =	vmul.f32 v7, v4  }
0x4f9: {  	v4 =	vshra.s32 v3, $0x1;
	v5 =	vshra.s32 v10, $0x1;
	v8 =	vmul.f32 $5.000000000e-01, v10  }
0x4fa: {  	v9 =	vmul.f32 $5.000000000e-01, v3;
	v6 =	vshra.s32 v11, $0x1;
	v5 =	vsub.s32 $0x5F3759DF, v5  }
0x4fb: {  	v12 =	vmul.f32 $5.000000000e-01, v11;
	v4 =	vsub.s32 $0x5F3759DF, v4;
	v7 =	vmul.f32 v5, v8  }
0x4fc: {  	v6 =	vsub.s32 $0x5F3759DF, v6;
	v13 =	vmul.f32 v4, v9  }
0x4fd: {  	v14 =	vmul.f32 v6, v12;
	v7 =	vmul.f32 v5, v7  }
0x4fe: {  	v13 =	vmul.f32 v4, v13  }
0x4ff: {  	s30 =	simm.s32 $0x10;
	v14 =	vmul.f32 v6, v14;
	v7 =	vsub.f32 $1.500000000e+00, v7  }
0x500: {  	v15 =	vld [tilespmem:s30+$0x18280];
	v13 =	vsub.f32 $1.500000000e+00, v13  }
0x501: {  	v16 =	vld [tilespmem:s30+$0x18480];
	v7 =	vmul.f32 v5, v7;
	v5 =	vsub.f32 $1.500000000e+00, v14  }
0x502: {  	v14 =	vld [tilespmem:s30+$0x18200];
	v13 =	vmul.f32 v4, v13  }
0x503: {  	v4 =	vld [tilespmem:s30+$0x18500];
	v17 =	vmul.f32 v7, v8;
	v18 =	vmul.f32 v6, v5  }
0x504: {  	v6 =	vld [tilespmem:s30+$0x18380];
	v5 =	vmul.f32 v13, v9  }
0x505: {  	v17 =	vmul.f32 v17, v7;
	v19 =	vmul.f32 v18, v12  }
0x506: {  	v20 =	vmul.f32 v5, v13  }
0x507: {  	v17 =	vsub.f32 $1.500000000e+00, v17;
	v19 =	vmul.f32 v19, v18  }
0x508: {  	v5 =	vmul.f32 v15, v14;
	v4 =	vmul.f32 v4, v16;
	v15 =	vsub.f32 $1.500000000e+00, v20  }
0x509: {  	v6 =	vmul.f32 v6, v14;
	v14 =	vmul.f32 v17, v7;
	v16 =	vsub.f32 $1.500000000e+00, v19  }
0x50a: {  	v13 =	vmul.f32 v15, v13  }
0x50b: {  	v16 =	vmul.f32 v16, v18;
	v17 =	vmul.f32 v14, v8  }
0x50c: {  	v7 =	vmul.f32 $5.000000000e-01, v5;
	v19 =	vmul.f32 v13, v9  }
0x50d: {  	v15 =	vshra.s32 v5, $0x1;
	v17 =	vmul.f32 v17, v14;
	v12 =	vmul.f32 v16, v12  }
0x50e: {  	v20 =	vshra.s32 v6, $0x1;
	v15 =	vsub.s32 $0x5F3759DF, v15;
	v19 =	vmul.f32 v19, v13  }
0x50f: {  	v8 =	vmul.f32 $5.000000000e-01, v4;
	v17 =	vsub.f32 $1.500000000e+00, v17;
	v12 =	vmul.f32 v12, v16  }
0x510: {  	v9 =	vmul.f32 $5.000000000e-01, v6;
	v20 =	vsub.s32 $0x5F3759DF, v20;
	v19 =	vsub.f32 $1.500000000e+00, v19  }
0x511: {  	s31 =	simm.s32 $0x20;
	v22 =	vld [tilespmem:s0+$0x0];
	v21 =	vmul.f32 v15, v7;
	v14 =	vmul.f32 v17, v14;
	v12 =	vsub.f32 $1.500000000e+00, v12  }
0x512: {  	v24 =	vld [tilespmem:s31+$0x18280];
	v25 =	vmul.f32 v20, v9;
	v13 =	vmul.f32 v19, v13  }
0x513: {  	v18 =	vshra.s32 v4, $0x1;
	v17 =	vld [tilespmem:s0+$0x100];
	v10 =	vmul.f32 v14, v10;
	v12 =	vmul.f32 v12, v16  }
0x514: {  	v18 =	vsub.s32 $0x5F3759DF, v18;
	v19 =	vld [tilespmem:s31+$0x18480];
	v16 =	vmul.f32 v15, v21;
	v21 =	vmul.f32 v20, v25  }
0x515: {  	v23 =	vmul.f32 v18, v8;
	v3 =	vmul.f32 v13, v3;
	v13 =	vld [tilespmem:s31+$0x18500];
	v10 =	vmax.f32 v10, $9.999999930e-09  }
0x516: {  	v14 =	vld [tilespmem:s31+$0x18200];
	v11 =	vmul.f32 v12, v11;
	(erf) = vrcp.f32 v10;
	v10 =	vsub.f32 $1.500000000e+00, v21  }
0x517: {  	v25 =	vld [tilespmem:s31+$0x18380];
	v12 =	vmul.f32 v18, v23;
	v3 =	vmax.f32 v3, $9.999999930e-09  }
0x518: {  	v23 =	vld [tilespmem:s0+$0x80];
	v11 =	vmax.f32 v11, $9.999999930e-09;
	(erf) = vrcp.f32 v3;
	v20 =	vmul.f32 v20, v10  }
0x519: {  	v16 =	vsub.f32 $1.500000000e+00, v16;
	(erf) = vrcp.f32 v11  }
0x51a: {  	v12 =	vsub.f32 $1.500000000e+00, v12;
	v10 =	vmul.f32 v13, v19;
	v13 =	vmul.f32 v20, v9  }
0x51b: {  	vm1 =	vne.s32 v17, v22;
	v11 =	vmul.f32 v24, v14;
	v19 =	vmul.f32 v15, v16  }
0x51c: {  	v3 =	vimm.f32 $0.0e+00;
	v15 =	vld [tilespmem:s0+$0x18300];
	v26 =	vmul.f32 v18, v12;
	v18 =	vmul.f32 v13, v20  }
0x51d: {  	v12 =	vmul.f32 v25, v14;
	v25 =	vld [tilespmem:s0+$0x18400];
	vm2 =	vne.s32 v17, v23;
	v14 =	vmul.f32 v19, v7  }
0x51e: {  	v17 =	vld [tilespmem:s0+$0x18180];
	v21 =	vshra.s32 v11, $0x1;
	v22 =	vmul.f32 v26, v8;
	v18 =	vsub.f32 $1.500000000e+00, v18  }
0x51f: {  	v16 =	vmul.f32 $5.000000000e-01, v11;
	v23 =	vshra.s32 v10, $0x1;
	v13 =	vmul.f32 $5.000000000e-01, v10  }
0x520: {  	vm1 =	vmand vm1, vm2;
	v14 =	vmul.f32 v14, v19;
	v27 =	vmul.f32 v22, v26;
	v28 =	vpop (erf)  }
0x521: {  	v24 =	vshra.s32 v12, $0x1;
	v22 =	vmul.f32 $5.000000000e-01, v12;
	v28 =	vmul.f32 v28, v15;
	v15 =	vpop (erf)  }
0x522: {  	v29 =	vsub.f32 $1.500000000e+00, v14;
	v27 =	vsub.f32 $1.500000000e+00, v27;
	v20 =	vmul.f32 v18, v20;
	v18 =	vpop (erf)  }
0x523: {  	v14 =	vmul.f32 v15, v17;
	v15 =	vmul.f32 v18, v25;
	v18 =	vsub.f32 $5.000000000e-01, v28  }
0x524: {  	s0 =	simm.s32 $0xC0;
	v17 =	vsub.s32 $0x5F3759DF, v21;
	v21 =	vmul.f32 v29, v19;
	v19 =	vmul.f32 v27, v26  }
.LBB2_38:
0x525: {  	p0 =	sne.s32 s0, $0x1C0;
	v25 =	vmul.f32 v20, v9;
	v14 =	vsub.f32 v14, v15;
	v15 =	vmax.f32 v18, $0.0e+00;
	v9 =	vmovc v22  }
0x526: {  	v18 =	vsub.s32 $0x5F3759DF, v23;
	v22 =	vmul.f32 v21, v7;
	v15 =	vmul.f32 $1.000000010e-01, v15;
	v7 =	vmovc v16  }
0x527: {  	v23 =	vmul.f32 v19, v8;
	v8 =	vmovc v13;
	v16 =	vmul.f32 v25, v20;
	v14 =	vand.u32 $0x7FFFFFFF, v14  }
0x528: {  	v13 =	vsub.s32 $0x5F3759DF, v24;
	v22 =	vmul.f32 v22, v21;
	v14 =	vadd.f32 v14, v15  }
0x529: {  	v15 =	vmul.f32 v17, v7;
	v23 =	vmul.f32 v23, v19;
	v16 =	vsub.f32 $1.500000000e+00, v16  }
0x52a: {  	v24 =	vmul.f32 v18, v8;
	v22 =	vsub.f32 $1.500000000e+00, v22;
	v25 =	vld [tilespmem:s30+$0x0];
	v14 =	vnsel vm1, $0x0, v14  }
0x52b: {  	s3 =	sshra.s32 s0, $0x2;
	v16 =	vmul.f32 v16, v20;
	v20 =	vsub.f32 $1.500000000e+00, v23;
	v23 =	vld [tilespmem:s30+$0x100];
	v3 =	vadd.f32 v14, v3  }
0x52c: {  	v26 =	vmul.f32 v13, v9;
	v14 =	vld [tilespmem:s3+$0x18280];
	v21 =	vmul.f32 v22, v21  }
0x52d: {  	v22 =	vld [tilespmem:s3+$0x18480];
	v16 =	vmul.f32 v16, v6;
	v19 =	vmul.f32 v20, v19;
	v6 =	vmov v12  }
0x52e: {  	v15 =	vmul.f32 v17, v15;
	v12 =	vld [tilespmem:s3+$0x18200];
	v20 =	vmul.f32 v21, v5;
	v5 =	vmov v11  }
0x52f: {  	v11 =	vmul.f32 v13, v26;
	v21 =	vld [tilespmem:s3+$0x18500];
	v16 =	vmax.f32 v16, $9.999999930e-09;
	v19 =	vmul.f32 v19, v4;
	v4 =	vmovc v10  }
0x530: {  	v10 =	vmul.f32 v18, v24;
	v20 =	vmax.f32 v20, $9.999999930e-09;
	v24 =	vld [tilespmem:s30+$0x80];
	(erf) = vrcp.f32 v16  }
0x531: {  	v26 =	vsub.f32 $1.500000000e+00, v11;
	v16 =	vld [tilespmem:s3+$0x18380];
	v11 =	vmax.f32 v19, $9.999999930e-09;
	(erf) = vrcp.f32 v20  }
0x532: {  	v15 =	vsub.f32 $1.500000000e+00, v15;
	(erf) = vrcp.f32 v11  }
0x533: {  	v11 =	vmul.f32 v14, v12;
	v14 =	vmul.f32 v13, v26;
	v13 =	vsub.f32 $1.500000000e+00, v10  }
0x534: {  	vm1 =	vne.s32 v23, v25;
	v19 =	vmul.f32 v17, v15;
	v10 =	vmul.f32 v21, v22  }
0x535: {  	v15 =	vmul.f32 v14, v9;
	v25 =	vmul.f32 v18, v13;
	v17 =	vld [tilespmem:s30+$0x18300];
	vm2 =	vne.s32 v23, v24  }
0x536: {  	v18 =	vmul.f32 v19, v7;
	v12 =	vmul.f32 v16, v12;
	v21 =	vld [tilespmem:s30+$0x18180];
	vm1 =	vmand vm1, vm2  }
0x537: {  	v26 =	vshra.s32 v11, $0x1;
	v15 =	vmul.f32 v15, v14;
	v22 =	vmul.f32 v25, v8;
	v27 =	vld [tilespmem:s30+$0x18400];
	s30 =	smov.u32 s31;
	s31 =	smov.u32 s3  }
0x538: {  	v16 =	vmul.f32 $5.000000000e-01, v11;
	v23 =	vshra.s32 v10, $0x1;
	v13 =	vmul.f32 $5.000000000e-01, v10  }
.Ltmp18:
0x539: {  	v18 =	vmul.f32 v18, v19;
	v31 =	vsub.f32 $1.500000000e+00, v15;
	v28 =	vmul.f32 v22, v25;
	v20 =	vpop (erf);
	(pc) =	sbr.rel @p0 .LBB2_38-.Ltmp18, $4  }
0x53a: {  	v24 =	vshra.s32 v12, $0x1;
	v22 =	vmul.f32 $5.000000000e-01, v12;
	v17 =	vmul.f32 v20, v17;
	v29 =	vpop (erf)  }
0x53b: {  	v30 =	vsub.f32 $1.500000000e+00, v18;
	v20 =	vmul.f32 v31, v14;
	v28 =	vsub.f32 $1.500000000e+00, v28;
	v15 =	vpop (erf)  }
0x53c: {  	v14 =	vmul.f32 v29, v21;
	v15 =	vmul.f32 v15, v27;
	v18 =	vsub.f32 $5.000000000e-01, v17  }
0x53d: {  	s0 =	sadd.s32 $0x40, s0;
	v21 =	vmul.f32 v30, v19;
	v17 =	vsub.s32 $0x5F3759DF, v26;
	v19 =	vmul.f32 v28, v25  }
0x53e: {  	v24 =	vsub.s32 $0x5F3759DF, v24  }
0x53f: {  	v25 =	vmul.f32 v24, v22  }
0x540: {  	v23 =	vsub.s32 $0x5F3759DF, v23;
	v26 =	vmul.f32 v17, v16  }
0x541: {  	v27 =	vmul.f32 v23, v13;
	v25 =	vmul.f32 v24, v25  }
0x542: {  	v26 =	vmul.f32 v17, v26  }
0x543: {  	v27 =	vmul.f32 v23, v27;
	v25 =	vsub.f32 $1.500000000e+00, v25  }
0x544: {  	v9 =	vmul.f32 v20, v9;
	v7 =	vmul.f32 v21, v7;
	v26 =	vsub.f32 $1.500000000e+00, v26  }
0x545: {  	v8 =	vmul.f32 v19, v8;
	v57 =	vsub.f32 $1.500000000e+00, v27;
	v24 =	vmul.f32 v24, v25  }
0x546: {  	v9 =	vmul.f32 v9, v20;
	v58 =	vmul.f32 v17, v26  }
0x547: {  	v23 =	vmul.f32 v23, v57;
	v59 =	vmul.f32 v24, v22  }
0x548: {  	v7 =	vmul.f32 v7, v21;
	v60 =	vmul.f32 v58, v16  }
0x549: {  	v61 =	vmul.f32 v23, v13;
	v26 =	vmul.f32 v59, v24  }
0x54a: {  	v8 =	vmul.f32 v8, v19;
	v9 =	vsub.f32 $1.500000000e+00, v9;
	v25 =	vmul.f32 v60, v58  }
0x54b: {  	v7 =	vsub.f32 $1.500000000e+00, v7;
	v27 =	vmul.f32 v61, v23;
	v26 =	vsub.f32 $1.500000000e+00, v26  }
0x54c: {  	v8 =	vsub.f32 $1.500000000e+00, v8;
	v9 =	vmul.f32 v9, v20;
	v25 =	vsub.f32 $1.500000000e+00, v25  }
0x54d: {  	v7 =	vmul.f32 v7, v21;
	v63 =	vsub.f32 $1.500000000e+00, v27;
	v62 =	vmul.f32 v26, v24  }
0x54e: {  	v8 =	vmul.f32 v8, v19;
	v17 =	vmul.f32 v25, v58  }
0x54f: {  	v23 =	vmul.f32 v63, v23;
	v24 =	vmul.f32 v62, v22  }
0x550: {  	v6 =	vmul.f32 v9, v6;
	v25 =	vmul.f32 v17, v16  }
0x551: {  	v27 =	vmul.f32 v23, v13;
	v26 =	vmul.f32 v24, v62  }
0x552: {  	v5 =	vmul.f32 v7, v5;
	v28 =	vmul.f32 v25, v17  }
0x553: {  	v6 =	vmax.f32 v6, $9.999999930e-09;
	v13 =	vmul.f32 v27, v23;
	v29 =	vsub.f32 $1.500000000e+00, v26  }
0x554: {  	v4 =	vmul.f32 v8, v4;
	(erf) = vrcp.f32 v6;
	v30 =	vsub.f32 $1.500000000e+00, v28  }
0x555: {  	v5 =	vmax.f32 v5, $9.999999930e-09;
	v32 =	vsub.f32 $1.500000000e+00, v13;
	v31 =	vmul.f32 v29, v62  }
0x556: {  	(erf) = vrcp.f32 v5;
	v33 =	vmul.f32 v30, v17  }
0x557: {  	v4 =	vmax.f32 v4, $9.999999930e-09;
	v35 =	vmul.f32 v32, v23;
	v34 =	vmul.f32 v31, v12  }
0x558: {  	(erf) = vrcp.f32 v4;
	v36 =	vmul.f32 v33, v11  }
0x559: {  	v38 =	vmul.f32 v35, v10;
	v37 =	vmax.f32 v34, $9.999999930e-09  }
0x55a: {  	v39 =	vld [tilespmem:s30+$0x0];
	v5 =	vmax.f32 v36, $9.999999930e-09;
	(erf) = vrcp.f32 v37  }
0x55b: {  	v40 =	vld [tilespmem:s30+$0x18300];
	v6 =	vmax.f32 v38, $9.999999930e-09;
	(erf) = vrcp.f32 v5  }
0x55c: {  	v41 =	vld [tilespmem:s30+$0x100];
	(erf) = vrcp.f32 v6  }
0x55d: {  	v43 =	vld [tilespmem:s30+$0x18400]  }
0x55e: {  	v42 =	vld [tilespmem:s30+$0x18180]  }
0x55f: {  	v45 =	vld [tilespmem:s31+$0x18300];
	v44 =	vpop (erf)  }
0x560: {  	v46 =	vld [tilespmem:s31+$0x18180];
	v47 =	vpop (erf)  }
0x561: {  	v49 =	vld [tilespmem:s31+$0x18400];
	v4 =	vmul.f32 v44, v40;
	v50 =	vpop (erf)  }
0x562: {  	v48 =	vmax.f32 v18, $0.0e+00;
	v14 =	vsub.f32 v14, v15;
	v51 =	vld [tilespmem:s30+$0x80];
	v8 =	vmul.f32 v50, v43  }
0x563: {  	v4 =	vsub.f32 $5.000000000e-01, v4;
	v12 =	vmul.f32 $1.000000010e-01, v48;
	v6 =	vmul.f32 v47, v42;
	v52 =	vpop (erf)  }
0x564: {  	v55 =	vld [tilespmem:s31+$0x100];
	v14 =	vand.u32 $0x7FFFFFFF, v14;
	vm2 =	vne.s32 v41, v39;
	v10 =	vmul.f32 v52, v45;
	v54 =	vpop (erf)  }
0x565: {  	v57 =	vld [tilespmem:s31+$0x80];
	v4 =	vmax.f32 v4, $0.0e+00;
	v12 =	vadd.f32 v14, v12;
	v6 =	vsub.f32 v6, v8;
	v56 =	vpop (erf)  }
0x566: {  	v53 =	vld [tilespmem:s31+$0x0];
	v9 =	vmul.f32 v54, v46;
	v58 =	vmul.f32 v56, v49;
	v10 =	vsub.f32 $5.000000000e-01, v10  }
0x567: {  	vm3 =	vne.s32 v41, v51;
	v4 =	vmul.f32 $1.000000010e-01, v4;
	v62 =	vnsel vm1, $0x0, v12  }
0x568: {  	v59 =	vand.u32 $0x7FFFFFFF, v6;
	v60 =	vsub.f32 v9, v58;
	v61 =	vmax.f32 v10, $0.0e+00  }
0x569: {  	vm1 =	vmand vm2, vm3;
	v4 =	vadd.f32 v59, v4;
	v6 =	vmul.f32 $1.000000010e-01, v61  }
0x56a: {  	vm2 =	vne.s32 v55, v57;
	v3 =	vadd.f32 v62, v3;
	v5 =	vand.u32 $0x7FFFFFFF, v60  }
0x56b: {  	v4 =	vnsel vm1, $0x0, v4;
	vm1 =	vne.s32 v55, v53;
	v5 =	vadd.f32 v5, v6  }
0x56c: {  	v3 =	vadd.f32 v4, v3;
	vm1 =	vmand vm1, vm2  }
0x56d: {  	v63 =	vnsel vm1, $0x0, v5  }
0x56e: {  	s29 =	sadd.s32 $0x1, s29;
	v3 =	vadd.f32 v63, v3  }
0x56f: {  	p0 =	sne.s32 s29, s9  }
.Ltmp19:
0x570: {  	s0 =	simm.s32 $0x18580;
	[tilespmem:$0x18580] =	vst v3;
	(pc) =	sbr.rel @p0 .LBB2_1-.Ltmp19, $4  }
0x571: {  	[hbm4b:s8+s4] =	stream.linear.scatter [tilespmem:s0], [sflag:$0x3], $0x80, $0x38;
	[tilespmem:$0x18600] =	vst v63  }
0x572: {  	_ =	swait.ge [sflag:s28], $0x80  }
0x573: {  	[sflag:s28] =	ssyncset.done $0x0  }
0x574: {  	s3 =	simm.s32 $0x980;
	[sflag:s28] =	ssyncadd.s32 $0xFFFFFF80  }
0x575: {  	_ =	sfence.sel $0x180000  }
0x576: {  	[bflag:$0x0] =	sbarrier.arrive $0xFFFF  }
0x577: {  	_ =	strace $0x90000047  }
0x578: {  	s0 =	stileid.u32;
	[bflag:$0x2] =	sbarrier.arrive $0xFFFF  }
0x579: {  	p0 =	sne.s32 s0, $0x0;
	s0 =	rddreg [dreg:$0x3]  }
0x57a: {  	s0 =	sadd.s32 @!p0 $0x100000, s0  }
0x57b: {  	[sflag:s0] =	ssyncadd.tile.s32 @!p0 $0x1;
	_ =	shalt  }
.Lfunc_end2:
_tile_overlayer_lowered:
.L_overlay_start_2:
0x57c: {  	(tag) =	ssettag $0x2  }
0x57d: {  	s0 =	rddreg [dreg:$0x0];
	s2 =	stileid.u32  }
0x57e: {  	s1 =	rddreg [dreg:$0x1];
	p0 =	sne.s32 s2, $0x0  }
0x57f: {  	s3 =	rddreg [dreg:$0x2];
	[bflag:$0x3] =	sbarrier.arrive $0xFFFF;
	s2 =	simm.s32 @!p0 $0x1C03  }
0x580: {  	[timem:s3], [sflag:s2] =	dma.local @!p0 [hbm:s0], s1  }
0x581: {  	s0 =	simm.s32 @!p0 $0x3  }
0x582: {  	_ =	swait.ge @!p0 [sflag:s0], s1  }
0x583: {  	s1 =	ssub.s32 @!p0 $0x0, s1;
	[sflag:s0] =	ssyncset.done @!p0 $0x0  }
0x584: {  	[sflag:s0] =	ssyncadd.s32 @!p0 s1  }
0x585: {  	[bflag:$0x3] =	sbarrier.arrive $0xFFFF  }
0x586: {  	_ =	shalt  }

</sc_bundles>
